<compile_context>
chip_gen: v7x
topology: tpu7x:2x2x1
jax: 0.10.2.dev20260603
libtpu: 0.0.44.dev20260713+nightly
codegen_flags: <defaults>
</compile_context>

<pallas_src>
import functools

import jax
import jax.numpy as jnp
from jax import lax
from jax.experimental import pallas as pl
from jax.experimental.pallas import tpu as pltpu
from jax.experimental.pallas import tpu_sc as plsc

_NUM_SELECT = 300
_BN = 4000

_PARTS = 4
_BINS = 512
_CAPSC = 128
_NEG_INF = float("-inf")
_INT_MIN = -(2**31)


def _fused_body(logits_ref, posmap_ref, m_ref):
    pm = posmap_ref[...]
    s = jnp.sum(pm, axis=1, keepdims=True)
    pm = pm / jnp.where(s == 0.0, 1.0, s)

    x = logits_ref[0]
    p = jax.nn.sigmoid(x)
    prob = jax.lax.dot_general(
        p, pm, (((1,), (1,)), ((), ())), preferred_element_type=jnp.float32
    )
    m_ref[0, 0] = jnp.max(prob.reshape(8, _BN // 8, prob.shape[-1]), axis=2)


def _fused_rowmax(pred_logits, positive_map):
    B, N, T = pred_logits.shape
    C = positive_map.shape[0]
    grid = (B, N // _BN)
    return pl.pallas_call(
        _fused_body,
        grid=grid,
        in_specs=[
            pl.BlockSpec((1, _BN, T), lambda b, i: (b, i, 0)),
            pl.BlockSpec((C, T), lambda b, i: (0, 0)),
        ],
        out_specs=pl.BlockSpec((1, 1, 8, _BN // 8), lambda b, i: (b, i, 0, 0)),
        out_shape=jax.ShapeDtypeStruct((B, N // _BN, 8, _BN // 8), jnp.float32),
    )(pred_logits, positive_map)


def _cand_body(logits_ref, posmap_ref, prob_ref):
    pm = posmap_ref[...]
    s = jnp.sum(pm, axis=1, keepdims=True)
    pm = pm / jnp.where(s == 0.0, 1.0, s)
    x = logits_ref[0]
    p = jax.nn.sigmoid(x)
    prob = jax.lax.dot_general(
        p, pm, (((1,), (1,)), ((), ())), preferred_element_type=jnp.float32
    )
    row = jax.lax.broadcasted_iota(jnp.int32, prob.shape, 0)
    prob_ref[0] = jnp.where(row < _NUM_SELECT, prob, _NEG_INF)


def _cand_probs(sel_logits, positive_map):
    B, RP, T = sel_logits.shape
    C = positive_map.shape[0]
    return pl.pallas_call(
        _cand_body,
        grid=(B,),
        in_specs=[
            pl.BlockSpec((1, RP, T), lambda b: (b, 0, 0)),
            pl.BlockSpec((C, T), lambda b: (0, 0)),
        ],
        out_specs=pl.BlockSpec((1, RP, C), lambda b: (b, 0, 0)),
        out_shape=jax.ShapeDtypeStruct((B, RP, C), jnp.float32),
    )(sel_logits, positive_map)


def _find_threshold_bin(comb, lane, target):

    def fbody(jj, carry):
        acc, beta, found = carry
        j = 31 - jj
        v = comb[pl.ds(j * 16, 16)]
        srev = jnp.flip(v, 0)
        cs = plsc.cumsum(srev)
        tot = jnp.max(cs)
        hit = (acc + cs) >= target
        anym = jnp.max(hit.astype(jnp.int32)) > 0
        k = jnp.min(jnp.where(hit, lane, 16))
        bcand = j * 16 + 15 - k
        take = jnp.logical_and(jnp.logical_not(found), anym)
        beta = jnp.where(take, bcand, beta)
        found = jnp.logical_or(found, anym)
        acc = acc + jnp.where(found, 0, tot)
        return acc, beta, found

    acc, beta, found = lax.fori_loop(
        0, 32, fbody, (jnp.int32(0), jnp.int32(0), jnp.bool_(False))
    )
    return found, beta


def _count_above(comb, lane, beta):

    def abody(j, acc):
        v = comb[pl.ds(j * 16, 16)]
        bins = j * 16 + lane
        return acc + jnp.sum(jnp.where(bins > beta, v, 0))

    return lax.fori_loop(0, 32, abody, jnp.int32(0))


def _make_select(B, M, target):
    assert M % (_PARTS * 16) == 0
    chunk = M // _PARTS
    nvec_full = M // 16
    nvec = chunk // 16
    nb_per_core = B // 2
    mesh = plsc.VectorSubcoreMesh(core_axis_name="c", subcore_axis_name="s")

    @functools.partial(
        pl.kernel,
        out_type=[
            jax.ShapeDtypeStruct((B * _PARTS * _CAPSC,), jnp.float32),
            jax.ShapeDtypeStruct((B * _PARTS * _CAPSC,), jnp.int32),
        ],
        mesh=mesh,
        compiler_params=pltpu.CompilerParams(needs_layout_passes=False),
        scratch_types=[
            pltpu.VMEM((chunk,), jnp.float32),
            pltpu.VMEM((16 * _BINS,), jnp.int32),
            pltpu.VMEM((_BINS,), jnp.int32),
            pltpu.VMEM((_BINS,), jnp.int32),
            pltpu.VMEM((_PARTS, _BINS), jnp.int32),
            pltpu.VMEM((_CAPSC + 16,), jnp.float32),
            pltpu.VMEM((_CAPSC + 16,), jnp.int32),
            pltpu.VMEM_SHARED((16, _BINS), jnp.int32),
        ],
    )
    def select(vals_hbm, vals_out, idx_out, vbuf, histf, comb, comb1,
               tmp4, valbuf, idxbuf, sh_hists):
        c = lax.axis_index("c")
        s = lax.axis_index("s")
        bic = s // _PARTS
        p = s % _PARTS
        b = c * nb_per_core + bic
        lane = lax.iota(jnp.int32, 16)
        ones = jnp.ones((16,), jnp.int32)
        zeros = jnp.zeros((16,), jnp.int32)

        pltpu.sync_copy(vals_hbm.at[pl.ds(b * M + p * chunk, chunk)], vbuf)

        def zero_hist(i, _):
            for u in range(8):
                histf[pl.ds(i * 128 + u * 16, 16)] = zeros
            return 0

        def make_combine(dst):
            def combine_local(j, _):
                acc = zeros
                for l in range(16):
                    acc = acc + histf[pl.ds(l * _BINS + j * 16, 16)]
                dst[pl.ds(j * 16, 16)] = acc
                return 0

            return combine_local

        lax.fori_loop(0, _BINS // 8, zero_hist, 0)

        def h1body(i, _):
            for u in range(4):
                v = vbuf[pl.ds(i * 64 + u * 16, 16)]
                bits = plsc.bitcast(v, jnp.int32)
                bidx = jnp.clip((bits >> 18) - 3552, 0, _BINS - 1)
                plsc.addupdate_scatter(histf, [lane * _BINS + bidx], ones)
            return 0

        lax.fori_loop(0, nvec // 4, h1body, 0)
        lax.fori_loop(0, _BINS // 16, make_combine(comb), 0)
        pltpu.sync_copy(comb, sh_hists.at[s])
        plsc.subcore_barrier()
        pltpu.sync_copy(sh_hists.at[pl.ds(bic * _PARTS, _PARTS)], tmp4)

        def cb1(j, _):
            acc = (
                tmp4[0, pl.ds(j * 16, 16)]
                + tmp4[1, pl.ds(j * 16, 16)]
                + tmp4[2, pl.ds(j * 16, 16)]
                + tmp4[3, pl.ds(j * 16, 16)]
            )
            comb1[pl.ds(j * 16, 16)] = acc
            return 0

        lax.fori_loop(0, _BINS // 16, cb1, 0)
        plsc.subcore_barrier()
        found, beta = _find_threshold_bin(comb1, lane, target)
        ok = jnp.logical_and(found, beta > 0)
        t1 = jnp.where(ok, (beta + 3552) << 18, jnp.int32(_INT_MIN))

        lax.fori_loop(0, _BINS // 8, zero_hist, 0)

        def h2body(i, _):
            for u in range(4):
                v = vbuf[pl.ds(i * 64 + u * 16, 16)]
                bits = plsc.bitcast(v, jnp.int32)
                inbin = jnp.logical_and(bits >= t1, bits < t1 + (1 << 18))
                bidx = (bits >> 9) & (_BINS - 1)
                plsc.addupdate_scatter(
                    histf, [lane * _BINS + bidx], ones, mask=inbin
                )
            return 0

        lax.fori_loop(0, nvec // 4, h2body, 0)
        lax.fori_loop(0, _BINS // 16, make_combine(comb), 0)
        pltpu.sync_copy(comb, sh_hists.at[s])
        plsc.subcore_barrier()
        pltpu.sync_copy(sh_hists.at[pl.ds(bic * _PARTS, _PARTS)], tmp4)

        def cb2(j, _):
            acc = (
                tmp4[0, pl.ds(j * 16, 16)]
                + tmp4[1, pl.ds(j * 16, 16)]
                + tmp4[2, pl.ds(j * 16, 16)]
                + tmp4[3, pl.ds(j * 16, 16)]
            )
            comb[pl.ds(j * 16, 16)] = acc
            return 0

        lax.fori_loop(0, _BINS // 16, cb2, 0)
        above = _count_above(comb1, lane, beta)
        found2, beta2 = _find_threshold_bin(comb, lane, target - above)
        t2 = jnp.where(
            ok,
            t1 + jnp.where(found2, beta2 << 9, 0),
            jnp.int32(_INT_MIN),
        )

        neg = jnp.full((16,), _NEG_INF, jnp.float32)

        def prefill(i, _):
            valbuf[pl.ds(i * 16, 16)] = neg
            idxbuf[pl.ds(i * 16, 16)] = zeros
            return 0

        lax.fori_loop(0, (_CAPSC + 16) // 16, prefill, 0)

        def pbody(i, off):
            v = vbuf[pl.ds(i * 16, 16)]
            bits = plsc.bitcast(v, jnp.int32)
            msk = bits >= t2
            gidx = p * chunk + i * 16 + lane
            plsc.store_compressed(valbuf.at[pl.ds(off, 16)], v, mask=msk)
            plsc.store_compressed(idxbuf.at[pl.ds(off, 16)], gidx, mask=msk)
            cnt = jnp.max(plsc.all_reduce_population_count(msk))
            return jnp.minimum(off + cnt, _CAPSC)

        lax.fori_loop(0, nvec, pbody, jnp.int32(0))

        r = (b * _PARTS + p) * _CAPSC
        pltpu.sync_copy(valbuf.at[pl.ds(0, _CAPSC)], vals_out.at[pl.ds(r, _CAPSC)])
        pltpu.sync_copy(idxbuf.at[pl.ds(0, _CAPSC)], idx_out.at[pl.ds(r, _CAPSC)])

    return select


def kernel(pred_logits, pred_boxes, positive_map, target_sizes):
    B, N, T = pred_logits.shape
    C = positive_map.shape[0]

    m = _fused_rowmax(pred_logits, positive_map)
    m = m.reshape(B, N)

    MP = 20480
    mpad = jnp.pad(m, ((0, 0), (0, MP - N)), constant_values=_NEG_INF)
    sel_q = _make_select(B, MP, _NUM_SELECT)
    mv, mi = sel_q(mpad.reshape(-1))
    W = _PARTS * _CAPSC
    mv = mv.reshape(B, W)
    mi = mi.reshape(B, W)
    _, qpos = lax.top_k(mv, _NUM_SELECT)
    qsel = jnp.take_along_axis(mi, qpos, axis=1)
    qsel = jnp.sort(qsel, axis=1)

    RP = 304
    qsel_pad = jnp.pad(qsel, ((0, 0), (0, RP - _NUM_SELECT)))
    glog = jnp.take_along_axis(
        pred_logits, qsel_pad[:, :, None], axis=1
    )
    cand = _cand_probs(glog, positive_map)
    MC = 24576
    cflat = jnp.pad(
        cand.reshape(B, RP * C),
        ((0, 0), (0, MC - RP * C)),
        constant_values=_NEG_INF,
    )
    sel_c = _make_select(B, MC, _NUM_SELECT)
    cv, ci_ = sel_c(cflat.reshape(-1))
    cv = cv.reshape(B, W)
    ci_ = ci_.reshape(B, W)
    scores, cpos = lax.top_k(cv, _NUM_SELECT)
    ci = jnp.take_along_axis(ci_, cpos, axis=1)
    labels = ci % C
    topk_boxes = jnp.take_along_axis(qsel, ci // C, axis=1)

    gb = jnp.take_along_axis(pred_boxes, topk_boxes[:, :, None], axis=1)
    cx, cy, w, h = gb[..., 0], gb[..., 1], gb[..., 2], gb[..., 3]
    xyxy = jnp.stack(
        [cx - 0.5 * w, cy - 0.5 * h, cx + 0.5 * w, cy + 0.5 * h], axis=-1
    )
    img_h = target_sizes[:, 0].astype(jnp.float32)
    img_w = target_sizes[:, 1].astype(jnp.float32)
    scale_fct = jnp.stack([img_w, img_h, img_w, img_h], axis=1)
    boxes = xyxy * scale_fct[:, None, :]
    return scores, labels, boxes

# --- scband reference (transcript-rebuilt; emitter-appended) ---
"""Pipeline reference for scband-post-process-54795192763139 (READ-ONLY COPY).

The authoritative reference and input builder live on the scoring server;
editing this copy changes nothing except your own understanding.
"""

import jax, jax.numpy as jnp
import numpy as np

NUM_SELECT = 300


def box_cxcywh_to_xyxy(b):
    cx = b[..., 0:1]
    cy = b[..., 1:2]
    w = b[..., 2:3]
    h = b[..., 3:4]
    return jnp.concatenate([cx - 0.5 * w, cy - 0.5 * h, cx + 0.5 * w, cy + 0.5 * h], axis=-1)


def setup_inputs(seed: int = 0):
    key = jax.random.key(seed)
    k1, k2, k3, k4 = jax.random.split(key, 4)
    B, N, T, C = 8, 20000, 256, 80
    pred_logits = jax.random.normal(k1, (B, N, T), dtype=jnp.float32)
    pred_boxes = jax.random.uniform(k2, (B, N, 4), dtype=jnp.float32)
    target_sizes = jax.random.randint(k3, (B, 2), 0, 1333).astype(jnp.int32)
    # positive_map buffer built in __init__ from the tokenizer: binary [num_cats, num_tokens]
    positive_map = (jax.random.uniform(k4, (C, T)) < 0.02).astype(jnp.float32)
    return {"pred_logits": pred_logits, "pred_boxes": pred_boxes, "positive_map": positive_map, "target_sizes": target_sizes}


def reference(pred_logits, pred_boxes, positive_map, target_sizes):
    prob_to_token = jax.nn.sigmoid(pred_logits)
    # normalize each category row of positive_map (skip all-zero rows)
    sums = positive_map.sum(axis=1, keepdims=True)
    pos_maps = positive_map / jnp.where(sums == 0, 1.0, sums)
    prob = prob_to_token @ pos_maps.T  # [B, N, C]
    B, N, C = prob.shape
    flat = prob.reshape(B, N * C)
    scores, topk_indexes = jax.lax.top_k(flat, NUM_SELECT)
    topk_boxes = topk_indexes // C
    labels = topk_indexes % C
    boxes_xyxy = box_cxcywh_to_xyxy(pred_boxes)
    idx = jnp.repeat(topk_boxes[:, :, None], 4, axis=2)
    gathered = jnp.take_along_axis(boxes_xyxy, idx, axis=1)
    img_h = target_sizes[:, 0].astype(jnp.float32)
    img_w = target_sizes[:, 1].astype(jnp.float32)
    scale_fct = jnp.stack([img_w, img_h, img_w, img_h], axis=1)
    boxes = gathered * scale_fct[:, None, :]
    return scores, labels, boxes

if __name__ == "__main__":
    import jax
    _d = setup_inputs()
    print(jax.jit(kernel)(*tuple(_d.values())))

</pallas_src>

<mosaic_0001>
#map = affine_map<(d0, d1) -> (0)>
module attributes {stable_mosaic.version = 14 : i64} {
  func.func @select(%arg0: i32, %arg1: i32, %arg2: memref<196608xf32, #tpu.memory_space<hbm>>, %arg3: memref<4096xf32, #tpu.memory_space<hbm>>, %arg4: memref<4096xi32, #tpu.memory_space<hbm>>, %arg5: memref<6144xf32, #tpu.memory_space<vmem>>, %arg6: memref<8192xi32, #tpu.memory_space<vmem>>, %arg7: memref<512xi32, #tpu.memory_space<vmem>>, %arg8: memref<512xi32, #tpu.memory_space<vmem>>, %arg9: memref<4x512xi32, #tpu.memory_space<vmem>>, %arg10: memref<144xf32, #tpu.memory_space<vmem>>, %arg11: memref<144xi32, #tpu.memory_space<vmem>>, %arg12: memref<16x512xi32, #tpu.memory_space<vmem_shared>>) attributes {dimension_semantics = [#tpu.dimension_semantics<core_parallel>, #tpu.dimension_semantics<subcore_parallel>], iteration_bounds = array<i64: 2, 16>, scalar_prefetch = 0 : i64, scratch_operands = 8 : i64, tpu.core_type = #tpu.core_type<sc_vector_subcore>, window_params = [{transform_indices = #map}, {transform_indices = #map}, {transform_indices = #map}]} {
    %jit3A = arith.constant 4 : i32
    %div3A = arith.divsi %arg1, %jit3A : i32
    %sign3A = arith.constant 0 : i32
    %sign3A_0 = arith.cmpi sgt, %arg1, %sign3A : i32
    %sign3A_1 = arith.extui %sign3A_0 : i1 to i32
    %sign3A_2 = arith.constant 0 : i32
    %sign3A_3 = arith.cmpi slt, %arg1, %sign3A_2 : i32
    %sign3A_4 = arith.extui %sign3A_3 : i1 to i32
    %sign3A_5 = arith.subi %sign3A_1, %sign3A_4 : i32
    %sign3A_6 = arith.constant 0 : i32
    %sign3A_7 = arith.cmpi sgt, %jit3A, %sign3A_6 : i32
    %sign3A_8 = arith.extui %sign3A_7 : i1 to i32
    %sign3A_9 = arith.constant 0 : i32
    %sign3A_10 = arith.cmpi slt, %jit3A, %sign3A_9 : i32
    %sign3A_11 = arith.extui %sign3A_10 : i1 to i32
    %sign3A_12 = arith.subi %sign3A_8, %sign3A_11 : i32
    %ne3A = arith.cmpi ne, %sign3A_5, %sign3A_12 : i32
    %rem3A = arith.remsi %arg1, %jit3A : i32
    %ne3A_13 = arith.constant 0 : i32
    %ne3A_14 = arith.cmpi ne, %rem3A, %ne3A_13 : i32
    %and3A = arith.andi %ne3A, %ne3A_14 : i1
    %sub3A = arith.constant 1 : i32
    %sub3A_15 = arith.subi %div3A, %sub3A : i32
    %select_n3A = arith.select %and3A, %sub3A_15, %div3A : i32
    %jit3A_16 = arith.constant 4 : i32
    %eq3A = arith.constant 0 : i32
    %eq3A_17 = arith.cmpi eq, %jit3A_16, %eq3A : i32
    %jit3A_18 = arith.constant 1 : i32
    %select_n3A_19 = arith.select %eq3A_17, %jit3A_18, %jit3A_16 : i32
    %rem3A_20 = arith.remsi %arg1, %select_n3A_19 : i32
    %ne3A_21 = arith.constant 0 : i32
    %ne3A_22 = arith.cmpi ne, %rem3A_20, %ne3A_21 : i32
    %lt3A = arith.constant 0 : i32
    %lt3A_23 = arith.cmpi slt, %rem3A_20, %lt3A : i32
    %lt3A_24 = arith.constant 0 : i32
    %lt3A_25 = arith.cmpi slt, %select_n3A_19, %lt3A_24 : i32
    %ne3A_26 = arith.xori %lt3A_23, %lt3A_25 : i1
    %and3A_27 = arith.andi %ne3A_26, %ne3A_22 : i1
    %add3A = arith.addi %rem3A_20, %select_n3A_19 : i32
    %select_n3A_28 = arith.select %and3A_27, %add3A, %rem3A_20 : i32
    %mul3A = arith.constant 4 : i32
    %mul3A_29 = arith.muli %arg0, %mul3A : i32
    %add3A_30 = arith.addi %mul3A_29, %select_n3A : i32
    %iota3A = tpu.iota {dimensions = array<i32: 0>} : vector<16xi32>
    %broadcast_in_dim3A = arith.constant 1 : i32
    %broadcast_in_dim3A_31 = vector.broadcast %broadcast_in_dim3A : i32 to vector<16xi32>
    %broadcast_in_dim3A_32 = arith.constant 0 : i32
    %broadcast_in_dim3A_33 = vector.broadcast %broadcast_in_dim3A_32 : i32 to vector<16xi32>
    %mul3A_34 = arith.constant 24576 : i32
    %mul3A_35 = arith.muli %add3A_30, %mul3A_34 : i32
    %mul3A_36 = arith.constant 6144 : i32
    %mul3A_37 = arith.muli %select_n3A_28, %mul3A_36 : i32
    %add3A_38 = arith.addi %mul3A_35, %mul3A_37 : i32
    "tpu.region"() ({
      %run_scoped3A = tpu.sem_alloc : memref<!tpu.dma_semaphore, #tpu.memory_space<semaphore_mem>>
      %dma_start3A = tpu.memref_slice %arg2[%add3A_38] : memref<196608xf32, #tpu.memory_space<hbm>> -> memref<6144xf32, #tpu.memory_space<hbm>>
      %dma_start3A_162 = tpu.memref_slice %arg2[%add3A_38] : memref<196608xf32, #tpu.memory_space<hbm>> -> memref<6144xf32, #tpu.memory_space<hbm>>
      tpu.enqueue_dma source(%dma_start3A_162 : memref<6144xf32, #tpu.memory_space<hbm>>) target(%arg5 : memref<6144xf32, #tpu.memory_space<vmem>>) target_semaphore(%run_scoped3A : memref<!tpu.dma_semaphore, #tpu.memory_space<semaphore_mem>>)
      %dma_wait3A = tpu.memref_slice %arg2[%add3A_38] : memref<196608xf32, #tpu.memory_space<hbm>> -> memref<6144xf32, #tpu.memory_space<hbm>>
      %dma_wait3A_163 = tpu.memref_slice %arg2[%add3A_38] : memref<196608xf32, #tpu.memory_space<hbm>> -> memref<6144xf32, #tpu.memory_space<hbm>>
      tpu.wait_dma2 semaphore(%run_scoped3A : memref<!tpu.dma_semaphore, #tpu.memory_space<semaphore_mem>>) src(%dma_wait3A_163 : memref<6144xf32, #tpu.memory_space<hbm>>) dst(%arg5 : memref<6144xf32, #tpu.memory_space<vmem>>)
      tpu.yield
    }) : () -> ()
    %scan3A = arith.constant 0 : i32
    %scan3A_39 = arith.constant 0 : i32
    %scan3A_40 = arith.constant 64 : i32
    %scan3A_41 = arith.addi %scan3A_39, %scan3A_40 : i32
    %scan3A_42 = arith.constant 1 : i32
    %scan3A_43 = scf.for %scan3A_162 = %scan3A_39 to %scan3A_41 step %scan3A_42 iter_args(%scan3A_163 = %scan3A) -> (i32)  : i32 {
      %mul3A_164 = arith.constant 128 : i32
      %mul3A_165 = arith.muli %scan3A_162, %mul3A_164 : i32
      %add3A_166 = arith.constant 0 : i32
      %add3A_167 = arith.addi %mul3A_165, %add3A_166 : i32
      %swap3A = arith.index_cast %add3A_167 : i32 to index
      %swap3A_168 = tpu.vector_load %arg6[%swap3A] {strides = array<i32>} : memref<8192xi32, #tpu.memory_space<vmem>>, vector<16xi32>,
      tpu.vector_store %arg6[%swap3A], %broadcast_in_dim3A_33 {strides = array<i32>} : memref<8192xi32, #tpu.memory_space<vmem>>, vector<16xi32>,
      %mul3A_169 = arith.constant 128 : i32
      %mul3A_170 = arith.muli %scan3A_162, %mul3A_169 : i32
      %add3A_171 = arith.constant 16 : i32
      %add3A_172 = arith.addi %mul3A_170, %add3A_171 : i32
      %swap3A_173 = arith.index_cast %add3A_172 : i32 to index
      %swap3A_174 = tpu.vector_load %arg6[%swap3A_173] {strides = array<i32>} : memref<8192xi32, #tpu.memory_space<vmem>>, vector<16xi32>,
      tpu.vector_store %arg6[%swap3A_173], %broadcast_in_dim3A_33 {strides = array<i32>} : memref<8192xi32, #tpu.memory_space<vmem>>, vector<16xi32>,
      %mul3A_175 = arith.constant 128 : i32
      %mul3A_176 = arith.muli %scan3A_162, %mul3A_175 : i32
      %add3A_177 = arith.constant 32 : i32
      %add3A_178 = arith.addi %mul3A_176, %add3A_177 : i32
      %swap3A_179 = arith.index_cast %add3A_178 : i32 to index
      %swap3A_180 = tpu.vector_load %arg6[%swap3A_179] {strides = array<i32>} : memref<8192xi32, #tpu.memory_space<vmem>>, vector<16xi32>,
      tpu.vector_store %arg6[%swap3A_179], %broadcast_in_dim3A_33 {strides = array<i32>} : memref<8192xi32, #tpu.memory_space<vmem>>, vector<16xi32>,
      %mul3A_181 = arith.constant 128 : i32
      %mul3A_182 = arith.muli %scan3A_162, %mul3A_181 : i32
      %add3A_183 = arith.constant 48 : i32
      %add3A_184 = arith.addi %mul3A_182, %add3A_183 : i32
      %swap3A_185 = arith.index_cast %add3A_184 : i32 to index
      %swap3A_186 = tpu.vector_load %arg6[%swap3A_185] {strides = array<i32>} : memref<8192xi32, #tpu.memory_space<vmem>>, vector<16xi32>,
      tpu.vector_store %arg6[%swap3A_185], %broadcast_in_dim3A_33 {strides = array<i32>} : memref<8192xi32, #tpu.memory_space<vmem>>, vector<16xi32>,
      %mul3A_187 = arith.constant 128 : i32
      %mul3A_188 = arith.muli %scan3A_162, %mul3A_187 : i32
      %add3A_189 = arith.constant 64 : i32
      %add3A_190 = arith.addi %mul3A_188, %add3A_189 : i32
      %swap3A_191 = arith.index_cast %add3A_190 : i32 to index
      %swap3A_192 = tpu.vector_load %arg6[%swap3A_191] {strides = array<i32>} : memref<8192xi32, #tpu.memory_space<vmem>>, vector<16xi32>,
      tpu.vector_store %arg6[%swap3A_191], %broadcast_in_dim3A_33 {strides = array<i32>} : memref<8192xi32, #tpu.memory_space<vmem>>, vector<16xi32>,
      %mul3A_193 = arith.constant 128 : i32
      %mul3A_194 = arith.muli %scan3A_162, %mul3A_193 : i32
      %add3A_195 = arith.constant 80 : i32
      %add3A_196 = arith.addi %mul3A_194, %add3A_195 : i32
      %swap3A_197 = arith.index_cast %add3A_196 : i32 to index
      %swap3A_198 = tpu.vector_load %arg6[%swap3A_197] {strides = array<i32>} : memref<8192xi32, #tpu.memory_space<vmem>>, vector<16xi32>,
      tpu.vector_store %arg6[%swap3A_197], %broadcast_in_dim3A_33 {strides = array<i32>} : memref<8192xi32, #tpu.memory_space<vmem>>, vector<16xi32>,
      %mul3A_199 = arith.constant 128 : i32
      %mul3A_200 = arith.muli %scan3A_162, %mul3A_199 : i32
      %add3A_201 = arith.constant 96 : i32
      %add3A_202 = arith.addi %mul3A_200, %add3A_201 : i32
      %swap3A_203 = arith.index_cast %add3A_202 : i32 to index
      %swap3A_204 = tpu.vector_load %arg6[%swap3A_203] {strides = array<i32>} : memref<8192xi32, #tpu.memory_space<vmem>>, vector<16xi32>,
      tpu.vector_store %arg6[%swap3A_203], %broadcast_in_dim3A_33 {strides = array<i32>} : memref<8192xi32, #tpu.memory_space<vmem>>, vector<16xi32>,
      %mul3A_205 = arith.constant 128 : i32
      %mul3A_206 = arith.muli %scan3A_162, %mul3A_205 : i32
      %add3A_207 = arith.constant 112 : i32
      %add3A_208 = arith.addi %mul3A_206, %add3A_207 : i32
      %swap3A_209 = arith.index_cast %add3A_208 : i32 to index
      %swap3A_210 = tpu.vector_load %arg6[%swap3A_209] {strides = array<i32>} : memref<8192xi32, #tpu.memory_space<vmem>>, vector<16xi32>,
      tpu.vector_store %arg6[%swap3A_209], %broadcast_in_dim3A_33 {strides = array<i32>} : memref<8192xi32, #tpu.memory_space<vmem>>, vector<16xi32>,
      %scan3A_211 = arith.constant 0 : i32
      scf.yield %scan3A_211 : i32
    }
    %scan3A_44 = arith.constant 64 : i32
    %scan3A_45 = arith.constant 0 : i32
    %scan3A_46 = arith.constant 0 : i32
    %scan3A_47 = arith.constant 96 : i32
    %scan3A_48 = arith.addi %scan3A_46, %scan3A_47 : i32
    %scan3A_49 = arith.constant 1 : i32
    %scan3A_50 = scf.for %scan3A_162 = %scan3A_46 to %scan3A_48 step %scan3A_49 iter_args(%scan3A_163 = %scan3A_45) -> (i32)  : i32 {
      %mul3A_164 = arith.constant 64 : i32
      %mul3A_165 = arith.muli %scan3A_162, %mul3A_164 : i32
      %add3A_166 = arith.constant 0 : i32
      %add3A_167 = arith.addi %mul3A_165, %add3A_166 : i32
      %get3A = arith.index_cast %add3A_167 : i32 to index
      %get3A_168 = tpu.vector_load %arg5[%get3A] {strides = array<i32>} : memref<6144xf32, #tpu.memory_space<vmem>>, vector<16xf32>,
      %bitcast3A = vector.bitcast %get3A_168 : vector<16xf32> to vector<16xi32>
      %shift_right_arithmetic3A = arith.constant 18 : i32
      %shift_right_arithmetic3A_169 = vector.broadcast %shift_right_arithmetic3A : i32 to vector<16xi32>
      %shift_right_arithmetic3A_170 = arith.shrsi %bitcast3A, %shift_right_arithmetic3A_169 : vector<16xi32>
      %sub3A_171 = arith.constant 3552 : i32
      %sub3A_172 = vector.broadcast %sub3A_171 : i32 to vector<16xi32>
      %sub3A_173 = arith.subi %shift_right_arithmetic3A_170, %sub3A_172 : vector<16xi32>
      %jit3A_174 = arith.constant 0 : i32
      %jit3A_175 = arith.constant 511 : i32
      %max3A = vector.broadcast %jit3A_174 : i32 to vector<16xi32>
      %max3A_176 = arith.maxsi %max3A, %sub3A_173 : vector<16xi32>
      %min3A = vector.broadcast %jit3A_175 : i32 to vector<16xi32>
      %min3A_177 = arith.minsi %min3A, %max3A_176 : vector<16xi32>
      %mul3A_178 = arith.constant 512 : i32
      %mul3A_179 = vector.broadcast %mul3A_178 : i32 to vector<16xi32>
      %mul3A_180 = arith.muli %iota3A, %mul3A_179 : vector<16xi32>
      %add3A_181 = arith.addi %mul3A_180, %min3A_177 : vector<16xi32>
      tpu.vector_store_idx %arg6[%add3A_181], %broadcast_in_dim3A_31 {add = true} : memref<8192xi32, #tpu.memory_space<vmem>>[vector<16xi32>], vector<16xi32>,
      %mul3A_182 = arith.constant 64 : i32
      %mul3A_183 = arith.muli %scan3A_162, %mul3A_182 : i32
      %add3A_184 = arith.constant 16 : i32
      %add3A_185 = arith.addi %mul3A_183, %add3A_184 : i32
      %get3A_186 = arith.index_cast %add3A_185 : i32 to index
      %get3A_187 = tpu.vector_load %arg5[%get3A_186] {strides = array<i32>} : memref<6144xf32, #tpu.memory_space<vmem>>, vector<16xf32>,
      %bitcast3A_188 = vector.bitcast %get3A_187 : vector<16xf32> to vector<16xi32>
      %shift_right_arithmetic3A_189 = arith.constant 18 : i32
      %shift_right_arithmetic3A_190 = vector.broadcast %shift_right_arithmetic3A_189 : i32 to vector<16xi32>
      %shift_right_arithmetic3A_191 = arith.shrsi %bitcast3A_188, %shift_right_arithmetic3A_190 : vector<16xi32>
      %sub3A_192 = arith.constant 3552 : i32
      %sub3A_193 = vector.broadcast %sub3A_192 : i32 to vector<16xi32>
      %sub3A_194 = arith.subi %shift_right_arithmetic3A_191, %sub3A_193 : vector<16xi32>
      %jit3A_195 = arith.constant 0 : i32
      %jit3A_196 = arith.constant 511 : i32
      %max3A_197 = vector.broadcast %jit3A_195 : i32 to vector<16xi32>
      %max3A_198 = arith.maxsi %max3A_197, %sub3A_194 : vector<16xi32>
      %min3A_199 = vector.broadcast %jit3A_196 : i32 to vector<16xi32>
      %min3A_200 = arith.minsi %min3A_199, %max3A_198 : vector<16xi32>
      %mul3A_201 = arith.constant 512 : i32
      %mul3A_202 = vector.broadcast %mul3A_201 : i32 to vector<16xi32>
      %mul3A_203 = arith.muli %iota3A, %mul3A_202 : vector<16xi32>
      %add3A_204 = arith.addi %mul3A_203, %min3A_200 : vector<16xi32>
      tpu.vector_store_idx %arg6[%add3A_204], %broadcast_in_dim3A_31 {add = true} : memref<8192xi32, #tpu.memory_space<vmem>>[vector<16xi32>], vector<16xi32>,
      %mul3A_205 = arith.constant 64 : i32
      %mul3A_206 = arith.muli %scan3A_162, %mul3A_205 : i32
      %add3A_207 = arith.constant 32 : i32
      %add3A_208 = arith.addi %mul3A_206, %add3A_207 : i32
      %get3A_209 = arith.index_cast %add3A_208 : i32 to index
      %get3A_210 = tpu.vector_load %arg5[%get3A_209] {strides = array<i32>} : memref<6144xf32, #tpu.memory_space<vmem>>, vector<16xf32>,
      %bitcast3A_211 = vector.bitcast %get3A_210 : vector<16xf32> to vector<16xi32>
      %shift_right_arithmetic3A_212 = arith.constant 18 : i32
      %shift_right_arithmetic3A_213 = vector.broadcast %shift_right_arithmetic3A_212 : i32 to vector<16xi32>
      %shift_right_arithmetic3A_214 = arith.shrsi %bitcast3A_211, %shift_right_arithmetic3A_213 : vector<16xi32>
      %sub3A_215 = arith.constant 3552 : i32
      %sub3A_216 = vector.broadcast %sub3A_215 : i32 to vector<16xi32>
      %sub3A_217 = arith.subi %shift_right_arithmetic3A_214, %sub3A_216 : vector<16xi32>
      %jit3A_218 = arith.constant 0 : i32
      %jit3A_219 = arith.constant 511 : i32
      %max3A_220 = vector.broadcast %jit3A_218 : i32 to vector<16xi32>
      %max3A_221 = arith.maxsi %max3A_220, %sub3A_217 : vector<16xi32>
      %min3A_222 = vector.broadcast %jit3A_219 : i32 to vector<16xi32>
      %min3A_223 = arith.minsi %min3A_222, %max3A_221 : vector<16xi32>
      %mul3A_224 = arith.constant 512 : i32
      %mul3A_225 = vector.broadcast %mul3A_224 : i32 to vector<16xi32>
      %mul3A_226 = arith.muli %iota3A, %mul3A_225 : vector<16xi32>
      %add3A_227 = arith.addi %mul3A_226, %min3A_223 : vector<16xi32>
      tpu.vector_store_idx %arg6[%add3A_227], %broadcast_in_dim3A_31 {add = true} : memref<8192xi32, #tpu.memory_space<vmem>>[vector<16xi32>], vector<16xi32>,
      %mul3A_228 = arith.constant 64 : i32
      %mul3A_229 = arith.muli %scan3A_162, %mul3A_228 : i32
      %add3A_230 = arith.constant 48 : i32
      %add3A_231 = arith.addi %mul3A_229, %add3A_230 : i32
      %get3A_232 = arith.index_cast %add3A_231 : i32 to index
      %get3A_233 = tpu.vector_load %arg5[%get3A_232] {strides = array<i32>} : memref<6144xf32, #tpu.memory_space<vmem>>, vector<16xf32>,
      %bitcast3A_234 = vector.bitcast %get3A_233 : vector<16xf32> to vector<16xi32>
      %shift_right_arithmetic3A_235 = arith.constant 18 : i32
      %shift_right_arithmetic3A_236 = vector.broadcast %shift_right_arithmetic3A_235 : i32 to vector<16xi32>
      %shift_right_arithmetic3A_237 = arith.shrsi %bitcast3A_234, %shift_right_arithmetic3A_236 : vector<16xi32>
      %sub3A_238 = arith.constant 3552 : i32
      %sub3A_239 = vector.broadcast %sub3A_238 : i32 to vector<16xi32>
      %sub3A_240 = arith.subi %shift_right_arithmetic3A_237, %sub3A_239 : vector<16xi32>
      %jit3A_241 = arith.constant 0 : i32
      %jit3A_242 = arith.constant 511 : i32
      %max3A_243 = vector.broadcast %jit3A_241 : i32 to vector<16xi32>
      %max3A_244 = arith.maxsi %max3A_243, %sub3A_240 : vector<16xi32>
      %min3A_245 = vector.broadcast %jit3A_242 : i32 to vector<16xi32>
      %min3A_246 = arith.minsi %min3A_245, %max3A_244 : vector<16xi32>
      %mul3A_247 = arith.constant 512 : i32
      %mul3A_248 = vector.broadcast %mul3A_247 : i32 to vector<16xi32>
      %mul3A_249 = arith.muli %iota3A, %mul3A_248 : vector<16xi32>
      %add3A_250 = arith.addi %mul3A_249, %min3A_246 : vector<16xi32>
      tpu.vector_store_idx %arg6[%add3A_250], %broadcast_in_dim3A_31 {add = true} : memref<8192xi32, #tpu.memory_space<vmem>>[vector<16xi32>], vector<16xi32>,
      %scan3A_251 = arith.constant 0 : i32
      scf.yield %scan3A_251 : i32
    }
    %scan3A_51 = arith.constant 96 : i32
    %scan3A_52 = arith.constant 0 : i32
    %scan3A_53 = arith.constant 0 : i32
    %scan3A_54 = arith.constant 32 : i32
    %scan3A_55 = arith.addi %scan3A_53, %scan3A_54 : i32
    %scan3A_56 = arith.constant 1 : i32
    %scan3A_57 = scf.for %scan3A_162 = %scan3A_53 to %scan3A_55 step %scan3A_56 iter_args(%scan3A_163 = %scan3A_52) -> (i32)  : i32 {
      %mul3A_164 = arith.constant 16 : i32
      %mul3A_165 = arith.muli %scan3A_162, %mul3A_164 : i32
      %add3A_166 = arith.constant 0 : i32
      %add3A_167 = arith.addi %add3A_166, %mul3A_165 : i32
      %get3A = arith.index_cast %add3A_167 : i32 to index
      %get3A_168 = tpu.vector_load %arg6[%get3A] {strides = array<i32>} : memref<8192xi32, #tpu.memory_space<vmem>>, vector<16xi32>,
      %add3A_169 = arith.addi %broadcast_in_dim3A_33, %get3A_168 : vector<16xi32>
      %mul3A_170 = arith.constant 16 : i32
      %mul3A_171 = arith.muli %scan3A_162, %mul3A_170 : i32
      %add3A_172 = arith.constant 512 : i32
      %add3A_173 = arith.addi %add3A_172, %mul3A_171 : i32
      %get3A_174 = arith.index_cast %add3A_173 : i32 to index
      %get3A_175 = tpu.vector_load %arg6[%get3A_174] {strides = array<i32>} : memref<8192xi32, #tpu.memory_space<vmem>>, vector<16xi32>,
      %add3A_176 = arith.addi %add3A_169, %get3A_175 : vector<16xi32>
      %mul3A_177 = arith.constant 16 : i32
      %mul3A_178 = arith.muli %scan3A_162, %mul3A_177 : i32
      %add3A_179 = arith.constant 1024 : i32
      %add3A_180 = arith.addi %add3A_179, %mul3A_178 : i32
      %get3A_181 = arith.index_cast %add3A_180 : i32 to index
      %get3A_182 = tpu.vector_load %arg6[%get3A_181] {strides = array<i32>} : memref<8192xi32, #tpu.memory_space<vmem>>, vector<16xi32>,
      %add3A_183 = arith.addi %add3A_176, %get3A_182 : vector<16xi32>
      %mul3A_184 = arith.constant 16 : i32
      %mul3A_185 = arith.muli %scan3A_162, %mul3A_184 : i32
      %add3A_186 = arith.constant 1536 : i32
      %add3A_187 = arith.addi %add3A_186, %mul3A_185 : i32
      %get3A_188 = arith.index_cast %add3A_187 : i32 to index
      %get3A_189 = tpu.vector_load %arg6[%get3A_188] {strides = array<i32>} : memref<8192xi32, #tpu.memory_space<vmem>>, vector<16xi32>,
      %add3A_190 = arith.addi %add3A_183, %get3A_189 : vector<16xi32>
      %mul3A_191 = arith.constant 16 : i32
      %mul3A_192 = arith.muli %scan3A_162, %mul3A_191 : i32
      %add3A_193 = arith.constant 2048 : i32
      %add3A_194 = arith.addi %add3A_193, %mul3A_192 : i32
      %get3A_195 = arith.index_cast %add3A_194 : i32 to index
      %get3A_196 = tpu.vector_load %arg6[%get3A_195] {strides = array<i32>} : memref<8192xi32, #tpu.memory_space<vmem>>, vector<16xi32>,
      %add3A_197 = arith.addi %add3A_190, %get3A_196 : vector<16xi32>
      %mul3A_198 = arith.constant 16 : i32
      %mul3A_199 = arith.muli %scan3A_162, %mul3A_198 : i32
      %add3A_200 = arith.constant 2560 : i32
      %add3A_201 = arith.addi %add3A_200, %mul3A_199 : i32
      %get3A_202 = arith.index_cast %add3A_201 : i32 to index
      %get3A_203 = tpu.vector_load %arg6[%get3A_202] {strides = array<i32>} : memref<8192xi32, #tpu.memory_space<vmem>>, vector<16xi32>,
      %add3A_204 = arith.addi %add3A_197, %get3A_203 : vector<16xi32>
      %mul3A_205 = arith.constant 16 : i32
      %mul3A_206 = arith.muli %scan3A_162, %mul3A_205 : i32
      %add3A_207 = arith.constant 3072 : i32
      %add3A_208 = arith.addi %add3A_207, %mul3A_206 : i32
      %get3A_209 = arith.index_cast %add3A_208 : i32 to index
      %get3A_210 = tpu.vector_load %arg6[%get3A_209] {strides = array<i32>} : memref<8192xi32, #tpu.memory_space<vmem>>, vector<16xi32>,
      %add3A_211 = arith.addi %add3A_204, %get3A_210 : vector<16xi32>
      %mul3A_212 = arith.constant 16 : i32
      %mul3A_213 = arith.muli %scan3A_162, %mul3A_212 : i32
      %add3A_214 = arith.constant 3584 : i32
      %add3A_215 = arith.addi %add3A_214, %mul3A_213 : i32
      %get3A_216 = arith.index_cast %add3A_215 : i32 to index
      %get3A_217 = tpu.vector_load %arg6[%get3A_216] {strides = array<i32>} : memref<8192xi32, #tpu.memory_space<vmem>>, vector<16xi32>,
      %add3A_218 = arith.addi %add3A_211, %get3A_217 : vector<16xi32>
      %mul3A_219 = arith.constant 16 : i32
      %mul3A_220 = arith.muli %scan3A_162, %mul3A_219 : i32
      %add3A_221 = arith.constant 4096 : i32
      %add3A_222 = arith.addi %add3A_221, %mul3A_220 : i32
      %get3A_223 = arith.index_cast %add3A_222 : i32 to index
      %get3A_224 = tpu.vector_load %arg6[%get3A_223] {strides = array<i32>} : memref<8192xi32, #tpu.memory_space<vmem>>, vector<16xi32>,
      %add3A_225 = arith.addi %add3A_218, %get3A_224 : vector<16xi32>
      %mul3A_226 = arith.constant 16 : i32
      %mul3A_227 = arith.muli %scan3A_162, %mul3A_226 : i32
      %add3A_228 = arith.constant 4608 : i32
      %add3A_229 = arith.addi %add3A_228, %mul3A_227 : i32
      %get3A_230 = arith.index_cast %add3A_229 : i32 to index
      %get3A_231 = tpu.vector_load %arg6[%get3A_230] {strides = array<i32>} : memref<8192xi32, #tpu.memory_space<vmem>>, vector<16xi32>,
      %add3A_232 = arith.addi %add3A_225, %get3A_231 : vector<16xi32>
      %mul3A_233 = arith.constant 16 : i32
      %mul3A_234 = arith.muli %scan3A_162, %mul3A_233 : i32
      %add3A_235 = arith.constant 5120 : i32
      %add3A_236 = arith.addi %add3A_235, %mul3A_234 : i32
      %get3A_237 = arith.index_cast %add3A_236 : i32 to index
      %get3A_238 = tpu.vector_load %arg6[%get3A_237] {strides = array<i32>} : memref<8192xi32, #tpu.memory_space<vmem>>, vector<16xi32>,
      %add3A_239 = arith.addi %add3A_232, %get3A_238 : vector<16xi32>
      %mul3A_240 = arith.constant 16 : i32
      %mul3A_241 = arith.muli %scan3A_162, %mul3A_240 : i32
      %add3A_242 = arith.constant 5632 : i32
      %add3A_243 = arith.addi %add3A_242, %mul3A_241 : i32
      %get3A_244 = arith.index_cast %add3A_243 : i32 to index
      %get3A_245 = tpu.vector_load %arg6[%get3A_244] {strides = array<i32>} : memref<8192xi32, #tpu.memory_space<vmem>>, vector<16xi32>,
      %add3A_246 = arith.addi %add3A_239, %get3A_245 : vector<16xi32>
      %mul3A_247 = arith.constant 16 : i32
      %mul3A_248 = arith.muli %scan3A_162, %mul3A_247 : i32
      %add3A_249 = arith.constant 6144 : i32
      %add3A_250 = arith.addi %add3A_249, %mul3A_248 : i32
      %get3A_251 = arith.index_cast %add3A_250 : i32 to index
      %get3A_252 = tpu.vector_load %arg6[%get3A_251] {strides = array<i32>} : memref<8192xi32, #tpu.memory_space<vmem>>, vector<16xi32>,
      %add3A_253 = arith.addi %add3A_246, %get3A_252 : vector<16xi32>
      %mul3A_254 = arith.constant 16 : i32
      %mul3A_255 = arith.muli %scan3A_162, %mul3A_254 : i32
      %add3A_256 = arith.constant 6656 : i32
      %add3A_257 = arith.addi %add3A_256, %mul3A_255 : i32
      %get3A_258 = arith.index_cast %add3A_257 : i32 to index
      %get3A_259 = tpu.vector_load %arg6[%get3A_258] {strides = array<i32>} : memref<8192xi32, #tpu.memory_space<vmem>>, vector<16xi32>,
      %add3A_260 = arith.addi %add3A_253, %get3A_259 : vector<16xi32>
      %mul3A_261 = arith.constant 16 : i32
      %mul3A_262 = arith.muli %scan3A_162, %mul3A_261 : i32
      %add3A_263 = arith.constant 7168 : i32
      %add3A_264 = arith.addi %add3A_263, %mul3A_262 : i32
      %get3A_265 = arith.index_cast %add3A_264 : i32 to index
      %get3A_266 = tpu.vector_load %arg6[%get3A_265] {strides = array<i32>} : memref<8192xi32, #tpu.memory_space<vmem>>, vector<16xi32>,
      %add3A_267 = arith.addi %add3A_260, %get3A_266 : vector<16xi32>
      %mul3A_268 = arith.constant 16 : i32
      %mul3A_269 = arith.muli %scan3A_162, %mul3A_268 : i32
      %add3A_270 = arith.constant 7680 : i32
      %add3A_271 = arith.addi %add3A_270, %mul3A_269 : i32
      %get3A_272 = arith.index_cast %add3A_271 : i32 to index
      %get3A_273 = tpu.vector_load %arg6[%get3A_272] {strides = array<i32>} : memref<8192xi32, #tpu.memory_space<vmem>>, vector<16xi32>,
      %add3A_274 = arith.addi %add3A_267, %get3A_273 : vector<16xi32>
      %mul3A_275 = arith.constant 16 : i32
      %mul3A_276 = arith.muli %scan3A_162, %mul3A_275 : i32
      %swap3A = arith.index_cast %mul3A_276 : i32 to index
      %swap3A_277 = tpu.vector_load %arg7[%swap3A] {strides = array<i32>} : memref<512xi32, #tpu.memory_space<vmem>>, vector<16xi32>,
      tpu.vector_store %arg7[%swap3A], %add3A_274 {strides = array<i32>} : memref<512xi32, #tpu.memory_space<vmem>>, vector<16xi32>,
      %scan3A_278 = arith.constant 0 : i32
      scf.yield %scan3A_278 : i32
    }
    %scan3A_58 = arith.constant 32 : i32
    "tpu.region"() ({
      %run_scoped3A = tpu.sem_alloc : memref<!tpu.dma_semaphore, #tpu.memory_space<semaphore_mem>>
      %dma_start3A = arith.constant 0 : i32
      %dma_start3A_162 = tpu.memref_slice %arg12[%arg1, %dma_start3A] : memref<16x512xi32, #tpu.memory_space<vmem_shared>> -> memref<1x512xi32, #tpu.memory_space<vmem_shared>>
      %dma_start3A_163 = tpu.memref_squeeze %dma_start3A_162 : memref<1x512xi32, #tpu.memory_space<vmem_shared>> -> memref<512xi32, #tpu.memory_space<vmem_shared>>
      %dma_start3A_164 = arith.constant 0 : i32
      %dma_start3A_165 = tpu.memref_slice %arg12[%arg1, %dma_start3A_164] : memref<16x512xi32, #tpu.memory_space<vmem_shared>> -> memref<1x512xi32, #tpu.memory_space<vmem_shared>>
      %dma_start3A_166 = tpu.memref_squeeze %dma_start3A_165 : memref<1x512xi32, #tpu.memory_space<vmem_shared>> -> memref<512xi32, #tpu.memory_space<vmem_shared>>
      tpu.enqueue_dma source(%arg7 : memref<512xi32, #tpu.memory_space<vmem>>) target(%dma_start3A_166 : memref<512xi32, #tpu.memory_space<vmem_shared>>) target_semaphore(%run_scoped3A : memref<!tpu.dma_semaphore, #tpu.memory_space<semaphore_mem>>)
      %dma_wait3A = arith.constant 0 : i32
      %dma_wait3A_167 = tpu.memref_slice %arg12[%arg1, %dma_wait3A] : memref<16x512xi32, #tpu.memory_space<vmem_shared>> -> memref<1x512xi32, #tpu.memory_space<vmem_shared>>
      %dma_wait3A_168 = tpu.memref_squeeze %dma_wait3A_167 : memref<1x512xi32, #tpu.memory_space<vmem_shared>> -> memref<512xi32, #tpu.memory_space<vmem_shared>>
      %dma_wait3A_169 = arith.constant 0 : i32
      %dma_wait3A_170 = tpu.memref_slice %arg12[%arg1, %dma_wait3A_169] : memref<16x512xi32, #tpu.memory_space<vmem_shared>> -> memref<1x512xi32, #tpu.memory_space<vmem_shared>>
      %dma_wait3A_171 = tpu.memref_squeeze %dma_wait3A_170 : memref<1x512xi32, #tpu.memory_space<vmem_shared>> -> memref<512xi32, #tpu.memory_space<vmem_shared>>
      tpu.wait_dma2 semaphore(%run_scoped3A : memref<!tpu.dma_semaphore, #tpu.memory_space<semaphore_mem>>) src(%arg7 : memref<512xi32, #tpu.memory_space<vmem>>) dst(%dma_wait3A_171 : memref<512xi32, #tpu.memory_space<vmem_shared>>)
      tpu.yield
    }) : () -> ()
    %barrier3A = arith.constant 0 : index
    tpu.barrier barrier_id(%barrier3A)
    %mul3A_59 = arith.constant 4 : i32
    %mul3A_60 = arith.muli %select_n3A, %mul3A_59 : i32
    "tpu.region"() ({
      %run_scoped3A = tpu.sem_alloc : memref<!tpu.dma_semaphore, #tpu.memory_space<semaphore_mem>>
      %dma_start3A = arith.constant 0 : i32
      %dma_start3A_162 = tpu.memref_slice %arg12[%mul3A_60, %dma_start3A] : memref<16x512xi32, #tpu.memory_space<vmem_shared>> -> memref<4x512xi32, #tpu.memory_space<vmem_shared>>
      %dma_start3A_163 = arith.constant 0 : i32
      %dma_start3A_164 = tpu.memref_slice %arg12[%mul3A_60, %dma_start3A_163] : memref<16x512xi32, #tpu.memory_space<vmem_shared>> -> memref<4x512xi32, #tpu.memory_space<vmem_shared>>
      tpu.enqueue_dma source(%dma_start3A_164 : memref<4x512xi32, #tpu.memory_space<vmem_shared>>) target(%arg9 : memref<4x512xi32, #tpu.memory_space<vmem>>) target_semaphore(%run_scoped3A : memref<!tpu.dma_semaphore, #tpu.memory_space<semaphore_mem>>)
      %dma_wait3A = arith.constant 0 : i32
      %dma_wait3A_165 = tpu.memref_slice %arg12[%mul3A_60, %dma_wait3A] : memref<16x512xi32, #tpu.memory_space<vmem_shared>> -> memref<4x512xi32, #tpu.memory_space<vmem_shared>>
      %dma_wait3A_166 = arith.constant 0 : i32
      %dma_wait3A_167 = tpu.memref_slice %arg12[%mul3A_60, %dma_wait3A_166] : memref<16x512xi32, #tpu.memory_space<vmem_shared>> -> memref<4x512xi32, #tpu.memory_space<vmem_shared>>
      tpu.wait_dma2 semaphore(%run_scoped3A : memref<!tpu.dma_semaphore, #tpu.memory_space<semaphore_mem>>) src(%dma_wait3A_167 : memref<4x512xi32, #tpu.memory_space<vmem_shared>>) dst(%arg9 : memref<4x512xi32, #tpu.memory_space<vmem>>)
      tpu.yield
    }) : () -> ()
    %scan3A_61 = arith.constant 0 : i32
    %scan3A_62 = arith.constant 0 : i32
    %scan3A_63 = arith.constant 32 : i32
    %scan3A_64 = arith.addi %scan3A_62, %scan3A_63 : i32
    %scan3A_65 = arith.constant 1 : i32
    %scan3A_66 = scf.for %scan3A_162 = %scan3A_62 to %scan3A_64 step %scan3A_65 iter_args(%scan3A_163 = %scan3A_61) -> (i32)  : i32 {
      %mul3A_164 = arith.constant 16 : i32
      %mul3A_165 = arith.muli %scan3A_162, %mul3A_164 : i32
      %get3A = arith.constant 0 : i32
      %get3A_166 = arith.index_cast %get3A : i32 to index
      %get3A_167 = arith.index_cast %mul3A_165 : i32 to index
      %get3A_168 = tpu.vector_load %arg9[%get3A_166, %get3A_167] {strides = array<i32>} : memref<4x512xi32, #tpu.memory_space<vmem>>, vector<16xi32>,
      %mul3A_169 = arith.constant 16 : i32
      %mul3A_170 = arith.muli %scan3A_162, %mul3A_169 : i32
      %get3A_171 = arith.constant 1 : i32
      %get3A_172 = arith.index_cast %get3A_171 : i32 to index
      %get3A_173 = arith.index_cast %mul3A_170 : i32 to index
      %get3A_174 = tpu.vector_load %arg9[%get3A_172, %get3A_173] {strides = array<i32>} : memref<4x512xi32, #tpu.memory_space<vmem>>, vector<16xi32>,
      %add3A_175 = arith.addi %get3A_168, %get3A_174 : vector<16xi32>
      %mul3A_176 = arith.constant 16 : i32
      %mul3A_177 = arith.muli %scan3A_162, %mul3A_176 : i32
      %get3A_178 = arith.constant 2 : i32
      %get3A_179 = arith.index_cast %get3A_178 : i32 to index
      %get3A_180 = arith.index_cast %mul3A_177 : i32 to index
      %get3A_181 = tpu.vector_load %arg9[%get3A_179, %get3A_180] {strides = array<i32>} : memref<4x512xi32, #tpu.memory_space<vmem>>, vector<16xi32>,
      %add3A_182 = arith.addi %add3A_175, %get3A_181 : vector<16xi32>
      %mul3A_183 = arith.constant 16 : i32
      %mul3A_184 = arith.muli %scan3A_162, %mul3A_183 : i32
      %get3A_185 = arith.constant 3 : i32
      %get3A_186 = arith.index_cast %get3A_185 : i32 to index
      %get3A_187 = arith.index_cast %mul3A_184 : i32 to index
      %get3A_188 = tpu.vector_load %arg9[%get3A_186, %get3A_187] {strides = array<i32>} : memref<4x512xi32, #tpu.memory_space<vmem>>, vector<16xi32>,
      %add3A_189 = arith.addi %add3A_182, %get3A_188 : vector<16xi32>
      %mul3A_190 = arith.constant 16 : i32
      %mul3A_191 = arith.muli %scan3A_162, %mul3A_190 : i32
      %swap3A = arith.index_cast %mul3A_191 : i32 to index
      %swap3A_192 = tpu.vector_load %arg8[%swap3A] {strides = array<i32>} : memref<512xi32, #tpu.memory_space<vmem>>, vector<16xi32>,
      tpu.vector_store %arg8[%swap3A], %add3A_189 {strides = array<i32>} : memref<512xi32, #tpu.memory_space<vmem>>, vector<16xi32>,
      %scan3A_193 = arith.constant 0 : i32
      scf.yield %scan3A_193 : i32
    }
    %scan3A_67 = arith.constant 32 : i32
    %barrier3A_68 = arith.constant 0 : index
    tpu.barrier barrier_id(%barrier3A_68)
    %scan3A_69 = arith.constant 0 : i32
    %scan3A_70 = arith.constant 0 : i32
    %scan3A_71 = arith.constant false
    %scan3A_72 = arith.constant 0 : i32
    %scan3A_73 = arith.constant 32 : i32
    %scan3A_74 = arith.addi %scan3A_72, %scan3A_73 : i32
    %scan3A_75 = arith.constant 1 : i32
    %scan3A_76:3 = scf.for %scan3A_162 = %scan3A_72 to %scan3A_74 step %scan3A_75 iter_args(%scan3A_163 = %scan3A_69, %scan3A_164 = %scan3A_70, %scan3A_165 = %scan3A_71) -> (i32, i32, i1)  : i32 {
      %sub3A_166 = arith.constant 31 : i32
      %sub3A_167 = arith.subi %sub3A_166, %scan3A_162 : i32
      %mul3A_168 = arith.constant 16 : i32
      %mul3A_169 = arith.muli %sub3A_167, %mul3A_168 : i32
      %get3A = arith.index_cast %mul3A_169 : i32 to index
      %get3A_170 = tpu.vector_load %arg8[%get3A] {strides = array<i32>} : memref<512xi32, #tpu.memory_space<vmem>>, vector<16xi32>,
      %rev3A = arith.constant 15 : i32
      %rev3A_171 = vector.broadcast %rev3A : i32 to vector<16xi32>
      %rev3A_172 = tpu.iota {dimensions = array<i32: 0>} : vector<16xi32>
      %rev3A_173 = arith.subi %rev3A_171, %rev3A_172 : vector<16xi32>
      %rev3A_174 = tpu.dynamic_gather %get3A_170[%rev3A_173] in [0] : vector<16xi32>, vector<16xi32> -> vector<16xi32>
      %broadcast_in_dim3A_175 = arith.constant true
      %broadcast_in_dim3A_176 = vector.broadcast %broadcast_in_dim3A_175 : i1 to vector<16xi1>
      %masked_cumsum3A = tpu.scan <sum>, %rev3A_174 masked %broadcast_in_dim3A_176 : vector<16xi32>, vector<16xi1> -> vector<16xi32>
      %reduce_max3A = arith.constant true
      %reduce_max3A_177 = vector.broadcast %reduce_max3A : i1 to vector<16xi1>
      %reduce_max3A_178 = arith.constant -2147483648 : i32
      %reduce_max3A_179 = vector.broadcast %reduce_max3A_178 : i32 to vector<16xi32>
      %reduce_max3A_180 = arith.xori %masked_cumsum3A, %reduce_max3A_179 : vector<16xi32>
      %reduce_max3A_181 = tpu.scan <max>, %reduce_max3A_180 masked %reduce_max3A_177 : vector<16xi32>, vector<16xi1> -> vector<16xi32>
      %reduce_max3A_182 = arith.xori %reduce_max3A_181, %reduce_max3A_179 : vector<16xi32>
      %reduce_max3A_183 = vector.extract %reduce_max3A_182[15] : i32 from vector<16xi32>
      %add3A_184 = vector.broadcast %scan3A_163 : i32 to vector<16xi32>
      %add3A_185 = arith.addi %add3A_184, %masked_cumsum3A : vector<16xi32>
      %ge3A = arith.constant 300 : i32
      %ge3A_186 = vector.broadcast %ge3A : i32 to vector<16xi32>
      %ge3A_187 = arith.cmpi sge, %add3A_185, %ge3A_186 : vector<16xi32>
      %convert_element_type3A = arith.extui %ge3A_187 : vector<16xi1> to vector<16xi32>
      %reduce_max3A_188 = arith.constant true
      %reduce_max3A_189 = vector.broadcast %reduce_max3A_188 : i1 to vector<16xi1>
      %reduce_max3A_190 = arith.constant -2147483648 : i32
      %reduce_max3A_191 = vector.broadcast %reduce_max3A_190 : i32 to vector<16xi32>
      %reduce_max3A_192 = arith.xori %convert_element_type3A, %reduce_max3A_191 : vector<16xi32>
      %reduce_max3A_193 = tpu.scan <max>, %reduce_max3A_192 masked %reduce_max3A_189 : vector<16xi32>, vector<16xi1> -> vector<16xi32>
      %reduce_max3A_194 = arith.xori %reduce_max3A_193, %reduce_max3A_191 : vector<16xi32>
      %reduce_max3A_195 = vector.extract %reduce_max3A_194[15] : i32 from vector<16xi32>
      %gt3A_196 = arith.constant 0 : i32
      %gt3A_197 = arith.cmpi sgt, %reduce_max3A_195, %gt3A_196 : i32
      %jit3A_198 = arith.constant 16 : i32
      %broadcast_in_dim3A_199 = vector.broadcast %jit3A_198 : i32 to vector<16xi32>
      %select_n3A_200 = arith.select %ge3A_187, %iota3A, %broadcast_in_dim3A_199 : vector<16xi1>, vector<16xi32>
      %reduce_min3A = arith.constant true
      %reduce_min3A_201 = vector.broadcast %reduce_min3A : i1 to vector<16xi1>
      %reduce_min3A_202 = arith.constant -2147483648 : i32
      %reduce_min3A_203 = vector.broadcast %reduce_min3A_202 : i32 to vector<16xi32>
      %reduce_min3A_204 = arith.xori %select_n3A_200, %reduce_min3A_203 : vector<16xi32>
      %reduce_min3A_205 = tpu.scan <min>, %reduce_min3A_204 masked %reduce_min3A_201 : vector<16xi32>, vector<16xi1> -> vector<16xi32>
      %reduce_min3A_206 = arith.xori %reduce_min3A_205, %reduce_min3A_203 : vector<16xi32>
      %reduce_min3A_207 = vector.extract %reduce_min3A_206[15] : i32 from vector<16xi32>
      %mul3A_208 = arith.constant 16 : i32
      %mul3A_209 = arith.muli %sub3A_167, %mul3A_208 : i32
      %add3A_210 = arith.constant 15 : i32
      %add3A_211 = arith.addi %mul3A_209, %add3A_210 : i32
      %sub3A_212 = arith.subi %add3A_211, %reduce_min3A_207 : i32
      %not3A = arith.constant true
      %not3A_213 = arith.xori %scan3A_165, %not3A : i1
      %and3A_214 = arith.andi %not3A_213, %gt3A_197 : i1
      %select_n3A_215 = arith.select %and3A_214, %sub3A_212, %scan3A_164 : i32
      %or3A = arith.ori %scan3A_165, %gt3A_197 : i1
      %jit3A_216 = arith.constant 0 : i32
      %select_n3A_217 = arith.select %or3A, %jit3A_216, %reduce_max3A_183 : i32
      %add3A_218 = arith.addi %scan3A_163, %select_n3A_217 : i32
      scf.yield %add3A_218, %select_n3A_215, %or3A : i32, i32, i1
    }
    %scan3A_77 = arith.constant 32 : i32
    %gt3A = arith.constant 0 : i32
    %gt3A_78 = arith.cmpi sgt, %scan3A_76#1, %gt3A : i32
    %and3A_79 = arith.andi %scan3A_76#2, %gt3A_78 : i1
    %add3A_80 = arith.constant 3552 : i32
    %add3A_81 = arith.addi %scan3A_76#1, %add3A_80 : i32
    %shift_left3A = arith.constant 18 : i32
    %shift_left3A_82 = arith.shli %add3A_81, %shift_left3A : i32
    %jit3A_83 = arith.constant -2147483648 : i32
    %select_n3A_84 = arith.select %and3A_79, %shift_left3A_82, %jit3A_83 : i32
    %scan3A_85 = arith.constant 0 : i32
    %scan3A_86 = arith.constant 0 : i32
    %scan3A_87 = arith.constant 64 : i32
    %scan3A_88 = arith.addi %scan3A_86, %scan3A_87 : i32
    %scan3A_89 = arith.constant 1 : i32
    %scan3A_90 = scf.for %scan3A_162 = %scan3A_86 to %scan3A_88 step %scan3A_89 iter_args(%scan3A_163 = %scan3A_85) -> (i32)  : i32 {
      %mul3A_164 = arith.constant 128 : i32
      %mul3A_165 = arith.muli %scan3A_162, %mul3A_164 : i32
      %add3A_166 = arith.constant 0 : i32
      %add3A_167 = arith.addi %mul3A_165, %add3A_166 : i32
      %swap3A = arith.index_cast %add3A_167 : i32 to index
      %swap3A_168 = tpu.vector_load %arg6[%swap3A] {strides = array<i32>} : memref<8192xi32, #tpu.memory_space<vmem>>, vector<16xi32>,
      tpu.vector_store %arg6[%swap3A], %broadcast_in_dim3A_33 {strides = array<i32>} : memref<8192xi32, #tpu.memory_space<vmem>>, vector<16xi32>,
      %mul3A_169 = arith.constant 128 : i32
      %mul3A_170 = arith.muli %scan3A_162, %mul3A_169 : i32
      %add3A_171 = arith.constant 16 : i32
      %add3A_172 = arith.addi %mul3A_170, %add3A_171 : i32
      %swap3A_173 = arith.index_cast %add3A_172 : i32 to index
      %swap3A_174 = tpu.vector_load %arg6[%swap3A_173] {strides = array<i32>} : memref<8192xi32, #tpu.memory_space<vmem>>, vector<16xi32>,
      tpu.vector_store %arg6[%swap3A_173], %broadcast_in_dim3A_33 {strides = array<i32>} : memref<8192xi32, #tpu.memory_space<vmem>>, vector<16xi32>,
      %mul3A_175 = arith.constant 128 : i32
      %mul3A_176 = arith.muli %scan3A_162, %mul3A_175 : i32
      %add3A_177 = arith.constant 32 : i32
      %add3A_178 = arith.addi %mul3A_176, %add3A_177 : i32
      %swap3A_179 = arith.index_cast %add3A_178 : i32 to index
      %swap3A_180 = tpu.vector_load %arg6[%swap3A_179] {strides = array<i32>} : memref<8192xi32, #tpu.memory_space<vmem>>, vector<16xi32>,
      tpu.vector_store %arg6[%swap3A_179], %broadcast_in_dim3A_33 {strides = array<i32>} : memref<8192xi32, #tpu.memory_space<vmem>>, vector<16xi32>,
      %mul3A_181 = arith.constant 128 : i32
      %mul3A_182 = arith.muli %scan3A_162, %mul3A_181 : i32
      %add3A_183 = arith.constant 48 : i32
      %add3A_184 = arith.addi %mul3A_182, %add3A_183 : i32
      %swap3A_185 = arith.index_cast %add3A_184 : i32 to index
      %swap3A_186 = tpu.vector_load %arg6[%swap3A_185] {strides = array<i32>} : memref<8192xi32, #tpu.memory_space<vmem>>, vector<16xi32>,
      tpu.vector_store %arg6[%swap3A_185], %broadcast_in_dim3A_33 {strides = array<i32>} : memref<8192xi32, #tpu.memory_space<vmem>>, vector<16xi32>,
      %mul3A_187 = arith.constant 128 : i32
      %mul3A_188 = arith.muli %scan3A_162, %mul3A_187 : i32
      %add3A_189 = arith.constant 64 : i32
      %add3A_190 = arith.addi %mul3A_188, %add3A_189 : i32
      %swap3A_191 = arith.index_cast %add3A_190 : i32 to index
      %swap3A_192 = tpu.vector_load %arg6[%swap3A_191] {strides = array<i32>} : memref<8192xi32, #tpu.memory_space<vmem>>, vector<16xi32>,
      tpu.vector_store %arg6[%swap3A_191], %broadcast_in_dim3A_33 {strides = array<i32>} : memref<8192xi32, #tpu.memory_space<vmem>>, vector<16xi32>,
      %mul3A_193 = arith.constant 128 : i32
      %mul3A_194 = arith.muli %scan3A_162, %mul3A_193 : i32
      %add3A_195 = arith.constant 80 : i32
      %add3A_196 = arith.addi %mul3A_194, %add3A_195 : i32
      %swap3A_197 = arith.index_cast %add3A_196 : i32 to index
      %swap3A_198 = tpu.vector_load %arg6[%swap3A_197] {strides = array<i32>} : memref<8192xi32, #tpu.memory_space<vmem>>, vector<16xi32>,
      tpu.vector_store %arg6[%swap3A_197], %broadcast_in_dim3A_33 {strides = array<i32>} : memref<8192xi32, #tpu.memory_space<vmem>>, vector<16xi32>,
      %mul3A_199 = arith.constant 128 : i32
      %mul3A_200 = arith.muli %scan3A_162, %mul3A_199 : i32
      %add3A_201 = arith.constant 96 : i32
      %add3A_202 = arith.addi %mul3A_200, %add3A_201 : i32
      %swap3A_203 = arith.index_cast %add3A_202 : i32 to index
      %swap3A_204 = tpu.vector_load %arg6[%swap3A_203] {strides = array<i32>} : memref<8192xi32, #tpu.memory_space<vmem>>, vector<16xi32>,
      tpu.vector_store %arg6[%swap3A_203], %broadcast_in_dim3A_33 {strides = array<i32>} : memref<8192xi32, #tpu.memory_space<vmem>>, vector<16xi32>,
      %mul3A_205 = arith.constant 128 : i32
      %mul3A_206 = arith.muli %scan3A_162, %mul3A_205 : i32
      %add3A_207 = arith.constant 112 : i32
      %add3A_208 = arith.addi %mul3A_206, %add3A_207 : i32
      %swap3A_209 = arith.index_cast %add3A_208 : i32 to index
      %swap3A_210 = tpu.vector_load %arg6[%swap3A_209] {strides = array<i32>} : memref<8192xi32, #tpu.memory_space<vmem>>, vector<16xi32>,
      tpu.vector_store %arg6[%swap3A_209], %broadcast_in_dim3A_33 {strides = array<i32>} : memref<8192xi32, #tpu.memory_space<vmem>>, vector<16xi32>,
      %scan3A_211 = arith.constant 0 : i32
      scf.yield %scan3A_211 : i32
    }
    %scan3A_91 = arith.constant 64 : i32
    %scan3A_92 = arith.constant 0 : i32
    %scan3A_93 = arith.constant 0 : i32
    %scan3A_94 = arith.constant 96 : i32
    %scan3A_95 = arith.addi %scan3A_93, %scan3A_94 : i32
    %scan3A_96 = arith.constant 1 : i32
    %scan3A_97 = scf.for %scan3A_162 = %scan3A_93 to %scan3A_95 step %scan3A_96 iter_args(%scan3A_163 = %scan3A_92) -> (i32)  : i32 {
      %mul3A_164 = arith.constant 64 : i32
      %mul3A_165 = arith.muli %scan3A_162, %mul3A_164 : i32
      %add3A_166 = arith.constant 0 : i32
      %add3A_167 = arith.addi %mul3A_165, %add3A_166 : i32
      %get3A = arith.index_cast %add3A_167 : i32 to index
      %get3A_168 = tpu.vector_load %arg5[%get3A] {strides = array<i32>} : memref<6144xf32, #tpu.memory_space<vmem>>, vector<16xf32>,
      %bitcast3A = vector.bitcast %get3A_168 : vector<16xf32> to vector<16xi32>
      %ge3A = vector.broadcast %select_n3A_84 : i32 to vector<16xi32>
      %ge3A_169 = arith.cmpi sge, %bitcast3A, %ge3A : vector<16xi32>
      %add3A_170 = arith.constant 262144 : i32
      %add3A_171 = arith.addi %select_n3A_84, %add3A_170 : i32
      %lt3A_172 = vector.broadcast %add3A_171 : i32 to vector<16xi32>
      %lt3A_173 = arith.cmpi slt, %bitcast3A, %lt3A_172 : vector<16xi32>
      %and3A_174 = arith.andi %ge3A_169, %lt3A_173 : vector<16xi1>
      %shift_right_arithmetic3A = arith.constant 9 : i32
      %shift_right_arithmetic3A_175 = vector.broadcast %shift_right_arithmetic3A : i32 to vector<16xi32>
      %shift_right_arithmetic3A_176 = arith.shrsi %bitcast3A, %shift_right_arithmetic3A_175 : vector<16xi32>
      %and3A_177 = arith.constant 511 : i32
      %and3A_178 = vector.broadcast %and3A_177 : i32 to vector<16xi32>
      %and3A_179 = arith.andi %shift_right_arithmetic3A_176, %and3A_178 : vector<16xi32>
      %mul3A_180 = arith.constant 512 : i32
      %mul3A_181 = vector.broadcast %mul3A_180 : i32 to vector<16xi32>
      %mul3A_182 = arith.muli %iota3A, %mul3A_181 : vector<16xi32>
      %add3A_183 = arith.addi %mul3A_182, %and3A_179 : vector<16xi32>
      tpu.vector_store_idx %arg6[%add3A_183], %broadcast_in_dim3A_31 masked %and3A_174 {add = true} : memref<8192xi32, #tpu.memory_space<vmem>>[vector<16xi32>], vector<16xi32>, vector<16xi1>
      %mul3A_184 = arith.constant 64 : i32
      %mul3A_185 = arith.muli %scan3A_162, %mul3A_184 : i32
      %add3A_186 = arith.constant 16 : i32
      %add3A_187 = arith.addi %mul3A_185, %add3A_186 : i32
      %get3A_188 = arith.index_cast %add3A_187 : i32 to index
      %get3A_189 = tpu.vector_load %arg5[%get3A_188] {strides = array<i32>} : memref<6144xf32, #tpu.memory_space<vmem>>, vector<16xf32>,
      %bitcast3A_190 = vector.bitcast %get3A_189 : vector<16xf32> to vector<16xi32>
      %ge3A_191 = vector.broadcast %select_n3A_84 : i32 to vector<16xi32>
      %ge3A_192 = arith.cmpi sge, %bitcast3A_190, %ge3A_191 : vector<16xi32>
      %add3A_193 = arith.constant 262144 : i32
      %add3A_194 = arith.addi %select_n3A_84, %add3A_193 : i32
      %lt3A_195 = vector.broadcast %add3A_194 : i32 to vector<16xi32>
      %lt3A_196 = arith.cmpi slt, %bitcast3A_190, %lt3A_195 : vector<16xi32>
      %and3A_197 = arith.andi %ge3A_192, %lt3A_196 : vector<16xi1>
      %shift_right_arithmetic3A_198 = arith.constant 9 : i32
      %shift_right_arithmetic3A_199 = vector.broadcast %shift_right_arithmetic3A_198 : i32 to vector<16xi32>
      %shift_right_arithmetic3A_200 = arith.shrsi %bitcast3A_190, %shift_right_arithmetic3A_199 : vector<16xi32>
      %and3A_201 = arith.constant 511 : i32
      %and3A_202 = vector.broadcast %and3A_201 : i32 to vector<16xi32>
      %and3A_203 = arith.andi %shift_right_arithmetic3A_200, %and3A_202 : vector<16xi32>
      %mul3A_204 = arith.constant 512 : i32
      %mul3A_205 = vector.broadcast %mul3A_204 : i32 to vector<16xi32>
      %mul3A_206 = arith.muli %iota3A, %mul3A_205 : vector<16xi32>
      %add3A_207 = arith.addi %mul3A_206, %and3A_203 : vector<16xi32>
      tpu.vector_store_idx %arg6[%add3A_207], %broadcast_in_dim3A_31 masked %and3A_197 {add = true} : memref<8192xi32, #tpu.memory_space<vmem>>[vector<16xi32>], vector<16xi32>, vector<16xi1>
      %mul3A_208 = arith.constant 64 : i32
      %mul3A_209 = arith.muli %scan3A_162, %mul3A_208 : i32
      %add3A_210 = arith.constant 32 : i32
      %add3A_211 = arith.addi %mul3A_209, %add3A_210 : i32
      %get3A_212 = arith.index_cast %add3A_211 : i32 to index
      %get3A_213 = tpu.vector_load %arg5[%get3A_212] {strides = array<i32>} : memref<6144xf32, #tpu.memory_space<vmem>>, vector<16xf32>,
      %bitcast3A_214 = vector.bitcast %get3A_213 : vector<16xf32> to vector<16xi32>
      %ge3A_215 = vector.broadcast %select_n3A_84 : i32 to vector<16xi32>
      %ge3A_216 = arith.cmpi sge, %bitcast3A_214, %ge3A_215 : vector<16xi32>
      %add3A_217 = arith.constant 262144 : i32
      %add3A_218 = arith.addi %select_n3A_84, %add3A_217 : i32
      %lt3A_219 = vector.broadcast %add3A_218 : i32 to vector<16xi32>
      %lt3A_220 = arith.cmpi slt, %bitcast3A_214, %lt3A_219 : vector<16xi32>
      %and3A_221 = arith.andi %ge3A_216, %lt3A_220 : vector<16xi1>
      %shift_right_arithmetic3A_222 = arith.constant 9 : i32
      %shift_right_arithmetic3A_223 = vector.broadcast %shift_right_arithmetic3A_222 : i32 to vector<16xi32>
      %shift_right_arithmetic3A_224 = arith.shrsi %bitcast3A_214, %shift_right_arithmetic3A_223 : vector<16xi32>
      %and3A_225 = arith.constant 511 : i32
      %and3A_226 = vector.broadcast %and3A_225 : i32 to vector<16xi32>
      %and3A_227 = arith.andi %shift_right_arithmetic3A_224, %and3A_226 : vector<16xi32>
      %mul3A_228 = arith.constant 512 : i32
      %mul3A_229 = vector.broadcast %mul3A_228 : i32 to vector<16xi32>
      %mul3A_230 = arith.muli %iota3A, %mul3A_229 : vector<16xi32>
      %add3A_231 = arith.addi %mul3A_230, %and3A_227 : vector<16xi32>
      tpu.vector_store_idx %arg6[%add3A_231], %broadcast_in_dim3A_31 masked %and3A_221 {add = true} : memref<8192xi32, #tpu.memory_space<vmem>>[vector<16xi32>], vector<16xi32>, vector<16xi1>
      %mul3A_232 = arith.constant 64 : i32
      %mul3A_233 = arith.muli %scan3A_162, %mul3A_232 : i32
      %add3A_234 = arith.constant 48 : i32
      %add3A_235 = arith.addi %mul3A_233, %add3A_234 : i32
      %get3A_236 = arith.index_cast %add3A_235 : i32 to index
      %get3A_237 = tpu.vector_load %arg5[%get3A_236] {strides = array<i32>} : memref<6144xf32, #tpu.memory_space<vmem>>, vector<16xf32>,
      %bitcast3A_238 = vector.bitcast %get3A_237 : vector<16xf32> to vector<16xi32>
      %ge3A_239 = vector.broadcast %select_n3A_84 : i32 to vector<16xi32>
      %ge3A_240 = arith.cmpi sge, %bitcast3A_238, %ge3A_239 : vector<16xi32>
      %add3A_241 = arith.constant 262144 : i32
      %add3A_242 = arith.addi %select_n3A_84, %add3A_241 : i32
      %lt3A_243 = vector.broadcast %add3A_242 : i32 to vector<16xi32>
      %lt3A_244 = arith.cmpi slt, %bitcast3A_238, %lt3A_243 : vector<16xi32>
      %and3A_245 = arith.andi %ge3A_240, %lt3A_244 : vector<16xi1>
      %shift_right_arithmetic3A_246 = arith.constant 9 : i32
      %shift_right_arithmetic3A_247 = vector.broadcast %shift_right_arithmetic3A_246 : i32 to vector<16xi32>
      %shift_right_arithmetic3A_248 = arith.shrsi %bitcast3A_238, %shift_right_arithmetic3A_247 : vector<16xi32>
      %and3A_249 = arith.constant 511 : i32
      %and3A_250 = vector.broadcast %and3A_249 : i32 to vector<16xi32>
      %and3A_251 = arith.andi %shift_right_arithmetic3A_248, %and3A_250 : vector<16xi32>
      %mul3A_252 = arith.constant 512 : i32
      %mul3A_253 = vector.broadcast %mul3A_252 : i32 to vector<16xi32>
      %mul3A_254 = arith.muli %iota3A, %mul3A_253 : vector<16xi32>
      %add3A_255 = arith.addi %mul3A_254, %and3A_251 : vector<16xi32>
      tpu.vector_store_idx %arg6[%add3A_255], %broadcast_in_dim3A_31 masked %and3A_245 {add = true} : memref<8192xi32, #tpu.memory_space<vmem>>[vector<16xi32>], vector<16xi32>, vector<16xi1>
      %scan3A_256 = arith.constant 0 : i32
      scf.yield %scan3A_256 : i32
    }
    %scan3A_98 = arith.constant 96 : i32
    %scan3A_99 = arith.constant 0 : i32
    %scan3A_100 = arith.constant 0 : i32
    %scan3A_101 = arith.constant 32 : i32
    %scan3A_102 = arith.addi %scan3A_100, %scan3A_101 : i32
    %scan3A_103 = arith.constant 1 : i32
    %scan3A_104 = scf.for %scan3A_162 = %scan3A_100 to %scan3A_102 step %scan3A_103 iter_args(%scan3A_163 = %scan3A_99) -> (i32)  : i32 {
      %mul3A_164 = arith.constant 16 : i32
      %mul3A_165 = arith.muli %scan3A_162, %mul3A_164 : i32
      %add3A_166 = arith.constant 0 : i32
      %add3A_167 = arith.addi %add3A_166, %mul3A_165 : i32
      %get3A = arith.index_cast %add3A_167 : i32 to index
      %get3A_168 = tpu.vector_load %arg6[%get3A] {strides = array<i32>} : memref<8192xi32, #tpu.memory_space<vmem>>, vector<16xi32>,
      %add3A_169 = arith.addi %broadcast_in_dim3A_33, %get3A_168 : vector<16xi32>
      %mul3A_170 = arith.constant 16 : i32
      %mul3A_171 = arith.muli %scan3A_162, %mul3A_170 : i32
      %add3A_172 = arith.constant 512 : i32
      %add3A_173 = arith.addi %add3A_172, %mul3A_171 : i32
      %get3A_174 = arith.index_cast %add3A_173 : i32 to index
      %get3A_175 = tpu.vector_load %arg6[%get3A_174] {strides = array<i32>} : memref<8192xi32, #tpu.memory_space<vmem>>, vector<16xi32>,
      %add3A_176 = arith.addi %add3A_169, %get3A_175 : vector<16xi32>
      %mul3A_177 = arith.constant 16 : i32
      %mul3A_178 = arith.muli %scan3A_162, %mul3A_177 : i32
      %add3A_179 = arith.constant 1024 : i32
      %add3A_180 = arith.addi %add3A_179, %mul3A_178 : i32
      %get3A_181 = arith.index_cast %add3A_180 : i32 to index
      %get3A_182 = tpu.vector_load %arg6[%get3A_181] {strides = array<i32>} : memref<8192xi32, #tpu.memory_space<vmem>>, vector<16xi32>,
      %add3A_183 = arith.addi %add3A_176, %get3A_182 : vector<16xi32>
      %mul3A_184 = arith.constant 16 : i32
      %mul3A_185 = arith.muli %scan3A_162, %mul3A_184 : i32
      %add3A_186 = arith.constant 1536 : i32
      %add3A_187 = arith.addi %add3A_186, %mul3A_185 : i32
      %get3A_188 = arith.index_cast %add3A_187 : i32 to index
      %get3A_189 = tpu.vector_load %arg6[%get3A_188] {strides = array<i32>} : memref<8192xi32, #tpu.memory_space<vmem>>, vector<16xi32>,
      %add3A_190 = arith.addi %add3A_183, %get3A_189 : vector<16xi32>
      %mul3A_191 = arith.constant 16 : i32
      %mul3A_192 = arith.muli %scan3A_162, %mul3A_191 : i32
      %add3A_193 = arith.constant 2048 : i32
      %add3A_194 = arith.addi %add3A_193, %mul3A_192 : i32
      %get3A_195 = arith.index_cast %add3A_194 : i32 to index
      %get3A_196 = tpu.vector_load %arg6[%get3A_195] {strides = array<i32>} : memref<8192xi32, #tpu.memory_space<vmem>>, vector<16xi32>,
      %add3A_197 = arith.addi %add3A_190, %get3A_196 : vector<16xi32>
      %mul3A_198 = arith.constant 16 : i32
      %mul3A_199 = arith.muli %scan3A_162, %mul3A_198 : i32
      %add3A_200 = arith.constant 2560 : i32
      %add3A_201 = arith.addi %add3A_200, %mul3A_199 : i32
      %get3A_202 = arith.index_cast %add3A_201 : i32 to index
      %get3A_203 = tpu.vector_load %arg6[%get3A_202] {strides = array<i32>} : memref<8192xi32, #tpu.memory_space<vmem>>, vector<16xi32>,
      %add3A_204 = arith.addi %add3A_197, %get3A_203 : vector<16xi32>
      %mul3A_205 = arith.constant 16 : i32
      %mul3A_206 = arith.muli %scan3A_162, %mul3A_205 : i32
      %add3A_207 = arith.constant 3072 : i32
      %add3A_208 = arith.addi %add3A_207, %mul3A_206 : i32
      %get3A_209 = arith.index_cast %add3A_208 : i32 to index
      %get3A_210 = tpu.vector_load %arg6[%get3A_209] {strides = array<i32>} : memref<8192xi32, #tpu.memory_space<vmem>>, vector<16xi32>,
      %add3A_211 = arith.addi %add3A_204, %get3A_210 : vector<16xi32>
      %mul3A_212 = arith.constant 16 : i32
      %mul3A_213 = arith.muli %scan3A_162, %mul3A_212 : i32
      %add3A_214 = arith.constant 3584 : i32
      %add3A_215 = arith.addi %add3A_214, %mul3A_213 : i32
      %get3A_216 = arith.index_cast %add3A_215 : i32 to index
      %get3A_217 = tpu.vector_load %arg6[%get3A_216] {strides = array<i32>} : memref<8192xi32, #tpu.memory_space<vmem>>, vector<16xi32>,
      %add3A_218 = arith.addi %add3A_211, %get3A_217 : vector<16xi32>
      %mul3A_219 = arith.constant 16 : i32
      %mul3A_220 = arith.muli %scan3A_162, %mul3A_219 : i32
      %add3A_221 = arith.constant 4096 : i32
      %add3A_222 = arith.addi %add3A_221, %mul3A_220 : i32
      %get3A_223 = arith.index_cast %add3A_222 : i32 to index
      %get3A_224 = tpu.vector_load %arg6[%get3A_223] {strides = array<i32>} : memref<8192xi32, #tpu.memory_space<vmem>>, vector<16xi32>,
      %add3A_225 = arith.addi %add3A_218, %get3A_224 : vector<16xi32>
      %mul3A_226 = arith.constant 16 : i32
      %mul3A_227 = arith.muli %scan3A_162, %mul3A_226 : i32
      %add3A_228 = arith.constant 4608 : i32
      %add3A_229 = arith.addi %add3A_228, %mul3A_227 : i32
      %get3A_230 = arith.index_cast %add3A_229 : i32 to index
      %get3A_231 = tpu.vector_load %arg6[%get3A_230] {strides = array<i32>} : memref<8192xi32, #tpu.memory_space<vmem>>, vector<16xi32>,
      %add3A_232 = arith.addi %add3A_225, %get3A_231 : vector<16xi32>
      %mul3A_233 = arith.constant 16 : i32
      %mul3A_234 = arith.muli %scan3A_162, %mul3A_233 : i32
      %add3A_235 = arith.constant 5120 : i32
      %add3A_236 = arith.addi %add3A_235, %mul3A_234 : i32
      %get3A_237 = arith.index_cast %add3A_236 : i32 to index
      %get3A_238 = tpu.vector_load %arg6[%get3A_237] {strides = array<i32>} : memref<8192xi32, #tpu.memory_space<vmem>>, vector<16xi32>,
      %add3A_239 = arith.addi %add3A_232, %get3A_238 : vector<16xi32>
      %mul3A_240 = arith.constant 16 : i32
      %mul3A_241 = arith.muli %scan3A_162, %mul3A_240 : i32
      %add3A_242 = arith.constant 5632 : i32
      %add3A_243 = arith.addi %add3A_242, %mul3A_241 : i32
      %get3A_244 = arith.index_cast %add3A_243 : i32 to index
      %get3A_245 = tpu.vector_load %arg6[%get3A_244] {strides = array<i32>} : memref<8192xi32, #tpu.memory_space<vmem>>, vector<16xi32>,
      %add3A_246 = arith.addi %add3A_239, %get3A_245 : vector<16xi32>
      %mul3A_247 = arith.constant 16 : i32
      %mul3A_248 = arith.muli %scan3A_162, %mul3A_247 : i32
      %add3A_249 = arith.constant 6144 : i32
      %add3A_250 = arith.addi %add3A_249, %mul3A_248 : i32
      %get3A_251 = arith.index_cast %add3A_250 : i32 to index
      %get3A_252 = tpu.vector_load %arg6[%get3A_251] {strides = array<i32>} : memref<8192xi32, #tpu.memory_space<vmem>>, vector<16xi32>,
      %add3A_253 = arith.addi %add3A_246, %get3A_252 : vector<16xi32>
      %mul3A_254 = arith.constant 16 : i32
      %mul3A_255 = arith.muli %scan3A_162, %mul3A_254 : i32
      %add3A_256 = arith.constant 6656 : i32
      %add3A_257 = arith.addi %add3A_256, %mul3A_255 : i32
      %get3A_258 = arith.index_cast %add3A_257 : i32 to index
      %get3A_259 = tpu.vector_load %arg6[%get3A_258] {strides = array<i32>} : memref<8192xi32, #tpu.memory_space<vmem>>, vector<16xi32>,
      %add3A_260 = arith.addi %add3A_253, %get3A_259 : vector<16xi32>
      %mul3A_261 = arith.constant 16 : i32
      %mul3A_262 = arith.muli %scan3A_162, %mul3A_261 : i32
      %add3A_263 = arith.constant 7168 : i32
      %add3A_264 = arith.addi %add3A_263, %mul3A_262 : i32
      %get3A_265 = arith.index_cast %add3A_264 : i32 to index
      %get3A_266 = tpu.vector_load %arg6[%get3A_265] {strides = array<i32>} : memref<8192xi32, #tpu.memory_space<vmem>>, vector<16xi32>,
      %add3A_267 = arith.addi %add3A_260, %get3A_266 : vector<16xi32>
      %mul3A_268 = arith.constant 16 : i32
      %mul3A_269 = arith.muli %scan3A_162, %mul3A_268 : i32
      %add3A_270 = arith.constant 7680 : i32
      %add3A_271 = arith.addi %add3A_270, %mul3A_269 : i32
      %get3A_272 = arith.index_cast %add3A_271 : i32 to index
      %get3A_273 = tpu.vector_load %arg6[%get3A_272] {strides = array<i32>} : memref<8192xi32, #tpu.memory_space<vmem>>, vector<16xi32>,
      %add3A_274 = arith.addi %add3A_267, %get3A_273 : vector<16xi32>
      %mul3A_275 = arith.constant 16 : i32
      %mul3A_276 = arith.muli %scan3A_162, %mul3A_275 : i32
      %swap3A = arith.index_cast %mul3A_276 : i32 to index
      %swap3A_277 = tpu.vector_load %arg7[%swap3A] {strides = array<i32>} : memref<512xi32, #tpu.memory_space<vmem>>, vector<16xi32>,
      tpu.vector_store %arg7[%swap3A], %add3A_274 {strides = array<i32>} : memref<512xi32, #tpu.memory_space<vmem>>, vector<16xi32>,
      %scan3A_278 = arith.constant 0 : i32
      scf.yield %scan3A_278 : i32
    }
    %scan3A_105 = arith.constant 32 : i32
    "tpu.region"() ({
      %run_scoped3A = tpu.sem_alloc : memref<!tpu.dma_semaphore, #tpu.memory_space<semaphore_mem>>
      %dma_start3A = arith.constant 0 : i32
      %dma_start3A_162 = tpu.memref_slice %arg12[%arg1, %dma_start3A] : memref<16x512xi32, #tpu.memory_space<vmem_shared>> -> memref<1x512xi32, #tpu.memory_space<vmem_shared>>
      %dma_start3A_163 = tpu.memref_squeeze %dma_start3A_162 : memref<1x512xi32, #tpu.memory_space<vmem_shared>> -> memref<512xi32, #tpu.memory_space<vmem_shared>>
      %dma_start3A_164 = arith.constant 0 : i32
      %dma_start3A_165 = tpu.memref_slice %arg12[%arg1, %dma_start3A_164] : memref<16x512xi32, #tpu.memory_space<vmem_shared>> -> memref<1x512xi32, #tpu.memory_space<vmem_shared>>
      %dma_start3A_166 = tpu.memref_squeeze %dma_start3A_165 : memref<1x512xi32, #tpu.memory_space<vmem_shared>> -> memref<512xi32, #tpu.memory_space<vmem_shared>>
      tpu.enqueue_dma source(%arg7 : memref<512xi32, #tpu.memory_space<vmem>>) target(%dma_start3A_166 : memref<512xi32, #tpu.memory_space<vmem_shared>>) target_semaphore(%run_scoped3A : memref<!tpu.dma_semaphore, #tpu.memory_space<semaphore_mem>>)
      %dma_wait3A = arith.constant 0 : i32
      %dma_wait3A_167 = tpu.memref_slice %arg12[%arg1, %dma_wait3A] : memref<16x512xi32, #tpu.memory_space<vmem_shared>> -> memref<1x512xi32, #tpu.memory_space<vmem_shared>>
      %dma_wait3A_168 = tpu.memref_squeeze %dma_wait3A_167 : memref<1x512xi32, #tpu.memory_space<vmem_shared>> -> memref<512xi32, #tpu.memory_space<vmem_shared>>
      %dma_wait3A_169 = arith.constant 0 : i32
      %dma_wait3A_170 = tpu.memref_slice %arg12[%arg1, %dma_wait3A_169] : memref<16x512xi32, #tpu.memory_space<vmem_shared>> -> memref<1x512xi32, #tpu.memory_space<vmem_shared>>
      %dma_wait3A_171 = tpu.memref_squeeze %dma_wait3A_170 : memref<1x512xi32, #tpu.memory_space<vmem_shared>> -> memref<512xi32, #tpu.memory_space<vmem_shared>>
      tpu.wait_dma2 semaphore(%run_scoped3A : memref<!tpu.dma_semaphore, #tpu.memory_space<semaphore_mem>>) src(%arg7 : memref<512xi32, #tpu.memory_space<vmem>>) dst(%dma_wait3A_171 : memref<512xi32, #tpu.memory_space<vmem_shared>>)
      tpu.yield
    }) : () -> ()
    %barrier3A_106 = arith.constant 0 : index
    tpu.barrier barrier_id(%barrier3A_106)
    %mul3A_107 = arith.constant 4 : i32
    %mul3A_108 = arith.muli %select_n3A, %mul3A_107 : i32
    "tpu.region"() ({
      %run_scoped3A = tpu.sem_alloc : memref<!tpu.dma_semaphore, #tpu.memory_space<semaphore_mem>>
      %dma_start3A = arith.constant 0 : i32
      %dma_start3A_162 = tpu.memref_slice %arg12[%mul3A_108, %dma_start3A] : memref<16x512xi32, #tpu.memory_space<vmem_shared>> -> memref<4x512xi32, #tpu.memory_space<vmem_shared>>
      %dma_start3A_163 = arith.constant 0 : i32
      %dma_start3A_164 = tpu.memref_slice %arg12[%mul3A_108, %dma_start3A_163] : memref<16x512xi32, #tpu.memory_space<vmem_shared>> -> memref<4x512xi32, #tpu.memory_space<vmem_shared>>
      tpu.enqueue_dma source(%dma_start3A_164 : memref<4x512xi32, #tpu.memory_space<vmem_shared>>) target(%arg9 : memref<4x512xi32, #tpu.memory_space<vmem>>) target_semaphore(%run_scoped3A : memref<!tpu.dma_semaphore, #tpu.memory_space<semaphore_mem>>)
      %dma_wait3A = arith.constant 0 : i32
      %dma_wait3A_165 = tpu.memref_slice %arg12[%mul3A_108, %dma_wait3A] : memref<16x512xi32, #tpu.memory_space<vmem_shared>> -> memref<4x512xi32, #tpu.memory_space<vmem_shared>>
      %dma_wait3A_166 = arith.constant 0 : i32
      %dma_wait3A_167 = tpu.memref_slice %arg12[%mul3A_108, %dma_wait3A_166] : memref<16x512xi32, #tpu.memory_space<vmem_shared>> -> memref<4x512xi32, #tpu.memory_space<vmem_shared>>
      tpu.wait_dma2 semaphore(%run_scoped3A : memref<!tpu.dma_semaphore, #tpu.memory_space<semaphore_mem>>) src(%dma_wait3A_167 : memref<4x512xi32, #tpu.memory_space<vmem_shared>>) dst(%arg9 : memref<4x512xi32, #tpu.memory_space<vmem>>)
      tpu.yield
    }) : () -> ()
    %scan3A_109 = arith.constant 0 : i32
    %scan3A_110 = arith.constant 0 : i32
    %scan3A_111 = arith.constant 32 : i32
    %scan3A_112 = arith.addi %scan3A_110, %scan3A_111 : i32
    %scan3A_113 = arith.constant 1 : i32
    %scan3A_114 = scf.for %scan3A_162 = %scan3A_110 to %scan3A_112 step %scan3A_113 iter_args(%scan3A_163 = %scan3A_109) -> (i32)  : i32 {
      %mul3A_164 = arith.constant 16 : i32
      %mul3A_165 = arith.muli %scan3A_162, %mul3A_164 : i32
      %get3A = arith.constant 0 : i32
      %get3A_166 = arith.index_cast %get3A : i32 to index
      %get3A_167 = arith.index_cast %mul3A_165 : i32 to index
      %get3A_168 = tpu.vector_load %arg9[%get3A_166, %get3A_167] {strides = array<i32>} : memref<4x512xi32, #tpu.memory_space<vmem>>, vector<16xi32>,
      %mul3A_169 = arith.constant 16 : i32
      %mul3A_170 = arith.muli %scan3A_162, %mul3A_169 : i32
      %get3A_171 = arith.constant 1 : i32
      %get3A_172 = arith.index_cast %get3A_171 : i32 to index
      %get3A_173 = arith.index_cast %mul3A_170 : i32 to index
      %get3A_174 = tpu.vector_load %arg9[%get3A_172, %get3A_173] {strides = array<i32>} : memref<4x512xi32, #tpu.memory_space<vmem>>, vector<16xi32>,
      %add3A_175 = arith.addi %get3A_168, %get3A_174 : vector<16xi32>
      %mul3A_176 = arith.constant 16 : i32
      %mul3A_177 = arith.muli %scan3A_162, %mul3A_176 : i32
      %get3A_178 = arith.constant 2 : i32
      %get3A_179 = arith.index_cast %get3A_178 : i32 to index
      %get3A_180 = arith.index_cast %mul3A_177 : i32 to index
      %get3A_181 = tpu.vector_load %arg9[%get3A_179, %get3A_180] {strides = array<i32>} : memref<4x512xi32, #tpu.memory_space<vmem>>, vector<16xi32>,
      %add3A_182 = arith.addi %add3A_175, %get3A_181 : vector<16xi32>
      %mul3A_183 = arith.constant 16 : i32
      %mul3A_184 = arith.muli %scan3A_162, %mul3A_183 : i32
      %get3A_185 = arith.constant 3 : i32
      %get3A_186 = arith.index_cast %get3A_185 : i32 to index
      %get3A_187 = arith.index_cast %mul3A_184 : i32 to index
      %get3A_188 = tpu.vector_load %arg9[%get3A_186, %get3A_187] {strides = array<i32>} : memref<4x512xi32, #tpu.memory_space<vmem>>, vector<16xi32>,
      %add3A_189 = arith.addi %add3A_182, %get3A_188 : vector<16xi32>
      %mul3A_190 = arith.constant 16 : i32
      %mul3A_191 = arith.muli %scan3A_162, %mul3A_190 : i32
      %swap3A = arith.index_cast %mul3A_191 : i32 to index
      %swap3A_192 = tpu.vector_load %arg7[%swap3A] {strides = array<i32>} : memref<512xi32, #tpu.memory_space<vmem>>, vector<16xi32>,
      tpu.vector_store %arg7[%swap3A], %add3A_189 {strides = array<i32>} : memref<512xi32, #tpu.memory_space<vmem>>, vector<16xi32>,
      %scan3A_193 = arith.constant 0 : i32
      scf.yield %scan3A_193 : i32
    }
    %scan3A_115 = arith.constant 32 : i32
    %scan3A_116 = arith.constant 0 : i32
    %scan3A_117 = arith.constant 0 : i32
    %scan3A_118 = arith.constant 32 : i32
    %scan3A_119 = arith.addi %scan3A_117, %scan3A_118 : i32
    %scan3A_120 = arith.constant 1 : i32
    %scan3A_121 = scf.for %scan3A_162 = %scan3A_117 to %scan3A_119 step %scan3A_120 iter_args(%scan3A_163 = %scan3A_116) -> (i32)  : i32 {
      %mul3A_164 = arith.constant 16 : i32
      %mul3A_165 = arith.muli %scan3A_162, %mul3A_164 : i32
      %get3A = arith.index_cast %mul3A_165 : i32 to index
      %get3A_166 = tpu.vector_load %arg8[%get3A] {strides = array<i32>} : memref<512xi32, #tpu.memory_space<vmem>>, vector<16xi32>,
      %mul3A_167 = arith.constant 16 : i32
      %mul3A_168 = arith.muli %scan3A_162, %mul3A_167 : i32
      %add3A_169 = vector.broadcast %mul3A_168 : i32 to vector<16xi32>
      %add3A_170 = arith.addi %add3A_169, %iota3A : vector<16xi32>
      %gt3A_171 = vector.broadcast %scan3A_76#1 : i32 to vector<16xi32>
      %gt3A_172 = arith.cmpi sgt, %add3A_170, %gt3A_171 : vector<16xi32>
      %jit3A_173 = arith.constant 0 : i32
      %broadcast_in_dim3A_174 = vector.broadcast %jit3A_173 : i32 to vector<16xi32>
      %select_n3A_175 = arith.select %gt3A_172, %get3A_166, %broadcast_in_dim3A_174 : vector<16xi1>, vector<16xi32>
      %reduce_sum3A = arith.constant true
      %reduce_sum3A_176 = vector.broadcast %reduce_sum3A : i1 to vector<16xi1>
      %reduce_sum3A_177 = tpu.scan <sum>, %select_n3A_175 masked %reduce_sum3A_176 : vector<16xi32>, vector<16xi1> -> vector<16xi32>
      %reduce_sum3A_178 = vector.extract %reduce_sum3A_177[15] : i32 from vector<16xi32>
      %add3A_179 = arith.addi %scan3A_163, %reduce_sum3A_178 : i32
      scf.yield %add3A_179 : i32
    }
    %scan3A_122 = arith.constant 32 : i32
    %sub3A_123 = arith.constant 300 : i32
    %sub3A_124 = arith.subi %sub3A_123, %scan3A_121 : i32
    %scan3A_125 = arith.constant 0 : i32
    %scan3A_126 = arith.constant 0 : i32
    %scan3A_127 = arith.constant false
    %scan3A_128 = arith.constant 0 : i32
    %scan3A_129 = arith.constant 32 : i32
    %scan3A_130 = arith.addi %scan3A_128, %scan3A_129 : i32
    %scan3A_131 = arith.constant 1 : i32
    %scan3A_132:3 = scf.for %scan3A_162 = %scan3A_128 to %scan3A_130 step %scan3A_131 iter_args(%scan3A_163 = %scan3A_125, %scan3A_164 = %scan3A_126, %scan3A_165 = %scan3A_127) -> (i32, i32, i1)  : i32 {
      %sub3A_166 = arith.constant 31 : i32
      %sub3A_167 = arith.subi %sub3A_166, %scan3A_162 : i32
      %mul3A_168 = arith.constant 16 : i32
      %mul3A_169 = arith.muli %sub3A_167, %mul3A_168 : i32
      %get3A = arith.index_cast %mul3A_169 : i32 to index
      %get3A_170 = tpu.vector_load %arg7[%get3A] {strides = array<i32>} : memref<512xi32, #tpu.memory_space<vmem>>, vector<16xi32>,
      %rev3A = arith.constant 15 : i32
      %rev3A_171 = vector.broadcast %rev3A : i32 to vector<16xi32>
      %rev3A_172 = tpu.iota {dimensions = array<i32: 0>} : vector<16xi32>
      %rev3A_173 = arith.subi %rev3A_171, %rev3A_172 : vector<16xi32>
      %rev3A_174 = tpu.dynamic_gather %get3A_170[%rev3A_173] in [0] : vector<16xi32>, vector<16xi32> -> vector<16xi32>
      %broadcast_in_dim3A_175 = arith.constant true
      %broadcast_in_dim3A_176 = vector.broadcast %broadcast_in_dim3A_175 : i1 to vector<16xi1>
      %masked_cumsum3A = tpu.scan <sum>, %rev3A_174 masked %broadcast_in_dim3A_176 : vector<16xi32>, vector<16xi1> -> vector<16xi32>
      %reduce_max3A = arith.constant true
      %reduce_max3A_177 = vector.broadcast %reduce_max3A : i1 to vector<16xi1>
      %reduce_max3A_178 = arith.constant -2147483648 : i32
      %reduce_max3A_179 = vector.broadcast %reduce_max3A_178 : i32 to vector<16xi32>
      %reduce_max3A_180 = arith.xori %masked_cumsum3A, %reduce_max3A_179 : vector<16xi32>
      %reduce_max3A_181 = tpu.scan <max>, %reduce_max3A_180 masked %reduce_max3A_177 : vector<16xi32>, vector<16xi1> -> vector<16xi32>
      %reduce_max3A_182 = arith.xori %reduce_max3A_181, %reduce_max3A_179 : vector<16xi32>
      %reduce_max3A_183 = vector.extract %reduce_max3A_182[15] : i32 from vector<16xi32>
      %add3A_184 = vector.broadcast %scan3A_163 : i32 to vector<16xi32>
      %add3A_185 = arith.addi %add3A_184, %masked_cumsum3A : vector<16xi32>
      %ge3A = vector.broadcast %sub3A_124 : i32 to vector<16xi32>
      %ge3A_186 = arith.cmpi sge, %add3A_185, %ge3A : vector<16xi32>
      %convert_element_type3A = arith.extui %ge3A_186 : vector<16xi1> to vector<16xi32>
      %reduce_max3A_187 = arith.constant true
      %reduce_max3A_188 = vector.broadcast %reduce_max3A_187 : i1 to vector<16xi1>
      %reduce_max3A_189 = arith.constant -2147483648 : i32
      %reduce_max3A_190 = vector.broadcast %reduce_max3A_189 : i32 to vector<16xi32>
      %reduce_max3A_191 = arith.xori %convert_element_type3A, %reduce_max3A_190 : vector<16xi32>
      %reduce_max3A_192 = tpu.scan <max>, %reduce_max3A_191 masked %reduce_max3A_188 : vector<16xi32>, vector<16xi1> -> vector<16xi32>
      %reduce_max3A_193 = arith.xori %reduce_max3A_192, %reduce_max3A_190 : vector<16xi32>
      %reduce_max3A_194 = vector.extract %reduce_max3A_193[15] : i32 from vector<16xi32>
      %gt3A_195 = arith.constant 0 : i32
      %gt3A_196 = arith.cmpi sgt, %reduce_max3A_194, %gt3A_195 : i32
      %jit3A_197 = arith.constant 16 : i32
      %broadcast_in_dim3A_198 = vector.broadcast %jit3A_197 : i32 to vector<16xi32>
      %select_n3A_199 = arith.select %ge3A_186, %iota3A, %broadcast_in_dim3A_198 : vector<16xi1>, vector<16xi32>
      %reduce_min3A = arith.constant true
      %reduce_min3A_200 = vector.broadcast %reduce_min3A : i1 to vector<16xi1>
      %reduce_min3A_201 = arith.constant -2147483648 : i32
      %reduce_min3A_202 = vector.broadcast %reduce_min3A_201 : i32 to vector<16xi32>
      %reduce_min3A_203 = arith.xori %select_n3A_199, %reduce_min3A_202 : vector<16xi32>
      %reduce_min3A_204 = tpu.scan <min>, %reduce_min3A_203 masked %reduce_min3A_200 : vector<16xi32>, vector<16xi1> -> vector<16xi32>
      %reduce_min3A_205 = arith.xori %reduce_min3A_204, %reduce_min3A_202 : vector<16xi32>
      %reduce_min3A_206 = vector.extract %reduce_min3A_205[15] : i32 from vector<16xi32>
      %mul3A_207 = arith.constant 16 : i32
      %mul3A_208 = arith.muli %sub3A_167, %mul3A_207 : i32
      %add3A_209 = arith.constant 15 : i32
      %add3A_210 = arith.addi %mul3A_208, %add3A_209 : i32
      %sub3A_211 = arith.subi %add3A_210, %reduce_min3A_206 : i32
      %not3A = arith.constant true
      %not3A_212 = arith.xori %scan3A_165, %not3A : i1
      %and3A_213 = arith.andi %not3A_212, %gt3A_196 : i1
      %select_n3A_214 = arith.select %and3A_213, %sub3A_211, %scan3A_164 : i32
      %or3A = arith.ori %scan3A_165, %gt3A_196 : i1
      %jit3A_215 = arith.constant 0 : i32
      %select_n3A_216 = arith.select %or3A, %jit3A_215, %reduce_max3A_183 : i32
      %add3A_217 = arith.addi %scan3A_163, %select_n3A_216 : i32
      scf.yield %add3A_217, %select_n3A_214, %or3A : i32, i32, i1
    }
    %scan3A_133 = arith.constant 32 : i32
    %shift_left3A_134 = arith.constant 9 : i32
    %shift_left3A_135 = arith.shli %scan3A_132#1, %shift_left3A_134 : i32
    %jit3A_136 = arith.constant 0 : i32
    %select_n3A_137 = arith.select %scan3A_132#2, %shift_left3A_135, %jit3A_136 : i32
    %add3A_138 = arith.addi %select_n3A_84, %select_n3A_137 : i32
    %jit3A_139 = arith.constant -2147483648 : i32
    %select_n3A_140 = arith.select %and3A_79, %add3A_138, %jit3A_139 : i32
    %broadcast_in_dim3A_141 = arith.constant 0xFF800000 : f32
    %broadcast_in_dim3A_142 = vector.broadcast %broadcast_in_dim3A_141 : f32 to vector<16xf32>
    %scan3A_143 = arith.constant 0 : i32
    %scan3A_144 = arith.constant 0 : i32
    %scan3A_145 = arith.constant 9 : i32
    %scan3A_146 = arith.addi %scan3A_144, %scan3A_145 : i32
    %scan3A_147 = arith.constant 1 : i32
    %scan3A_148 = scf.for %scan3A_162 = %scan3A_144 to %scan3A_146 step %scan3A_147 iter_args(%scan3A_163 = %scan3A_143) -> (i32)  : i32 {
      %mul3A_164 = arith.constant 16 : i32
      %mul3A_165 = arith.muli %scan3A_162, %mul3A_164 : i32
      %swap3A = arith.index_cast %mul3A_165 : i32 to index
      %swap3A_166 = tpu.vector_load %arg10[%swap3A] {strides = array<i32>} : memref<144xf32, #tpu.memory_space<vmem>>, vector<16xf32>,
      tpu.vector_store %arg10[%swap3A], %broadcast_in_dim3A_142 {strides = array<i32>} : memref<144xf32, #tpu.memory_space<vmem>>, vector<16xf32>,
      %mul3A_167 = arith.constant 16 : i32
      %mul3A_168 = arith.muli %scan3A_162, %mul3A_167 : i32
      %swap3A_169 = arith.index_cast %mul3A_168 : i32 to index
      %swap3A_170 = tpu.vector_load %arg11[%swap3A_169] {strides = array<i32>} : memref<144xi32, #tpu.memory_space<vmem>>, vector<16xi32>,
      tpu.vector_store %arg11[%swap3A_169], %broadcast_in_dim3A_33 {strides = array<i32>} : memref<144xi32, #tpu.memory_space<vmem>>, vector<16xi32>,
      %scan3A_171 = arith.constant 0 : i32
      scf.yield %scan3A_171 : i32
    }
    %scan3A_149 = arith.constant 9 : i32
    %scan3A_150 = arith.constant 0 : i32
    %scan3A_151 = arith.constant 0 : i32
    %scan3A_152 = arith.constant 384 : i32
    %scan3A_153 = arith.addi %scan3A_151, %scan3A_152 : i32
    %scan3A_154 = arith.constant 1 : i32
    %scan3A_155 = scf.for %scan3A_162 = %scan3A_151 to %scan3A_153 step %scan3A_154 iter_args(%scan3A_163 = %scan3A_150) -> (i32)  : i32 {
      %mul3A_164 = arith.constant 16 : i32
      %mul3A_165 = arith.muli %scan3A_162, %mul3A_164 : i32
      %get3A = arith.index_cast %mul3A_165 : i32 to index
      %get3A_166 = tpu.vector_load %arg5[%get3A] {strides = array<i32>} : memref<6144xf32, #tpu.memory_space<vmem>>, vector<16xf32>,
      %bitcast3A = vector.bitcast %get3A_166 : vector<16xf32> to vector<16xi32>
      %ge3A = vector.broadcast %select_n3A_140 : i32 to vector<16xi32>
      %ge3A_167 = arith.cmpi sge, %bitcast3A, %ge3A : vector<16xi32>
      %mul3A_168 = arith.constant 6144 : i32
      %mul3A_169 = arith.muli %select_n3A_28, %mul3A_168 : i32
      %mul3A_170 = arith.constant 16 : i32
      %mul3A_171 = arith.muli %scan3A_162, %mul3A_170 : i32
      %add3A_172 = arith.addi %mul3A_169, %mul3A_171 : i32
      %add3A_173 = vector.broadcast %add3A_172 : i32 to vector<16xi32>
      %add3A_174 = arith.addi %add3A_173, %iota3A : vector<16xi32>
      %swap3A = arith.index_cast %scan3A_163 : i32 to index
      %swap3A_175 = tpu.vector_load %arg10[%swap3A] masked %ge3A_167 {strides = array<i32>} : memref<144xf32, #tpu.memory_space<vmem>>, vector<16xf32>, vector<16xi1>
      tpu.vector_store %arg10[%swap3A], %get3A_166 masked %ge3A_167 {strides = array<i32>} : memref<144xf32, #tpu.memory_space<vmem>>, vector<16xf32>, vector<16xi1>
      %swap3A_176 = arith.index_cast %scan3A_163 : i32 to index
      %swap3A_177 = tpu.vector_load %arg11[%swap3A_176] masked %ge3A_167 {strides = array<i32>} : memref<144xi32, #tpu.memory_space<vmem>>, vector<16xi32>, vector<16xi1>
      tpu.vector_store %arg11[%swap3A_176], %add3A_174 masked %ge3A_167 {strides = array<i32>} : memref<144xi32, #tpu.memory_space<vmem>>, vector<16xi32>, vector<16xi1>
      %all_reduce_population_count3A = tpu.all_reduce %ge3A_167 {dim = 0 : i64, kind = #tpu.reduction_kind<sum>} : vector<16xi1> -> vector<16xi32>
      %reduce_max3A = arith.constant true
      %reduce_max3A_178 = vector.broadcast %reduce_max3A : i1 to vector<16xi1>
      %reduce_max3A_179 = arith.constant -2147483648 : i32
      %reduce_max3A_180 = vector.broadcast %reduce_max3A_179 : i32 to vector<16xi32>
      %reduce_max3A_181 = arith.xori %all_reduce_population_count3A, %reduce_max3A_180 : vector<16xi32>
      %reduce_max3A_182 = tpu.scan <max>, %reduce_max3A_181 masked %reduce_max3A_178 : vector<16xi32>, vector<16xi1> -> vector<16xi32>
      %reduce_max3A_183 = arith.xori %reduce_max3A_182, %reduce_max3A_180 : vector<16xi32>
      %reduce_max3A_184 = vector.extract %reduce_max3A_183[15] : i32 from vector<16xi32>
      %add3A_185 = arith.addi %scan3A_163, %reduce_max3A_184 : i32
      %min3A = arith.constant 128 : i32
      %min3A_186 = arith.minsi %add3A_185, %min3A : i32
      scf.yield %min3A_186 : i32
    }
    %scan3A_156 = arith.constant 384 : i32
    %mul3A_157 = arith.constant 4 : i32
    %mul3A_158 = arith.muli %add3A_30, %mul3A_157 : i32
    %add3A_159 = arith.addi %mul3A_158, %select_n3A_28 : i32
    %mul3A_160 = arith.constant 128 : i32
    %mul3A_161 = arith.muli %add3A_159, %mul3A_160 : i32
    "tpu.region"() ({
      %run_scoped3A = tpu.sem_alloc : memref<!tpu.dma_semaphore, #tpu.memory_space<semaphore_mem>>
      %dma_start3A = arith.constant 0 : i32
      %dma_start3A_162 = tpu.memref_slice %arg10[%dma_start3A] : memref<144xf32, #tpu.memory_space<vmem>> -> memref<128xf32, #tpu.memory_space<vmem>>
      %dma_start3A_163 = tpu.memref_slice %arg3[%mul3A_161] : memref<4096xf32, #tpu.memory_space<hbm>> -> memref<128xf32, #tpu.memory_space<hbm>>
      %dma_start3A_164 = tpu.memref_slice %arg3[%mul3A_161] : memref<4096xf32, #tpu.memory_space<hbm>> -> memref<128xf32, #tpu.memory_space<hbm>>
      %dma_start3A_165 = arith.constant 0 : i32
      %dma_start3A_166 = tpu.memref_slice %arg10[%dma_start3A_165] : memref<144xf32, #tpu.memory_space<vmem>> -> memref<128xf32, #tpu.memory_space<vmem>>
      tpu.enqueue_dma source(%dma_start3A_166 : memref<128xf32, #tpu.memory_space<vmem>>) target(%dma_start3A_164 : memref<128xf32, #tpu.memory_space<hbm>>) target_semaphore(%run_scoped3A : memref<!tpu.dma_semaphore, #tpu.memory_space<semaphore_mem>>)
      %dma_wait3A = arith.constant 0 : i32
      %dma_wait3A_167 = tpu.memref_slice %arg10[%dma_wait3A] : memref<144xf32, #tpu.memory_space<vmem>> -> memref<128xf32, #tpu.memory_space<vmem>>
      %dma_wait3A_168 = tpu.memref_slice %arg3[%mul3A_161] : memref<4096xf32, #tpu.memory_space<hbm>> -> memref<128xf32, #tpu.memory_space<hbm>>
      %dma_wait3A_169 = tpu.memref_slice %arg3[%mul3A_161] : memref<4096xf32, #tpu.memory_space<hbm>> -> memref<128xf32, #tpu.memory_space<hbm>>
      %dma_wait3A_170 = arith.constant 0 : i32
      %dma_wait3A_171 = tpu.memref_slice %arg10[%dma_wait3A_170] : memref<144xf32, #tpu.memory_space<vmem>> -> memref<128xf32, #tpu.memory_space<vmem>>
      tpu.wait_dma2 semaphore(%run_scoped3A : memref<!tpu.dma_semaphore, #tpu.memory_space<semaphore_mem>>) src(%dma_wait3A_171 : memref<128xf32, #tpu.memory_space<vmem>>) dst(%dma_wait3A_169 : memref<128xf32, #tpu.memory_space<hbm>>)
      tpu.yield
    }) : () -> ()
    "tpu.region"() ({
      %run_scoped3A = tpu.sem_alloc : memref<!tpu.dma_semaphore, #tpu.memory_space<semaphore_mem>>
      %dma_start3A = arith.constant 0 : i32
      %dma_start3A_162 = tpu.memref_slice %arg11[%dma_start3A] : memref<144xi32, #tpu.memory_space<vmem>> -> memref<128xi32, #tpu.memory_space<vmem>>
      %dma_start3A_163 = tpu.memref_slice %arg4[%mul3A_161] : memref<4096xi32, #tpu.memory_space<hbm>> -> memref<128xi32, #tpu.memory_space<hbm>>
      %dma_start3A_164 = tpu.memref_slice %arg4[%mul3A_161] : memref<4096xi32, #tpu.memory_space<hbm>> -> memref<128xi32, #tpu.memory_space<hbm>>
      %dma_start3A_165 = arith.constant 0 : i32
      %dma_start3A_166 = tpu.memref_slice %arg11[%dma_start3A_165] : memref<144xi32, #tpu.memory_space<vmem>> -> memref<128xi32, #tpu.memory_space<vmem>>
      tpu.enqueue_dma source(%dma_start3A_166 : memref<128xi32, #tpu.memory_space<vmem>>) target(%dma_start3A_164 : memref<128xi32, #tpu.memory_space<hbm>>) target_semaphore(%run_scoped3A : memref<!tpu.dma_semaphore, #tpu.memory_space<semaphore_mem>>)
      %dma_wait3A = arith.constant 0 : i32
      %dma_wait3A_167 = tpu.memref_slice %arg11[%dma_wait3A] : memref<144xi32, #tpu.memory_space<vmem>> -> memref<128xi32, #tpu.memory_space<vmem>>
      %dma_wait3A_168 = tpu.memref_slice %arg4[%mul3A_161] : memref<4096xi32, #tpu.memory_space<hbm>> -> memref<128xi32, #tpu.memory_space<hbm>>
      %dma_wait3A_169 = tpu.memref_slice %arg4[%mul3A_161] : memref<4096xi32, #tpu.memory_space<hbm>> -> memref<128xi32, #tpu.memory_space<hbm>>
      %dma_wait3A_170 = arith.constant 0 : i32
      %dma_wait3A_171 = tpu.memref_slice %arg11[%dma_wait3A_170] : memref<144xi32, #tpu.memory_space<vmem>> -> memref<128xi32, #tpu.memory_space<vmem>>
      tpu.wait_dma2 semaphore(%run_scoped3A : memref<!tpu.dma_semaphore, #tpu.memory_space<semaphore_mem>>) src(%dma_wait3A_171 : memref<128xi32, #tpu.memory_space<vmem>>) dst(%dma_wait3A_169 : memref<128xi32, #tpu.memory_space<hbm>>)
      tpu.yield
    }) : () -> ()
    return
  }
}

#map = affine_map<(d0, d1) -> (0)>
module attributes {stable_mosaic.version = 14 : i64} {
  func.func @select(%arg0: i32, %arg1: i32, %arg2: memref<163840xf32, #tpu.memory_space<hbm>>, %arg3: memref<4096xf32, #tpu.memory_space<hbm>>, %arg4: memref<4096xi32, #tpu.memory_space<hbm>>, %arg5: memref<5120xf32, #tpu.memory_space<vmem>>, %arg6: memref<8192xi32, #tpu.memory_space<vmem>>, %arg7: memref<512xi32, #tpu.memory_space<vmem>>, %arg8: memref<512xi32, #tpu.memory_space<vmem>>, %arg9: memref<4x512xi32, #tpu.memory_space<vmem>>, %arg10: memref<144xf32, #tpu.memory_space<vmem>>, %arg11: memref<144xi32, #tpu.memory_space<vmem>>, %arg12: memref<16x512xi32, #tpu.memory_space<vmem_shared>>) attributes {dimension_semantics = [#tpu.dimension_semantics<core_parallel>, #tpu.dimension_semantics<subcore_parallel>], iteration_bounds = array<i64: 2, 16>, scalar_prefetch = 0 : i64, scratch_operands = 8 : i64, tpu.core_type = #tpu.core_type<sc_vector_subcore>, window_params = [{transform_indices = #map}, {transform_indices = #map}, {transform_indices = #map}]} {
    %jit3A = arith.constant 4 : i32
    %div3A = arith.divsi %arg1, %jit3A : i32
    %sign3A = arith.constant 0 : i32
    %sign3A_0 = arith.cmpi sgt, %arg1, %sign3A : i32
    %sign3A_1 = arith.extui %sign3A_0 : i1 to i32
    %sign3A_2 = arith.constant 0 : i32
    %sign3A_3 = arith.cmpi slt, %arg1, %sign3A_2 : i32
    %sign3A_4 = arith.extui %sign3A_3 : i1 to i32
    %sign3A_5 = arith.subi %sign3A_1, %sign3A_4 : i32
    %sign3A_6 = arith.constant 0 : i32
    %sign3A_7 = arith.cmpi sgt, %jit3A, %sign3A_6 : i32
    %sign3A_8 = arith.extui %sign3A_7 : i1 to i32
    %sign3A_9 = arith.constant 0 : i32
    %sign3A_10 = arith.cmpi slt, %jit3A, %sign3A_9 : i32
    %sign3A_11 = arith.extui %sign3A_10 : i1 to i32
    %sign3A_12 = arith.subi %sign3A_8, %sign3A_11 : i32
    %ne3A = arith.cmpi ne, %sign3A_5, %sign3A_12 : i32
    %rem3A = arith.remsi %arg1, %jit3A : i32
    %ne3A_13 = arith.constant 0 : i32
    %ne3A_14 = arith.cmpi ne, %rem3A, %ne3A_13 : i32
    %and3A = arith.andi %ne3A, %ne3A_14 : i1
    %sub3A = arith.constant 1 : i32
    %sub3A_15 = arith.subi %div3A, %sub3A : i32
    %select_n3A = arith.select %and3A, %sub3A_15, %div3A : i32
    %jit3A_16 = arith.constant 4 : i32
    %eq3A = arith.constant 0 : i32
    %eq3A_17 = arith.cmpi eq, %jit3A_16, %eq3A : i32
    %jit3A_18 = arith.constant 1 : i32
    %select_n3A_19 = arith.select %eq3A_17, %jit3A_18, %jit3A_16 : i32
    %rem3A_20 = arith.remsi %arg1, %select_n3A_19 : i32
    %ne3A_21 = arith.constant 0 : i32
    %ne3A_22 = arith.cmpi ne, %rem3A_20, %ne3A_21 : i32
    %lt3A = arith.constant 0 : i32
    %lt3A_23 = arith.cmpi slt, %rem3A_20, %lt3A : i32
    %lt3A_24 = arith.constant 0 : i32
    %lt3A_25 = arith.cmpi slt, %select_n3A_19, %lt3A_24 : i32
    %ne3A_26 = arith.xori %lt3A_23, %lt3A_25 : i1
    %and3A_27 = arith.andi %ne3A_26, %ne3A_22 : i1
    %add3A = arith.addi %rem3A_20, %select_n3A_19 : i32
    %select_n3A_28 = arith.select %and3A_27, %add3A, %rem3A_20 : i32
    %mul3A = arith.constant 4 : i32
    %mul3A_29 = arith.muli %arg0, %mul3A : i32
    %add3A_30 = arith.addi %mul3A_29, %select_n3A : i32
    %iota3A = tpu.iota {dimensions = array<i32: 0>} : vector<16xi32>
    %broadcast_in_dim3A = arith.constant 1 : i32
    %broadcast_in_dim3A_31 = vector.broadcast %broadcast_in_dim3A : i32 to vector<16xi32>
    %broadcast_in_dim3A_32 = arith.constant 0 : i32
    %broadcast_in_dim3A_33 = vector.broadcast %broadcast_in_dim3A_32 : i32 to vector<16xi32>
    %mul3A_34 = arith.constant 20480 : i32
    %mul3A_35 = arith.muli %add3A_30, %mul3A_34 : i32
    %mul3A_36 = arith.constant 5120 : i32
    %mul3A_37 = arith.muli %select_n3A_28, %mul3A_36 : i32
    %add3A_38 = arith.addi %mul3A_35, %mul3A_37 : i32
    "tpu.region"() ({
      %run_scoped3A = tpu.sem_alloc : memref<!tpu.dma_semaphore, #tpu.memory_space<semaphore_mem>>
      %dma_start3A = tpu.memref_slice %arg2[%add3A_38] : memref<163840xf32, #tpu.memory_space<hbm>> -> memref<5120xf32, #tpu.memory_space<hbm>>
      %dma_start3A_162 = tpu.memref_slice %arg2[%add3A_38] : memref<163840xf32, #tpu.memory_space<hbm>> -> memref<5120xf32, #tpu.memory_space<hbm>>
      tpu.enqueue_dma source(%dma_start3A_162 : memref<5120xf32, #tpu.memory_space<hbm>>) target(%arg5 : memref<5120xf32, #tpu.memory_space<vmem>>) target_semaphore(%run_scoped3A : memref<!tpu.dma_semaphore, #tpu.memory_space<semaphore_mem>>)
      %dma_wait3A = tpu.memref_slice %arg2[%add3A_38] : memref<163840xf32, #tpu.memory_space<hbm>> -> memref<5120xf32, #tpu.memory_space<hbm>>
      %dma_wait3A_163 = tpu.memref_slice %arg2[%add3A_38] : memref<163840xf32, #tpu.memory_space<hbm>> -> memref<5120xf32, #tpu.memory_space<hbm>>
      tpu.wait_dma2 semaphore(%run_scoped3A : memref<!tpu.dma_semaphore, #tpu.memory_space<semaphore_mem>>) src(%dma_wait3A_163 : memref<5120xf32, #tpu.memory_space<hbm>>) dst(%arg5 : memref<5120xf32, #tpu.memory_space<vmem>>)
      tpu.yield
    }) : () -> ()
    %scan3A = arith.constant 0 : i32
    %scan3A_39 = arith.constant 0 : i32
    %scan3A_40 = arith.constant 64 : i32
    %scan3A_41 = arith.addi %scan3A_39, %scan3A_40 : i32
    %scan3A_42 = arith.constant 1 : i32
    %scan3A_43 = scf.for %scan3A_162 = %scan3A_39 to %scan3A_41 step %scan3A_42 iter_args(%scan3A_163 = %scan3A) -> (i32)  : i32 {
      %mul3A_164 = arith.constant 128 : i32
      %mul3A_165 = arith.muli %scan3A_162, %mul3A_164 : i32
      %add3A_166 = arith.constant 0 : i32
      %add3A_167 = arith.addi %mul3A_165, %add3A_166 : i32
      %swap3A = arith.index_cast %add3A_167 : i32 to index
      %swap3A_168 = tpu.vector_load %arg6[%swap3A] {strides = array<i32>} : memref<8192xi32, #tpu.memory_space<vmem>>, vector<16xi32>,
      tpu.vector_store %arg6[%swap3A], %broadcast_in_dim3A_33 {strides = array<i32>} : memref<8192xi32, #tpu.memory_space<vmem>>, vector<16xi32>,
      %mul3A_169 = arith.constant 128 : i32
      %mul3A_170 = arith.muli %scan3A_162, %mul3A_169 : i32
      %add3A_171 = arith.constant 16 : i32
      %add3A_172 = arith.addi %mul3A_170, %add3A_171 : i32
      %swap3A_173 = arith.index_cast %add3A_172 : i32 to index
      %swap3A_174 = tpu.vector_load %arg6[%swap3A_173] {strides = array<i32>} : memref<8192xi32, #tpu.memory_space<vmem>>, vector<16xi32>,
      tpu.vector_store %arg6[%swap3A_173], %broadcast_in_dim3A_33 {strides = array<i32>} : memref<8192xi32, #tpu.memory_space<vmem>>, vector<16xi32>,
      %mul3A_175 = arith.constant 128 : i32
      %mul3A_176 = arith.muli %scan3A_162, %mul3A_175 : i32
      %add3A_177 = arith.constant 32 : i32
      %add3A_178 = arith.addi %mul3A_176, %add3A_177 : i32
      %swap3A_179 = arith.index_cast %add3A_178 : i32 to index
      %swap3A_180 = tpu.vector_load %arg6[%swap3A_179] {strides = array<i32>} : memref<8192xi32, #tpu.memory_space<vmem>>, vector<16xi32>,
      tpu.vector_store %arg6[%swap3A_179], %broadcast_in_dim3A_33 {strides = array<i32>} : memref<8192xi32, #tpu.memory_space<vmem>>, vector<16xi32>,
      %mul3A_181 = arith.constant 128 : i32
      %mul3A_182 = arith.muli %scan3A_162, %mul3A_181 : i32
      %add3A_183 = arith.constant 48 : i32
      %add3A_184 = arith.addi %mul3A_182, %add3A_183 : i32
      %swap3A_185 = arith.index_cast %add3A_184 : i32 to index
      %swap3A_186 = tpu.vector_load %arg6[%swap3A_185] {strides = array<i32>} : memref<8192xi32, #tpu.memory_space<vmem>>, vector<16xi32>,
      tpu.vector_store %arg6[%swap3A_185], %broadcast_in_dim3A_33 {strides = array<i32>} : memref<8192xi32, #tpu.memory_space<vmem>>, vector<16xi32>,
      %mul3A_187 = arith.constant 128 : i32
      %mul3A_188 = arith.muli %scan3A_162, %mul3A_187 : i32
      %add3A_189 = arith.constant 64 : i32
      %add3A_190 = arith.addi %mul3A_188, %add3A_189 : i32
      %swap3A_191 = arith.index_cast %add3A_190 : i32 to index
      %swap3A_192 = tpu.vector_load %arg6[%swap3A_191] {strides = array<i32>} : memref<8192xi32, #tpu.memory_space<vmem>>, vector<16xi32>,
      tpu.vector_store %arg6[%swap3A_191], %broadcast_in_dim3A_33 {strides = array<i32>} : memref<8192xi32, #tpu.memory_space<vmem>>, vector<16xi32>,
      %mul3A_193 = arith.constant 128 : i32
      %mul3A_194 = arith.muli %scan3A_162, %mul3A_193 : i32
      %add3A_195 = arith.constant 80 : i32
      %add3A_196 = arith.addi %mul3A_194, %add3A_195 : i32
      %swap3A_197 = arith.index_cast %add3A_196 : i32 to index
      %swap3A_198 = tpu.vector_load %arg6[%swap3A_197] {strides = array<i32>} : memref<8192xi32, #tpu.memory_space<vmem>>, vector<16xi32>,
      tpu.vector_store %arg6[%swap3A_197], %broadcast_in_dim3A_33 {strides = array<i32>} : memref<8192xi32, #tpu.memory_space<vmem>>, vector<16xi32>,
      %mul3A_199 = arith.constant 128 : i32
      %mul3A_200 = arith.muli %scan3A_162, %mul3A_199 : i32
      %add3A_201 = arith.constant 96 : i32
      %add3A_202 = arith.addi %mul3A_200, %add3A_201 : i32
      %swap3A_203 = arith.index_cast %add3A_202 : i32 to index
      %swap3A_204 = tpu.vector_load %arg6[%swap3A_203] {strides = array<i32>} : memref<8192xi32, #tpu.memory_space<vmem>>, vector<16xi32>,
      tpu.vector_store %arg6[%swap3A_203], %broadcast_in_dim3A_33 {strides = array<i32>} : memref<8192xi32, #tpu.memory_space<vmem>>, vector<16xi32>,
      %mul3A_205 = arith.constant 128 : i32
      %mul3A_206 = arith.muli %scan3A_162, %mul3A_205 : i32
      %add3A_207 = arith.constant 112 : i32
      %add3A_208 = arith.addi %mul3A_206, %add3A_207 : i32
      %swap3A_209 = arith.index_cast %add3A_208 : i32 to index
      %swap3A_210 = tpu.vector_load %arg6[%swap3A_209] {strides = array<i32>} : memref<8192xi32, #tpu.memory_space<vmem>>, vector<16xi32>,
      tpu.vector_store %arg6[%swap3A_209], %broadcast_in_dim3A_33 {strides = array<i32>} : memref<8192xi32, #tpu.memory_space<vmem>>, vector<16xi32>,
      %scan3A_211 = arith.constant 0 : i32
      scf.yield %scan3A_211 : i32
    }
    %scan3A_44 = arith.constant 64 : i32
    %scan3A_45 = arith.constant 0 : i32
    %scan3A_46 = arith.constant 0 : i32
    %scan3A_47 = arith.constant 80 : i32
    %scan3A_48 = arith.addi %scan3A_46, %scan3A_47 : i32
    %scan3A_49 = arith.constant 1 : i32
    %scan3A_50 = scf.for %scan3A_162 = %scan3A_46 to %scan3A_48 step %scan3A_49 iter_args(%scan3A_163 = %scan3A_45) -> (i32)  : i32 {
      %mul3A_164 = arith.constant 64 : i32
      %mul3A_165 = arith.muli %scan3A_162, %mul3A_164 : i32
      %add3A_166 = arith.constant 0 : i32
      %add3A_167 = arith.addi %mul3A_165, %add3A_166 : i32
      %get3A = arith.index_cast %add3A_167 : i32 to index
      %get3A_168 = tpu.vector_load %arg5[%get3A] {strides = array<i32>} : memref<5120xf32, #tpu.memory_space<vmem>>, vector<16xf32>,
      %bitcast3A = vector.bitcast %get3A_168 : vector<16xf32> to vector<16xi32>
      %shift_right_arithmetic3A = arith.constant 18 : i32
      %shift_right_arithmetic3A_169 = vector.broadcast %shift_right_arithmetic3A : i32 to vector<16xi32>
      %shift_right_arithmetic3A_170 = arith.shrsi %bitcast3A, %shift_right_arithmetic3A_169 : vector<16xi32>
      %sub3A_171 = arith.constant 3552 : i32
      %sub3A_172 = vector.broadcast %sub3A_171 : i32 to vector<16xi32>
      %sub3A_173 = arith.subi %shift_right_arithmetic3A_170, %sub3A_172 : vector<16xi32>
      %jit3A_174 = arith.constant 0 : i32
      %jit3A_175 = arith.constant 511 : i32
      %max3A = vector.broadcast %jit3A_174 : i32 to vector<16xi32>
      %max3A_176 = arith.maxsi %max3A, %sub3A_173 : vector<16xi32>
      %min3A = vector.broadcast %jit3A_175 : i32 to vector<16xi32>
      %min3A_177 = arith.minsi %min3A, %max3A_176 : vector<16xi32>
      %mul3A_178 = arith.constant 512 : i32
      %mul3A_179 = vector.broadcast %mul3A_178 : i32 to vector<16xi32>
      %mul3A_180 = arith.muli %iota3A, %mul3A_179 : vector<16xi32>
      %add3A_181 = arith.addi %mul3A_180, %min3A_177 : vector<16xi32>
      tpu.vector_store_idx %arg6[%add3A_181], %broadcast_in_dim3A_31 {add = true} : memref<8192xi32, #tpu.memory_space<vmem>>[vector<16xi32>], vector<16xi32>,
      %mul3A_182 = arith.constant 64 : i32
      %mul3A_183 = arith.muli %scan3A_162, %mul3A_182 : i32
      %add3A_184 = arith.constant 16 : i32
      %add3A_185 = arith.addi %mul3A_183, %add3A_184 : i32
      %get3A_186 = arith.index_cast %add3A_185 : i32 to index
      %get3A_187 = tpu.vector_load %arg5[%get3A_186] {strides = array<i32>} : memref<5120xf32, #tpu.memory_space<vmem>>, vector<16xf32>,
      %bitcast3A_188 = vector.bitcast %get3A_187 : vector<16xf32> to vector<16xi32>
      %shift_right_arithmetic3A_189 = arith.constant 18 : i32
      %shift_right_arithmetic3A_190 = vector.broadcast %shift_right_arithmetic3A_189 : i32 to vector<16xi32>
      %shift_right_arithmetic3A_191 = arith.shrsi %bitcast3A_188, %shift_right_arithmetic3A_190 : vector<16xi32>
      %sub3A_192 = arith.constant 3552 : i32
      %sub3A_193 = vector.broadcast %sub3A_192 : i32 to vector<16xi32>
      %sub3A_194 = arith.subi %shift_right_arithmetic3A_191, %sub3A_193 : vector<16xi32>
      %jit3A_195 = arith.constant 0 : i32
      %jit3A_196 = arith.constant 511 : i32
      %max3A_197 = vector.broadcast %jit3A_195 : i32 to vector<16xi32>
      %max3A_198 = arith.maxsi %max3A_197, %sub3A_194 : vector<16xi32>
      %min3A_199 = vector.broadcast %jit3A_196 : i32 to vector<16xi32>
      %min3A_200 = arith.minsi %min3A_199, %max3A_198 : vector<16xi32>
      %mul3A_201 = arith.constant 512 : i32
      %mul3A_202 = vector.broadcast %mul3A_201 : i32 to vector<16xi32>
      %mul3A_203 = arith.muli %iota3A, %mul3A_202 : vector<16xi32>
      %add3A_204 = arith.addi %mul3A_203, %min3A_200 : vector<16xi32>
      tpu.vector_store_idx %arg6[%add3A_204], %broadcast_in_dim3A_31 {add = true} : memref<8192xi32, #tpu.memory_space<vmem>>[vector<16xi32>], vector<16xi32>,
      %mul3A_205 = arith.constant 64 : i32
      %mul3A_206 = arith.muli %scan3A_162, %mul3A_205 : i32
      %add3A_207 = arith.constant 32 : i32
      %add3A_208 = arith.addi %mul3A_206, %add3A_207 : i32
      %get3A_209 = arith.index_cast %add3A_208 : i32 to index
      %get3A_210 = tpu.vector_load %arg5[%get3A_209] {strides = array<i32>} : memref<5120xf32, #tpu.memory_space<vmem>>, vector<16xf32>,
      %bitcast3A_211 = vector.bitcast %get3A_210 : vector<16xf32> to vector<16xi32>
      %shift_right_arithmetic3A_212 = arith.constant 18 : i32
      %shift_right_arithmetic3A_213 = vector.broadcast %shift_right_arithmetic3A_212 : i32 to vector<16xi32>
      %shift_right_arithmetic3A_214 = arith.shrsi %bitcast3A_211, %shift_right_arithmetic3A_213 : vector<16xi32>
      %sub3A_215 = arith.constant 3552 : i32
      %sub3A_216 = vector.broadcast %sub3A_215 : i32 to vector<16xi32>
      %sub3A_217 = arith.subi %shift_right_arithmetic3A_214, %sub3A_216 : vector<16xi32>
      %jit3A_218 = arith.constant 0 : i32
      %jit3A_219 = arith.constant 511 : i32
      %max3A_220 = vector.broadcast %jit3A_218 : i32 to vector<16xi32>
      %max3A_221 = arith.maxsi %max3A_220, %sub3A_217 : vector<16xi32>
      %min3A_222 = vector.broadcast %jit3A_219 : i32 to vector<16xi32>
      %min3A_223 = arith.minsi %min3A_222, %max3A_221 : vector<16xi32>
      %mul3A_224 = arith.constant 512 : i32
      %mul3A_225 = vector.broadcast %mul3A_224 : i32 to vector<16xi32>
      %mul3A_226 = arith.muli %iota3A, %mul3A_225 : vector<16xi32>
      %add3A_227 = arith.addi %mul3A_226, %min3A_223 : vector<16xi32>
      tpu.vector_store_idx %arg6[%add3A_227], %broadcast_in_dim3A_31 {add = true} : memref<8192xi32, #tpu.memory_space<vmem>>[vector<16xi32>], vector<16xi32>,
      %mul3A_228 = arith.constant 64 : i32
      %mul3A_229 = arith.muli %scan3A_162, %mul3A_228 : i32
      %add3A_230 = arith.constant 48 : i32
      %add3A_231 = arith.addi %mul3A_229, %add3A_230 : i32
      %get3A_232 = arith.index_cast %add3A_231 : i32 to index
      %get3A_233 = tpu.vector_load %arg5[%get3A_232] {strides = array<i32>} : memref<5120xf32, #tpu.memory_space<vmem>>, vector<16xf32>,
      %bitcast3A_234 = vector.bitcast %get3A_233 : vector<16xf32> to vector<16xi32>
      %shift_right_arithmetic3A_235 = arith.constant 18 : i32
      %shift_right_arithmetic3A_236 = vector.broadcast %shift_right_arithmetic3A_235 : i32 to vector<16xi32>
      %shift_right_arithmetic3A_237 = arith.shrsi %bitcast3A_234, %shift_right_arithmetic3A_236 : vector<16xi32>
      %sub3A_238 = arith.constant 3552 : i32
      %sub3A_239 = vector.broadcast %sub3A_238 : i32 to vector<16xi32>
      %sub3A_240 = arith.subi %shift_right_arithmetic3A_237, %sub3A_239 : vector<16xi32>
      %jit3A_241 = arith.constant 0 : i32
      %jit3A_242 = arith.constant 511 : i32
      %max3A_243 = vector.broadcast %jit3A_241 : i32 to vector<16xi32>
      %max3A_244 = arith.maxsi %max3A_243, %sub3A_240 : vector<16xi32>
      %min3A_245 = vector.broadcast %jit3A_242 : i32 to vector<16xi32>
      %min3A_246 = arith.minsi %min3A_245, %max3A_244 : vector<16xi32>
      %mul3A_247 = arith.constant 512 : i32
      %mul3A_248 = vector.broadcast %mul3A_247 : i32 to vector<16xi32>
      %mul3A_249 = arith.muli %iota3A, %mul3A_248 : vector<16xi32>
      %add3A_250 = arith.addi %mul3A_249, %min3A_246 : vector<16xi32>
      tpu.vector_store_idx %arg6[%add3A_250], %broadcast_in_dim3A_31 {add = true} : memref<8192xi32, #tpu.memory_space<vmem>>[vector<16xi32>], vector<16xi32>,
      %scan3A_251 = arith.constant 0 : i32
      scf.yield %scan3A_251 : i32
    }
    %scan3A_51 = arith.constant 80 : i32
    %scan3A_52 = arith.constant 0 : i32
    %scan3A_53 = arith.constant 0 : i32
    %scan3A_54 = arith.constant 32 : i32
    %scan3A_55 = arith.addi %scan3A_53, %scan3A_54 : i32
    %scan3A_56 = arith.constant 1 : i32
    %scan3A_57 = scf.for %scan3A_162 = %scan3A_53 to %scan3A_55 step %scan3A_56 iter_args(%scan3A_163 = %scan3A_52) -> (i32)  : i32 {
      %mul3A_164 = arith.constant 16 : i32
      %mul3A_165 = arith.muli %scan3A_162, %mul3A_164 : i32
      %add3A_166 = arith.constant 0 : i32
      %add3A_167 = arith.addi %add3A_166, %mul3A_165 : i32
      %get3A = arith.index_cast %add3A_167 : i32 to index
      %get3A_168 = tpu.vector_load %arg6[%get3A] {strides = array<i32>} : memref<8192xi32, #tpu.memory_space<vmem>>, vector<16xi32>,
      %add3A_169 = arith.addi %broadcast_in_dim3A_33, %get3A_168 : vector<16xi32>
      %mul3A_170 = arith.constant 16 : i32
      %mul3A_171 = arith.muli %scan3A_162, %mul3A_170 : i32
      %add3A_172 = arith.constant 512 : i32
      %add3A_173 = arith.addi %add3A_172, %mul3A_171 : i32
      %get3A_174 = arith.index_cast %add3A_173 : i32 to index
      %get3A_175 = tpu.vector_load %arg6[%get3A_174] {strides = array<i32>} : memref<8192xi32, #tpu.memory_space<vmem>>, vector<16xi32>,
      %add3A_176 = arith.addi %add3A_169, %get3A_175 : vector<16xi32>
      %mul3A_177 = arith.constant 16 : i32
      %mul3A_178 = arith.muli %scan3A_162, %mul3A_177 : i32
      %add3A_179 = arith.constant 1024 : i32
      %add3A_180 = arith.addi %add3A_179, %mul3A_178 : i32
      %get3A_181 = arith.index_cast %add3A_180 : i32 to index
      %get3A_182 = tpu.vector_load %arg6[%get3A_181] {strides = array<i32>} : memref<8192xi32, #tpu.memory_space<vmem>>, vector<16xi32>,
      %add3A_183 = arith.addi %add3A_176, %get3A_182 : vector<16xi32>
      %mul3A_184 = arith.constant 16 : i32
      %mul3A_185 = arith.muli %scan3A_162, %mul3A_184 : i32
      %add3A_186 = arith.constant 1536 : i32
      %add3A_187 = arith.addi %add3A_186, %mul3A_185 : i32
      %get3A_188 = arith.index_cast %add3A_187 : i32 to index
      %get3A_189 = tpu.vector_load %arg6[%get3A_188] {strides = array<i32>} : memref<8192xi32, #tpu.memory_space<vmem>>, vector<16xi32>,
      %add3A_190 = arith.addi %add3A_183, %get3A_189 : vector<16xi32>
      %mul3A_191 = arith.constant 16 : i32
      %mul3A_192 = arith.muli %scan3A_162, %mul3A_191 : i32
      %add3A_193 = arith.constant 2048 : i32
      %add3A_194 = arith.addi %add3A_193, %mul3A_192 : i32
      %get3A_195 = arith.index_cast %add3A_194 : i32 to index
      %get3A_196 = tpu.vector_load %arg6[%get3A_195] {strides = array<i32>} : memref<8192xi32, #tpu.memory_space<vmem>>, vector<16xi32>,
      %add3A_197 = arith.addi %add3A_190, %get3A_196 : vector<16xi32>
      %mul3A_198 = arith.constant 16 : i32
      %mul3A_199 = arith.muli %scan3A_162, %mul3A_198 : i32
      %add3A_200 = arith.constant 2560 : i32
      %add3A_201 = arith.addi %add3A_200, %mul3A_199 : i32
      %get3A_202 = arith.index_cast %add3A_201 : i32 to index
      %get3A_203 = tpu.vector_load %arg6[%get3A_202] {strides = array<i32>} : memref<8192xi32, #tpu.memory_space<vmem>>, vector<16xi32>,
      %add3A_204 = arith.addi %add3A_197, %get3A_203 : vector<16xi32>
      %mul3A_205 = arith.constant 16 : i32
      %mul3A_206 = arith.muli %scan3A_162, %mul3A_205 : i32
      %add3A_207 = arith.constant 3072 : i32
      %add3A_208 = arith.addi %add3A_207, %mul3A_206 : i32
      %get3A_209 = arith.index_cast %add3A_208 : i32 to index
      %get3A_210 = tpu.vector_load %arg6[%get3A_209] {strides = array<i32>} : memref<8192xi32, #tpu.memory_space<vmem>>, vector<16xi32>,
      %add3A_211 = arith.addi %add3A_204, %get3A_210 : vector<16xi32>
      %mul3A_212 = arith.constant 16 : i32
      %mul3A_213 = arith.muli %scan3A_162, %mul3A_212 : i32
      %add3A_214 = arith.constant 3584 : i32
      %add3A_215 = arith.addi %add3A_214, %mul3A_213 : i32
      %get3A_216 = arith.index_cast %add3A_215 : i32 to index
      %get3A_217 = tpu.vector_load %arg6[%get3A_216] {strides = array<i32>} : memref<8192xi32, #tpu.memory_space<vmem>>, vector<16xi32>,
      %add3A_218 = arith.addi %add3A_211, %get3A_217 : vector<16xi32>
      %mul3A_219 = arith.constant 16 : i32
      %mul3A_220 = arith.muli %scan3A_162, %mul3A_219 : i32
      %add3A_221 = arith.constant 4096 : i32
      %add3A_222 = arith.addi %add3A_221, %mul3A_220 : i32
      %get3A_223 = arith.index_cast %add3A_222 : i32 to index
      %get3A_224 = tpu.vector_load %arg6[%get3A_223] {strides = array<i32>} : memref<8192xi32, #tpu.memory_space<vmem>>, vector<16xi32>,
      %add3A_225 = arith.addi %add3A_218, %get3A_224 : vector<16xi32>
      %mul3A_226 = arith.constant 16 : i32
      %mul3A_227 = arith.muli %scan3A_162, %mul3A_226 : i32
      %add3A_228 = arith.constant 4608 : i32
      %add3A_229 = arith.addi %add3A_228, %mul3A_227 : i32
      %get3A_230 = arith.index_cast %add3A_229 : i32 to index
      %get3A_231 = tpu.vector_load %arg6[%get3A_230] {strides = array<i32>} : memref<8192xi32, #tpu.memory_space<vmem>>, vector<16xi32>,
      %add3A_232 = arith.addi %add3A_225, %get3A_231 : vector<16xi32>
      %mul3A_233 = arith.constant 16 : i32
      %mul3A_234 = arith.muli %scan3A_162, %mul3A_233 : i32
      %add3A_235 = arith.constant 5120 : i32
      %add3A_236 = arith.addi %add3A_235, %mul3A_234 : i32
      %get3A_237 = arith.index_cast %add3A_236 : i32 to index
      %get3A_238 = tpu.vector_load %arg6[%get3A_237] {strides = array<i32>} : memref<8192xi32, #tpu.memory_space<vmem>>, vector<16xi32>,
      %add3A_239 = arith.addi %add3A_232, %get3A_238 : vector<16xi32>
      %mul3A_240 = arith.constant 16 : i32
      %mul3A_241 = arith.muli %scan3A_162, %mul3A_240 : i32
      %add3A_242 = arith.constant 5632 : i32
      %add3A_243 = arith.addi %add3A_242, %mul3A_241 : i32
      %get3A_244 = arith.index_cast %add3A_243 : i32 to index
      %get3A_245 = tpu.vector_load %arg6[%get3A_244] {strides = array<i32>} : memref<8192xi32, #tpu.memory_space<vmem>>, vector<16xi32>,
      %add3A_246 = arith.addi %add3A_239, %get3A_245 : vector<16xi32>
      %mul3A_247 = arith.constant 16 : i32
      %mul3A_248 = arith.muli %scan3A_162, %mul3A_247 : i32
      %add3A_249 = arith.constant 6144 : i32
      %add3A_250 = arith.addi %add3A_249, %mul3A_248 : i32
      %get3A_251 = arith.index_cast %add3A_250 : i32 to index
      %get3A_252 = tpu.vector_load %arg6[%get3A_251] {strides = array<i32>} : memref<8192xi32, #tpu.memory_space<vmem>>, vector<16xi32>,
      %add3A_253 = arith.addi %add3A_246, %get3A_252 : vector<16xi32>
      %mul3A_254 = arith.constant 16 : i32
      %mul3A_255 = arith.muli %scan3A_162, %mul3A_254 : i32
      %add3A_256 = arith.constant 6656 : i32
      %add3A_257 = arith.addi %add3A_256, %mul3A_255 : i32
      %get3A_258 = arith.index_cast %add3A_257 : i32 to index
      %get3A_259 = tpu.vector_load %arg6[%get3A_258] {strides = array<i32>} : memref<8192xi32, #tpu.memory_space<vmem>>, vector<16xi32>,
      %add3A_260 = arith.addi %add3A_253, %get3A_259 : vector<16xi32>
      %mul3A_261 = arith.constant 16 : i32
      %mul3A_262 = arith.muli %scan3A_162, %mul3A_261 : i32
      %add3A_263 = arith.constant 7168 : i32
      %add3A_264 = arith.addi %add3A_263, %mul3A_262 : i32
      %get3A_265 = arith.index_cast %add3A_264 : i32 to index
      %get3A_266 = tpu.vector_load %arg6[%get3A_265] {strides = array<i32>} : memref<8192xi32, #tpu.memory_space<vmem>>, vector<16xi32>,
      %add3A_267 = arith.addi %add3A_260, %get3A_266 : vector<16xi32>
      %mul3A_268 = arith.constant 16 : i32
      %mul3A_269 = arith.muli %scan3A_162, %mul3A_268 : i32
      %add3A_270 = arith.constant 7680 : i32
      %add3A_271 = arith.addi %add3A_270, %mul3A_269 : i32
      %get3A_272 = arith.index_cast %add3A_271 : i32 to index
      %get3A_273 = tpu.vector_load %arg6[%get3A_272] {strides = array<i32>} : memref<8192xi32, #tpu.memory_space<vmem>>, vector<16xi32>,
      %add3A_274 = arith.addi %add3A_267, %get3A_273 : vector<16xi32>
      %mul3A_275 = arith.constant 16 : i32
      %mul3A_276 = arith.muli %scan3A_162, %mul3A_275 : i32
      %swap3A = arith.index_cast %mul3A_276 : i32 to index
      %swap3A_277 = tpu.vector_load %arg7[%swap3A] {strides = array<i32>} : memref<512xi32, #tpu.memory_space<vmem>>, vector<16xi32>,
      tpu.vector_store %arg7[%swap3A], %add3A_274 {strides = array<i32>} : memref<512xi32, #tpu.memory_space<vmem>>, vector<16xi32>,
      %scan3A_278 = arith.constant 0 : i32
      scf.yield %scan3A_278 : i32
    }
    %scan3A_58 = arith.constant 32 : i32
    "tpu.region"() ({
      %run_scoped3A = tpu.sem_alloc : memref<!tpu.dma_semaphore, #tpu.memory_space<semaphore_mem>>
      %dma_start3A = arith.constant 0 : i32
      %dma_start3A_162 = tpu.memref_slice %arg12[%arg1, %dma_start3A] : memref<16x512xi32, #tpu.memory_space<vmem_shared>> -> memref<1x512xi32, #tpu.memory_space<vmem_shared>>
      %dma_start3A_163 = tpu.memref_squeeze %dma_start3A_162 : memref<1x512xi32, #tpu.memory_space<vmem_shared>> -> memref<512xi32, #tpu.memory_space<vmem_shared>>
      %dma_start3A_164 = arith.constant 0 : i32
      %dma_start3A_165 = tpu.memref_slice %arg12[%arg1, %dma_start3A_164] : memref<16x512xi32, #tpu.memory_space<vmem_shared>> -> memref<1x512xi32, #tpu.memory_space<vmem_shared>>
      %dma_start3A_166 = tpu.memref_squeeze %dma_start3A_165 : memref<1x512xi32, #tpu.memory_space<vmem_shared>> -> memref<512xi32, #tpu.memory_space<vmem_shared>>
      tpu.enqueue_dma source(%arg7 : memref<512xi32, #tpu.memory_space<vmem>>) target(%dma_start3A_166 : memref<512xi32, #tpu.memory_space<vmem_shared>>) target_semaphore(%run_scoped3A : memref<!tpu.dma_semaphore, #tpu.memory_space<semaphore_mem>>)
      %dma_wait3A = arith.constant 0 : i32
      %dma_wait3A_167 = tpu.memref_slice %arg12[%arg1, %dma_wait3A] : memref<16x512xi32, #tpu.memory_space<vmem_shared>> -> memref<1x512xi32, #tpu.memory_space<vmem_shared>>
      %dma_wait3A_168 = tpu.memref_squeeze %dma_wait3A_167 : memref<1x512xi32, #tpu.memory_space<vmem_shared>> -> memref<512xi32, #tpu.memory_space<vmem_shared>>
      %dma_wait3A_169 = arith.constant 0 : i32
      %dma_wait3A_170 = tpu.memref_slice %arg12[%arg1, %dma_wait3A_169] : memref<16x512xi32, #tpu.memory_space<vmem_shared>> -> memref<1x512xi32, #tpu.memory_space<vmem_shared>>
      %dma_wait3A_171 = tpu.memref_squeeze %dma_wait3A_170 : memref<1x512xi32, #tpu.memory_space<vmem_shared>> -> memref<512xi32, #tpu.memory_space<vmem_shared>>
      tpu.wait_dma2 semaphore(%run_scoped3A : memref<!tpu.dma_semaphore, #tpu.memory_space<semaphore_mem>>) src(%arg7 : memref<512xi32, #tpu.memory_space<vmem>>) dst(%dma_wait3A_171 : memref<512xi32, #tpu.memory_space<vmem_shared>>)
      tpu.yield
    }) : () -> ()
    %barrier3A = arith.constant 0 : index
    tpu.barrier barrier_id(%barrier3A)
    %mul3A_59 = arith.constant 4 : i32
    %mul3A_60 = arith.muli %select_n3A, %mul3A_59 : i32
    "tpu.region"() ({
      %run_scoped3A = tpu.sem_alloc : memref<!tpu.dma_semaphore, #tpu.memory_space<semaphore_mem>>
      %dma_start3A = arith.constant 0 : i32
      %dma_start3A_162 = tpu.memref_slice %arg12[%mul3A_60, %dma_start3A] : memref<16x512xi32, #tpu.memory_space<vmem_shared>> -> memref<4x512xi32, #tpu.memory_space<vmem_shared>>
      %dma_start3A_163 = arith.constant 0 : i32
      %dma_start3A_164 = tpu.memref_slice %arg12[%mul3A_60, %dma_start3A_163] : memref<16x512xi32, #tpu.memory_space<vmem_shared>> -> memref<4x512xi32, #tpu.memory_space<vmem_shared>>
      tpu.enqueue_dma source(%dma_start3A_164 : memref<4x512xi32, #tpu.memory_space<vmem_shared>>) target(%arg9 : memref<4x512xi32, #tpu.memory_space<vmem>>) target_semaphore(%run_scoped3A : memref<!tpu.dma_semaphore, #tpu.memory_space<semaphore_mem>>)
      %dma_wait3A = arith.constant 0 : i32
      %dma_wait3A_165 = tpu.memref_slice %arg12[%mul3A_60, %dma_wait3A] : memref<16x512xi32, #tpu.memory_space<vmem_shared>> -> memref<4x512xi32, #tpu.memory_space<vmem_shared>>
      %dma_wait3A_166 = arith.constant 0 : i32
      %dma_wait3A_167 = tpu.memref_slice %arg12[%mul3A_60, %dma_wait3A_166] : memref<16x512xi32, #tpu.memory_space<vmem_shared>> -> memref<4x512xi32, #tpu.memory_space<vmem_shared>>
      tpu.wait_dma2 semaphore(%run_scoped3A : memref<!tpu.dma_semaphore, #tpu.memory_space<semaphore_mem>>) src(%dma_wait3A_167 : memref<4x512xi32, #tpu.memory_space<vmem_shared>>) dst(%arg9 : memref<4x512xi32, #tpu.memory_space<vmem>>)
      tpu.yield
    }) : () -> ()
    %scan3A_61 = arith.constant 0 : i32
    %scan3A_62 = arith.constant 0 : i32
    %scan3A_63 = arith.constant 32 : i32
    %scan3A_64 = arith.addi %scan3A_62, %scan3A_63 : i32
    %scan3A_65 = arith.constant 1 : i32
    %scan3A_66 = scf.for %scan3A_162 = %scan3A_62 to %scan3A_64 step %scan3A_65 iter_args(%scan3A_163 = %scan3A_61) -> (i32)  : i32 {
      %mul3A_164 = arith.constant 16 : i32
      %mul3A_165 = arith.muli %scan3A_162, %mul3A_164 : i32
      %get3A = arith.constant 0 : i32
      %get3A_166 = arith.index_cast %get3A : i32 to index
      %get3A_167 = arith.index_cast %mul3A_165 : i32 to index
      %get3A_168 = tpu.vector_load %arg9[%get3A_166, %get3A_167] {strides = array<i32>} : memref<4x512xi32, #tpu.memory_space<vmem>>, vector<16xi32>,
      %mul3A_169 = arith.constant 16 : i32
      %mul3A_170 = arith.muli %scan3A_162, %mul3A_169 : i32
      %get3A_171 = arith.constant 1 : i32
      %get3A_172 = arith.index_cast %get3A_171 : i32 to index
      %get3A_173 = arith.index_cast %mul3A_170 : i32 to index
      %get3A_174 = tpu.vector_load %arg9[%get3A_172, %get3A_173] {strides = array<i32>} : memref<4x512xi32, #tpu.memory_space<vmem>>, vector<16xi32>,
      %add3A_175 = arith.addi %get3A_168, %get3A_174 : vector<16xi32>
      %mul3A_176 = arith.constant 16 : i32
      %mul3A_177 = arith.muli %scan3A_162, %mul3A_176 : i32
      %get3A_178 = arith.constant 2 : i32
      %get3A_179 = arith.index_cast %get3A_178 : i32 to index
      %get3A_180 = arith.index_cast %mul3A_177 : i32 to index
      %get3A_181 = tpu.vector_load %arg9[%get3A_179, %get3A_180] {strides = array<i32>} : memref<4x512xi32, #tpu.memory_space<vmem>>, vector<16xi32>,
      %add3A_182 = arith.addi %add3A_175, %get3A_181 : vector<16xi32>
      %mul3A_183 = arith.constant 16 : i32
      %mul3A_184 = arith.muli %scan3A_162, %mul3A_183 : i32
      %get3A_185 = arith.constant 3 : i32
      %get3A_186 = arith.index_cast %get3A_185 : i32 to index
      %get3A_187 = arith.index_cast %mul3A_184 : i32 to index
      %get3A_188 = tpu.vector_load %arg9[%get3A_186, %get3A_187] {strides = array<i32>} : memref<4x512xi32, #tpu.memory_space<vmem>>, vector<16xi32>,
      %add3A_189 = arith.addi %add3A_182, %get3A_188 : vector<16xi32>
      %mul3A_190 = arith.constant 16 : i32
      %mul3A_191 = arith.muli %scan3A_162, %mul3A_190 : i32
      %swap3A = arith.index_cast %mul3A_191 : i32 to index
      %swap3A_192 = tpu.vector_load %arg8[%swap3A] {strides = array<i32>} : memref<512xi32, #tpu.memory_space<vmem>>, vector<16xi32>,
      tpu.vector_store %arg8[%swap3A], %add3A_189 {strides = array<i32>} : memref<512xi32, #tpu.memory_space<vmem>>, vector<16xi32>,
      %scan3A_193 = arith.constant 0 : i32
      scf.yield %scan3A_193 : i32
    }
    %scan3A_67 = arith.constant 32 : i32
    %barrier3A_68 = arith.constant 0 : index
    tpu.barrier barrier_id(%barrier3A_68)
    %scan3A_69 = arith.constant 0 : i32
    %scan3A_70 = arith.constant 0 : i32
    %scan3A_71 = arith.constant false
    %scan3A_72 = arith.constant 0 : i32
    %scan3A_73 = arith.constant 32 : i32
    %scan3A_74 = arith.addi %scan3A_72, %scan3A_73 : i32
    %scan3A_75 = arith.constant 1 : i32
    %scan3A_76:3 = scf.for %scan3A_162 = %scan3A_72 to %scan3A_74 step %scan3A_75 iter_args(%scan3A_163 = %scan3A_69, %scan3A_164 = %scan3A_70, %scan3A_165 = %scan3A_71) -> (i32, i32, i1)  : i32 {
      %sub3A_166 = arith.constant 31 : i32
      %sub3A_167 = arith.subi %sub3A_166, %scan3A_162 : i32
      %mul3A_168 = arith.constant 16 : i32
      %mul3A_169 = arith.muli %sub3A_167, %mul3A_168 : i32
      %get3A = arith.index_cast %mul3A_169 : i32 to index
      %get3A_170 = tpu.vector_load %arg8[%get3A] {strides = array<i32>} : memref<512xi32, #tpu.memory_space<vmem>>, vector<16xi32>,
      %rev3A = arith.constant 15 : i32
      %rev3A_171 = vector.broadcast %rev3A : i32 to vector<16xi32>
      %rev3A_172 = tpu.iota {dimensions = array<i32: 0>} : vector<16xi32>
      %rev3A_173 = arith.subi %rev3A_171, %rev3A_172 : vector<16xi32>
      %rev3A_174 = tpu.dynamic_gather %get3A_170[%rev3A_173] in [0] : vector<16xi32>, vector<16xi32> -> vector<16xi32>
      %broadcast_in_dim3A_175 = arith.constant true
      %broadcast_in_dim3A_176 = vector.broadcast %broadcast_in_dim3A_175 : i1 to vector<16xi1>
      %masked_cumsum3A = tpu.scan <sum>, %rev3A_174 masked %broadcast_in_dim3A_176 : vector<16xi32>, vector<16xi1> -> vector<16xi32>
      %reduce_max3A = arith.constant true
      %reduce_max3A_177 = vector.broadcast %reduce_max3A : i1 to vector<16xi1>
      %reduce_max3A_178 = arith.constant -2147483648 : i32
      %reduce_max3A_179 = vector.broadcast %reduce_max3A_178 : i32 to vector<16xi32>
      %reduce_max3A_180 = arith.xori %masked_cumsum3A, %reduce_max3A_179 : vector<16xi32>
      %reduce_max3A_181 = tpu.scan <max>, %reduce_max3A_180 masked %reduce_max3A_177 : vector<16xi32>, vector<16xi1> -> vector<16xi32>
      %reduce_max3A_182 = arith.xori %reduce_max3A_181, %reduce_max3A_179 : vector<16xi32>
      %reduce_max3A_183 = vector.extract %reduce_max3A_182[15] : i32 from vector<16xi32>
      %add3A_184 = vector.broadcast %scan3A_163 : i32 to vector<16xi32>
      %add3A_185 = arith.addi %add3A_184, %masked_cumsum3A : vector<16xi32>
      %ge3A = arith.constant 300 : i32
      %ge3A_186 = vector.broadcast %ge3A : i32 to vector<16xi32>
      %ge3A_187 = arith.cmpi sge, %add3A_185, %ge3A_186 : vector<16xi32>
      %convert_element_type3A = arith.extui %ge3A_187 : vector<16xi1> to vector<16xi32>
      %reduce_max3A_188 = arith.constant true
      %reduce_max3A_189 = vector.broadcast %reduce_max3A_188 : i1 to vector<16xi1>
      %reduce_max3A_190 = arith.constant -2147483648 : i32
      %reduce_max3A_191 = vector.broadcast %reduce_max3A_190 : i32 to vector<16xi32>
      %reduce_max3A_192 = arith.xori %convert_element_type3A, %reduce_max3A_191 : vector<16xi32>
      %reduce_max3A_193 = tpu.scan <max>, %reduce_max3A_192 masked %reduce_max3A_189 : vector<16xi32>, vector<16xi1> -> vector<16xi32>
      %reduce_max3A_194 = arith.xori %reduce_max3A_193, %reduce_max3A_191 : vector<16xi32>
      %reduce_max3A_195 = vector.extract %reduce_max3A_194[15] : i32 from vector<16xi32>
      %gt3A_196 = arith.constant 0 : i32
      %gt3A_197 = arith.cmpi sgt, %reduce_max3A_195, %gt3A_196 : i32
      %jit3A_198 = arith.constant 16 : i32
      %broadcast_in_dim3A_199 = vector.broadcast %jit3A_198 : i32 to vector<16xi32>
      %select_n3A_200 = arith.select %ge3A_187, %iota3A, %broadcast_in_dim3A_199 : vector<16xi1>, vector<16xi32>
      %reduce_min3A = arith.constant true
      %reduce_min3A_201 = vector.broadcast %reduce_min3A : i1 to vector<16xi1>
      %reduce_min3A_202 = arith.constant -2147483648 : i32
      %reduce_min3A_203 = vector.broadcast %reduce_min3A_202 : i32 to vector<16xi32>
      %reduce_min3A_204 = arith.xori %select_n3A_200, %reduce_min3A_203 : vector<16xi32>
      %reduce_min3A_205 = tpu.scan <min>, %reduce_min3A_204 masked %reduce_min3A_201 : vector<16xi32>, vector<16xi1> -> vector<16xi32>
      %reduce_min3A_206 = arith.xori %reduce_min3A_205, %reduce_min3A_203 : vector<16xi32>
      %reduce_min3A_207 = vector.extract %reduce_min3A_206[15] : i32 from vector<16xi32>
      %mul3A_208 = arith.constant 16 : i32
      %mul3A_209 = arith.muli %sub3A_167, %mul3A_208 : i32
      %add3A_210 = arith.constant 15 : i32
      %add3A_211 = arith.addi %mul3A_209, %add3A_210 : i32
      %sub3A_212 = arith.subi %add3A_211, %reduce_min3A_207 : i32
      %not3A = arith.constant true
      %not3A_213 = arith.xori %scan3A_165, %not3A : i1
      %and3A_214 = arith.andi %not3A_213, %gt3A_197 : i1
      %select_n3A_215 = arith.select %and3A_214, %sub3A_212, %scan3A_164 : i32
      %or3A = arith.ori %scan3A_165, %gt3A_197 : i1
      %jit3A_216 = arith.constant 0 : i32
      %select_n3A_217 = arith.select %or3A, %jit3A_216, %reduce_max3A_183 : i32
      %add3A_218 = arith.addi %scan3A_163, %select_n3A_217 : i32
      scf.yield %add3A_218, %select_n3A_215, %or3A : i32, i32, i1
    }
    %scan3A_77 = arith.constant 32 : i32
    %gt3A = arith.constant 0 : i32
    %gt3A_78 = arith.cmpi sgt, %scan3A_76#1, %gt3A : i32
    %and3A_79 = arith.andi %scan3A_76#2, %gt3A_78 : i1
    %add3A_80 = arith.constant 3552 : i32
    %add3A_81 = arith.addi %scan3A_76#1, %add3A_80 : i32
    %shift_left3A = arith.constant 18 : i32
    %shift_left3A_82 = arith.shli %add3A_81, %shift_left3A : i32
    %jit3A_83 = arith.constant -2147483648 : i32
    %select_n3A_84 = arith.select %and3A_79, %shift_left3A_82, %jit3A_83 : i32
    %scan3A_85 = arith.constant 0 : i32
    %scan3A_86 = arith.constant 0 : i32
    %scan3A_87 = arith.constant 64 : i32
    %scan3A_88 = arith.addi %scan3A_86, %scan3A_87 : i32
    %scan3A_89 = arith.constant 1 : i32
    %scan3A_90 = scf.for %scan3A_162 = %scan3A_86 to %scan3A_88 step %scan3A_89 iter_args(%scan3A_163 = %scan3A_85) -> (i32)  : i32 {
      %mul3A_164 = arith.constant 128 : i32
      %mul3A_165 = arith.muli %scan3A_162, %mul3A_164 : i32
      %add3A_166 = arith.constant 0 : i32
      %add3A_167 = arith.addi %mul3A_165, %add3A_166 : i32
      %swap3A = arith.index_cast %add3A_167 : i32 to index
      %swap3A_168 = tpu.vector_load %arg6[%swap3A] {strides = array<i32>} : memref<8192xi32, #tpu.memory_space<vmem>>, vector<16xi32>,
      tpu.vector_store %arg6[%swap3A], %broadcast_in_dim3A_33 {strides = array<i32>} : memref<8192xi32, #tpu.memory_space<vmem>>, vector<16xi32>,
      %mul3A_169 = arith.constant 128 : i32
      %mul3A_170 = arith.muli %scan3A_162, %mul3A_169 : i32
      %add3A_171 = arith.constant 16 : i32
      %add3A_172 = arith.addi %mul3A_170, %add3A_171 : i32
      %swap3A_173 = arith.index_cast %add3A_172 : i32 to index
      %swap3A_174 = tpu.vector_load %arg6[%swap3A_173] {strides = array<i32>} : memref<8192xi32, #tpu.memory_space<vmem>>, vector<16xi32>,
      tpu.vector_store %arg6[%swap3A_173], %broadcast_in_dim3A_33 {strides = array<i32>} : memref<8192xi32, #tpu.memory_space<vmem>>, vector<16xi32>,
      %mul3A_175 = arith.constant 128 : i32
      %mul3A_176 = arith.muli %scan3A_162, %mul3A_175 : i32
      %add3A_177 = arith.constant 32 : i32
      %add3A_178 = arith.addi %mul3A_176, %add3A_177 : i32
      %swap3A_179 = arith.index_cast %add3A_178 : i32 to index
      %swap3A_180 = tpu.vector_load %arg6[%swap3A_179] {strides = array<i32>} : memref<8192xi32, #tpu.memory_space<vmem>>, vector<16xi32>,
      tpu.vector_store %arg6[%swap3A_179], %broadcast_in_dim3A_33 {strides = array<i32>} : memref<8192xi32, #tpu.memory_space<vmem>>, vector<16xi32>,
      %mul3A_181 = arith.constant 128 : i32
      %mul3A_182 = arith.muli %scan3A_162, %mul3A_181 : i32
      %add3A_183 = arith.constant 48 : i32
      %add3A_184 = arith.addi %mul3A_182, %add3A_183 : i32
      %swap3A_185 = arith.index_cast %add3A_184 : i32 to index
      %swap3A_186 = tpu.vector_load %arg6[%swap3A_185] {strides = array<i32>} : memref<8192xi32, #tpu.memory_space<vmem>>, vector<16xi32>,
      tpu.vector_store %arg6[%swap3A_185], %broadcast_in_dim3A_33 {strides = array<i32>} : memref<8192xi32, #tpu.memory_space<vmem>>, vector<16xi32>,
      %mul3A_187 = arith.constant 128 : i32
      %mul3A_188 = arith.muli %scan3A_162, %mul3A_187 : i32
      %add3A_189 = arith.constant 64 : i32
      %add3A_190 = arith.addi %mul3A_188, %add3A_189 : i32
      %swap3A_191 = arith.index_cast %add3A_190 : i32 to index
      %swap3A_192 = tpu.vector_load %arg6[%swap3A_191] {strides = array<i32>} : memref<8192xi32, #tpu.memory_space<vmem>>, vector<16xi32>,
      tpu.vector_store %arg6[%swap3A_191], %broadcast_in_dim3A_33 {strides = array<i32>} : memref<8192xi32, #tpu.memory_space<vmem>>, vector<16xi32>,
      %mul3A_193 = arith.constant 128 : i32
      %mul3A_194 = arith.muli %scan3A_162, %mul3A_193 : i32
      %add3A_195 = arith.constant 80 : i32
      %add3A_196 = arith.addi %mul3A_194, %add3A_195 : i32
      %swap3A_197 = arith.index_cast %add3A_196 : i32 to index
      %swap3A_198 = tpu.vector_load %arg6[%swap3A_197] {strides = array<i32>} : memref<8192xi32, #tpu.memory_space<vmem>>, vector<16xi32>,
      tpu.vector_store %arg6[%swap3A_197], %broadcast_in_dim3A_33 {strides = array<i32>} : memref<8192xi32, #tpu.memory_space<vmem>>, vector<16xi32>,
      %mul3A_199 = arith.constant 128 : i32
      %mul3A_200 = arith.muli %scan3A_162, %mul3A_199 : i32
      %add3A_201 = arith.constant 96 : i32
      %add3A_202 = arith.addi %mul3A_200, %add3A_201 : i32
      %swap3A_203 = arith.index_cast %add3A_202 : i32 to index
      %swap3A_204 = tpu.vector_load %arg6[%swap3A_203] {strides = array<i32>} : memref<8192xi32, #tpu.memory_space<vmem>>, vector<16xi32>,
      tpu.vector_store %arg6[%swap3A_203], %broadcast_in_dim3A_33 {strides = array<i32>} : memref<8192xi32, #tpu.memory_space<vmem>>, vector<16xi32>,
      %mul3A_205 = arith.constant 128 : i32
      %mul3A_206 = arith.muli %scan3A_162, %mul3A_205 : i32
      %add3A_207 = arith.constant 112 : i32
      %add3A_208 = arith.addi %mul3A_206, %add3A_207 : i32
      %swap3A_209 = arith.index_cast %add3A_208 : i32 to index
      %swap3A_210 = tpu.vector_load %arg6[%swap3A_209] {strides = array<i32>} : memref<8192xi32, #tpu.memory_space<vmem>>, vector<16xi32>,
      tpu.vector_store %arg6[%swap3A_209], %broadcast_in_dim3A_33 {strides = array<i32>} : memref<8192xi32, #tpu.memory_space<vmem>>, vector<16xi32>,
      %scan3A_211 = arith.constant 0 : i32
      scf.yield %scan3A_211 : i32
    }
    %scan3A_91 = arith.constant 64 : i32
    %scan3A_92 = arith.constant 0 : i32
    %scan3A_93 = arith.constant 0 : i32
    %scan3A_94 = arith.constant 80 : i32
    %scan3A_95 = arith.addi %scan3A_93, %scan3A_94 : i32
    %scan3A_96 = arith.constant 1 : i32
    %scan3A_97 = scf.for %scan3A_162 = %scan3A_93 to %scan3A_95 step %scan3A_96 iter_args(%scan3A_163 = %scan3A_92) -> (i32)  : i32 {
      %mul3A_164 = arith.constant 64 : i32
      %mul3A_165 = arith.muli %scan3A_162, %mul3A_164 : i32
      %add3A_166 = arith.constant 0 : i32
      %add3A_167 = arith.addi %mul3A_165, %add3A_166 : i32
      %get3A = arith.index_cast %add3A_167 : i32 to index
      %get3A_168 = tpu.vector_load %arg5[%get3A] {strides = array<i32>} : memref<5120xf32, #tpu.memory_space<vmem>>, vector<16xf32>,
      %bitcast3A = vector.bitcast %get3A_168 : vector<16xf32> to vector<16xi32>
      %ge3A = vector.broadcast %select_n3A_84 : i32 to vector<16xi32>
      %ge3A_169 = arith.cmpi sge, %bitcast3A, %ge3A : vector<16xi32>
      %add3A_170 = arith.constant 262144 : i32
      %add3A_171 = arith.addi %select_n3A_84, %add3A_170 : i32
      %lt3A_172 = vector.broadcast %add3A_171 : i32 to vector<16xi32>
      %lt3A_173 = arith.cmpi slt, %bitcast3A, %lt3A_172 : vector<16xi32>
      %and3A_174 = arith.andi %ge3A_169, %lt3A_173 : vector<16xi1>
      %shift_right_arithmetic3A = arith.constant 9 : i32
      %shift_right_arithmetic3A_175 = vector.broadcast %shift_right_arithmetic3A : i32 to vector<16xi32>
      %shift_right_arithmetic3A_176 = arith.shrsi %bitcast3A, %shift_right_arithmetic3A_175 : vector<16xi32>
      %and3A_177 = arith.constant 511 : i32
      %and3A_178 = vector.broadcast %and3A_177 : i32 to vector<16xi32>
      %and3A_179 = arith.andi %shift_right_arithmetic3A_176, %and3A_178 : vector<16xi32>
      %mul3A_180 = arith.constant 512 : i32
      %mul3A_181 = vector.broadcast %mul3A_180 : i32 to vector<16xi32>
      %mul3A_182 = arith.muli %iota3A, %mul3A_181 : vector<16xi32>
      %add3A_183 = arith.addi %mul3A_182, %and3A_179 : vector<16xi32>
      tpu.vector_store_idx %arg6[%add3A_183], %broadcast_in_dim3A_31 masked %and3A_174 {add = true} : memref<8192xi32, #tpu.memory_space<vmem>>[vector<16xi32>], vector<16xi32>, vector<16xi1>
      %mul3A_184 = arith.constant 64 : i32
      %mul3A_185 = arith.muli %scan3A_162, %mul3A_184 : i32
      %add3A_186 = arith.constant 16 : i32
      %add3A_187 = arith.addi %mul3A_185, %add3A_186 : i32
      %get3A_188 = arith.index_cast %add3A_187 : i32 to index
      %get3A_189 = tpu.vector_load %arg5[%get3A_188] {strides = array<i32>} : memref<5120xf32, #tpu.memory_space<vmem>>, vector<16xf32>,
      %bitcast3A_190 = vector.bitcast %get3A_189 : vector<16xf32> to vector<16xi32>
      %ge3A_191 = vector.broadcast %select_n3A_84 : i32 to vector<16xi32>
      %ge3A_192 = arith.cmpi sge, %bitcast3A_190, %ge3A_191 : vector<16xi32>
      %add3A_193 = arith.constant 262144 : i32
      %add3A_194 = arith.addi %select_n3A_84, %add3A_193 : i32
      %lt3A_195 = vector.broadcast %add3A_194 : i32 to vector<16xi32>
      %lt3A_196 = arith.cmpi slt, %bitcast3A_190, %lt3A_195 : vector<16xi32>
      %and3A_197 = arith.andi %ge3A_192, %lt3A_196 : vector<16xi1>
      %shift_right_arithmetic3A_198 = arith.constant 9 : i32
      %shift_right_arithmetic3A_199 = vector.broadcast %shift_right_arithmetic3A_198 : i32 to vector<16xi32>
      %shift_right_arithmetic3A_200 = arith.shrsi %bitcast3A_190, %shift_right_arithmetic3A_199 : vector<16xi32>
      %and3A_201 = arith.constant 511 : i32
      %and3A_202 = vector.broadcast %and3A_201 : i32 to vector<16xi32>
      %and3A_203 = arith.andi %shift_right_arithmetic3A_200, %and3A_202 : vector<16xi32>
      %mul3A_204 = arith.constant 512 : i32
      %mul3A_205 = vector.broadcast %mul3A_204 : i32 to vector<16xi32>
      %mul3A_206 = arith.muli %iota3A, %mul3A_205 : vector<16xi32>
      %add3A_207 = arith.addi %mul3A_206, %and3A_203 : vector<16xi32>
      tpu.vector_store_idx %arg6[%add3A_207], %broadcast_in_dim3A_31 masked %and3A_197 {add = true} : memref<8192xi32, #tpu.memory_space<vmem>>[vector<16xi32>], vector<16xi32>, vector<16xi1>
      %mul3A_208 = arith.constant 64 : i32
      %mul3A_209 = arith.muli %scan3A_162, %mul3A_208 : i32
      %add3A_210 = arith.constant 32 : i32
      %add3A_211 = arith.addi %mul3A_209, %add3A_210 : i32
      %get3A_212 = arith.index_cast %add3A_211 : i32 to index
      %get3A_213 = tpu.vector_load %arg5[%get3A_212] {strides = array<i32>} : memref<5120xf32, #tpu.memory_space<vmem>>, vector<16xf32>,
      %bitcast3A_214 = vector.bitcast %get3A_213 : vector<16xf32> to vector<16xi32>
      %ge3A_215 = vector.broadcast %select_n3A_84 : i32 to vector<16xi32>
      %ge3A_216 = arith.cmpi sge, %bitcast3A_214, %ge3A_215 : vector<16xi32>
      %add3A_217 = arith.constant 262144 : i32
      %add3A_218 = arith.addi %select_n3A_84, %add3A_217 : i32
      %lt3A_219 = vector.broadcast %add3A_218 : i32 to vector<16xi32>
      %lt3A_220 = arith.cmpi slt, %bitcast3A_214, %lt3A_219 : vector<16xi32>
      %and3A_221 = arith.andi %ge3A_216, %lt3A_220 : vector<16xi1>
      %shift_right_arithmetic3A_222 = arith.constant 9 : i32
      %shift_right_arithmetic3A_223 = vector.broadcast %shift_right_arithmetic3A_222 : i32 to vector<16xi32>
      %shift_right_arithmetic3A_224 = arith.shrsi %bitcast3A_214, %shift_right_arithmetic3A_223 : vector<16xi32>
      %and3A_225 = arith.constant 511 : i32
      %and3A_226 = vector.broadcast %and3A_225 : i32 to vector<16xi32>
      %and3A_227 = arith.andi %shift_right_arithmetic3A_224, %and3A_226 : vector<16xi32>
      %mul3A_228 = arith.constant 512 : i32
      %mul3A_229 = vector.broadcast %mul3A_228 : i32 to vector<16xi32>
      %mul3A_230 = arith.muli %iota3A, %mul3A_229 : vector<16xi32>
      %add3A_231 = arith.addi %mul3A_230, %and3A_227 : vector<16xi32>
      tpu.vector_store_idx %arg6[%add3A_231], %broadcast_in_dim3A_31 masked %and3A_221 {add = true} : memref<8192xi32, #tpu.memory_space<vmem>>[vector<16xi32>], vector<16xi32>, vector<16xi1>
      %mul3A_232 = arith.constant 64 : i32
      %mul3A_233 = arith.muli %scan3A_162, %mul3A_232 : i32
      %add3A_234 = arith.constant 48 : i32
      %add3A_235 = arith.addi %mul3A_233, %add3A_234 : i32
      %get3A_236 = arith.index_cast %add3A_235 : i32 to index
      %get3A_237 = tpu.vector_load %arg5[%get3A_236] {strides = array<i32>} : memref<5120xf32, #tpu.memory_space<vmem>>, vector<16xf32>,
      %bitcast3A_238 = vector.bitcast %get3A_237 : vector<16xf32> to vector<16xi32>
      %ge3A_239 = vector.broadcast %select_n3A_84 : i32 to vector<16xi32>
      %ge3A_240 = arith.cmpi sge, %bitcast3A_238, %ge3A_239 : vector<16xi32>
      %add3A_241 = arith.constant 262144 : i32
      %add3A_242 = arith.addi %select_n3A_84, %add3A_241 : i32
      %lt3A_243 = vector.broadcast %add3A_242 : i32 to vector<16xi32>
      %lt3A_244 = arith.cmpi slt, %bitcast3A_238, %lt3A_243 : vector<16xi32>
      %and3A_245 = arith.andi %ge3A_240, %lt3A_244 : vector<16xi1>
      %shift_right_arithmetic3A_246 = arith.constant 9 : i32
      %shift_right_arithmetic3A_247 = vector.broadcast %shift_right_arithmetic3A_246 : i32 to vector<16xi32>
      %shift_right_arithmetic3A_248 = arith.shrsi %bitcast3A_238, %shift_right_arithmetic3A_247 : vector<16xi32>
      %and3A_249 = arith.constant 511 : i32
      %and3A_250 = vector.broadcast %and3A_249 : i32 to vector<16xi32>
      %and3A_251 = arith.andi %shift_right_arithmetic3A_248, %and3A_250 : vector<16xi32>
      %mul3A_252 = arith.constant 512 : i32
      %mul3A_253 = vector.broadcast %mul3A_252 : i32 to vector<16xi32>
      %mul3A_254 = arith.muli %iota3A, %mul3A_253 : vector<16xi32>
      %add3A_255 = arith.addi %mul3A_254, %and3A_251 : vector<16xi32>
      tpu.vector_store_idx %arg6[%add3A_255], %broadcast_in_dim3A_31 masked %and3A_245 {add = true} : memref<8192xi32, #tpu.memory_space<vmem>>[vector<16xi32>], vector<16xi32>, vector<16xi1>
      %scan3A_256 = arith.constant 0 : i32
      scf.yield %scan3A_256 : i32
    }
    %scan3A_98 = arith.constant 80 : i32
    %scan3A_99 = arith.constant 0 : i32
    %scan3A_100 = arith.constant 0 : i32
    %scan3A_101 = arith.constant 32 : i32
    %scan3A_102 = arith.addi %scan3A_100, %scan3A_101 : i32
    %scan3A_103 = arith.constant 1 : i32
    %scan3A_104 = scf.for %scan3A_162 = %scan3A_100 to %scan3A_102 step %scan3A_103 iter_args(%scan3A_163 = %scan3A_99) -> (i32)  : i32 {
      %mul3A_164 = arith.constant 16 : i32
      %mul3A_165 = arith.muli %scan3A_162, %mul3A_164 : i32
      %add3A_166 = arith.constant 0 : i32
      %add3A_167 = arith.addi %add3A_166, %mul3A_165 : i32
      %get3A = arith.index_cast %add3A_167 : i32 to index
      %get3A_168 = tpu.vector_load %arg6[%get3A] {strides = array<i32>} : memref<8192xi32, #tpu.memory_space<vmem>>, vector<16xi32>,
      %add3A_169 = arith.addi %broadcast_in_dim3A_33, %get3A_168 : vector<16xi32>
      %mul3A_170 = arith.constant 16 : i32
      %mul3A_171 = arith.muli %scan3A_162, %mul3A_170 : i32
      %add3A_172 = arith.constant 512 : i32
      %add3A_173 = arith.addi %add3A_172, %mul3A_171 : i32
      %get3A_174 = arith.index_cast %add3A_173 : i32 to index
      %get3A_175 = tpu.vector_load %arg6[%get3A_174] {strides = array<i32>} : memref<8192xi32, #tpu.memory_space<vmem>>, vector<16xi32>,
      %add3A_176 = arith.addi %add3A_169, %get3A_175 : vector<16xi32>
      %mul3A_177 = arith.constant 16 : i32
      %mul3A_178 = arith.muli %scan3A_162, %mul3A_177 : i32
      %add3A_179 = arith.constant 1024 : i32
      %add3A_180 = arith.addi %add3A_179, %mul3A_178 : i32
      %get3A_181 = arith.index_cast %add3A_180 : i32 to index
      %get3A_182 = tpu.vector_load %arg6[%get3A_181] {strides = array<i32>} : memref<8192xi32, #tpu.memory_space<vmem>>, vector<16xi32>,
      %add3A_183 = arith.addi %add3A_176, %get3A_182 : vector<16xi32>
      %mul3A_184 = arith.constant 16 : i32
      %mul3A_185 = arith.muli %scan3A_162, %mul3A_184 : i32
      %add3A_186 = arith.constant 1536 : i32
      %add3A_187 = arith.addi %add3A_186, %mul3A_185 : i32
      %get3A_188 = arith.index_cast %add3A_187 : i32 to index
      %get3A_189 = tpu.vector_load %arg6[%get3A_188] {strides = array<i32>} : memref<8192xi32, #tpu.memory_space<vmem>>, vector<16xi32>,
      %add3A_190 = arith.addi %add3A_183, %get3A_189 : vector<16xi32>
      %mul3A_191 = arith.constant 16 : i32
      %mul3A_192 = arith.muli %scan3A_162, %mul3A_191 : i32
      %add3A_193 = arith.constant 2048 : i32
      %add3A_194 = arith.addi %add3A_193, %mul3A_192 : i32
      %get3A_195 = arith.index_cast %add3A_194 : i32 to index
      %get3A_196 = tpu.vector_load %arg6[%get3A_195] {strides = array<i32>} : memref<8192xi32, #tpu.memory_space<vmem>>, vector<16xi32>,
      %add3A_197 = arith.addi %add3A_190, %get3A_196 : vector<16xi32>
      %mul3A_198 = arith.constant 16 : i32
      %mul3A_199 = arith.muli %scan3A_162, %mul3A_198 : i32
      %add3A_200 = arith.constant 2560 : i32
      %add3A_201 = arith.addi %add3A_200, %mul3A_199 : i32
      %get3A_202 = arith.index_cast %add3A_201 : i32 to index
      %get3A_203 = tpu.vector_load %arg6[%get3A_202] {strides = array<i32>} : memref<8192xi32, #tpu.memory_space<vmem>>, vector<16xi32>,
      %add3A_204 = arith.addi %add3A_197, %get3A_203 : vector<16xi32>
      %mul3A_205 = arith.constant 16 : i32
      %mul3A_206 = arith.muli %scan3A_162, %mul3A_205 : i32
      %add3A_207 = arith.constant 3072 : i32
      %add3A_208 = arith.addi %add3A_207, %mul3A_206 : i32
      %get3A_209 = arith.index_cast %add3A_208 : i32 to index
      %get3A_210 = tpu.vector_load %arg6[%get3A_209] {strides = array<i32>} : memref<8192xi32, #tpu.memory_space<vmem>>, vector<16xi32>,
      %add3A_211 = arith.addi %add3A_204, %get3A_210 : vector<16xi32>
      %mul3A_212 = arith.constant 16 : i32
      %mul3A_213 = arith.muli %scan3A_162, %mul3A_212 : i32
      %add3A_214 = arith.constant 3584 : i32
      %add3A_215 = arith.addi %add3A_214, %mul3A_213 : i32
      %get3A_216 = arith.index_cast %add3A_215 : i32 to index
      %get3A_217 = tpu.vector_load %arg6[%get3A_216] {strides = array<i32>} : memref<8192xi32, #tpu.memory_space<vmem>>, vector<16xi32>,
      %add3A_218 = arith.addi %add3A_211, %get3A_217 : vector<16xi32>
      %mul3A_219 = arith.constant 16 : i32
      %mul3A_220 = arith.muli %scan3A_162, %mul3A_219 : i32
      %add3A_221 = arith.constant 4096 : i32
      %add3A_222 = arith.addi %add3A_221, %mul3A_220 : i32
      %get3A_223 = arith.index_cast %add3A_222 : i32 to index
      %get3A_224 = tpu.vector_load %arg6[%get3A_223] {strides = array<i32>} : memref<8192xi32, #tpu.memory_space<vmem>>, vector<16xi32>,
      %add3A_225 = arith.addi %add3A_218, %get3A_224 : vector<16xi32>
      %mul3A_226 = arith.constant 16 : i32
      %mul3A_227 = arith.muli %scan3A_162, %mul3A_226 : i32
      %add3A_228 = arith.constant 4608 : i32
      %add3A_229 = arith.addi %add3A_228, %mul3A_227 : i32
      %get3A_230 = arith.index_cast %add3A_229 : i32 to index
      %get3A_231 = tpu.vector_load %arg6[%get3A_230] {strides = array<i32>} : memref<8192xi32, #tpu.memory_space<vmem>>, vector<16xi32>,
      %add3A_232 = arith.addi %add3A_225, %get3A_231 : vector<16xi32>
      %mul3A_233 = arith.constant 16 : i32
      %mul3A_234 = arith.muli %scan3A_162, %mul3A_233 : i32
      %add3A_235 = arith.constant 5120 : i32
      %add3A_236 = arith.addi %add3A_235, %mul3A_234 : i32
      %get3A_237 = arith.index_cast %add3A_236 : i32 to index
      %get3A_238 = tpu.vector_load %arg6[%get3A_237] {strides = array<i32>} : memref<8192xi32, #tpu.memory_space<vmem>>, vector<16xi32>,
      %add3A_239 = arith.addi %add3A_232, %get3A_238 : vector<16xi32>
      %mul3A_240 = arith.constant 16 : i32
      %mul3A_241 = arith.muli %scan3A_162, %mul3A_240 : i32
      %add3A_242 = arith.constant 5632 : i32
      %add3A_243 = arith.addi %add3A_242, %mul3A_241 : i32
      %get3A_244 = arith.index_cast %add3A_243 : i32 to index
      %get3A_245 = tpu.vector_load %arg6[%get3A_244] {strides = array<i32>} : memref<8192xi32, #tpu.memory_space<vmem>>, vector<16xi32>,
      %add3A_246 = arith.addi %add3A_239, %get3A_245 : vector<16xi32>
      %mul3A_247 = arith.constant 16 : i32
      %mul3A_248 = arith.muli %scan3A_162, %mul3A_247 : i32
      %add3A_249 = arith.constant 6144 : i32
      %add3A_250 = arith.addi %add3A_249, %mul3A_248 : i32
      %get3A_251 = arith.index_cast %add3A_250 : i32 to index
      %get3A_252 = tpu.vector_load %arg6[%get3A_251] {strides = array<i32>} : memref<8192xi32, #tpu.memory_space<vmem>>, vector<16xi32>,
      %add3A_253 = arith.addi %add3A_246, %get3A_252 : vector<16xi32>
      %mul3A_254 = arith.constant 16 : i32
      %mul3A_255 = arith.muli %scan3A_162, %mul3A_254 : i32
      %add3A_256 = arith.constant 6656 : i32
      %add3A_257 = arith.addi %add3A_256, %mul3A_255 : i32
      %get3A_258 = arith.index_cast %add3A_257 : i32 to index
      %get3A_259 = tpu.vector_load %arg6[%get3A_258] {strides = array<i32>} : memref<8192xi32, #tpu.memory_space<vmem>>, vector<16xi32>,
      %add3A_260 = arith.addi %add3A_253, %get3A_259 : vector<16xi32>
      %mul3A_261 = arith.constant 16 : i32
      %mul3A_262 = arith.muli %scan3A_162, %mul3A_261 : i32
      %add3A_263 = arith.constant 7168 : i32
      %add3A_264 = arith.addi %add3A_263, %mul3A_262 : i32
      %get3A_265 = arith.index_cast %add3A_264 : i32 to index
      %get3A_266 = tpu.vector_load %arg6[%get3A_265] {strides = array<i32>} : memref<8192xi32, #tpu.memory_space<vmem>>, vector<16xi32>,
      %add3A_267 = arith.addi %add3A_260, %get3A_266 : vector<16xi32>
      %mul3A_268 = arith.constant 16 : i32
      %mul3A_269 = arith.muli %scan3A_162, %mul3A_268 : i32
      %add3A_270 = arith.constant 7680 : i32
      %add3A_271 = arith.addi %add3A_270, %mul3A_269 : i32
      %get3A_272 = arith.index_cast %add3A_271 : i32 to index
      %get3A_273 = tpu.vector_load %arg6[%get3A_272] {strides = array<i32>} : memref<8192xi32, #tpu.memory_space<vmem>>, vector<16xi32>,
      %add3A_274 = arith.addi %add3A_267, %get3A_273 : vector<16xi32>
      %mul3A_275 = arith.constant 16 : i32
      %mul3A_276 = arith.muli %scan3A_162, %mul3A_275 : i32
      %swap3A = arith.index_cast %mul3A_276 : i32 to index
      %swap3A_277 = tpu.vector_load %arg7[%swap3A] {strides = array<i32>} : memref<512xi32, #tpu.memory_space<vmem>>, vector<16xi32>,
      tpu.vector_store %arg7[%swap3A], %add3A_274 {strides = array<i32>} : memref<512xi32, #tpu.memory_space<vmem>>, vector<16xi32>,
      %scan3A_278 = arith.constant 0 : i32
      scf.yield %scan3A_278 : i32
    }
    %scan3A_105 = arith.constant 32 : i32
    "tpu.region"() ({
      %run_scoped3A = tpu.sem_alloc : memref<!tpu.dma_semaphore, #tpu.memory_space<semaphore_mem>>
      %dma_start3A = arith.constant 0 : i32
      %dma_start3A_162 = tpu.memref_slice %arg12[%arg1, %dma_start3A] : memref<16x512xi32, #tpu.memory_space<vmem_shared>> -> memref<1x512xi32, #tpu.memory_space<vmem_shared>>
      %dma_start3A_163 = tpu.memref_squeeze %dma_start3A_162 : memref<1x512xi32, #tpu.memory_space<vmem_shared>> -> memref<512xi32, #tpu.memory_space<vmem_shared>>
      %dma_start3A_164 = arith.constant 0 : i32
      %dma_start3A_165 = tpu.memref_slice %arg12[%arg1, %dma_start3A_164] : memref<16x512xi32, #tpu.memory_space<vmem_shared>> -> memref<1x512xi32, #tpu.memory_space<vmem_shared>>
      %dma_start3A_166 = tpu.memref_squeeze %dma_start3A_165 : memref<1x512xi32, #tpu.memory_space<vmem_shared>> -> memref<512xi32, #tpu.memory_space<vmem_shared>>
      tpu.enqueue_dma source(%arg7 : memref<512xi32, #tpu.memory_space<vmem>>) target(%dma_start3A_166 : memref<512xi32, #tpu.memory_space<vmem_shared>>) target_semaphore(%run_scoped3A : memref<!tpu.dma_semaphore, #tpu.memory_space<semaphore_mem>>)
      %dma_wait3A = arith.constant 0 : i32
      %dma_wait3A_167 = tpu.memref_slice %arg12[%arg1, %dma_wait3A] : memref<16x512xi32, #tpu.memory_space<vmem_shared>> -> memref<1x512xi32, #tpu.memory_space<vmem_shared>>
      %dma_wait3A_168 = tpu.memref_squeeze %dma_wait3A_167 : memref<1x512xi32, #tpu.memory_space<vmem_shared>> -> memref<512xi32, #tpu.memory_space<vmem_shared>>
      %dma_wait3A_169 = arith.constant 0 : i32
      %dma_wait3A_170 = tpu.memref_slice %arg12[%arg1, %dma_wait3A_169] : memref<16x512xi32, #tpu.memory_space<vmem_shared>> -> memref<1x512xi32, #tpu.memory_space<vmem_shared>>
      %dma_wait3A_171 = tpu.memref_squeeze %dma_wait3A_170 : memref<1x512xi32, #tpu.memory_space<vmem_shared>> -> memref<512xi32, #tpu.memory_space<vmem_shared>>
      tpu.wait_dma2 semaphore(%run_scoped3A : memref<!tpu.dma_semaphore, #tpu.memory_space<semaphore_mem>>) src(%arg7 : memref<512xi32, #tpu.memory_space<vmem>>) dst(%dma_wait3A_171 : memref<512xi32, #tpu.memory_space<vmem_shared>>)
      tpu.yield
    }) : () -> ()
    %barrier3A_106 = arith.constant 0 : index
    tpu.barrier barrier_id(%barrier3A_106)
    %mul3A_107 = arith.constant 4 : i32
    %mul3A_108 = arith.muli %select_n3A, %mul3A_107 : i32
    "tpu.region"() ({
      %run_scoped3A = tpu.sem_alloc : memref<!tpu.dma_semaphore, #tpu.memory_space<semaphore_mem>>
      %dma_start3A = arith.constant 0 : i32
      %dma_start3A_162 = tpu.memref_slice %arg12[%mul3A_108, %dma_start3A] : memref<16x512xi32, #tpu.memory_space<vmem_shared>> -> memref<4x512xi32, #tpu.memory_space<vmem_shared>>
      %dma_start3A_163 = arith.constant 0 : i32
      %dma_start3A_164 = tpu.memref_slice %arg12[%mul3A_108, %dma_start3A_163] : memref<16x512xi32, #tpu.memory_space<vmem_shared>> -> memref<4x512xi32, #tpu.memory_space<vmem_shared>>
      tpu.enqueue_dma source(%dma_start3A_164 : memref<4x512xi32, #tpu.memory_space<vmem_shared>>) target(%arg9 : memref<4x512xi32, #tpu.memory_space<vmem>>) target_semaphore(%run_scoped3A : memref<!tpu.dma_semaphore, #tpu.memory_space<semaphore_mem>>)
      %dma_wait3A = arith.constant 0 : i32
      %dma_wait3A_165 = tpu.memref_slice %arg12[%mul3A_108, %dma_wait3A] : memref<16x512xi32, #tpu.memory_space<vmem_shared>> -> memref<4x512xi32, #tpu.memory_space<vmem_shared>>
      %dma_wait3A_166 = arith.constant 0 : i32
      %dma_wait3A_167 = tpu.memref_slice %arg12[%mul3A_108, %dma_wait3A_166] : memref<16x512xi32, #tpu.memory_space<vmem_shared>> -> memref<4x512xi32, #tpu.memory_space<vmem_shared>>
      tpu.wait_dma2 semaphore(%run_scoped3A : memref<!tpu.dma_semaphore, #tpu.memory_space<semaphore_mem>>) src(%dma_wait3A_167 : memref<4x512xi32, #tpu.memory_space<vmem_shared>>) dst(%arg9 : memref<4x512xi32, #tpu.memory_space<vmem>>)
      tpu.yield
    }) : () -> ()
    %scan3A_109 = arith.constant 0 : i32
    %scan3A_110 = arith.constant 0 : i32
    %scan3A_111 = arith.constant 32 : i32
    %scan3A_112 = arith.addi %scan3A_110, %scan3A_111 : i32
    %scan3A_113 = arith.constant 1 : i32
    %scan3A_114 = scf.for %scan3A_162 = %scan3A_110 to %scan3A_112 step %scan3A_113 iter_args(%scan3A_163 = %scan3A_109) -> (i32)  : i32 {
      %mul3A_164 = arith.constant 16 : i32
      %mul3A_165 = arith.muli %scan3A_162, %mul3A_164 : i32
      %get3A = arith.constant 0 : i32
      %get3A_166 = arith.index_cast %get3A : i32 to index
      %get3A_167 = arith.index_cast %mul3A_165 : i32 to index
      %get3A_168 = tpu.vector_load %arg9[%get3A_166, %get3A_167] {strides = array<i32>} : memref<4x512xi32, #tpu.memory_space<vmem>>, vector<16xi32>,
      %mul3A_169 = arith.constant 16 : i32
      %mul3A_170 = arith.muli %scan3A_162, %mul3A_169 : i32
      %get3A_171 = arith.constant 1 : i32
      %get3A_172 = arith.index_cast %get3A_171 : i32 to index
      %get3A_173 = arith.index_cast %mul3A_170 : i32 to index
      %get3A_174 = tpu.vector_load %arg9[%get3A_172, %get3A_173] {strides = array<i32>} : memref<4x512xi32, #tpu.memory_space<vmem>>, vector<16xi32>,
      %add3A_175 = arith.addi %get3A_168, %get3A_174 : vector<16xi32>
      %mul3A_176 = arith.constant 16 : i32
      %mul3A_177 = arith.muli %scan3A_162, %mul3A_176 : i32
      %get3A_178 = arith.constant 2 : i32
      %get3A_179 = arith.index_cast %get3A_178 : i32 to index
      %get3A_180 = arith.index_cast %mul3A_177 : i32 to index
      %get3A_181 = tpu.vector_load %arg9[%get3A_179, %get3A_180] {strides = array<i32>} : memref<4x512xi32, #tpu.memory_space<vmem>>, vector<16xi32>,
      %add3A_182 = arith.addi %add3A_175, %get3A_181 : vector<16xi32>
      %mul3A_183 = arith.constant 16 : i32
      %mul3A_184 = arith.muli %scan3A_162, %mul3A_183 : i32
      %get3A_185 = arith.constant 3 : i32
      %get3A_186 = arith.index_cast %get3A_185 : i32 to index
      %get3A_187 = arith.index_cast %mul3A_184 : i32 to index
      %get3A_188 = tpu.vector_load %arg9[%get3A_186, %get3A_187] {strides = array<i32>} : memref<4x512xi32, #tpu.memory_space<vmem>>, vector<16xi32>,
      %add3A_189 = arith.addi %add3A_182, %get3A_188 : vector<16xi32>
      %mul3A_190 = arith.constant 16 : i32
      %mul3A_191 = arith.muli %scan3A_162, %mul3A_190 : i32
      %swap3A = arith.index_cast %mul3A_191 : i32 to index
      %swap3A_192 = tpu.vector_load %arg7[%swap3A] {strides = array<i32>} : memref<512xi32, #tpu.memory_space<vmem>>, vector<16xi32>,
      tpu.vector_store %arg7[%swap3A], %add3A_189 {strides = array<i32>} : memref<512xi32, #tpu.memory_space<vmem>>, vector<16xi32>,
      %scan3A_193 = arith.constant 0 : i32
      scf.yield %scan3A_193 : i32
    }
    %scan3A_115 = arith.constant 32 : i32
    %scan3A_116 = arith.constant 0 : i32
    %scan3A_117 = arith.constant 0 : i32
    %scan3A_118 = arith.constant 32 : i32
    %scan3A_119 = arith.addi %scan3A_117, %scan3A_118 : i32
    %scan3A_120 = arith.constant 1 : i32
    %scan3A_121 = scf.for %scan3A_162 = %scan3A_117 to %scan3A_119 step %scan3A_120 iter_args(%scan3A_163 = %scan3A_116) -> (i32)  : i32 {
      %mul3A_164 = arith.constant 16 : i32
      %mul3A_165 = arith.muli %scan3A_162, %mul3A_164 : i32
      %get3A = arith.index_cast %mul3A_165 : i32 to index
      %get3A_166 = tpu.vector_load %arg8[%get3A] {strides = array<i32>} : memref<512xi32, #tpu.memory_space<vmem>>, vector<16xi32>,
      %mul3A_167 = arith.constant 16 : i32
      %mul3A_168 = arith.muli %scan3A_162, %mul3A_167 : i32
      %add3A_169 = vector.broadcast %mul3A_168 : i32 to vector<16xi32>
      %add3A_170 = arith.addi %add3A_169, %iota3A : vector<16xi32>
      %gt3A_171 = vector.broadcast %scan3A_76#1 : i32 to vector<16xi32>
      %gt3A_172 = arith.cmpi sgt, %add3A_170, %gt3A_171 : vector<16xi32>
      %jit3A_173 = arith.constant 0 : i32
      %broadcast_in_dim3A_174 = vector.broadcast %jit3A_173 : i32 to vector<16xi32>
      %select_n3A_175 = arith.select %gt3A_172, %get3A_166, %broadcast_in_dim3A_174 : vector<16xi1>, vector<16xi32>
      %reduce_sum3A = arith.constant true
      %reduce_sum3A_176 = vector.broadcast %reduce_sum3A : i1 to vector<16xi1>
      %reduce_sum3A_177 = tpu.scan <sum>, %select_n3A_175 masked %reduce_sum3A_176 : vector<16xi32>, vector<16xi1> -> vector<16xi32>
      %reduce_sum3A_178 = vector.extract %reduce_sum3A_177[15] : i32 from vector<16xi32>
      %add3A_179 = arith.addi %scan3A_163, %reduce_sum3A_178 : i32
      scf.yield %add3A_179 : i32
    }
    %scan3A_122 = arith.constant 32 : i32
    %sub3A_123 = arith.constant 300 : i32
    %sub3A_124 = arith.subi %sub3A_123, %scan3A_121 : i32
    %scan3A_125 = arith.constant 0 : i32
    %scan3A_126 = arith.constant 0 : i32
    %scan3A_127 = arith.constant false
    %scan3A_128 = arith.constant 0 : i32
    %scan3A_129 = arith.constant 32 : i32
    %scan3A_130 = arith.addi %scan3A_128, %scan3A_129 : i32
    %scan3A_131 = arith.constant 1 : i32
    %scan3A_132:3 = scf.for %scan3A_162 = %scan3A_128 to %scan3A_130 step %scan3A_131 iter_args(%scan3A_163 = %scan3A_125, %scan3A_164 = %scan3A_126, %scan3A_165 = %scan3A_127) -> (i32, i32, i1)  : i32 {
      %sub3A_166 = arith.constant 31 : i32
      %sub3A_167 = arith.subi %sub3A_166, %scan3A_162 : i32
      %mul3A_168 = arith.constant 16 : i32
      %mul3A_169 = arith.muli %sub3A_167, %mul3A_168 : i32
      %get3A = arith.index_cast %mul3A_169 : i32 to index
      %get3A_170 = tpu.vector_load %arg7[%get3A] {strides = array<i32>} : memref<512xi32, #tpu.memory_space<vmem>>, vector<16xi32>,
      %rev3A = arith.constant 15 : i32
      %rev3A_171 = vector.broadcast %rev3A : i32 to vector<16xi32>
      %rev3A_172 = tpu.iota {dimensions = array<i32: 0>} : vector<16xi32>
      %rev3A_173 = arith.subi %rev3A_171, %rev3A_172 : vector<16xi32>
      %rev3A_174 = tpu.dynamic_gather %get3A_170[%rev3A_173] in [0] : vector<16xi32>, vector<16xi32> -> vector<16xi32>
      %broadcast_in_dim3A_175 = arith.constant true
      %broadcast_in_dim3A_176 = vector.broadcast %broadcast_in_dim3A_175 : i1 to vector<16xi1>
      %masked_cumsum3A = tpu.scan <sum>, %rev3A_174 masked %broadcast_in_dim3A_176 : vector<16xi32>, vector<16xi1> -> vector<16xi32>
      %reduce_max3A = arith.constant true
      %reduce_max3A_177 = vector.broadcast %reduce_max3A : i1 to vector<16xi1>
      %reduce_max3A_178 = arith.constant -2147483648 : i32
      %reduce_max3A_179 = vector.broadcast %reduce_max3A_178 : i32 to vector<16xi32>
      %reduce_max3A_180 = arith.xori %masked_cumsum3A, %reduce_max3A_179 : vector<16xi32>
      %reduce_max3A_181 = tpu.scan <max>, %reduce_max3A_180 masked %reduce_max3A_177 : vector<16xi32>, vector<16xi1> -> vector<16xi32>
      %reduce_max3A_182 = arith.xori %reduce_max3A_181, %reduce_max3A_179 : vector<16xi32>
      %reduce_max3A_183 = vector.extract %reduce_max3A_182[15] : i32 from vector<16xi32>
      %add3A_184 = vector.broadcast %scan3A_163 : i32 to vector<16xi32>
      %add3A_185 = arith.addi %add3A_184, %masked_cumsum3A : vector<16xi32>
      %ge3A = vector.broadcast %sub3A_124 : i32 to vector<16xi32>
      %ge3A_186 = arith.cmpi sge, %add3A_185, %ge3A : vector<16xi32>
      %convert_element_type3A = arith.extui %ge3A_186 : vector<16xi1> to vector<16xi32>
      %reduce_max3A_187 = arith.constant true
      %reduce_max3A_188 = vector.broadcast %reduce_max3A_187 : i1 to vector<16xi1>
      %reduce_max3A_189 = arith.constant -2147483648 : i32
      %reduce_max3A_190 = vector.broadcast %reduce_max3A_189 : i32 to vector<16xi32>
      %reduce_max3A_191 = arith.xori %convert_element_type3A, %reduce_max3A_190 : vector<16xi32>
      %reduce_max3A_192 = tpu.scan <max>, %reduce_max3A_191 masked %reduce_max3A_188 : vector<16xi32>, vector<16xi1> -> vector<16xi32>
      %reduce_max3A_193 = arith.xori %reduce_max3A_192, %reduce_max3A_190 : vector<16xi32>
      %reduce_max3A_194 = vector.extract %reduce_max3A_193[15] : i32 from vector<16xi32>
      %gt3A_195 = arith.constant 0 : i32
      %gt3A_196 = arith.cmpi sgt, %reduce_max3A_194, %gt3A_195 : i32
      %jit3A_197 = arith.constant 16 : i32
      %broadcast_in_dim3A_198 = vector.broadcast %jit3A_197 : i32 to vector<16xi32>
      %select_n3A_199 = arith.select %ge3A_186, %iota3A, %broadcast_in_dim3A_198 : vector<16xi1>, vector<16xi32>
      %reduce_min3A = arith.constant true
      %reduce_min3A_200 = vector.broadcast %reduce_min3A : i1 to vector<16xi1>
      %reduce_min3A_201 = arith.constant -2147483648 : i32
      %reduce_min3A_202 = vector.broadcast %reduce_min3A_201 : i32 to vector<16xi32>
      %reduce_min3A_203 = arith.xori %select_n3A_199, %reduce_min3A_202 : vector<16xi32>
      %reduce_min3A_204 = tpu.scan <min>, %reduce_min3A_203 masked %reduce_min3A_200 : vector<16xi32>, vector<16xi1> -> vector<16xi32>
      %reduce_min3A_205 = arith.xori %reduce_min3A_204, %reduce_min3A_202 : vector<16xi32>
      %reduce_min3A_206 = vector.extract %reduce_min3A_205[15] : i32 from vector<16xi32>
      %mul3A_207 = arith.constant 16 : i32
      %mul3A_208 = arith.muli %sub3A_167, %mul3A_207 : i32
      %add3A_209 = arith.constant 15 : i32
      %add3A_210 = arith.addi %mul3A_208, %add3A_209 : i32
      %sub3A_211 = arith.subi %add3A_210, %reduce_min3A_206 : i32
      %not3A = arith.constant true
      %not3A_212 = arith.xori %scan3A_165, %not3A : i1
      %and3A_213 = arith.andi %not3A_212, %gt3A_196 : i1
      %select_n3A_214 = arith.select %and3A_213, %sub3A_211, %scan3A_164 : i32
      %or3A = arith.ori %scan3A_165, %gt3A_196 : i1
      %jit3A_215 = arith.constant 0 : i32
      %select_n3A_216 = arith.select %or3A, %jit3A_215, %reduce_max3A_183 : i32
      %add3A_217 = arith.addi %scan3A_163, %select_n3A_216 : i32
      scf.yield %add3A_217, %select_n3A_214, %or3A : i32, i32, i1
    }
    %scan3A_133 = arith.constant 32 : i32
    %shift_left3A_134 = arith.constant 9 : i32
    %shift_left3A_135 = arith.shli %scan3A_132#1, %shift_left3A_134 : i32
    %jit3A_136 = arith.constant 0 : i32
    %select_n3A_137 = arith.select %scan3A_132#2, %shift_left3A_135, %jit3A_136 : i32
    %add3A_138 = arith.addi %select_n3A_84, %select_n3A_137 : i32
    %jit3A_139 = arith.constant -2147483648 : i32
    %select_n3A_140 = arith.select %and3A_79, %add3A_138, %jit3A_139 : i32
    %broadcast_in_dim3A_141 = arith.constant 0xFF800000 : f32
    %broadcast_in_dim3A_142 = vector.broadcast %broadcast_in_dim3A_141 : f32 to vector<16xf32>
    %scan3A_143 = arith.constant 0 : i32
    %scan3A_144 = arith.constant 0 : i32
    %scan3A_145 = arith.constant 9 : i32
    %scan3A_146 = arith.addi %scan3A_144, %scan3A_145 : i32
    %scan3A_147 = arith.constant 1 : i32
    %scan3A_148 = scf.for %scan3A_162 = %scan3A_144 to %scan3A_146 step %scan3A_147 iter_args(%scan3A_163 = %scan3A_143) -> (i32)  : i32 {
      %mul3A_164 = arith.constant 16 : i32
      %mul3A_165 = arith.muli %scan3A_162, %mul3A_164 : i32
      %swap3A = arith.index_cast %mul3A_165 : i32 to index
      %swap3A_166 = tpu.vector_load %arg10[%swap3A] {strides = array<i32>} : memref<144xf32, #tpu.memory_space<vmem>>, vector<16xf32>,
      tpu.vector_store %arg10[%swap3A], %broadcast_in_dim3A_142 {strides = array<i32>} : memref<144xf32, #tpu.memory_space<vmem>>, vector<16xf32>,
      %mul3A_167 = arith.constant 16 : i32
      %mul3A_168 = arith.muli %scan3A_162, %mul3A_167 : i32
      %swap3A_169 = arith.index_cast %mul3A_168 : i32 to index
      %swap3A_170 = tpu.vector_load %arg11[%swap3A_169] {strides = array<i32>} : memref<144xi32, #tpu.memory_space<vmem>>, vector<16xi32>,
      tpu.vector_store %arg11[%swap3A_169], %broadcast_in_dim3A_33 {strides = array<i32>} : memref<144xi32, #tpu.memory_space<vmem>>, vector<16xi32>,
      %scan3A_171 = arith.constant 0 : i32
      scf.yield %scan3A_171 : i32
    }
    %scan3A_149 = arith.constant 9 : i32
    %scan3A_150 = arith.constant 0 : i32
    %scan3A_151 = arith.constant 0 : i32
    %scan3A_152 = arith.constant 320 : i32
    %scan3A_153 = arith.addi %scan3A_151, %scan3A_152 : i32
    %scan3A_154 = arith.constant 1 : i32
    %scan3A_155 = scf.for %scan3A_162 = %scan3A_151 to %scan3A_153 step %scan3A_154 iter_args(%scan3A_163 = %scan3A_150) -> (i32)  : i32 {
      %mul3A_164 = arith.constant 16 : i32
      %mul3A_165 = arith.muli %scan3A_162, %mul3A_164 : i32
      %get3A = arith.index_cast %mul3A_165 : i32 to index
      %get3A_166 = tpu.vector_load %arg5[%get3A] {strides = array<i32>} : memref<5120xf32, #tpu.memory_space<vmem>>, vector<16xf32>,
      %bitcast3A = vector.bitcast %get3A_166 : vector<16xf32> to vector<16xi32>
      %ge3A = vector.broadcast %select_n3A_140 : i32 to vector<16xi32>
      %ge3A_167 = arith.cmpi sge, %bitcast3A, %ge3A : vector<16xi32>
      %mul3A_168 = arith.constant 5120 : i32
      %mul3A_169 = arith.muli %select_n3A_28, %mul3A_168 : i32
      %mul3A_170 = arith.constant 16 : i32
      %mul3A_171 = arith.muli %scan3A_162, %mul3A_170 : i32
      %add3A_172 = arith.addi %mul3A_169, %mul3A_171 : i32
      %add3A_173 = vector.broadcast %add3A_172 : i32 to vector<16xi32>
      %add3A_174 = arith.addi %add3A_173, %iota3A : vector<16xi32>
      %swap3A = arith.index_cast %scan3A_163 : i32 to index
      %swap3A_175 = tpu.vector_load %arg10[%swap3A] masked %ge3A_167 {strides = array<i32>} : memref<144xf32, #tpu.memory_space<vmem>>, vector<16xf32>, vector<16xi1>
      tpu.vector_store %arg10[%swap3A], %get3A_166 masked %ge3A_167 {strides = array<i32>} : memref<144xf32, #tpu.memory_space<vmem>>, vector<16xf32>, vector<16xi1>
      %swap3A_176 = arith.index_cast %scan3A_163 : i32 to index
      %swap3A_177 = tpu.vector_load %arg11[%swap3A_176] masked %ge3A_167 {strides = array<i32>} : memref<144xi32, #tpu.memory_space<vmem>>, vector<16xi32>, vector<16xi1>
      tpu.vector_store %arg11[%swap3A_176], %add3A_174 masked %ge3A_167 {strides = array<i32>} : memref<144xi32, #tpu.memory_space<vmem>>, vector<16xi32>, vector<16xi1>
      %all_reduce_population_count3A = tpu.all_reduce %ge3A_167 {dim = 0 : i64, kind = #tpu.reduction_kind<sum>} : vector<16xi1> -> vector<16xi32>
      %reduce_max3A = arith.constant true
      %reduce_max3A_178 = vector.broadcast %reduce_max3A : i1 to vector<16xi1>
      %reduce_max3A_179 = arith.constant -2147483648 : i32
      %reduce_max3A_180 = vector.broadcast %reduce_max3A_179 : i32 to vector<16xi32>
      %reduce_max3A_181 = arith.xori %all_reduce_population_count3A, %reduce_max3A_180 : vector<16xi32>
      %reduce_max3A_182 = tpu.scan <max>, %reduce_max3A_181 masked %reduce_max3A_178 : vector<16xi32>, vector<16xi1> -> vector<16xi32>
      %reduce_max3A_183 = arith.xori %reduce_max3A_182, %reduce_max3A_180 : vector<16xi32>
      %reduce_max3A_184 = vector.extract %reduce_max3A_183[15] : i32 from vector<16xi32>
      %add3A_185 = arith.addi %scan3A_163, %reduce_max3A_184 : i32
      %min3A = arith.constant 128 : i32
      %min3A_186 = arith.minsi %add3A_185, %min3A : i32
      scf.yield %min3A_186 : i32
    }
    %scan3A_156 = arith.constant 320 : i32
    %mul3A_157 = arith.constant 4 : i32
    %mul3A_158 = arith.muli %add3A_30, %mul3A_157 : i32
    %add3A_159 = arith.addi %mul3A_158, %select_n3A_28 : i32
    %mul3A_160 = arith.constant 128 : i32
    %mul3A_161 = arith.muli %add3A_159, %mul3A_160 : i32
    "tpu.region"() ({
      %run_scoped3A = tpu.sem_alloc : memref<!tpu.dma_semaphore, #tpu.memory_space<semaphore_mem>>
      %dma_start3A = arith.constant 0 : i32
      %dma_start3A_162 = tpu.memref_slice %arg10[%dma_start3A] : memref<144xf32, #tpu.memory_space<vmem>> -> memref<128xf32, #tpu.memory_space<vmem>>
      %dma_start3A_163 = tpu.memref_slice %arg3[%mul3A_161] : memref<4096xf32, #tpu.memory_space<hbm>> -> memref<128xf32, #tpu.memory_space<hbm>>
      %dma_start3A_164 = tpu.memref_slice %arg3[%mul3A_161] : memref<4096xf32, #tpu.memory_space<hbm>> -> memref<128xf32, #tpu.memory_space<hbm>>
      %dma_start3A_165 = arith.constant 0 : i32
      %dma_start3A_166 = tpu.memref_slice %arg10[%dma_start3A_165] : memref<144xf32, #tpu.memory_space<vmem>> -> memref<128xf32, #tpu.memory_space<vmem>>
      tpu.enqueue_dma source(%dma_start3A_166 : memref<128xf32, #tpu.memory_space<vmem>>) target(%dma_start3A_164 : memref<128xf32, #tpu.memory_space<hbm>>) target_semaphore(%run_scoped3A : memref<!tpu.dma_semaphore, #tpu.memory_space<semaphore_mem>>)
      %dma_wait3A = arith.constant 0 : i32
      %dma_wait3A_167 = tpu.memref_slice %arg10[%dma_wait3A] : memref<144xf32, #tpu.memory_space<vmem>> -> memref<128xf32, #tpu.memory_space<vmem>>
      %dma_wait3A_168 = tpu.memref_slice %arg3[%mul3A_161] : memref<4096xf32, #tpu.memory_space<hbm>> -> memref<128xf32, #tpu.memory_space<hbm>>
      %dma_wait3A_169 = tpu.memref_slice %arg3[%mul3A_161] : memref<4096xf32, #tpu.memory_space<hbm>> -> memref<128xf32, #tpu.memory_space<hbm>>
      %dma_wait3A_170 = arith.constant 0 : i32
      %dma_wait3A_171 = tpu.memref_slice %arg10[%dma_wait3A_170] : memref<144xf32, #tpu.memory_space<vmem>> -> memref<128xf32, #tpu.memory_space<vmem>>
      tpu.wait_dma2 semaphore(%run_scoped3A : memref<!tpu.dma_semaphore, #tpu.memory_space<semaphore_mem>>) src(%dma_wait3A_171 : memref<128xf32, #tpu.memory_space<vmem>>) dst(%dma_wait3A_169 : memref<128xf32, #tpu.memory_space<hbm>>)
      tpu.yield
    }) : () -> ()
    "tpu.region"() ({
      %run_scoped3A = tpu.sem_alloc : memref<!tpu.dma_semaphore, #tpu.memory_space<semaphore_mem>>
      %dma_start3A = arith.constant 0 : i32
      %dma_start3A_162 = tpu.memref_slice %arg11[%dma_start3A] : memref<144xi32, #tpu.memory_space<vmem>> -> memref<128xi32, #tpu.memory_space<vmem>>
      %dma_start3A_163 = tpu.memref_slice %arg4[%mul3A_161] : memref<4096xi32, #tpu.memory_space<hbm>> -> memref<128xi32, #tpu.memory_space<hbm>>
      %dma_start3A_164 = tpu.memref_slice %arg4[%mul3A_161] : memref<4096xi32, #tpu.memory_space<hbm>> -> memref<128xi32, #tpu.memory_space<hbm>>
      %dma_start3A_165 = arith.constant 0 : i32
      %dma_start3A_166 = tpu.memref_slice %arg11[%dma_start3A_165] : memref<144xi32, #tpu.memory_space<vmem>> -> memref<128xi32, #tpu.memory_space<vmem>>
      tpu.enqueue_dma source(%dma_start3A_166 : memref<128xi32, #tpu.memory_space<vmem>>) target(%dma_start3A_164 : memref<128xi32, #tpu.memory_space<hbm>>) target_semaphore(%run_scoped3A : memref<!tpu.dma_semaphore, #tpu.memory_space<semaphore_mem>>)
      %dma_wait3A = arith.constant 0 : i32
      %dma_wait3A_167 = tpu.memref_slice %arg11[%dma_wait3A] : memref<144xi32, #tpu.memory_space<vmem>> -> memref<128xi32, #tpu.memory_space<vmem>>
      %dma_wait3A_168 = tpu.memref_slice %arg4[%mul3A_161] : memref<4096xi32, #tpu.memory_space<hbm>> -> memref<128xi32, #tpu.memory_space<hbm>>
      %dma_wait3A_169 = tpu.memref_slice %arg4[%mul3A_161] : memref<4096xi32, #tpu.memory_space<hbm>> -> memref<128xi32, #tpu.memory_space<hbm>>
      %dma_wait3A_170 = arith.constant 0 : i32
      %dma_wait3A_171 = tpu.memref_slice %arg11[%dma_wait3A_170] : memref<144xi32, #tpu.memory_space<vmem>> -> memref<128xi32, #tpu.memory_space<vmem>>
      tpu.wait_dma2 semaphore(%run_scoped3A : memref<!tpu.dma_semaphore, #tpu.memory_space<semaphore_mem>>) src(%dma_wait3A_171 : memref<128xi32, #tpu.memory_space<vmem>>) dst(%dma_wait3A_169 : memref<128xi32, #tpu.memory_space<hbm>>)
      tpu.yield
    }) : () -> ()
    return
  }
}

module attributes {stable_mosaic.version = 14 : i64} {
  func.func @_fused_body(%arg0: i32, %arg1: i32, %arg2: memref<1x4000x256xf32, #tpu.memory_space<vmem>>, %arg3: memref<80x256xf32, #tpu.memory_space<vmem>>, %arg4: memref<1x1x8x500xf32, #tpu.memory_space<vmem>>) attributes {dimension_semantics = [#tpu.dimension_semantics<arbitrary>, #tpu.dimension_semantics<arbitrary>], iteration_bounds = array<i64: 8, 5>, scalar_prefetch = 0 : i64, scratch_operands = 0 : i64, tpu.core_type = #tpu.core_type<tc>, window_params = [{transform_indices = @transform_0, window_bounds = array<i64: 1, 4000, 256>}, {pipeline_mode = #tpu.pipeline_mode<synchronous>, transform_indices = @transform_1, window_bounds = array<i64: 80, 256>}, {transform_indices = @transform_2, window_bounds = array<i64: 1, 1, 8, 500>}]} {
    %get3A = arith.constant 0 : index
    %get3A_0 = arith.constant 0 : index
    %get3A_1 = vector.load %arg3[%get3A, %get3A_0] : memref<80x256xf32, #tpu.memory_space<vmem>>, vector<80x256xf32>
    %reduce_sum3A = arith.constant dense<0.000000e+00> : vector<80xf32>
    %reduce_sum3A_2 = vector.multi_reduction <add>, %get3A_1, %reduce_sum3A [1] : vector<80x256xf32> to vector<80xf32>
    %broadcast_in_dim3A = vector.shape_cast %reduce_sum3A_2 : vector<80xf32> to vector<80x1xf32>
    %eq3A = arith.constant 0.000000e+00 : f32
    %eq3A_3 = vector.broadcast %eq3A : f32 to vector<80x1xf32>
    %eq3A_4 = arith.cmpf oeq, %broadcast_in_dim3A, %eq3A_3 : vector<80x1xf32>
    %jit3A = arith.constant 1.000000e+00 : f32
    %broadcast_in_dim3A_5 = vector.broadcast %jit3A : f32 to vector<80x1xf32>
    %select_n3A = arith.select %eq3A_4, %broadcast_in_dim3A_5, %broadcast_in_dim3A : vector<80x1xi1>, vector<80x1xf32>
    %div3A = vector.broadcast %select_n3A : vector<80x1xf32> to vector<80x256xf32>
    %div3A_6 = arith.divf %get3A_1, %div3A : vector<80x256xf32>
    %get3A_7 = arith.constant 0 : index
    %get3A_8 = arith.constant 0 : index
    %get3A_9 = arith.constant 0 : index
    %get3A_10 = vector.load %arg2[%get3A_7, %get3A_8, %get3A_9] : memref<1x4000x256xf32, #tpu.memory_space<vmem>>, vector<1x4000x256xf32>
    %get3A_11 = vector.shape_cast %get3A_10 : vector<1x4000x256xf32> to vector<4000x256xf32>
    %logistic3A = arith.negf %get3A_11 : vector<4000x256xf32>
    %logistic3A_12 = math.exp %logistic3A : vector<4000x256xf32>
    %logistic3A_13 = arith.constant 1.000000e+00 : f32
    %logistic3A_14 = vector.broadcast %logistic3A_13 : f32 to vector<4000x256xf32>
    %logistic3A_15 = arith.addf %logistic3A_14, %logistic3A_12 : vector<4000x256xf32>
    %logistic3A_16 = arith.divf %logistic3A_14, %logistic3A_15 : vector<4000x256xf32>
    %dot_general3A = arith.constant dense<0.000000e+00> : vector<4000x80xf32>
    %dot_general3A_17 = tpu.matmul %logistic3A_16, %div3A_6, %dot_general3A {dimension_numbers = #tpu.dot_dimension_numbers<[1], [1], [0], [0], [0, 0, 1, 0], [], []>, transpose_lhs_hint = false} : vector<4000x256xf32>, vector<80x256xf32>, vector<4000x80xf32> -> vector<4000x80xf32>
    %reshape3A = vector.shape_cast %dot_general3A_17 : vector<4000x80xf32> to vector<8x500x80xf32>
    %reduce_max3A = arith.constant dense<0xFF800000> : vector<8x500xf32>
    %reduce_max3A_18 = vector.multi_reduction <maximumf>, %reshape3A, %reduce_max3A [2] : vector<8x500x80xf32> to vector<8x500xf32>
    %swap3A = arith.constant 0 : index
    %swap3A_19 = arith.constant 0 : index
    %swap3A_20 = arith.constant 0 : index
    %swap3A_21 = arith.constant 0 : index
    %swap3A_22 = vector.load %arg4[%swap3A, %swap3A_19, %swap3A_20, %swap3A_21] : memref<1x1x8x500xf32, #tpu.memory_space<vmem>>, vector<1x1x8x500xf32>
    %swap3A_23 = vector.shape_cast %swap3A_22 : vector<1x1x8x500xf32> to vector<8x500xf32>
    %swap3A_24 = vector.shape_cast %reduce_max3A_18 : vector<8x500xf32> to vector<1x1x8x500xf32>
    tpu.vector_store %arg4[%swap3A, %swap3A_19, %swap3A_20, %swap3A_21], %swap3A_24 {strides = array<i32>} : memref<1x1x8x500xf32, #tpu.memory_space<vmem>>, vector<1x1x8x500xf32>,
    return
  }
  func.func @transform_0(%arg0: i32, %arg1: i32) -> (i32, i32, i32) {
    %c0_i32 = arith.constant 0 : i32
    %c0_i32_0 = arith.constant 0 : i32
    return %arg0, %arg1, %c0_i32 : i32, i32, i32
  }
  func.func @transform_1(%arg0: i32, %arg1: i32) -> (i32, i32) {
    %c0_i32 = arith.constant 0 : i32
    %c0_i32_0 = arith.constant 0 : i32
    %c0_i32_1 = arith.constant 0 : i32
    return %c0_i32, %c0_i32_0 : i32, i32
  }
  func.func @transform_2(%arg0: i32, %arg1: i32) -> (i32, i32, i32, i32) {
    %c0_i32 = arith.constant 0 : i32
    %c0_i32_0 = arith.constant 0 : i32
    %c0_i32_1 = arith.constant 0 : i32
    return %arg0, %arg1, %c0_i32, %c0_i32_0 : i32, i32, i32, i32
  }
}

module attributes {stable_mosaic.version = 14 : i64} {
  func.func @_cand_body(%arg0: i32, %arg1: memref<1x304x256xf32, #tpu.memory_space<vmem>>, %arg2: memref<80x256xf32, #tpu.memory_space<vmem>>, %arg3: memref<1x304x80xf32, #tpu.memory_space<vmem>>) attributes {dimension_semantics = [#tpu.dimension_semantics<arbitrary>], iteration_bounds = array<i64: 8>, scalar_prefetch = 0 : i64, scratch_operands = 0 : i64, tpu.core_type = #tpu.core_type<tc>, window_params = [{transform_indices = @transform_0, window_bounds = array<i64: 1, 304, 256>}, {pipeline_mode = #tpu.pipeline_mode<synchronous>, transform_indices = @transform_1, window_bounds = array<i64: 80, 256>}, {transform_indices = @transform_2, window_bounds = array<i64: 1, 304, 80>}]} {
    %get3A = arith.constant 0 : index
    %get3A_0 = arith.constant 0 : index
    %get3A_1 = vector.load %arg2[%get3A, %get3A_0] : memref<80x256xf32, #tpu.memory_space<vmem>>, vector<80x256xf32>
    %reduce_sum3A = arith.constant dense<0.000000e+00> : vector<80xf32>
    %reduce_sum3A_2 = vector.multi_reduction <add>, %get3A_1, %reduce_sum3A [1] : vector<80x256xf32> to vector<80xf32>
    %broadcast_in_dim3A = vector.shape_cast %reduce_sum3A_2 : vector<80xf32> to vector<80x1xf32>
    %eq3A = arith.constant 0.000000e+00 : f32
    %eq3A_3 = vector.broadcast %eq3A : f32 to vector<80x1xf32>
    %eq3A_4 = arith.cmpf oeq, %broadcast_in_dim3A, %eq3A_3 : vector<80x1xf32>
    %jit3A = arith.constant 1.000000e+00 : f32
    %broadcast_in_dim3A_5 = vector.broadcast %jit3A : f32 to vector<80x1xf32>
    %select_n3A = arith.select %eq3A_4, %broadcast_in_dim3A_5, %broadcast_in_dim3A : vector<80x1xi1>, vector<80x1xf32>
    %div3A = vector.broadcast %select_n3A : vector<80x1xf32> to vector<80x256xf32>
    %div3A_6 = arith.divf %get3A_1, %div3A : vector<80x256xf32>
    %get3A_7 = arith.constant 0 : index
    %get3A_8 = arith.constant 0 : index
    %get3A_9 = arith.constant 0 : index
    %get3A_10 = vector.load %arg1[%get3A_7, %get3A_8, %get3A_9] : memref<1x304x256xf32, #tpu.memory_space<vmem>>, vector<1x304x256xf32>
    %get3A_11 = vector.shape_cast %get3A_10 : vector<1x304x256xf32> to vector<304x256xf32>
    %logistic3A = arith.negf %get3A_11 : vector<304x256xf32>
    %logistic3A_12 = math.exp %logistic3A : vector<304x256xf32>
    %logistic3A_13 = arith.constant 1.000000e+00 : f32
    %logistic3A_14 = vector.broadcast %logistic3A_13 : f32 to vector<304x256xf32>
    %logistic3A_15 = arith.addf %logistic3A_14, %logistic3A_12 : vector<304x256xf32>
    %logistic3A_16 = arith.divf %logistic3A_14, %logistic3A_15 : vector<304x256xf32>
    %dot_general3A = arith.constant dense<0.000000e+00> : vector<304x80xf32>
    %dot_general3A_17 = tpu.matmul %logistic3A_16, %div3A_6, %dot_general3A {dimension_numbers = #tpu.dot_dimension_numbers<[1], [1], [0], [0], [0, 0, 1, 0], [], []>, transpose_lhs_hint = false} : vector<304x256xf32>, vector<80x256xf32>, vector<304x80xf32> -> vector<304x80xf32>
    %iota3A = tpu.iota {dimensions = array<i32: 0>} : vector<304x80xi32>
    %lt3A = arith.constant 300 : i32
    %lt3A_18 = vector.broadcast %lt3A : i32 to vector<304x80xi32>
    %lt3A_19 = arith.cmpi slt, %iota3A, %lt3A_18 : vector<304x80xi32>
    %jit3A_20 = arith.constant 0xFF800000 : f32
    %broadcast_in_dim3A_21 = vector.broadcast %jit3A_20 : f32 to vector<304x80xf32>
    %select_n3A_22 = arith.select %lt3A_19, %dot_general3A_17, %broadcast_in_dim3A_21 : vector<304x80xi1>, vector<304x80xf32>
    %swap3A = arith.constant 0 : index
    %swap3A_23 = arith.constant 0 : index
    %swap3A_24 = arith.constant 0 : index
    %swap3A_25 = vector.load %arg3[%swap3A, %swap3A_23, %swap3A_24] : memref<1x304x80xf32, #tpu.memory_space<vmem>>, vector<1x304x80xf32>
    %swap3A_26 = vector.shape_cast %swap3A_25 : vector<1x304x80xf32> to vector<304x80xf32>
    %swap3A_27 = vector.shape_cast %select_n3A_22 : vector<304x80xf32> to vector<1x304x80xf32>
    tpu.vector_store %arg3[%swap3A, %swap3A_23, %swap3A_24], %swap3A_27 {strides = array<i32>} : memref<1x304x80xf32, #tpu.memory_space<vmem>>, vector<1x304x80xf32>,
    return
  }
  func.func @transform_0(%arg0: i32) -> (i32, i32, i32) {
    %c0_i32 = arith.constant 0 : i32
    %c0_i32_0 = arith.constant 0 : i32
    %c0_i32_1 = arith.constant 0 : i32
    return %arg0, %c0_i32, %c0_i32_0 : i32, i32, i32
  }
  func.func @transform_1(%arg0: i32) -> (i32, i32) {
    %c0_i32 = arith.constant 0 : i32
    %c0_i32_0 = arith.constant 0 : i32
    %c0_i32_1 = arith.constant 0 : i32
    return %c0_i32, %c0_i32_0 : i32, i32
  }
  func.func @transform_2(%arg0: i32) -> (i32, i32, i32) {
    %c0_i32 = arith.constant 0 : i32
    %c0_i32_0 = arith.constant 0 : i32
    %c0_i32_1 = arith.constant 0 : i32
    return %arg0, %c0_i32, %c0_i32_0 : i32, i32, i32
  }
}

</mosaic_0001>

<sc_bundles>
// kernel: gather_offload_async_start.1
scs
__scs_entry_jumppad:
0x0: {  	(pc) =	sbr.rel $0x88, $3  }
0x1: {  	(tag) =	ssettag $0x0;
	lr =	simm.s32 $0x1  }
0x2: {  	[smem:$0x3F9D] =	sst lr;
	_ =	strace $0xD0000000  }
0x3: {  	_ = 	snop  }
0x4: {  	_ = 	snop  }
0x5: {  	_ = 	snop  }
0x6: {  	_ = 	snop  }
0x7: {  	_ = 	snop  }
__scs_overlays_trampoline_lowered:
0x8: {  	[smem:$0x3FAC] =	sst s0  }
0x9: {  	[smem:$0x3FAD] =	sst s1  }
0xa: {  	[smem:$0x3FAE] =	sst s2  }
0xb: {  	[smem:$0x3FAF] =	sst s3  }
0xc: {  	[smem:$0x3FB0] =	sst s4  }
0xd: {  	[smem:$0x3FB1] =	sst s5  }
0xe: {  	[smem:$0x3FB2] =	sst s6  }
0xf: {  	[smem:$0x3FB3] =	sst s7  }
0x10: {  	[smem:$0x3FB4] =	sst s8  }
0x11: {  	[smem:$0x3FB5] =	sst s9;
	s0 =	simm.s32 @!p0 $0x0  }
0x12: {  	s1 =	sld [smem:$0x3F9B];
	s0 =	simm.s32 @p0 $0x1  }
0x13: {  	[smem:$0x3FB6] =	sst s0;
	s0 =	simm.s32 @!p1 $0x0  }
0x14: {  	s2 =	sld [smem:$0x3F9A];
	s0 =	simm.s32 @p1 $0x1  }
0x15: {  	[smem:$0x3FB7] =	sst s0;
	s0 =	simm.s32 @!p2 $0x0  }
0x16: {  	s3 =	sld [smem:$0x3FDB];
	s0 =	simm.s32 @p2 $0x1  }
0x17: {  	s4 =	simm.s32 $0x1BF5;
	[smem:$0x3FB9] =	sst s0  }
0x18: {  	s0 =	sld [smem:$0x3F9C];
	_ =	swait.ge [sflag:s4], $0x0  }
0x19: {  	s7 =	sld [smem:$0x3F9D]  }
0x1a: {  	s8 =	sadd.s32 $0xFFFFE003, lr  }
0x1b: {  	s9 =	sadd.s32 $0xFFFFFEF7, lr;
	s5 =	simm.s32 $0xFFFFFFFF;
	p2 =	slt.u32 s8, $0xFFFFF086  }
0x1c: {  	p1 =	slt.u32 s9, $0xF7A;
	s5 =	simm.s32 @!p2 $0x0  }
0x1d: {  	s5 =	simm.s32 @p1 $0x1;
	p0 =	seq.s32 s7, s2  }
0x1e: {  	s7 =	smul.u32 @!p0 $0xF7A, s2;
	p2 =	seq.s32 @!p0 s5, $0x0  }
0x1f: {  	s9 =	smul.u32 $0xF7A, s1;
	s8 =	simm.s32 @!p0 $0x1BF5;
	p2 =	por !p2, p0  }
0x20: {  	[sflag:s8] =	ssyncset.s32 @!p0 $0xFFFFF086;
	s6 =	sadd.s32 @!p0 s3, s7;
	s7 =	simm.s32 @!p0 $0x108  }
0x21: {  	s3 =	sadd.s32 s3, s9;
	s6 =	sadd.s32 @!p0 $0x88, s6;
	s7 =	simm.s32 @p2 $0x1082  }
0x22: {  	[simem:s7], [sflag:s8] =	dma.local @!p0 [hbm:s6], $0xF7A  }
0x23: {  	s9 =	sor.u32 $0xD0000000, s2;
	s6 =	simm.s32 $0x108;
	_ =	swait.ge @!p0 [sflag:s8], $0x0  }
0x24: {  	s3 =	sadd.s32 $0x88, s3;
	s6 =	simm.s32 @!p1 $0x1082;
	[sflag:s4] =	ssyncset.s32 $0xFFFFF086  }
0x25: {  	[simem:s6], [sflag:s4] =	dma.local [hbm:s3], $0xF7A  }
0x26: {  	[smem:$0x3F9D] =	sst s1;
	(tag) =	ssettag s2;
	_ =	strace s9  }
0x27: {  	s1 =	sld [smem:$0x3FAD]  }
0x28: {  	s2 =	sld [smem:$0x3FAE]  }
0x29: {  	s4 =	sld [smem:$0x3FB0]  }
0x2a: {  	p0 =	seq.s32 s5, $0x0;
	s5 =	sld [smem:$0x3FB1]  }
0x2b: {  	s6 =	sld [smem:$0x3FB2]  }
0x2c: {  	s7 =	sld [smem:$0x3FB3]  }
0x2d: {  	s3 =	simm.s32 $0x108;
	s8 =	sld [smem:$0x3FB4]  }
0x2e: {  	s3 =	simm.s32 @!p0 $0x1082;
	s9 =	sld [smem:$0x3FB5]  }
0x2f: {  	lr =	sadd.s32 s0, s3;
	s0 =	sld [smem:$0x3FAC]  }
0x30: {  	s3 =	sld [smem:$0x3FAF]  }
0x31: {  	[smem:$0x3FB8] =	sst s10  }
0x32: {  	s10 =	sld [smem:$0x3FB6];
	_ =	sdelay $0x3  }
0x33: {  	p0 =	seq.s32 s10, $0x1;
	s10 =	sld [smem:$0x3FB8];
	_ =	sdelay $0x3  }
0x34: {  	[smem:$0x3FB8] =	sst s10  }
0x35: {  	s10 =	sld [smem:$0x3FB7];
	_ =	sdelay $0x3  }
0x36: {  	p1 =	seq.s32 s10, $0x1;
	s10 =	sld [smem:$0x3FB8];
	_ =	sdelay $0x3  }
0x37: {  	[smem:$0x3FB8] =	sst s10  }
0x38: {  	s10 =	sld [smem:$0x3FB9]  }
0x39: {  	_ = 	snop;
	(pc) =	sbr.ind lr, $3  }
0x3a: {  	_ = 	snop  }
0x3b: {  	_ = 	snop  }
0x3c: {  	p2 =	seq.s32 s10, $0x1;
	s10 =	sld [smem:$0x3FB8]  }
0x3d: {  	_ =	shalt  }
0x3e: {  	_ =	shalt  }
0x3f: {  	_ =	shalt  }
0x40: {  	_ =	shalt  }
0x41: {  	_ =	shalt  }
0x42: {  	_ =	shalt  }
0x43: {  	_ =	shalt  }
0x44: {  	_ =	shalt  }
0x45: {  	_ =	shalt  }
0x46: {  	_ =	shalt  }
0x47: {  	_ =	shalt  }
0x48: {  	_ =	shalt  }
0x49: {  	_ =	shalt  }
0x4a: {  	_ =	shalt  }
0x4b: {  	_ =	shalt  }
0x4c: {  	_ =	shalt  }
0x4d: {  	_ =	shalt  }
0x4e: {  	_ =	shalt  }
0x4f: {  	_ =	shalt  }
0x50: {  	_ =	shalt  }
0x51: {  	_ =	shalt  }
0x52: {  	_ =	shalt  }
0x53: {  	_ =	shalt  }
0x54: {  	_ =	shalt  }
0x55: {  	_ =	shalt  }
0x56: {  	_ =	shalt  }
0x57: {  	_ =	shalt  }
0x58: {  	_ =	shalt  }
0x59: {  	_ =	shalt  }
0x5a: {  	_ =	shalt  }
0x5b: {  	_ =	shalt  }
0x5c: {  	_ =	shalt  }
0x5d: {  	_ =	shalt  }
0x5e: {  	_ =	shalt  }
0x5f: {  	_ =	shalt  }
0x60: {  	_ =	shalt  }
0x61: {  	_ =	shalt  }
0x62: {  	_ =	shalt  }
0x63: {  	_ =	shalt  }
0x64: {  	_ =	shalt  }
0x65: {  	_ =	shalt  }
0x66: {  	_ =	shalt  }
0x67: {  	_ =	shalt  }
0x68: {  	_ =	shalt  }
0x69: {  	_ =	shalt  }
0x6a: {  	_ =	shalt  }
0x6b: {  	_ =	shalt  }
0x6c: {  	_ =	shalt  }
0x6d: {  	_ =	shalt  }
0x6e: {  	_ =	shalt  }
0x6f: {  	_ =	shalt  }
0x70: {  	_ =	shalt  }
0x71: {  	_ =	shalt  }
0x72: {  	_ =	shalt  }
0x73: {  	_ =	shalt  }
0x74: {  	_ =	shalt  }
0x75: {  	_ =	shalt  }
0x76: {  	_ =	shalt  }
0x77: {  	_ =	shalt  }
0x78: {  	_ =	shalt  }
0x79: {  	_ =	shalt  }
0x7a: {  	_ =	shalt  }
0x7b: {  	_ =	shalt  }
0x7c: {  	_ =	shalt  }
0x7d: {  	_ =	shalt  }
0x7e: {  	_ =	shalt  }
0x7f: {  	_ =	shalt  }
0x80: {  	_ =	shalt  }
0x81: {  	_ =	shalt  }
0x82: {  	_ =	shalt  }
0x83: {  	_ =	shalt  }
0x84: {  	_ =	shalt  }
0x85: {  	_ =	shalt  }
0x86: {  	_ =	shalt  }
0x87: {  	_ =	shalt  }
.Lfunc_end0:
.L_simem_size_0:
called_computation.1_lowered:
.L_overlay_start_0:
0x88: {  	s2 =	sld [smem:$0x3FD9]  }
0x89: {  	s3 =	sld [smem:$0x3FFE];
	_ =	sdelay $0x1  }
0x8a: {  	s1 =	srdreg.scid  }
0x8b: {  	s0 =	sand.u32 $0x1, s1  }
0x8c: {  	s14 =	sshll.u32 s0, $0xA;
	s2 =	sadd.s32 s3, s2  }
0x8d: {  	s2 =	sadd.s32 s2, s14  }
0x8e: {  	[smem:$0x3FC4] =	sst s2  }
0x8f: {  	_ = 	snop  }
0x90: {  	s2 =	sld [smem:$0x3FD0];
	_ =	sdelay $0x2  }
0x91: {  	s15 =	simm.s32 $0xA;
	s4 =	simm.s32 $0x10  }
0x92: {  	[smem:s4], [sflag:s15] =	dma.local [hbm:s2], $0x1  }
0x93: {  	_ =	swait.eq [sflag:s15], $0x1  }
0x94: {  	[sflag:s15] =	ssyncset.done $0x0  }
0x95: {  	[sflag:s15] =	ssyncadd.s32 $0xFFFFFFFF  }
0x96: {  	s16 =	sld [smem:$0x12];
	(tm) =	ssettm $0x1  }
0x97: {  	s17 =	sld [smem:$0x3FFB];
	_ =	sdelay $0x3  }
0x98: {  	_ =	strace s17  }
0x99: {  	s3 =	sld [smem:$0x3FFC];
	_ =	sdelay $0x3  }
0x9a: {  	_ =	strace s3  }
0x9b: {  	s3 =	sld [smem:$0x3FFD];
	_ =	sdelay $0x3  }
0x9c: {  	_ =	strace s3  }
0x9d: {  	_ =	strace $0x8FFFFFFF  }
0x9e: {  	s18 =	sld [smem:$0x3FDB];
	_ =	sdelay $0x1  }
0x9f: {  	s19 =	simm.s32 $_scs_section_size  }
0xa0: {  	s5 =	simm.s32 $_size__tile_overlayer_lowered;
	s6 =	simm.s32 $_tile_overlayer_lowered  }
0xa1: {  	s22 =	simm.s32 $0x1BFF;
	s21 =	sshll.u32 s6, $0x1;
	s3 =	sadd.s32 s19, s18  }
0xa2: {  	s7 =	simm.s32 $0x0;
	s20 =	sshll.u32 s5, $0x1;
	s5 =	sadd.s32 s21, s3  }
0xa3: {  	[timem:s7], [sflag:s22] =	dma.local [hbm:s5], s20  }
0xa4: {  	_ =	swait.ge [sflag:s22], s20  }
0xa5: {  	s4 =	ssub.s32 $0x0, s20;
	[sflag:s22] =	ssyncset.done $0x0  }
0xa6: {  	[sflag:s22] =	ssyncadd.s32 s4;
	_ =	sdelay $0x1  }
0xa7: {  	s23 =	simm.s32 $0x1B8B  }
0xa8: {  	_ =	swait.ge [sflag:s23], $0x1  }
0xa9: {  	[sflag:s23] =	ssyncset.done $0x0  }
0xaa: {  	s25 =	simm.s32 $0x1B8E;
	s24 =	sld [smem:$0x3FFE];
	[sflag:s23] =	ssyncadd.s32 $0xFFFFFFFF  }
0xab: {  	s26 =	simm.s32 $execute0_lowered;
	[smem:$0x3FD2] =	sst s25  }
0xac: {  	s5 =	sshll.u32 s26, $0x1;
	_ =	strace $0x80000055;
	[dreg:$0x1] =	wrdreg $0xFFFFFFFF  }
0xad: {  	s28 =	simm.s32 $_size_execute0_lowered;
	s3 =	sadd.s32 s3, s5;
	[dreg:$0x0] =	wrdreg $0x0  }
0xae: {  	s5 =	sshll.u32 s28, $0x1;
	[dreg:$0x2] =	wrdreg s3  }
0xaf: {  	[dreg:$0x3] =	wrdreg s5  }
0xb0: {  	[dreg:$0x4] =	wrdreg $0xC0  }
0xb1: {  	_ =	task [dreg:s7], $0x5FFFF  }
0xb2: {  	[dreg:$0x1] =	wrdreg $0xFFFFFFFF  }
0xb3: {  	[dreg:$0x0] =	wrdreg $0x60  }
0xb4: {  	[dreg:$0x2] =	wrdreg s24  }
0xb5: {  	[dreg:$0x3] =	wrdreg s16  }
0xb6: {  	[dreg:$0x4] =	wrdreg $0x9  }
0xb7: {  	_ =	task.clear_ibuf [dreg:s7], $0x5FFFF;
	_ =	strace $0x90000055  }
0xb8: {  	s29 =	simm.s32 $0x9;
	_ =	strace $0x80000057  }
0xb9: {  	_ =	swait.ge [sflag:s29], $0x1  }
0xba: {  	[sflag:s29] =	ssyncadd.s32 $0xFFFFFFFF  }
0xbb: {  	_ =	strace $0x90000057  }
0xbc: {  	_ =	sfence  }
0xbd: {  	s30 =	sld [smem:$0x0];
	_ =	sdelay $0x2  }
0xbe: {  	s31 =	sshll.u32 s1, $0xD;
	s1 =	sshrl.u32 s1, $0x2  }
0xbf: {  	s3 =	sand.u32 $0x4000, s31;
	s1 =	sadd.s32 s1, s30  }
0xc0: {  	s0 =	sor.u32 s3, s0;
	s1 =	sshll.u32 s1, $0x11  }
0xc1: {  	s0 =	sor.u32 s1, s0  }
0xc2: {  	s0 =	sadd.s32 $0x8F2B, s0  }
0xc3: {  	[sflag:s0] =	ssyncadd.remote.s32 $0x1  }
0xc4: {  	_ =	sfence.sel $0xFFFF  }
0xc5: {  	[dreg:$0x0] =	wrdreg $0xFFFFFFFF;
	(pc) =	sbr.abs _section_cstart, $3  }
0xc6: {  	[dreg:$0x1] =	wrdreg $0xFFFFFFFF  }
0xc7: {  	_ =	task.clear_ibuf [dreg:s7], $0x2FFFF;
	_ =	strace $0x9FFFFFFF  }
0xc8: {  	(tm) =	ssettm $0x7FFFFFFF  }
0xc9: {  	_ =	shalt  }
tec
execute0_lowered:
.L_overlay_start_1:
0x0: {  	(tag) =	ssettag $0x1  }
0x1: {  	s2 =	rddreg [dreg:$0x0]  }
0x2: {  	s3 =	rddreg [dreg:$0x1];
	s1 =	stileid.u32  }
0x3: {  	s4 =	srdreg.scid;
	s0 =	rddreg [dreg:$0x2];
	_ =	strace $0x80000056  }
0x4: {  	s7 =	simm.s32 $0x1;
	s8 =	simm.s32 $0x1;
	s9 =	simm.s32 $0x3  }
0x5: {  	s10 =	simm.s32 $0x0;
	s5 =	sand.u32 $0x1, s4;
	s6 =	sshll.u32 s1, $0x1  }
0x6: {  	s13 =	simm.s32 $0x0;
	s4 =	simm.s32 $0x1;
	s5 =	sor.u32 s6, s5  }
.Ltmp0:
0x7: {  	[sflag:s4] =	ssyncpa.u1 $0x0;
	p0 =	slt.u32 s5, $0x13;
	(pc) =	sbr.rel .LBB2_1-.Ltmp0, $4  }
0x8: {  	s6 =	simm.s32 $0x2;
	s7 =	simm.s32 @!p0 $0x0;
	p0 =	sne.s32 s5, $0x12  }
0x9: {  	[sflag:s6] =	ssyncpa.u1 $0x0;
	s5 =	smul.u32 $0x30, s5;
	s8 =	simm.s32 @!p0 $0x0  }
0xa: {  	s12 =	simm.s32 $0x0;
	[sflag:s9] =	ssyncpa.u1 $0x0;
	s7 =	sadd.s32 s8, s7  }
0xb: {  	vm0 =	vmmov $0xffff;
	s8 =	sadd.s32 $0x200, s2;
	s11 =	smov.u32 s5;
	s9 =	sadd.s32 $0x1, s7  }
.LBB2_4:
0xc: {  	v3 =	vmul.u32 $0xC00, v3;
	v4 =	vshll.u32 v1, $0x3  }
0xd: {  	v2 =	vshll.u32 v2, $0x7;
	v4 =	vand.u32 $0xFFFFFC00, v4  }
0xe: {  	v2 =	vand.u32 $0x380, v2;
	v3 =	vadd.s32 v3, v4  }
0xf: {  	v63 =	vand.u32 $0x7F, v1;
	v2 =	vor.u32 v2, v3  }
0x10: {  	v1 =	vor.u32 v63, v2;
	_ =	sdelay $0x2  }
0x11: {  	[tilespmem:s15], [sflag:$0x1] =	stream.indirect_vreg.gather [hbm4b:s2+s10], $0x1, v0, vm0, $0x4038;
	[tilespmem:$0xC0] =	vst v63  }
0x12: {  	(ifvalue) =	ssetifvalue $0x7FFFFFFF;
	s29 =	sadd.s32 $0x10, s15  }
0x13: {  	[tilespmem:s29], [sflag:$0x1] =	stream.indirect_vreg.gather [hbm4b:s2+s10], $0x1, v1, vm0, $0x4038;
	[tilespmem:$0xC0] =	vst v63  }
0x14: {  	_ =	swait.ge [sflag:s4], $0x30  }
0x15: {  	s30 =	sshrl.u32 s13, $0x3;
	[sflag:s4] =	ssyncset.done $0x0  }
0x16: {  	s31 =	sand.u32 $0x7, s13;
	s15 =	sadd.s32 s8, s30;
	[sflag:s4] =	ssyncadd.s32 $0xFFFFFFD0  }
0x17: {  	[hbm4b:s15+s31] =	stream.linear.scatter [tilespmem:s14], [sflag:$0x3], $0x30, $0x38;
	[tilespmem:$0xC0] =	vst v63  }
.LBB2_5:
0x18: {  	s15 =	sadd.s32 $0x600, s11  }
0x19: {  	p1 =	sgt.s32 s15, $0x95F  }
0x1a: {  	s15 =	smov.u32 @p1 s5;
	p1 =	sne.s32 s12, s9  }
.Ltmp1:
0x1b: {  	p0 =	slt.u32 s12, $0x2;
	(pc) =	sbr.rel @!p1 .LBB2_6-.Ltmp1, $4  }
0x1c: {  	s14 =	simm.s32 @!p0 $0x3  }
0x1d: {  	_ =	swait.ge @!p0 [sflag:s14], $0x30  }
0x1e: {  	s16 =	sadd.s32 $0x1, s12;
	s13 =	smov.u32 s11;
	[sflag:s14] =	ssyncset.done @!p0 $0x0  }
0x1f: {  	s12 =	smov.u32 s16;
	s11 =	smov.u32 s15;
	[sflag:s14] =	ssyncadd.s32 @!p0 $0xFFFFFFD0  }
.LBB2_1:
0x20: {  	p0 =	sge.u32 s12, s7  }
0x21: {  	s14 =	sxor.u32 @!p0 $0x1, s12  }
0x22: {  	s14 =	smul.u32 @!p0 $0xC0, s14  }
0x23: {  	s31 =	sadd.s32 $0xFFFFFFFF, s12;
	s15 =	sshrl.u32 @!p0 s11, $0x3  }
0x24: {  	s16 =	sand.u32 @!p0 $0x7, s11;
	s15 =	sadd.s32 @!p0 s3, s15;
	s14 =	sshra.s32 @!p0 s14, $0x2  }
0x25: {  	[tilespmem:s14], [sflag:$0x2] =	stream.linear.gather @!p0 [hbm4b:s15+s16], $0x30, $0x38;
	[tilespmem:$0xC0] =	vst v63  }
0x26: {  	p0 =	sge.u32 s31, s7  }
.Ltmp2:
0x27: {  	_ = 	snop;
	(pc) =	sbr.rel @p0 .LBB2_5-.Ltmp2, $1  }
0x28: {  	_ =	sdelay $0x3  }
0x29: {  	s14 =	sand.u32 $0x1, s12  }
0x2a: {  	_ =	swait.ge [sflag:s6], $0x30;
	p0 =	seq.s32 s14, $0x1;
	s14 =	simm.s32 $0x30  }
0x2b: {  	[sflag:s6] =	ssyncset.done $0x0;
	s14 =	simm.s32 @!p0 $0x0  }
0x2c: {  	[sflag:s6] =	ssyncadd.s32 $0xFFFFFFD0;
	(ifvalue) =	ssetifvalue $0x7FFFFFFF;
	v0 =	vld.msk [tilespmem:s14+$0x0 ss:$0x1], $0xffff;
	_ =	sdelay $0x4  }
0x2d: {  	vm1 =	veq.s32 v0, $0x80000000;
	v1 =	vand.u32 $0x7, v0;
	v0 =	vshrl.u32 v0, $0x3  }
0x2e: {  	v1 =	vsel vm1, $0xFFFFFFFF, v1;
	v0 =	vand.u32 $0x1FF, v0  }
0x2f: {  	v0 =	vsel vm1, $0xFFFFFFFF, v0;
	v2 =	vshrl.u32 v1, $0x3  }
0x30: {  	s15 =	sadd.s32 $0x10, s14;
	v2 =	vmul.u32 $0xC00, v2;
	v4 =	vshll.u32 v0, $0x3  }
0x31: {  	v3 =	vld.msk [tilespmem:s15+$0x0 ss:$0x1], $0xffff;
	v1 =	vshll.u32 v1, $0x7;
	v4 =	vand.u32 $0xFFFFFC00, v4  }
0x32: {  	v1 =	vand.u32 $0x380, v1;
	v2 =	vadd.s32 v2, v4  }
0x33: {  	v0 =	vand.u32 $0x7F, v0;
	v1 =	vor.u32 v1, v2  }
0x34: {  	v0 =	vor.u32 v0, v1;
	_ =	sdelay $0x1  }
0x35: {  	vm1 =	veq.s32 v3, $0x80000000;
	v2 =	vand.u32 $0x7, v3;
	v3 =	vshrl.u32 v3, $0x3  }
0x36: {  	s16 =	simm.s32 $0x10;
	s14 =	sadd.s32 $0x60, s14;
	v2 =	vsel vm1, $0xFFFFFFFF, v2;
	v3 =	vand.u32 $0x1FF, v3  }
0x37: {  	s17 =	sadd.s32 $0x10, s15;
	(ifvalue) =	ssetifvalue $0x7FFFFFFF;
	s15 =	smov.u32 s14;
	v1 =	vsel vm1, $0xFFFFFFFF, v3;
	v3 =	vshrl.u32 v2, $0x3  }
.LBB2_3:
0x38: {  	v4 =	vld.msk [tilespmem:s17+$0x0 ss:$0x1], $0xffff;
	v3 =	vmul.u32 $0xC00, v3;
	v5 =	vshll.u32 v1, $0x3;
	[tilespmem:s15], [sflag:$0x1] =	stream.indirect_vreg.gather [hbm4b:s2+s10], $0x1, v0, vm0, $0x4038  }
0x39: {  	s16 =	sadd.s32 $0x10, s16;
	v2 =	vshll.u32 v2, $0x7;
	v0 =	vand.u32 $0xFFFFFC00, v5  }
0x3a: {  	p0 =	slt.u32 s16, $0x20;
	v2 =	vand.u32 $0x380, v2;
	v0 =	vadd.s32 v3, v0  }
0x3b: {  	v1 =	vand.u32 $0x7F, v1;
	v0 =	vor.u32 v2, v0  }
.Ltmp3:
0x3c: {  	v0 =	vor.u32 v1, v0;
	(pc) =	sbr.rel @p0 .LBB2_3-.Ltmp3, $4  }
0x3d: {  	_ = 	snop  }
0x3e: {  	vm1 =	veq.s32 v4, $0x80000000;
	v1 =	vand.u32 $0x7, v4;
	v3 =	vshrl.u32 v4, $0x3  }
0x3f: {  	v2 =	vsel vm1, $0xFFFFFFFF, v1;
	v1 =	vand.u32 $0x1FF, v3  }
0x40: {  	s17 =	sadd.s32 $0x10, s17;
	s15 =	sadd.s32 $0x10, s15;
	v1 =	vsel vm1, $0xFFFFFFFF, v1;
	v3 =	vshrl.u32 v2, $0x3;
	(ifvalue) =	ssetifvalue $0x7FFFFFFF  }
.Ltmp4:
0x41: {  	_ = 	snop;
	(pc) =	sbr.rel .LBB2_4-.Ltmp4, $1  }
0x42: {  	_ =	sdelay $0x3  }
.LBB2_6:
0x43: {  	_ =	sfence.sel $0x180000  }
0x44: {  	s2 =	simm.s32 $0x2;
	[bflag:$0x0] =	sbarrier.arrive $0xFFFF  }
0x45: {  	s30 =	simm.s32 $0x3;
	[sflag:s2] =	ssyncpa.u1 $0x1  }
0x46: {  	s31 =	simm.s32 $0x1;
	[sflag:s30] =	ssyncpa.u1 $0x1  }
0x47: {  	[sflag:s31] =	ssyncpa.u1 $0x1  }
0x48: {  	p0 =	sne.s32 s1, $0x0;
	_ =	strace $0x90000056  }
0x49: {  	s0 =	sadd.s32 @!p0 $0x100000, s0;
	[bflag:$0x2] =	sbarrier.arrive $0xFFFF  }
0x4a: {  	[sflag:s0] =	ssyncadd.tile.s32 @!p0 $0x1;
	_ =	shalt  }
.Lfunc_end2:
_tile_overlayer_lowered:
.L_overlay_start_2:
0x4b: {  	(tag) =	ssettag $0x2  }
0x4c: {  	s0 =	rddreg [dreg:$0x0];
	s2 =	stileid.u32  }
0x4d: {  	s1 =	rddreg [dreg:$0x1];
	p0 =	sne.s32 s2, $0x0  }
0x4e: {  	s3 =	rddreg [dreg:$0x2];
	[bflag:$0x3] =	sbarrier.arrive $0xFFFF;
	s2 =	simm.s32 @!p0 $0x1C01  }
0x4f: {  	[timem:s3], [sflag:s2] =	dma.local @!p0 [hbm:s0], s1  }
0x50: {  	s0 =	simm.s32 @!p0 $0x1  }
0x51: {  	_ =	swait.ge @!p0 [sflag:s0], s1  }
0x52: {  	s1 =	ssub.s32 @!p0 $0x0, s1;
	[sflag:s0] =	ssyncset.done @!p0 $0x0  }
0x53: {  	[sflag:s0] =	ssyncadd.s32 @!p0 s1  }
0x54: {  	[bflag:$0x3] =	sbarrier.arrive $0xFFFF  }
0x55: {  	_ =	shalt  }

// kernel: gather_offload_async_start.2
scs
__scs_entry_jumppad:
0x0: {  	(pc) =	sbr.rel $0x88, $3  }
0x1: {  	(tag) =	ssettag $0x0;
	lr =	simm.s32 $0x1  }
0x2: {  	[smem:$0x3F9D] =	sst lr;
	_ =	strace $0xD0000000  }
0x3: {  	_ = 	snop  }
0x4: {  	_ = 	snop  }
0x5: {  	_ = 	snop  }
0x6: {  	_ = 	snop  }
0x7: {  	_ = 	snop  }
__scs_overlays_trampoline_lowered:
0x8: {  	[smem:$0x3FAC] =	sst s0  }
0x9: {  	[smem:$0x3FAD] =	sst s1  }
0xa: {  	[smem:$0x3FAE] =	sst s2  }
0xb: {  	[smem:$0x3FAF] =	sst s3  }
0xc: {  	[smem:$0x3FB0] =	sst s4  }
0xd: {  	[smem:$0x3FB1] =	sst s5  }
0xe: {  	[smem:$0x3FB2] =	sst s6  }
0xf: {  	[smem:$0x3FB3] =	sst s7  }
0x10: {  	[smem:$0x3FB4] =	sst s8  }
0x11: {  	[smem:$0x3FB5] =	sst s9;
	s0 =	simm.s32 @!p0 $0x0  }
0x12: {  	s1 =	sld [smem:$0x3F9B];
	s0 =	simm.s32 @p0 $0x1  }
0x13: {  	[smem:$0x3FB6] =	sst s0;
	s0 =	simm.s32 @!p1 $0x0  }
0x14: {  	s2 =	sld [smem:$0x3F9A];
	s0 =	simm.s32 @p1 $0x1  }
0x15: {  	[smem:$0x3FB7] =	sst s0;
	s0 =	simm.s32 @!p2 $0x0  }
0x16: {  	s3 =	sld [smem:$0x3FDB];
	s0 =	simm.s32 @p2 $0x1  }
0x17: {  	s4 =	simm.s32 $0x1BF5;
	[smem:$0x3FB9] =	sst s0  }
0x18: {  	s0 =	sld [smem:$0x3F9C];
	_ =	swait.ge [sflag:s4], $0x0  }
0x19: {  	s7 =	sld [smem:$0x3F9D]  }
0x1a: {  	s8 =	sadd.s32 $0xFFFFE003, lr  }
0x1b: {  	s9 =	sadd.s32 $0xFFFFFEF7, lr;
	s5 =	simm.s32 $0xFFFFFFFF;
	p2 =	slt.u32 s8, $0xFFFFF086  }
0x1c: {  	p1 =	slt.u32 s9, $0xF7A;
	s5 =	simm.s32 @!p2 $0x0  }
0x1d: {  	s5 =	simm.s32 @p1 $0x1;
	p0 =	seq.s32 s7, s2  }
0x1e: {  	s7 =	smul.u32 @!p0 $0xF7A, s2;
	p2 =	seq.s32 @!p0 s5, $0x0  }
0x1f: {  	s9 =	smul.u32 $0xF7A, s1;
	s8 =	simm.s32 @!p0 $0x1BF5;
	p2 =	por !p2, p0  }
0x20: {  	[sflag:s8] =	ssyncset.s32 @!p0 $0xFFFFF086;
	s6 =	sadd.s32 @!p0 s3, s7;
	s7 =	simm.s32 @!p0 $0x108  }
0x21: {  	s3 =	sadd.s32 s3, s9;
	s6 =	sadd.s32 @!p0 $0x88, s6;
	s7 =	simm.s32 @p2 $0x1082  }
0x22: {  	[simem:s7], [sflag:s8] =	dma.local @!p0 [hbm:s6], $0xF7A  }
0x23: {  	s9 =	sor.u32 $0xD0000000, s2;
	s6 =	simm.s32 $0x108;
	_ =	swait.ge @!p0 [sflag:s8], $0x0  }
0x24: {  	s3 =	sadd.s32 $0x88, s3;
	s6 =	simm.s32 @!p1 $0x1082;
	[sflag:s4] =	ssyncset.s32 $0xFFFFF086  }
0x25: {  	[simem:s6], [sflag:s4] =	dma.local [hbm:s3], $0xF7A  }
0x26: {  	[smem:$0x3F9D] =	sst s1;
	(tag) =	ssettag s2;
	_ =	strace s9  }
0x27: {  	s1 =	sld [smem:$0x3FAD]  }
0x28: {  	s2 =	sld [smem:$0x3FAE]  }
0x29: {  	s4 =	sld [smem:$0x3FB0]  }
0x2a: {  	p0 =	seq.s32 s5, $0x0;
	s5 =	sld [smem:$0x3FB1]  }
0x2b: {  	s6 =	sld [smem:$0x3FB2]  }
0x2c: {  	s7 =	sld [smem:$0x3FB3]  }
0x2d: {  	s3 =	simm.s32 $0x108;
	s8 =	sld [smem:$0x3FB4]  }
0x2e: {  	s3 =	simm.s32 @!p0 $0x1082;
	s9 =	sld [smem:$0x3FB5]  }
0x2f: {  	lr =	sadd.s32 s0, s3;
	s0 =	sld [smem:$0x3FAC]  }
0x30: {  	s3 =	sld [smem:$0x3FAF]  }
0x31: {  	[smem:$0x3FB8] =	sst s10  }
0x32: {  	s10 =	sld [smem:$0x3FB6];
	_ =	sdelay $0x3  }
0x33: {  	p0 =	seq.s32 s10, $0x1;
	s10 =	sld [smem:$0x3FB8];
	_ =	sdelay $0x3  }
0x34: {  	[smem:$0x3FB8] =	sst s10  }
0x35: {  	s10 =	sld [smem:$0x3FB7];
	_ =	sdelay $0x3  }
0x36: {  	p1 =	seq.s32 s10, $0x1;
	s10 =	sld [smem:$0x3FB8];
	_ =	sdelay $0x3  }
0x37: {  	[smem:$0x3FB8] =	sst s10  }
0x38: {  	s10 =	sld [smem:$0x3FB9]  }
0x39: {  	_ = 	snop;
	(pc) =	sbr.ind lr, $3  }
0x3a: {  	_ = 	snop  }
0x3b: {  	_ = 	snop  }
0x3c: {  	p2 =	seq.s32 s10, $0x1;
	s10 =	sld [smem:$0x3FB8]  }
0x3d: {  	_ =	shalt  }
0x3e: {  	_ =	shalt  }
0x3f: {  	_ =	shalt  }
0x40: {  	_ =	shalt  }
0x41: {  	_ =	shalt  }
0x42: {  	_ =	shalt  }
0x43: {  	_ =	shalt  }
0x44: {  	_ =	shalt  }
0x45: {  	_ =	shalt  }
0x46: {  	_ =	shalt  }
0x47: {  	_ =	shalt  }
0x48: {  	_ =	shalt  }
0x49: {  	_ =	shalt  }
0x4a: {  	_ =	shalt  }
0x4b: {  	_ =	shalt  }
0x4c: {  	_ =	shalt  }
0x4d: {  	_ =	shalt  }
0x4e: {  	_ =	shalt  }
0x4f: {  	_ =	shalt  }
0x50: {  	_ =	shalt  }
0x51: {  	_ =	shalt  }
0x52: {  	_ =	shalt  }
0x53: {  	_ =	shalt  }
0x54: {  	_ =	shalt  }
0x55: {  	_ =	shalt  }
0x56: {  	_ =	shalt  }
0x57: {  	_ =	shalt  }
0x58: {  	_ =	shalt  }
0x59: {  	_ =	shalt  }
0x5a: {  	_ =	shalt  }
0x5b: {  	_ =	shalt  }
0x5c: {  	_ =	shalt  }
0x5d: {  	_ =	shalt  }
0x5e: {  	_ =	shalt  }
0x5f: {  	_ =	shalt  }
0x60: {  	_ =	shalt  }
0x61: {  	_ =	shalt  }
0x62: {  	_ =	shalt  }
0x63: {  	_ =	shalt  }
0x64: {  	_ =	shalt  }
0x65: {  	_ =	shalt  }
0x66: {  	_ =	shalt  }
0x67: {  	_ =	shalt  }
0x68: {  	_ =	shalt  }
0x69: {  	_ =	shalt  }
0x6a: {  	_ =	shalt  }
0x6b: {  	_ =	shalt  }
0x6c: {  	_ =	shalt  }
0x6d: {  	_ =	shalt  }
0x6e: {  	_ =	shalt  }
0x6f: {  	_ =	shalt  }
0x70: {  	_ =	shalt  }
0x71: {  	_ =	shalt  }
0x72: {  	_ =	shalt  }
0x73: {  	_ =	shalt  }
0x74: {  	_ =	shalt  }
0x75: {  	_ =	shalt  }
0x76: {  	_ =	shalt  }
0x77: {  	_ =	shalt  }
0x78: {  	_ =	shalt  }
0x79: {  	_ =	shalt  }
0x7a: {  	_ =	shalt  }
0x7b: {  	_ =	shalt  }
0x7c: {  	_ =	shalt  }
0x7d: {  	_ =	shalt  }
0x7e: {  	_ =	shalt  }
0x7f: {  	_ =	shalt  }
0x80: {  	_ =	shalt  }
0x81: {  	_ =	shalt  }
0x82: {  	_ =	shalt  }
0x83: {  	_ =	shalt  }
0x84: {  	_ =	shalt  }
0x85: {  	_ =	shalt  }
0x86: {  	_ =	shalt  }
0x87: {  	_ =	shalt  }
.Lfunc_end0:
.L_simem_size_0:
called_computation.2_lowered:
.L_overlay_start_0:
0x88: {  	s2 =	sld [smem:$0x3FD9]  }
0x89: {  	s3 =	sld [smem:$0x3FFE];
	_ =	sdelay $0x1  }
0x8a: {  	s1 =	srdreg.scid  }
0x8b: {  	s0 =	sand.u32 $0x1, s1  }
0x8c: {  	s14 =	sshll.u32 s0, $0xA;
	s2 =	sadd.s32 s3, s2  }
0x8d: {  	s2 =	sadd.s32 s2, s14  }
0x8e: {  	[smem:$0x3FC4] =	sst s2  }
0x8f: {  	_ = 	snop  }
0x90: {  	s2 =	sld [smem:$0x3FD0];
	_ =	sdelay $0x2  }
0x91: {  	s15 =	simm.s32 $0xA;
	s4 =	simm.s32 $0x10  }
0x92: {  	[smem:s4], [sflag:s15] =	dma.local [hbm:s2], $0x1  }
0x93: {  	_ =	swait.eq [sflag:s15], $0x1  }
0x94: {  	[sflag:s15] =	ssyncset.done $0x0  }
0x95: {  	[sflag:s15] =	ssyncadd.s32 $0xFFFFFFFF  }
0x96: {  	s16 =	sld [smem:$0x12];
	(tm) =	ssettm $0x1  }
0x97: {  	s17 =	sld [smem:$0x3FFB];
	_ =	sdelay $0x3  }
0x98: {  	_ =	strace s17  }
0x99: {  	s3 =	sld [smem:$0x3FFC];
	_ =	sdelay $0x3  }
0x9a: {  	_ =	strace s3  }
0x9b: {  	s3 =	sld [smem:$0x3FFD];
	_ =	sdelay $0x3  }
0x9c: {  	_ =	strace s3  }
0x9d: {  	_ =	strace $0x8FFFFFFF  }
0x9e: {  	s18 =	sld [smem:$0x3FDB];
	_ =	sdelay $0x1  }
0x9f: {  	s19 =	simm.s32 $_scs_section_size  }
0xa0: {  	s5 =	simm.s32 $_size__tile_overlayer_lowered;
	s6 =	simm.s32 $_tile_overlayer_lowered  }
0xa1: {  	s22 =	simm.s32 $0x1BFF;
	s21 =	sshll.u32 s6, $0x1;
	s3 =	sadd.s32 s19, s18  }
0xa2: {  	s7 =	simm.s32 $0x0;
	s20 =	sshll.u32 s5, $0x1;
	s5 =	sadd.s32 s21, s3  }
0xa3: {  	[timem:s7], [sflag:s22] =	dma.local [hbm:s5], s20  }
0xa4: {  	_ =	swait.ge [sflag:s22], s20  }
0xa5: {  	s4 =	ssub.s32 $0x0, s20;
	[sflag:s22] =	ssyncset.done $0x0  }
0xa6: {  	[sflag:s22] =	ssyncadd.s32 s4;
	_ =	sdelay $0x1  }
0xa7: {  	s23 =	simm.s32 $0x1B8B  }
0xa8: {  	_ =	swait.ge [sflag:s23], $0x1  }
0xa9: {  	[sflag:s23] =	ssyncset.done $0x0  }
0xaa: {  	s25 =	simm.s32 $0x1B8E;
	s24 =	sld [smem:$0x3FFE];
	[sflag:s23] =	ssyncadd.s32 $0xFFFFFFFF  }
0xab: {  	s26 =	simm.s32 $execute0_lowered;
	[smem:$0x3FD2] =	sst s25  }
0xac: {  	s5 =	sshll.u32 s26, $0x1;
	_ =	strace $0x80000058;
	[dreg:$0x1] =	wrdreg $0xFFFFFFFF  }
0xad: {  	s28 =	simm.s32 $_size_execute0_lowered;
	s3 =	sadd.s32 s3, s5;
	[dreg:$0x0] =	wrdreg $0x0  }
0xae: {  	s5 =	sshll.u32 s28, $0x1;
	[dreg:$0x2] =	wrdreg s3  }
0xaf: {  	[dreg:$0x3] =	wrdreg s5  }
0xb0: {  	[dreg:$0x4] =	wrdreg $0xC0  }
0xb1: {  	_ =	task [dreg:s7], $0x5FFFF  }
0xb2: {  	[dreg:$0x1] =	wrdreg $0xFFFFFFFF  }
0xb3: {  	[dreg:$0x0] =	wrdreg $0x60  }
0xb4: {  	[dreg:$0x2] =	wrdreg s24  }
0xb5: {  	[dreg:$0x3] =	wrdreg s16  }
0xb6: {  	[dreg:$0x4] =	wrdreg $0x9  }
0xb7: {  	_ =	task.clear_ibuf [dreg:s7], $0x5FFFF;
	_ =	strace $0x90000058  }
0xb8: {  	s29 =	simm.s32 $0x9;
	_ =	strace $0x8000005A  }
0xb9: {  	_ =	swait.ge [sflag:s29], $0x1  }
0xba: {  	[sflag:s29] =	ssyncadd.s32 $0xFFFFFFFF  }
0xbb: {  	_ =	strace $0x9000005A  }
0xbc: {  	_ =	sfence  }
0xbd: {  	s30 =	sld [smem:$0x0];
	_ =	sdelay $0x2  }
0xbe: {  	s31 =	sshll.u32 s1, $0xD;
	s1 =	sshrl.u32 s1, $0x2  }
0xbf: {  	s3 =	sand.u32 $0x4000, s31;
	s1 =	sadd.s32 s1, s30  }
0xc0: {  	s0 =	sor.u32 s3, s0;
	s1 =	sshll.u32 s1, $0x11  }
0xc1: {  	s0 =	sor.u32 s1, s0  }
0xc2: {  	s0 =	sadd.s32 $0x8F2B, s0  }
0xc3: {  	[sflag:s0] =	ssyncadd.remote.s32 $0x1  }
0xc4: {  	_ =	sfence.sel $0xFFFF  }
0xc5: {  	[dreg:$0x0] =	wrdreg $0xFFFFFFFF;
	(pc) =	sbr.abs _section_cstart, $3  }
0xc6: {  	[dreg:$0x1] =	wrdreg $0xFFFFFFFF  }
0xc7: {  	_ =	task.clear_ibuf [dreg:s7], $0x2FFFF;
	_ =	strace $0x9FFFFFFF  }
0xc8: {  	(tm) =	ssettm $0x7FFFFFFF  }
0xc9: {  	_ =	shalt  }
tec
execute0_lowered:
.L_overlay_start_1:
0x0: {  	(tag) =	ssettag $0x1  }
0x1: {  	s0 =	srdreg.scid  }
0x2: {  	s1 =	sshll.u32 s0, $0x4  }
0x3: {  	s0 =	stileid.u32;
	s1 =	sand.u32 $0x10, s1  }
0x4: {  	s2 =	sor.u32 s0, s1  }
0x5: {  	s1 =	smin.u32 s2, $0x1C  }
0x6: {  	s1 =	sadd.s32 s2, s1  }
0x7: {  	p0 =	slt.u32 s2, $0x1C;
	s2 =	simm.s32 $0x50;
	s1 =	smul.u32 $0x28, s1  }
0x8: {  	s2 =	simm.s32 @!p0 $0x28  }
0x9: {  	s2 =	sadd.s32 s2, s1  }
0xa: {  	s3 =	smin.u32 s2, $0x960  }
0xb: {  	s7 =	ssub.s32 s3, s1  }
0xc: {  	p0 =	sgt.s32 s7, $0x0  }
0xd: {  	s7 =	simm.s32 @!p0 $0x0  }
0xe: {  	s9 =	rddreg [dreg:$0x0];
	s31 =	smul.u32 $0xCCCD, s7  }
0xf: {  	s4 =	rddreg [dreg:$0x1];
	s6 =	simm.s32 $0x1  }
0x10: {  	s11 =	simm.s32 $0x3;
	s13 =	simm.s32 $0x0;
	s8 =	sshrl.u32 s31, $0x15  }
0x11: {  	s12 =	simm.s32 $0x0;
	s5 =	sadd.s32 $0x6400, s9;
	s10 =	smul.u32 $0x28, s8  }
.Ltmp0:
0x12: {  	s9 =	sadd.s32 $0x277400, s9;
	s2 =	rddreg [dreg:$0x2];
	(pc) =	sbr.rel .LBB2_1-.Ltmp0, $4  }
0x13: {  	_ =	strace $0x80000059;
	p0 =	sne.s32 s7, s10;
	s10 =	simm.s32 $0x1  }
0x14: {  	[sflag:s6] =	ssyncpa.u1 $0x0;
	s7 =	simm.s32 $0x2;
	s10 =	simm.s32 @!p0 $0x0  }
0x15: {  	[sflag:s7] =	ssyncpa.u1 $0x0;
	p0 =	por $0x0, $0x0;
	s8 =	sadd.s32 s8, s10  }
0x16: {  	vm0 =	vmmov $0xff;
	vm1 =	vcmask $0x3F20;
	[sflag:s11] =	ssyncpa.u1 $0x0;
	s11 =	smov.u32 s1;
	s10 =	sadd.s32 $0x1, s8  }
.LBB2_6:
0x17: {  	[hbm:s17] =	stream.linear.scatter [tilespmem:s14], [sflag:$0x3], $0x400, $0x38;
	[tilespmem:$0x2850] =	vst v63  }
.LBB2_7:
0x18: {  	s13 =	sadd.s32 $0x28, s11  }
0x19: {  	s15 =	smov.u32 s1;
	p2 =	slt.s32 s13, s3  }
0x1a: {  	s15 =	smov.u32 @p2 s13;
	p2 =	sne.s32 s12, s10  }
.Ltmp1:
0x1b: {  	p1 =	slt.u32 s12, $0x2;
	(pc) =	sbr.rel @!p2 .LBB2_8-.Ltmp1, $4  }
0x1c: {  	s14 =	simm.s32 @!p1 $0x3  }
0x1d: {  	s16 =	sadd.s32 $0x1, s12;
	_ =	swait.ge @!p1 [sflag:s14], $0x1400  }
0x1e: {  	p0 =	por !p0, !p0;
	s13 =	smov.u32 s11;
	[sflag:s14] =	ssyncset.done @!p1 $0x0  }
0x1f: {  	s12 =	smov.u32 s16;
	s11 =	smov.u32 s15;
	[sflag:s14] =	ssyncadd.s32 @!p1 $0xFFFFEC00  }
.LBB2_1:
0x20: {  	p1 =	sge.u32 s12, s8  }
0x21: {  	s14 =	sxor.u32 @!p1 $0xFFFFFFFF, s12  }
0x22: {  	s14 =	sand.u32 @!p1 $0x1, s14  }
0x23: {  	s14 =	smul.u32 @!p1 $0xA0, s14  }
0x24: {  	s31 =	sadd.s32 $0xFFFFFFFF, s12;
	s15 =	sshrl.u32 @!p1 s11, $0x3  }
0x25: {  	s16 =	sand.u32 @!p1 $0x7, s11;
	s15 =	sadd.s32 @!p1 s4, s15;
	s14 =	sshrl.u32 @!p1 s14, $0x2  }
0x26: {  	[tilespmem:s14], [sflag:$0x2] =	stream.linear.gather @!p1 [hbm4b:s15+s16], $0x28, $0x38;
	[tilespmem:$0x2850] =	vst v63  }
0x27: {  	p1 =	sge.u32 s31, s8  }
.Ltmp2:
0x28: {  	_ = 	snop;
	(pc) =	sbr.rel @p1 .LBB2_7-.Ltmp2, $1  }
0x29: {  	_ =	sdelay $0x3  }
0x2a: {  	s15 =	sand.u32 $0x1, s12  }
0x2b: {  	s14 =	simm.s32 $0x1;
	s16 =	smul.u32 $0xA0, s15  }
0x2c: {  	s14 =	simm.s32 @!p0 $0x0;
	s15 =	smul.u32 $0x5000, s15  }
0x2d: {  	_ =	swait.ge [sflag:s7], $0x28;
	s14 =	smul.u32 $0x5000, s14  }
0x2e: {  	s18 =	simm.s32 $0x0;
	p1 =	por $0x1, $0x1;
	[sflag:s7] =	ssyncset.done $0x0  }
0x2f: {  	[sflag:s7] =	ssyncadd.s32 $0xFFFFFFD8;
	s15 =	sshrl.u32 s15, $0x2;
	s14 =	sshrl.u32 s14, $0x2  }
0x30: {  	s16 =	sshrl.u32 s16, $0x2;
	s17 =	sor.u32 $0x50, s15;
	s14 =	sor.u32 $0x50, s14  }
.LBB2_3:
0x31: {  	s19 =	sshll.u32 s18, $0x4  }
0x32: {  	s19 =	sand.u32 $0x3FFFFFF0, s19  }
0x33: {  	s19 =	sadd.s32 s19, s16  }
0x34: {  	v0 =	vld.msk [tilespmem:s19+$0x0 ss:$0x1], $0xffff;
	_ =	sdelay $0x4  }
0x35: {  	v1 =	vand.u32 $0x7, v0;
	v2 =	vshll.u32 v0, $0x4  }
0x36: {  	vm2 =	veq.s32 v0, $0x80000000;
	v61 =	vmul.u32 $0x271000, v1;
	v62 =	vand.u32 $0x3FFF80, v2  }
0x37: {  	v1 =	vsel vm2, $0xFFFFFF80, v62  }
0x38: {  	v0 =	vsel vm2, $0xFFD8F000, v61;
	v63 =	vand.u32 $0xFFFFFC00, v1  }
0x39: {  	v1 =	vand.u32 $0x380, v1;
	v0 =	vadd.s32 v0, v63  }
0x3a: {  	v0 =	vor.u32 v1, v0  }
0x3b: {  	v0 =	vshrl.u32 v0, $0x3;
	_ =	sdelay $0x1  }
0x3c: {  	s31 =	sshll.u32 s18, $0xB  }
0x3d: {  	p2 =	por p1, p1;
	s18 =	sand.u32 $0x3FFFF800, s31  }
.Ltmp3:
0x3e: {  	s18 =	sadd.s32 s18, s17;
	(pc) =	sbr.rel @p2 .LBB2_3-.Ltmp3, $4  }
0x3f: {  	[tilespmem:s18], [sflag:$0x1] =	stream.indirect_vreg.gather [hbm:s5], $0x80, v0, vm0, $0x38;
	[tilespmem:$0x2850] =	vst v63  }
0x40: {  	s18 =	sadd.s32 $0x400, s18  }
0x41: {  	[tilespmem:s18], [sflag:$0x1] =	stream.indirect_vreg.gather [hbm:s5], $0x80, v0, vm1, $0x38;
	[tilespmem:$0x2850] =	vst v63  }
0x42: {  	p1 =	por $0x0, $0x0;
	s18 =	simm.s32 $0x1  }
0x43: {  	v0 =	vld.msk [tilespmem:s16+$0x20 ss:$0x1], $0xff;
	_ =	sdelay $0x4  }
0x44: {  	v1 =	vand.u32 $0x7, v0;
	v2 =	vshll.u32 v0, $0x4  }
0x45: {  	vm2 =	veq.s32 v0, $0x80000000;
	v61 =	vmul.u32 $0x271000, v1;
	v62 =	vand.u32 $0x3FFF80, v2  }
0x46: {  	v1 =	vsel vm2, $0xFFFFFF80, v62  }
0x47: {  	v0 =	vsel vm2, $0xFFD8F000, v61;
	v63 =	vand.u32 $0xFFFFFC00, v1  }
0x48: {  	v1 =	vand.u32 $0x380, v1;
	v0 =	vadd.s32 v0, v63  }
0x49: {  	v0 =	vor.u32 v1, v0  }
0x4a: {  	v0 =	vshrl.u32 v0, $0x3;
	_ =	sdelay $0x3  }
0x4b: {  	s15 =	sadd.s32 $0x1050, s15  }
0x4c: {  	[tilespmem:s15], [sflag:$0x1] =	stream.indirect_vreg.gather [hbm:s5], $0x80, v0, vm0, $0x38;
	[tilespmem:$0x2850] =	vst v63  }
0x4d: {  	s13 =	sshll.u32 s13, $0x4;
	_ =	swait.ge [sflag:s6], $0x1400  }
0x4e: {  	s16 =	sadd.s32 $0x400, s14;
	s13 =	sadd.s32 s13, s9;
	[sflag:s6] =	ssyncset.done $0x0  }
0x4f: {  	s17 =	sadd.s32 $0x0, s13;
	s15 =	simm.s32 $0x80;
	[sflag:s6] =	ssyncadd.s32 $0xFFFFEC00  }
.LBB2_5:
0x50: {  	[hbm:s17] =	stream.linear.scatter [tilespmem:s14], [sflag:$0x3], $0x400, $0x38;
	[tilespmem:$0x2850] =	vst v63  }
0x51: {  	s17 =	smov.u32 s15;
	s14 =	smov.u32 s16;
	p1 =	sne.s32 s15, $0x200  }
.Ltmp4:
0x52: {  	s15 =	sadd.s32 $0x80, s15;
	(pc) =	sbr.rel @p1 .LBB2_5-.Ltmp4, $2  }
0x53: {  	_ =	sdelay $0x2  }
0x54: {  	s16 =	sadd.s32 $0x400, s16;
	s17 =	sadd.s32 s17, s13  }
.Ltmp5:
0x55: {  	_ = 	snop;
	(pc) =	sbr.rel .LBB2_6-.Ltmp5, $1  }
0x56: {  	_ =	sdelay $0x3  }
.LBB2_8:
0x57: {  	_ =	sfence.sel $0x180000  }
0x58: {  	s1 =	simm.s32 $0x2;
	[bflag:$0x0] =	sbarrier.arrive $0xFFFF  }
0x59: {  	s30 =	simm.s32 $0x3;
	[sflag:s1] =	ssyncpa.u1 $0x1  }
0x5a: {  	s31 =	simm.s32 $0x1;
	[sflag:s30] =	ssyncpa.u1 $0x1  }
0x5b: {  	[sflag:s31] =	ssyncpa.u1 $0x1  }
0x5c: {  	p0 =	sne.s32 s0, $0x0;
	_ =	strace $0x90000059  }
0x5d: {  	s0 =	sadd.s32 @!p0 $0x100000, s2;
	[bflag:$0x2] =	sbarrier.arrive $0xFFFF  }
0x5e: {  	[sflag:s0] =	ssyncadd.tile.s32 @!p0 $0x1;
	_ =	shalt  }
.Lfunc_end2:
_tile_overlayer_lowered:
.L_overlay_start_2:
0x5f: {  	(tag) =	ssettag $0x2  }
0x60: {  	s0 =	rddreg [dreg:$0x0];
	s2 =	stileid.u32  }
0x61: {  	s1 =	rddreg [dreg:$0x1];
	p0 =	sne.s32 s2, $0x0  }
0x62: {  	s3 =	rddreg [dreg:$0x2];
	[bflag:$0x3] =	sbarrier.arrive $0xFFFF;
	s2 =	simm.s32 @!p0 $0x1C01  }
0x63: {  	[timem:s3], [sflag:s2] =	dma.local @!p0 [hbm:s0], s1  }
0x64: {  	s0 =	simm.s32 @!p0 $0x1  }
0x65: {  	_ =	swait.ge @!p0 [sflag:s0], s1  }
0x66: {  	s1 =	ssub.s32 @!p0 $0x0, s1;
	[sflag:s0] =	ssyncset.done @!p0 $0x0  }
0x67: {  	[sflag:s0] =	ssyncadd.s32 @!p0 s1  }
0x68: {  	[bflag:$0x3] =	sbarrier.arrive $0xFFFF  }
0x69: {  	_ =	shalt  }

// kernel: gather_offload_async_start.3
scs
__scs_entry_jumppad:
0x0: {  	(pc) =	sbr.rel $0x88, $3  }
0x1: {  	(tag) =	ssettag $0x0;
	lr =	simm.s32 $0x1  }
0x2: {  	[smem:$0x3F9D] =	sst lr;
	_ =	strace $0xD0000000  }
0x3: {  	_ = 	snop  }
0x4: {  	_ = 	snop  }
0x5: {  	_ = 	snop  }
0x6: {  	_ = 	snop  }
0x7: {  	_ = 	snop  }
__scs_overlays_trampoline_lowered:
0x8: {  	[smem:$0x3FAC] =	sst s0  }
0x9: {  	[smem:$0x3FAD] =	sst s1  }
0xa: {  	[smem:$0x3FAE] =	sst s2  }
0xb: {  	[smem:$0x3FAF] =	sst s3  }
0xc: {  	[smem:$0x3FB0] =	sst s4  }
0xd: {  	[smem:$0x3FB1] =	sst s5  }
0xe: {  	[smem:$0x3FB2] =	sst s6  }
0xf: {  	[smem:$0x3FB3] =	sst s7  }
0x10: {  	[smem:$0x3FB4] =	sst s8  }
0x11: {  	[smem:$0x3FB5] =	sst s9;
	s0 =	simm.s32 @!p0 $0x0  }
0x12: {  	s1 =	sld [smem:$0x3F9B];
	s0 =	simm.s32 @p0 $0x1  }
0x13: {  	[smem:$0x3FB6] =	sst s0;
	s0 =	simm.s32 @!p1 $0x0  }
0x14: {  	s2 =	sld [smem:$0x3F9A];
	s0 =	simm.s32 @p1 $0x1  }
0x15: {  	[smem:$0x3FB7] =	sst s0;
	s0 =	simm.s32 @!p2 $0x0  }
0x16: {  	s3 =	sld [smem:$0x3FDB];
	s0 =	simm.s32 @p2 $0x1  }
0x17: {  	s4 =	simm.s32 $0x1BF5;
	[smem:$0x3FB9] =	sst s0  }
0x18: {  	s0 =	sld [smem:$0x3F9C];
	_ =	swait.ge [sflag:s4], $0x0  }
0x19: {  	s7 =	sld [smem:$0x3F9D]  }
0x1a: {  	s8 =	sadd.s32 $0xFFFFE003, lr  }
0x1b: {  	s9 =	sadd.s32 $0xFFFFFEF7, lr;
	s5 =	simm.s32 $0xFFFFFFFF;
	p2 =	slt.u32 s8, $0xFFFFF086  }
0x1c: {  	p1 =	slt.u32 s9, $0xF7A;
	s5 =	simm.s32 @!p2 $0x0  }
0x1d: {  	s5 =	simm.s32 @p1 $0x1;
	p0 =	seq.s32 s7, s2  }
0x1e: {  	s7 =	smul.u32 @!p0 $0xF7A, s2;
	p2 =	seq.s32 @!p0 s5, $0x0  }
0x1f: {  	s9 =	smul.u32 $0xF7A, s1;
	s8 =	simm.s32 @!p0 $0x1BF5;
	p2 =	por !p2, p0  }
0x20: {  	[sflag:s8] =	ssyncset.s32 @!p0 $0xFFFFF086;
	s6 =	sadd.s32 @!p0 s3, s7;
	s7 =	simm.s32 @!p0 $0x108  }
0x21: {  	s3 =	sadd.s32 s3, s9;
	s6 =	sadd.s32 @!p0 $0x88, s6;
	s7 =	simm.s32 @p2 $0x1082  }
0x22: {  	[simem:s7], [sflag:s8] =	dma.local @!p0 [hbm:s6], $0xF7A  }
0x23: {  	s9 =	sor.u32 $0xD0000000, s2;
	s6 =	simm.s32 $0x108;
	_ =	swait.ge @!p0 [sflag:s8], $0x0  }
0x24: {  	s3 =	sadd.s32 $0x88, s3;
	s6 =	simm.s32 @!p1 $0x1082;
	[sflag:s4] =	ssyncset.s32 $0xFFFFF086  }
0x25: {  	[simem:s6], [sflag:s4] =	dma.local [hbm:s3], $0xF7A  }
0x26: {  	[smem:$0x3F9D] =	sst s1;
	(tag) =	ssettag s2;
	_ =	strace s9  }
0x27: {  	s1 =	sld [smem:$0x3FAD]  }
0x28: {  	s2 =	sld [smem:$0x3FAE]  }
0x29: {  	s4 =	sld [smem:$0x3FB0]  }
0x2a: {  	p0 =	seq.s32 s5, $0x0;
	s5 =	sld [smem:$0x3FB1]  }
0x2b: {  	s6 =	sld [smem:$0x3FB2]  }
0x2c: {  	s7 =	sld [smem:$0x3FB3]  }
0x2d: {  	s3 =	simm.s32 $0x108;
	s8 =	sld [smem:$0x3FB4]  }
0x2e: {  	s3 =	simm.s32 @!p0 $0x1082;
	s9 =	sld [smem:$0x3FB5]  }
0x2f: {  	lr =	sadd.s32 s0, s3;
	s0 =	sld [smem:$0x3FAC]  }
0x30: {  	s3 =	sld [smem:$0x3FAF]  }
0x31: {  	[smem:$0x3FB8] =	sst s10  }
0x32: {  	s10 =	sld [smem:$0x3FB6];
	_ =	sdelay $0x3  }
0x33: {  	p0 =	seq.s32 s10, $0x1;
	s10 =	sld [smem:$0x3FB8];
	_ =	sdelay $0x3  }
0x34: {  	[smem:$0x3FB8] =	sst s10  }
0x35: {  	s10 =	sld [smem:$0x3FB7];
	_ =	sdelay $0x3  }
0x36: {  	p1 =	seq.s32 s10, $0x1;
	s10 =	sld [smem:$0x3FB8];
	_ =	sdelay $0x3  }
0x37: {  	[smem:$0x3FB8] =	sst s10  }
0x38: {  	s10 =	sld [smem:$0x3FB9]  }
0x39: {  	_ = 	snop;
	(pc) =	sbr.ind lr, $3  }
0x3a: {  	_ = 	snop  }
0x3b: {  	_ = 	snop  }
0x3c: {  	p2 =	seq.s32 s10, $0x1;
	s10 =	sld [smem:$0x3FB8]  }
0x3d: {  	_ =	shalt  }
0x3e: {  	_ =	shalt  }
0x3f: {  	_ =	shalt  }
0x40: {  	_ =	shalt  }
0x41: {  	_ =	shalt  }
0x42: {  	_ =	shalt  }
0x43: {  	_ =	shalt  }
0x44: {  	_ =	shalt  }
0x45: {  	_ =	shalt  }
0x46: {  	_ =	shalt  }
0x47: {  	_ =	shalt  }
0x48: {  	_ =	shalt  }
0x49: {  	_ =	shalt  }
0x4a: {  	_ =	shalt  }
0x4b: {  	_ =	shalt  }
0x4c: {  	_ =	shalt  }
0x4d: {  	_ =	shalt  }
0x4e: {  	_ =	shalt  }
0x4f: {  	_ =	shalt  }
0x50: {  	_ =	shalt  }
0x51: {  	_ =	shalt  }
0x52: {  	_ =	shalt  }
0x53: {  	_ =	shalt  }
0x54: {  	_ =	shalt  }
0x55: {  	_ =	shalt  }
0x56: {  	_ =	shalt  }
0x57: {  	_ =	shalt  }
0x58: {  	_ =	shalt  }
0x59: {  	_ =	shalt  }
0x5a: {  	_ =	shalt  }
0x5b: {  	_ =	shalt  }
0x5c: {  	_ =	shalt  }
0x5d: {  	_ =	shalt  }
0x5e: {  	_ =	shalt  }
0x5f: {  	_ =	shalt  }
0x60: {  	_ =	shalt  }
0x61: {  	_ =	shalt  }
0x62: {  	_ =	shalt  }
0x63: {  	_ =	shalt  }
0x64: {  	_ =	shalt  }
0x65: {  	_ =	shalt  }
0x66: {  	_ =	shalt  }
0x67: {  	_ =	shalt  }
0x68: {  	_ =	shalt  }
0x69: {  	_ =	shalt  }
0x6a: {  	_ =	shalt  }
0x6b: {  	_ =	shalt  }
0x6c: {  	_ =	shalt  }
0x6d: {  	_ =	shalt  }
0x6e: {  	_ =	shalt  }
0x6f: {  	_ =	shalt  }
0x70: {  	_ =	shalt  }
0x71: {  	_ =	shalt  }
0x72: {  	_ =	shalt  }
0x73: {  	_ =	shalt  }
0x74: {  	_ =	shalt  }
0x75: {  	_ =	shalt  }
0x76: {  	_ =	shalt  }
0x77: {  	_ =	shalt  }
0x78: {  	_ =	shalt  }
0x79: {  	_ =	shalt  }
0x7a: {  	_ =	shalt  }
0x7b: {  	_ =	shalt  }
0x7c: {  	_ =	shalt  }
0x7d: {  	_ =	shalt  }
0x7e: {  	_ =	shalt  }
0x7f: {  	_ =	shalt  }
0x80: {  	_ =	shalt  }
0x81: {  	_ =	shalt  }
0x82: {  	_ =	shalt  }
0x83: {  	_ =	shalt  }
0x84: {  	_ =	shalt  }
0x85: {  	_ =	shalt  }
0x86: {  	_ =	shalt  }
0x87: {  	_ =	shalt  }
.Lfunc_end0:
.L_simem_size_0:
called_computation.3_lowered:
.L_overlay_start_0:
0x88: {  	s2 =	sld [smem:$0x3FD9]  }
0x89: {  	s3 =	sld [smem:$0x3FFE];
	_ =	sdelay $0x1  }
0x8a: {  	s1 =	srdreg.scid  }
0x8b: {  	s0 =	sand.u32 $0x1, s1  }
0x8c: {  	s15 =	sshll.u32 s0, $0xA;
	s2 =	sadd.s32 s3, s2  }
0x8d: {  	s2 =	sadd.s32 s2, s15  }
0x8e: {  	[smem:$0x3FC4] =	sst s2  }
0x8f: {  	_ = 	snop  }
0x90: {  	s2 =	sld [smem:$0x3FD0];
	_ =	sdelay $0x2  }
0x91: {  	s16 =	simm.s32 $0xA;
	s4 =	simm.s32 $0x10  }
0x92: {  	[smem:s4], [sflag:s16] =	dma.local [hbm:s2], $0x1  }
0x93: {  	_ =	swait.eq [sflag:s16], $0x1  }
0x94: {  	s17 =	sld [smem:$0x10];
	[sflag:s16] =	ssyncset.done $0x0  }
0x95: {  	s18 =	sld [smem:$0x11];
	[sflag:s16] =	ssyncadd.s32 $0xFFFFFFFF  }
0x96: {  	s19 =	sld [smem:$0x12];
	(tm) =	ssettm $0x1  }
0x97: {  	s5 =	sld [smem:$0x3FFB];
	_ =	sdelay $0x3  }
0x98: {  	_ =	strace s5  }
0x99: {  	s5 =	sld [smem:$0x3FFC];
	_ =	sdelay $0x3  }
0x9a: {  	_ =	strace s5  }
0x9b: {  	s5 =	sld [smem:$0x3FFD];
	_ =	sdelay $0x3  }
0x9c: {  	_ =	strace s5  }
0x9d: {  	_ =	strace $0x8FFFFFFF  }
0x9e: {  	s20 =	sld [smem:$0x3FDB];
	_ =	sdelay $0x1  }
0x9f: {  	s6 =	simm.s32 $_scs_section_size  }
0xa0: {  	s7 =	simm.s32 $_size__tile_overlayer_lowered;
	s8 =	simm.s32 $_tile_overlayer_lowered  }
0xa1: {  	s23 =	simm.s32 $0x1BFF;
	s22 =	sshll.u32 s8, $0x1;
	s5 =	sadd.s32 s6, s20  }
0xa2: {  	s9 =	simm.s32 $0x0;
	s21 =	sshll.u32 s7, $0x1;
	s7 =	sadd.s32 s22, s5  }
0xa3: {  	[timem:s9], [sflag:s23] =	dma.local [hbm:s7], s21  }
0xa4: {  	_ =	swait.ge [sflag:s23], s21  }
0xa5: {  	s6 =	ssub.s32 $0x0, s21;
	[sflag:s23] =	ssyncset.done $0x0  }
0xa6: {  	[sflag:s23] =	ssyncadd.s32 s6;
	_ =	sdelay $0x1  }
0xa7: {  	s24 =	simm.s32 $0x1B8B  }
0xa8: {  	_ =	swait.ge [sflag:s24], $0x1  }
0xa9: {  	[sflag:s24] =	ssyncset.done $0x0  }
0xaa: {  	s25 =	simm.s32 $0x1B8E;
	[sflag:s24] =	ssyncadd.s32 $0xFFFFFFFF  }
0xab: {  	s26 =	simm.s32 $execute0_lowered;
	[smem:$0x3FD2] =	sst s25  }
0xac: {  	s6 =	sshll.u32 s26, $0x1;
	_ =	strace $0x80000049;
	[dreg:$0x1] =	wrdreg $0xFFFFFFFF  }
0xad: {  	s28 =	simm.s32 $_size_execute0_lowered;
	s5 =	sadd.s32 s5, s6;
	[dreg:$0x0] =	wrdreg $0x0  }
0xae: {  	s6 =	sshll.u32 s28, $0x1;
	[dreg:$0x2] =	wrdreg s5  }
0xaf: {  	[dreg:$0x3] =	wrdreg s6  }
0xb0: {  	[dreg:$0x4] =	wrdreg $0xC0  }
0xb1: {  	_ =	task [dreg:s9], $0x5FFFF  }
0xb2: {  	[dreg:$0x1] =	wrdreg $0xFFFFFFFF  }
0xb3: {  	[dreg:$0x0] =	wrdreg $0x60  }
0xb4: {  	[dreg:$0x2] =	wrdreg s19  }
0xb5: {  	[dreg:$0x3] =	wrdreg s18  }
0xb6: {  	[dreg:$0x4] =	wrdreg s17  }
0xb7: {  	[dreg:$0x5] =	wrdreg $0x9  }
0xb8: {  	_ =	task.clear_ibuf [dreg:s9], $0x6FFFF;
	_ =	strace $0x90000049  }
0xb9: {  	s29 =	simm.s32 $0x9;
	_ =	strace $0x8000004B  }
0xba: {  	_ =	swait.ge [sflag:s29], $0x1  }
0xbb: {  	[sflag:s29] =	ssyncadd.s32 $0xFFFFFFFF  }
0xbc: {  	_ =	strace $0x9000004B  }
0xbd: {  	_ =	sfence  }
0xbe: {  	s30 =	sld [smem:$0x0];
	_ =	sdelay $0x2  }
0xbf: {  	s31 =	sshll.u32 s1, $0xD;
	s1 =	sshrl.u32 s1, $0x2  }
0xc0: {  	s3 =	sand.u32 $0x4000, s31;
	s1 =	sadd.s32 s1, s30  }
0xc1: {  	s0 =	sor.u32 s3, s0;
	s1 =	sshll.u32 s1, $0x11  }
0xc2: {  	s0 =	sor.u32 s1, s0  }
0xc3: {  	s0 =	sadd.s32 $0x8F2B, s0  }
0xc4: {  	[sflag:s0] =	ssyncadd.remote.s32 $0x1  }
0xc5: {  	_ =	sfence.sel $0xFFFF  }
0xc6: {  	[dreg:$0x0] =	wrdreg $0xFFFFFFFF;
	(pc) =	sbr.abs _section_cstart, $3  }
0xc7: {  	[dreg:$0x1] =	wrdreg $0xFFFFFFFF  }
0xc8: {  	_ =	task.clear_ibuf [dreg:s9], $0x2FFFF;
	_ =	strace $0x9FFFFFFF  }
0xc9: {  	(tm) =	ssettm $0x7FFFFFFF  }
tec
execute0_lowered:
.L_overlay_start_1:
0x0: {  	(tag) =	ssettag $0x1  }
0x1: {  	s2 =	rddreg [dreg:$0x0]  }
0x2: {  	s3 =	rddreg [dreg:$0x1]  }
0x3: {  	s4 =	rddreg [dreg:$0x2];
	s1 =	stileid.u32  }
0x4: {  	s5 =	srdreg.scid;
	s0 =	rddreg [dreg:$0x3]  }
0x5: {  	_ =	strace $0x8000004A;
	s8 =	simm.s32 $0x1;
	s9 =	simm.s32 $0x1  }
0x6: {  	s10 =	simm.s32 $0x3;
	s6 =	sand.u32 $0x1, s5;
	s7 =	sshll.u32 s1, $0x1  }
0x7: {  	s13 =	simm.s32 $0x0;
	s5 =	simm.s32 $0x1;
	s6 =	sor.u32 s7, s6  }
.Ltmp0:
0x8: {  	[sflag:s5] =	ssyncpa.u1 $0x0;
	p0 =	slt.u32 s6, $0x13;
	(pc) =	sbr.rel .LBB2_1-.Ltmp0, $4  }
0x9: {  	s7 =	simm.s32 $0x2;
	s8 =	simm.s32 @!p0 $0x0;
	p0 =	sne.s32 s6, $0x12  }
0xa: {  	[sflag:s7] =	ssyncpa.u1 $0x0;
	s6 =	smul.u32 $0x30, s6;
	s9 =	simm.s32 @!p0 $0x0  }
0xb: {  	s12 =	simm.s32 $0x0;
	[sflag:s10] =	ssyncpa.u1 $0x0;
	s8 =	sadd.s32 s9, s8  }
0xc: {  	vm0 =	vmmov $0xffff;
	s10 =	simm.s32 $0x0;
	s11 =	smov.u32 s6;
	s9 =	sadd.s32 $0x1, s8  }
.LBB2_4:
0xd: {  	v2 =	vsel vm1, $0xFFFFFFFF, v2;
	v3 =	vshll.u32 v1, $0x3  }
0xe: {  	v4 =	vand.u32 $0xFFFFF000, v2;
	v3 =	vand.u32 $0xFFFFFC00, v3;
	v2 =	vshll.u32 v2, $0x7  }
0xf: {  	v3 =	vadd.s32 v4, v3;
	v2 =	vand.u32 $0x380, v2  }
0x10: {  	v63 =	vand.u32 $0x7F, v1;
	v2 =	vor.u32 v2, v3  }
0x11: {  	v1 =	vor.u32 v63, v2;
	_ =	sdelay $0x2  }
0x12: {  	[tilespmem:s15], [sflag:$0x1] =	stream.indirect_vreg.gather [hbm4b:s2+s10], $0x1, v0, vm0, $0x4038;
	[tilespmem:$0xC0] =	vst v63  }
0x13: {  	(ifvalue) =	ssetifvalue $0x7FFFFFFF;
	s29 =	sadd.s32 $0x10, s15  }
0x14: {  	[tilespmem:s29], [sflag:$0x1] =	stream.indirect_vreg.gather [hbm4b:s2+s10], $0x1, v1, vm0, $0x4038;
	[tilespmem:$0xC0] =	vst v63  }
0x15: {  	_ =	swait.ge [sflag:s5], $0x30  }
0x16: {  	s30 =	sshrl.u32 s13, $0x3;
	[sflag:s5] =	ssyncset.done $0x0  }
0x17: {  	s31 =	sand.u32 $0x7, s13;
	s15 =	sadd.s32 s4, s30;
	[sflag:s5] =	ssyncadd.s32 $0xFFFFFFD0  }
0x18: {  	[hbm4b:s15+s31] =	stream.linear.scatter [tilespmem:s14], [sflag:$0x3], $0x30, $0x38;
	[tilespmem:$0xC0] =	vst v63  }
.LBB2_5:
0x19: {  	s15 =	sadd.s32 $0x600, s11  }
0x1a: {  	p1 =	sgt.s32 s15, $0x95F  }
0x1b: {  	s15 =	smov.u32 @p1 s6;
	p1 =	sne.s32 s12, s9  }
.Ltmp1:
0x1c: {  	p0 =	slt.u32 s12, $0x2;
	(pc) =	sbr.rel @!p1 .LBB2_6-.Ltmp1, $4  }
0x1d: {  	s14 =	simm.s32 @!p0 $0x3  }
0x1e: {  	_ =	swait.ge @!p0 [sflag:s14], $0x30  }
0x1f: {  	s16 =	sadd.s32 $0x1, s12;
	s13 =	smov.u32 s11;
	[sflag:s14] =	ssyncset.done @!p0 $0x0  }
0x20: {  	s12 =	smov.u32 s16;
	s11 =	smov.u32 s15;
	[sflag:s14] =	ssyncadd.s32 @!p0 $0xFFFFFFD0  }
.LBB2_1:
0x21: {  	p0 =	sge.u32 s12, s8  }
0x22: {  	s14 =	sxor.u32 @!p0 $0x1, s12  }
0x23: {  	s14 =	smul.u32 @!p0 $0xC0, s14  }
0x24: {  	s31 =	sadd.s32 $0xFFFFFFFF, s12;
	s15 =	sshrl.u32 @!p0 s11, $0x3  }
0x25: {  	s16 =	sand.u32 @!p0 $0x7, s11;
	s15 =	sadd.s32 @!p0 s3, s15;
	s14 =	sshra.s32 @!p0 s14, $0x2  }
0x26: {  	[tilespmem:s14], [sflag:$0x2] =	stream.linear.gather @!p0 [hbm4b:s15+s16], $0x30, $0x38;
	[tilespmem:$0xC0] =	vst v63  }
0x27: {  	p0 =	sge.u32 s31, s8  }
.Ltmp2:
0x28: {  	_ = 	snop;
	(pc) =	sbr.rel @p0 .LBB2_5-.Ltmp2, $1  }
0x29: {  	_ =	sdelay $0x3  }
0x2a: {  	s14 =	sand.u32 $0x1, s12  }
0x2b: {  	_ =	swait.ge [sflag:s7], $0x30;
	p0 =	seq.s32 s14, $0x1;
	s14 =	simm.s32 $0x30  }
0x2c: {  	[sflag:s7] =	ssyncset.done $0x0;
	s14 =	simm.s32 @!p0 $0x0  }
0x2d: {  	[sflag:s7] =	ssyncadd.s32 $0xFFFFFFD0;
	(ifvalue) =	ssetifvalue $0x7FFFFFFF;
	v0 =	vld.msk [tilespmem:s14+$0x0 ss:$0x1], $0xffff;
	_ =	sdelay $0x4  }
0x2e: {  	v1 =	vshrl.u32 v0, $0x3  }
0x2f: {  	vm1 =	veq.s32 v0, $0x80000000;
	v1 =	vand.u32 $0x1FF, v1  }
0x30: {  	v0 =	vand.u32 $0x7, v0;
	v1 =	vsel vm1, $0xFFFFFFFF, v1  }
0x31: {  	s15 =	sadd.s32 $0x10, s14;
	v0 =	vsel vm1, $0xFFFFFFFF, v0;
	v3 =	vshll.u32 v1, $0x3  }
0x32: {  	v2 =	vld.msk [tilespmem:s15+$0x0 ss:$0x1], $0xffff;
	v4 =	vand.u32 $0xFFFFF000, v0;
	v0 =	vshll.u32 v0, $0x7;
	v3 =	vand.u32 $0xFFFFFC00, v3  }
0x33: {  	v0 =	vand.u32 $0x380, v0;
	v3 =	vadd.s32 v4, v3  }
0x34: {  	v1 =	vand.u32 $0x7F, v1;
	v0 =	vor.u32 v0, v3  }
0x35: {  	v0 =	vor.u32 v1, v0;
	_ =	sdelay $0x1  }
0x36: {  	v63 =	vshrl.u32 v2, $0x3  }
0x37: {  	s16 =	simm.s32 $0x10;
	s14 =	sadd.s32 $0x60, s14;
	vm1 =	veq.s32 v2, $0x80000000;
	v3 =	vand.u32 $0x1FF, v63  }
0x38: {  	s17 =	sadd.s32 $0x10, s15;
	(ifvalue) =	ssetifvalue $0x7FFFFFFF;
	s15 =	smov.u32 s14;
	v2 =	vand.u32 $0x7, v2;
	v1 =	vsel vm1, $0xFFFFFFFF, v3  }
.LBB2_3:
0x39: {  	v3 =	vld.msk [tilespmem:s17+$0x0 ss:$0x1], $0xffff;
	v2 =	vsel vm1, $0xFFFFFFFF, v2;
	v4 =	vshll.u32 v1, $0x3;
	[tilespmem:s15], [sflag:$0x1] =	stream.indirect_vreg.gather [hbm4b:s2+s10], $0x1, v0, vm0, $0x4038  }
0x3a: {  	s16 =	sadd.s32 $0x10, s16;
	v0 =	vand.u32 $0xFFFFF000, v2;
	v4 =	vand.u32 $0xFFFFFC00, v4;
	v2 =	vshll.u32 v2, $0x7  }
0x3b: {  	p0 =	slt.u32 s16, $0x20;
	v0 =	vadd.s32 v0, v4;
	v2 =	vand.u32 $0x380, v2  }
0x3c: {  	v1 =	vand.u32 $0x7F, v1;
	v0 =	vor.u32 v2, v0  }
.Ltmp3:
0x3d: {  	v0 =	vor.u32 v1, v0;
	(pc) =	sbr.rel @p0 .LBB2_3-.Ltmp3, $4  }
0x3e: {  	_ = 	snop  }
0x3f: {  	v1 =	vshrl.u32 v3, $0x3  }
0x40: {  	vm1 =	veq.s32 v3, $0x80000000;
	v1 =	vand.u32 $0x1FF, v1  }
0x41: {  	s17 =	sadd.s32 $0x10, s17;
	s15 =	sadd.s32 $0x10, s15;
	v2 =	vand.u32 $0x7, v3;
	v1 =	vsel vm1, $0xFFFFFFFF, v1;
	(ifvalue) =	ssetifvalue $0x7FFFFFFF  }
.Ltmp4:
0x42: {  	_ = 	snop;
	(pc) =	sbr.rel .LBB2_4-.Ltmp4, $1  }
0x43: {  	_ =	sdelay $0x3  }
.LBB2_6:
0x44: {  	_ =	sfence.sel $0x180000  }
0x45: {  	s2 =	simm.s32 $0x2;
	[bflag:$0x0] =	sbarrier.arrive $0xFFFF  }
0x46: {  	s30 =	simm.s32 $0x3;
	[sflag:s2] =	ssyncpa.u1 $0x1  }
0x47: {  	s31 =	simm.s32 $0x1;
	[sflag:s30] =	ssyncpa.u1 $0x1  }
0x48: {  	[sflag:s31] =	ssyncpa.u1 $0x1  }
0x49: {  	p0 =	sne.s32 s1, $0x0;
	_ =	strace $0x9000004A  }
0x4a: {  	s0 =	sadd.s32 @!p0 $0x100000, s0;
	[bflag:$0x2] =	sbarrier.arrive $0xFFFF  }
0x4b: {  	[sflag:s0] =	ssyncadd.tile.s32 @!p0 $0x1;
	_ =	shalt  }
.Lfunc_end2:
_tile_overlayer_lowered:
.L_overlay_start_2:
0x4c: {  	(tag) =	ssettag $0x2  }
0x4d: {  	s0 =	rddreg [dreg:$0x0];
	s2 =	stileid.u32  }
0x4e: {  	s1 =	rddreg [dreg:$0x1];
	p0 =	sne.s32 s2, $0x0  }
0x4f: {  	s3 =	rddreg [dreg:$0x2];
	[bflag:$0x3] =	sbarrier.arrive $0xFFFF;
	s2 =	simm.s32 @!p0 $0x1C01  }
0x50: {  	[timem:s3], [sflag:s2] =	dma.local @!p0 [hbm:s0], s1  }
0x51: {  	s0 =	simm.s32 @!p0 $0x1  }
0x52: {  	_ =	swait.ge @!p0 [sflag:s0], s1  }
0x53: {  	s1 =	ssub.s32 @!p0 $0x0, s1;
	[sflag:s0] =	ssyncset.done @!p0 $0x0  }
0x54: {  	[sflag:s0] =	ssyncadd.s32 @!p0 s1  }
0x55: {  	[bflag:$0x3] =	sbarrier.arrive $0xFFFF  }
0x56: {  	_ =	shalt  }

// kernel: gather_offload_async_start.4
scs
__scs_entry_jumppad:
0x0: {  	(pc) =	sbr.rel $0x88, $3  }
0x1: {  	(tag) =	ssettag $0x0;
	lr =	simm.s32 $0x1  }
0x2: {  	[smem:$0x3F9D] =	sst lr;
	_ =	strace $0xD0000000  }
0x3: {  	_ = 	snop  }
0x4: {  	_ = 	snop  }
0x5: {  	_ = 	snop  }
0x6: {  	_ = 	snop  }
0x7: {  	_ = 	snop  }
__scs_overlays_trampoline_lowered:
0x8: {  	[smem:$0x3FAC] =	sst s0  }
0x9: {  	[smem:$0x3FAD] =	sst s1  }
0xa: {  	[smem:$0x3FAE] =	sst s2  }
0xb: {  	[smem:$0x3FAF] =	sst s3  }
0xc: {  	[smem:$0x3FB0] =	sst s4  }
0xd: {  	[smem:$0x3FB1] =	sst s5  }
0xe: {  	[smem:$0x3FB2] =	sst s6  }
0xf: {  	[smem:$0x3FB3] =	sst s7  }
0x10: {  	[smem:$0x3FB4] =	sst s8  }
0x11: {  	[smem:$0x3FB5] =	sst s9;
	s0 =	simm.s32 @!p0 $0x0  }
0x12: {  	s1 =	sld [smem:$0x3F9B];
	s0 =	simm.s32 @p0 $0x1  }
0x13: {  	[smem:$0x3FB6] =	sst s0;
	s0 =	simm.s32 @!p1 $0x0  }
0x14: {  	s2 =	sld [smem:$0x3F9A];
	s0 =	simm.s32 @p1 $0x1  }
0x15: {  	[smem:$0x3FB7] =	sst s0;
	s0 =	simm.s32 @!p2 $0x0  }
0x16: {  	s3 =	sld [smem:$0x3FDB];
	s0 =	simm.s32 @p2 $0x1  }
0x17: {  	s4 =	simm.s32 $0x1BF5;
	[smem:$0x3FB9] =	sst s0  }
0x18: {  	s0 =	sld [smem:$0x3F9C];
	_ =	swait.ge [sflag:s4], $0x0  }
0x19: {  	s7 =	sld [smem:$0x3F9D]  }
0x1a: {  	s8 =	sadd.s32 $0xFFFFE003, lr  }
0x1b: {  	s9 =	sadd.s32 $0xFFFFFEF7, lr;
	s5 =	simm.s32 $0xFFFFFFFF;
	p2 =	slt.u32 s8, $0xFFFFF086  }
0x1c: {  	p1 =	slt.u32 s9, $0xF7A;
	s5 =	simm.s32 @!p2 $0x0  }
0x1d: {  	s5 =	simm.s32 @p1 $0x1;
	p0 =	seq.s32 s7, s2  }
0x1e: {  	s7 =	smul.u32 @!p0 $0xF7A, s2;
	p2 =	seq.s32 @!p0 s5, $0x0  }
0x1f: {  	s9 =	smul.u32 $0xF7A, s1;
	s8 =	simm.s32 @!p0 $0x1BF5;
	p2 =	por !p2, p0  }
0x20: {  	[sflag:s8] =	ssyncset.s32 @!p0 $0xFFFFF086;
	s6 =	sadd.s32 @!p0 s3, s7;
	s7 =	simm.s32 @!p0 $0x108  }
0x21: {  	s3 =	sadd.s32 s3, s9;
	s6 =	sadd.s32 @!p0 $0x88, s6;
	s7 =	simm.s32 @p2 $0x1082  }
0x22: {  	[simem:s7], [sflag:s8] =	dma.local @!p0 [hbm:s6], $0xF7A  }
0x23: {  	s9 =	sor.u32 $0xD0000000, s2;
	s6 =	simm.s32 $0x108;
	_ =	swait.ge @!p0 [sflag:s8], $0x0  }
0x24: {  	s3 =	sadd.s32 $0x88, s3;
	s6 =	simm.s32 @!p1 $0x1082;
	[sflag:s4] =	ssyncset.s32 $0xFFFFF086  }
0x25: {  	[simem:s6], [sflag:s4] =	dma.local [hbm:s3], $0xF7A  }
0x26: {  	[smem:$0x3F9D] =	sst s1;
	(tag) =	ssettag s2;
	_ =	strace s9  }
0x27: {  	s1 =	sld [smem:$0x3FAD]  }
0x28: {  	s2 =	sld [smem:$0x3FAE]  }
0x29: {  	s4 =	sld [smem:$0x3FB0]  }
0x2a: {  	p0 =	seq.s32 s5, $0x0;
	s5 =	sld [smem:$0x3FB1]  }
0x2b: {  	s6 =	sld [smem:$0x3FB2]  }
0x2c: {  	s7 =	sld [smem:$0x3FB3]  }
0x2d: {  	s3 =	simm.s32 $0x108;
	s8 =	sld [smem:$0x3FB4]  }
0x2e: {  	s3 =	simm.s32 @!p0 $0x1082;
	s9 =	sld [smem:$0x3FB5]  }
0x2f: {  	lr =	sadd.s32 s0, s3;
	s0 =	sld [smem:$0x3FAC]  }
0x30: {  	s3 =	sld [smem:$0x3FAF]  }
0x31: {  	[smem:$0x3FB8] =	sst s10  }
0x32: {  	s10 =	sld [smem:$0x3FB6];
	_ =	sdelay $0x3  }
0x33: {  	p0 =	seq.s32 s10, $0x1;
	s10 =	sld [smem:$0x3FB8];
	_ =	sdelay $0x3  }
0x34: {  	[smem:$0x3FB8] =	sst s10  }
0x35: {  	s10 =	sld [smem:$0x3FB7];
	_ =	sdelay $0x3  }
0x36: {  	p1 =	seq.s32 s10, $0x1;
	s10 =	sld [smem:$0x3FB8];
	_ =	sdelay $0x3  }
0x37: {  	[smem:$0x3FB8] =	sst s10  }
0x38: {  	s10 =	sld [smem:$0x3FB9]  }
0x39: {  	_ = 	snop;
	(pc) =	sbr.ind lr, $3  }
0x3a: {  	_ = 	snop  }
0x3b: {  	_ = 	snop  }
0x3c: {  	p2 =	seq.s32 s10, $0x1;
	s10 =	sld [smem:$0x3FB8]  }
0x3d: {  	_ =	shalt  }
0x3e: {  	_ =	shalt  }
0x3f: {  	_ =	shalt  }
0x40: {  	_ =	shalt  }
0x41: {  	_ =	shalt  }
0x42: {  	_ =	shalt  }
0x43: {  	_ =	shalt  }
0x44: {  	_ =	shalt  }
0x45: {  	_ =	shalt  }
0x46: {  	_ =	shalt  }
0x47: {  	_ =	shalt  }
0x48: {  	_ =	shalt  }
0x49: {  	_ =	shalt  }
0x4a: {  	_ =	shalt  }
0x4b: {  	_ =	shalt  }
0x4c: {  	_ =	shalt  }
0x4d: {  	_ =	shalt  }
0x4e: {  	_ =	shalt  }
0x4f: {  	_ =	shalt  }
0x50: {  	_ =	shalt  }
0x51: {  	_ =	shalt  }
0x52: {  	_ =	shalt  }
0x53: {  	_ =	shalt  }
0x54: {  	_ =	shalt  }
0x55: {  	_ =	shalt  }
0x56: {  	_ =	shalt  }
0x57: {  	_ =	shalt  }
0x58: {  	_ =	shalt  }
0x59: {  	_ =	shalt  }
0x5a: {  	_ =	shalt  }
0x5b: {  	_ =	shalt  }
0x5c: {  	_ =	shalt  }
0x5d: {  	_ =	shalt  }
0x5e: {  	_ =	shalt  }
0x5f: {  	_ =	shalt  }
0x60: {  	_ =	shalt  }
0x61: {  	_ =	shalt  }
0x62: {  	_ =	shalt  }
0x63: {  	_ =	shalt  }
0x64: {  	_ =	shalt  }
0x65: {  	_ =	shalt  }
0x66: {  	_ =	shalt  }
0x67: {  	_ =	shalt  }
0x68: {  	_ =	shalt  }
0x69: {  	_ =	shalt  }
0x6a: {  	_ =	shalt  }
0x6b: {  	_ =	shalt  }
0x6c: {  	_ =	shalt  }
0x6d: {  	_ =	shalt  }
0x6e: {  	_ =	shalt  }
0x6f: {  	_ =	shalt  }
0x70: {  	_ =	shalt  }
0x71: {  	_ =	shalt  }
0x72: {  	_ =	shalt  }
0x73: {  	_ =	shalt  }
0x74: {  	_ =	shalt  }
0x75: {  	_ =	shalt  }
0x76: {  	_ =	shalt  }
0x77: {  	_ =	shalt  }
0x78: {  	_ =	shalt  }
0x79: {  	_ =	shalt  }
0x7a: {  	_ =	shalt  }
0x7b: {  	_ =	shalt  }
0x7c: {  	_ =	shalt  }
0x7d: {  	_ =	shalt  }
0x7e: {  	_ =	shalt  }
0x7f: {  	_ =	shalt  }
0x80: {  	_ =	shalt  }
0x81: {  	_ =	shalt  }
0x82: {  	_ =	shalt  }
0x83: {  	_ =	shalt  }
0x84: {  	_ =	shalt  }
0x85: {  	_ =	shalt  }
0x86: {  	_ =	shalt  }
0x87: {  	_ =	shalt  }
.Lfunc_end0:
.L_simem_size_0:
called_computation.4_lowered:
.L_overlay_start_0:
0x88: {  	s2 =	sld [smem:$0x3FD9]  }
0x89: {  	s3 =	sld [smem:$0x3FFE];
	_ =	sdelay $0x1  }
0x8a: {  	s1 =	srdreg.scid  }
0x8b: {  	s0 =	sand.u32 $0x1, s1  }
0x8c: {  	s14 =	sshll.u32 s0, $0xA;
	s2 =	sadd.s32 s3, s2  }
0x8d: {  	s2 =	sadd.s32 s2, s14  }
0x8e: {  	[smem:$0x3FC4] =	sst s2  }
0x8f: {  	_ = 	snop  }
0x90: {  	s2 =	sld [smem:$0x3FD0];
	_ =	sdelay $0x2  }
0x91: {  	s15 =	simm.s32 $0xA;
	s4 =	simm.s32 $0x10  }
0x92: {  	[smem:s4], [sflag:s15] =	dma.local [hbm:s2], $0x1  }
0x93: {  	_ =	swait.eq [sflag:s15], $0x1  }
0x94: {  	[sflag:s15] =	ssyncset.done $0x0  }
0x95: {  	s16 =	sld [smem:$0x11];
	[sflag:s15] =	ssyncadd.s32 $0xFFFFFFFF  }
0x96: {  	s17 =	sld [smem:$0x12];
	(tm) =	ssettm $0x1  }
0x97: {  	s18 =	sld [smem:$0x3FFB];
	_ =	sdelay $0x3  }
0x98: {  	_ =	strace s18  }
0x99: {  	s4 =	sld [smem:$0x3FFC];
	_ =	sdelay $0x3  }
0x9a: {  	_ =	strace s4  }
0x9b: {  	s4 =	sld [smem:$0x3FFD];
	_ =	sdelay $0x3  }
0x9c: {  	_ =	strace s4  }
0x9d: {  	_ =	strace $0x8FFFFFFF  }
0x9e: {  	s19 =	sld [smem:$0x3FDB];
	_ =	sdelay $0x1  }
0x9f: {  	s5 =	simm.s32 $_scs_section_size  }
0xa0: {  	s6 =	simm.s32 $_size__tile_overlayer_lowered;
	s7 =	simm.s32 $_tile_overlayer_lowered  }
0xa1: {  	s22 =	simm.s32 $0x1BFF;
	s21 =	sshll.u32 s7, $0x1;
	s4 =	sadd.s32 s5, s19  }
0xa2: {  	s8 =	simm.s32 $0x0;
	s20 =	sshll.u32 s6, $0x1;
	s6 =	sadd.s32 s21, s4  }
0xa3: {  	[timem:s8], [sflag:s22] =	dma.local [hbm:s6], s20  }
0xa4: {  	_ =	swait.ge [sflag:s22], s20  }
0xa5: {  	s5 =	ssub.s32 $0x0, s20;
	[sflag:s22] =	ssyncset.done $0x0  }
0xa6: {  	[sflag:s22] =	ssyncadd.s32 s5;
	_ =	sdelay $0x1  }
0xa7: {  	s23 =	simm.s32 $0x1B8B  }
0xa8: {  	_ =	swait.ge [sflag:s23], $0x1  }
0xa9: {  	[sflag:s23] =	ssyncset.done $0x0  }
0xaa: {  	s25 =	simm.s32 $0x1B8E;
	s24 =	sld [smem:$0x3FFE];
	[sflag:s23] =	ssyncadd.s32 $0xFFFFFFFF  }
0xab: {  	s26 =	simm.s32 $execute0_lowered;
	[smem:$0x3FD2] =	sst s25  }
0xac: {  	s6 =	sshll.u32 s26, $0x1;
	_ =	strace $0x80000052;
	[dreg:$0x1] =	wrdreg $0xFFFFFFFF  }
0xad: {  	s28 =	simm.s32 $_size_execute0_lowered;
	s4 =	sadd.s32 s4, s6;
	[dreg:$0x0] =	wrdreg $0x0  }
0xae: {  	s6 =	sshll.u32 s28, $0x1;
	[dreg:$0x2] =	wrdreg s4  }
0xaf: {  	[dreg:$0x3] =	wrdreg s6  }
0xb0: {  	[dreg:$0x4] =	wrdreg $0xC0  }
0xb1: {  	_ =	task [dreg:s8], $0x5FFFF  }
0xb2: {  	[dreg:$0x1] =	wrdreg $0xFFFFFFFF  }
0xb3: {  	[dreg:$0x0] =	wrdreg $0x60  }
0xb4: {  	[dreg:$0x2] =	wrdreg s17  }
0xb5: {  	[dreg:$0x3] =	wrdreg s16  }
0xb6: {  	[dreg:$0x4] =	wrdreg s24  }
0xb7: {  	[dreg:$0x5] =	wrdreg $0x9  }
0xb8: {  	_ =	task.clear_ibuf [dreg:s8], $0x6FFFF;
	_ =	strace $0x90000052  }
0xb9: {  	s29 =	simm.s32 $0x9;
	_ =	strace $0x80000054  }
0xba: {  	_ =	swait.ge [sflag:s29], $0x1  }
0xbb: {  	[sflag:s29] =	ssyncadd.s32 $0xFFFFFFFF  }
0xbc: {  	_ =	strace $0x90000054  }
0xbd: {  	_ =	sfence  }
0xbe: {  	s30 =	sld [smem:$0x0];
	_ =	sdelay $0x2  }
0xbf: {  	s31 =	sshll.u32 s1, $0xD;
	s1 =	sshrl.u32 s1, $0x2  }
0xc0: {  	s3 =	sand.u32 $0x4000, s31;
	s1 =	sadd.s32 s1, s30  }
0xc1: {  	s0 =	sor.u32 s3, s0;
	s1 =	sshll.u32 s1, $0x11  }
0xc2: {  	s0 =	sor.u32 s1, s0  }
0xc3: {  	s0 =	sadd.s32 $0x8F2B, s0  }
0xc4: {  	[sflag:s0] =	ssyncadd.remote.s32 $0x1  }
0xc5: {  	_ =	sfence.sel $0xFFFF  }
0xc6: {  	[dreg:$0x0] =	wrdreg $0xFFFFFFFF;
	(pc) =	sbr.abs _section_cstart, $3  }
0xc7: {  	[dreg:$0x1] =	wrdreg $0xFFFFFFFF  }
0xc8: {  	_ =	task.clear_ibuf [dreg:s8], $0x2FFFF;
	_ =	strace $0x9FFFFFFF  }
0xc9: {  	(tm) =	ssettm $0x7FFFFFFF  }
tec
execute0_lowered:
.L_overlay_start_1:
0x0: {  	(tag) =	ssettag $0x1  }
0x1: {  	s2 =	rddreg [dreg:$0x0]  }
0x2: {  	s3 =	rddreg [dreg:$0x1]  }
0x3: {  	s8 =	rddreg [dreg:$0x2];
	s1 =	stileid.u32  }
0x4: {  	s4 =	srdreg.scid;
	s0 =	rddreg [dreg:$0x3];
	_ =	strace $0x80000053  }
0x5: {  	s7 =	simm.s32 $0x1;
	s9 =	simm.s32 $0x1;
	s10 =	simm.s32 $0x3  }
0x6: {  	s13 =	simm.s32 $0x0;
	s5 =	sand.u32 $0x1, s4;
	s6 =	sshll.u32 s1, $0x1  }
0x7: {  	s12 =	simm.s32 $0x0;
	s4 =	simm.s32 $0x1;
	s5 =	sor.u32 s6, s5  }
.Ltmp0:
0x8: {  	[sflag:s4] =	ssyncpa.u1 $0x0;
	p0 =	slt.u32 s5, $0x13;
	(pc) =	sbr.rel .LBB2_1-.Ltmp0, $4  }
0x9: {  	s6 =	simm.s32 $0x2;
	s7 =	simm.s32 @!p0 $0x0;
	p0 =	sne.s32 s5, $0x12  }
0xa: {  	[sflag:s6] =	ssyncpa.u1 $0x0;
	s5 =	smul.u32 $0x30, s5;
	s9 =	simm.s32 @!p0 $0x0  }
0xb: {  	s8 =	sadd.s32 $0x200, s8;
	[sflag:s10] =	ssyncpa.u1 $0x0;
	s7 =	sadd.s32 s9, s7  }
0xc: {  	vm0 =	vmmov $0xffff;
	s10 =	simm.s32 $0x0;
	s11 =	smov.u32 s5;
	s9 =	sadd.s32 $0x1, s7  }
.LBB2_4:
0xd: {  	v2 =	vsel vm1, $0xFFFFFFFF, v2;
	v3 =	vshll.u32 v1, $0x3  }
0xe: {  	v4 =	vand.u32 $0xFFFFF000, v2;
	v3 =	vand.u32 $0xFFFFFC00, v3;
	v2 =	vshll.u32 v2, $0x7  }
0xf: {  	v3 =	vadd.s32 v4, v3;
	v2 =	vand.u32 $0x380, v2  }
0x10: {  	v63 =	vand.u32 $0x7F, v1;
	v2 =	vor.u32 v2, v3  }
0x11: {  	v1 =	vor.u32 v63, v2;
	_ =	sdelay $0x2  }
0x12: {  	[tilespmem:s15], [sflag:$0x1] =	stream.indirect_vreg.gather [hbm4b:s2+s10], $0x1, v0, vm0, $0x4038;
	[tilespmem:$0xC0] =	vst v63  }
0x13: {  	(ifvalue) =	ssetifvalue $0x7FFFFFFF;
	s29 =	sadd.s32 $0x10, s15  }
0x14: {  	[tilespmem:s29], [sflag:$0x1] =	stream.indirect_vreg.gather [hbm4b:s2+s10], $0x1, v1, vm0, $0x4038;
	[tilespmem:$0xC0] =	vst v63  }
0x15: {  	_ =	swait.ge [sflag:s4], $0x30  }
0x16: {  	s30 =	sshrl.u32 s13, $0x3;
	[sflag:s4] =	ssyncset.done $0x0  }
0x17: {  	s31 =	sand.u32 $0x7, s13;
	s15 =	sadd.s32 s8, s30;
	[sflag:s4] =	ssyncadd.s32 $0xFFFFFFD0  }
0x18: {  	[hbm4b:s15+s31] =	stream.linear.scatter [tilespmem:s14], [sflag:$0x3], $0x30, $0x38;
	[tilespmem:$0xC0] =	vst v63  }
.LBB2_5:
0x19: {  	s15 =	sadd.s32 $0x600, s11  }
0x1a: {  	p1 =	sgt.s32 s15, $0x95F  }
0x1b: {  	s15 =	smov.u32 @p1 s5;
	p1 =	sne.s32 s12, s9  }
.Ltmp1:
0x1c: {  	p0 =	slt.u32 s12, $0x2;
	(pc) =	sbr.rel @!p1 .LBB2_6-.Ltmp1, $4  }
0x1d: {  	s14 =	simm.s32 @!p0 $0x3  }
0x1e: {  	_ =	swait.ge @!p0 [sflag:s14], $0x30  }
0x1f: {  	s16 =	sadd.s32 $0x1, s12;
	s13 =	smov.u32 s11;
	[sflag:s14] =	ssyncset.done @!p0 $0x0  }
0x20: {  	s12 =	smov.u32 s16;
	s11 =	smov.u32 s15;
	[sflag:s14] =	ssyncadd.s32 @!p0 $0xFFFFFFD0  }
.LBB2_1:
0x21: {  	p0 =	sge.u32 s12, s7  }
0x22: {  	s14 =	sxor.u32 @!p0 $0x1, s12  }
0x23: {  	s14 =	smul.u32 @!p0 $0xC0, s14  }
0x24: {  	s31 =	sadd.s32 $0xFFFFFFFF, s12;
	s15 =	sshrl.u32 @!p0 s11, $0x3  }
0x25: {  	s16 =	sand.u32 @!p0 $0x7, s11;
	s15 =	sadd.s32 @!p0 s3, s15;
	s14 =	sshra.s32 @!p0 s14, $0x2  }
0x26: {  	[tilespmem:s14], [sflag:$0x2] =	stream.linear.gather @!p0 [hbm4b:s15+s16], $0x30, $0x38;
	[tilespmem:$0xC0] =	vst v63  }
0x27: {  	p0 =	sge.u32 s31, s7  }
.Ltmp2:
0x28: {  	_ = 	snop;
	(pc) =	sbr.rel @p0 .LBB2_5-.Ltmp2, $1  }
0x29: {  	_ =	sdelay $0x3  }
0x2a: {  	s14 =	sand.u32 $0x1, s12  }
0x2b: {  	_ =	swait.ge [sflag:s6], $0x30;
	p0 =	seq.s32 s14, $0x1;
	s14 =	simm.s32 $0x30  }
0x2c: {  	[sflag:s6] =	ssyncset.done $0x0;
	s14 =	simm.s32 @!p0 $0x0  }
0x2d: {  	[sflag:s6] =	ssyncadd.s32 $0xFFFFFFD0;
	(ifvalue) =	ssetifvalue $0x7FFFFFFF;
	v0 =	vld.msk [tilespmem:s14+$0x0 ss:$0x1], $0xffff;
	_ =	sdelay $0x4  }
0x2e: {  	v1 =	vshrl.u32 v0, $0x3  }
0x2f: {  	vm1 =	veq.s32 v0, $0x80000000;
	v1 =	vand.u32 $0x1FF, v1  }
0x30: {  	v0 =	vand.u32 $0x7, v0;
	v1 =	vsel vm1, $0xFFFFFFFF, v1  }
0x31: {  	s15 =	sadd.s32 $0x10, s14;
	v0 =	vsel vm1, $0xFFFFFFFF, v0;
	v3 =	vshll.u32 v1, $0x3  }
0x32: {  	v2 =	vld.msk [tilespmem:s15+$0x0 ss:$0x1], $0xffff;
	v4 =	vand.u32 $0xFFFFF000, v0;
	v0 =	vshll.u32 v0, $0x7;
	v3 =	vand.u32 $0xFFFFFC00, v3  }
0x33: {  	v0 =	vand.u32 $0x380, v0;
	v3 =	vadd.s32 v4, v3  }
0x34: {  	v1 =	vand.u32 $0x7F, v1;
	v0 =	vor.u32 v0, v3  }
0x35: {  	v0 =	vor.u32 v1, v0;
	_ =	sdelay $0x1  }
0x36: {  	v63 =	vshrl.u32 v2, $0x3  }
0x37: {  	s16 =	simm.s32 $0x10;
	s14 =	sadd.s32 $0x60, s14;
	vm1 =	veq.s32 v2, $0x80000000;
	v3 =	vand.u32 $0x1FF, v63  }
0x38: {  	s17 =	sadd.s32 $0x10, s15;
	(ifvalue) =	ssetifvalue $0x7FFFFFFF;
	s15 =	smov.u32 s14;
	v2 =	vand.u32 $0x7, v2;
	v1 =	vsel vm1, $0xFFFFFFFF, v3  }
.LBB2_3:
0x39: {  	v3 =	vld.msk [tilespmem:s17+$0x0 ss:$0x1], $0xffff;
	v2 =	vsel vm1, $0xFFFFFFFF, v2;
	v4 =	vshll.u32 v1, $0x3;
	[tilespmem:s15], [sflag:$0x1] =	stream.indirect_vreg.gather [hbm4b:s2+s10], $0x1, v0, vm0, $0x4038  }
0x3a: {  	s16 =	sadd.s32 $0x10, s16;
	v0 =	vand.u32 $0xFFFFF000, v2;
	v4 =	vand.u32 $0xFFFFFC00, v4;
	v2 =	vshll.u32 v2, $0x7  }
0x3b: {  	p0 =	slt.u32 s16, $0x20;
	v0 =	vadd.s32 v0, v4;
	v2 =	vand.u32 $0x380, v2  }
0x3c: {  	v1 =	vand.u32 $0x7F, v1;
	v0 =	vor.u32 v2, v0  }
.Ltmp3:
0x3d: {  	v0 =	vor.u32 v1, v0;
	(pc) =	sbr.rel @p0 .LBB2_3-.Ltmp3, $4  }
0x3e: {  	_ = 	snop  }
0x3f: {  	v1 =	vshrl.u32 v3, $0x3  }
0x40: {  	vm1 =	veq.s32 v3, $0x80000000;
	v1 =	vand.u32 $0x1FF, v1  }
0x41: {  	s17 =	sadd.s32 $0x10, s17;
	s15 =	sadd.s32 $0x10, s15;
	v2 =	vand.u32 $0x7, v3;
	v1 =	vsel vm1, $0xFFFFFFFF, v1;
	(ifvalue) =	ssetifvalue $0x7FFFFFFF  }
.Ltmp4:
0x42: {  	_ = 	snop;
	(pc) =	sbr.rel .LBB2_4-.Ltmp4, $1  }
0x43: {  	_ =	sdelay $0x3  }
.LBB2_6:
0x44: {  	_ =	sfence.sel $0x180000  }
0x45: {  	s2 =	simm.s32 $0x2;
	[bflag:$0x0] =	sbarrier.arrive $0xFFFF  }
0x46: {  	s30 =	simm.s32 $0x3;
	[sflag:s2] =	ssyncpa.u1 $0x1  }
0x47: {  	s31 =	simm.s32 $0x1;
	[sflag:s30] =	ssyncpa.u1 $0x1  }
0x48: {  	[sflag:s31] =	ssyncpa.u1 $0x1  }
0x49: {  	p0 =	sne.s32 s1, $0x0;
	_ =	strace $0x90000053  }
0x4a: {  	s0 =	sadd.s32 @!p0 $0x100000, s0;
	[bflag:$0x2] =	sbarrier.arrive $0xFFFF  }
0x4b: {  	[sflag:s0] =	ssyncadd.tile.s32 @!p0 $0x1;
	_ =	shalt  }
.Lfunc_end2:
_tile_overlayer_lowered:
.L_overlay_start_2:
0x4c: {  	(tag) =	ssettag $0x2  }
0x4d: {  	s0 =	rddreg [dreg:$0x0];
	s2 =	stileid.u32  }
0x4e: {  	s1 =	rddreg [dreg:$0x1];
	p0 =	sne.s32 s2, $0x0  }
0x4f: {  	s3 =	rddreg [dreg:$0x2];
	[bflag:$0x3] =	sbarrier.arrive $0xFFFF;
	s2 =	simm.s32 @!p0 $0x1C01  }
0x50: {  	[timem:s3], [sflag:s2] =	dma.local @!p0 [hbm:s0], s1  }
0x51: {  	s0 =	simm.s32 @!p0 $0x1  }
0x52: {  	_ =	swait.ge @!p0 [sflag:s0], s1  }
0x53: {  	s1 =	ssub.s32 @!p0 $0x0, s1;
	[sflag:s0] =	ssyncset.done @!p0 $0x0  }
0x54: {  	[sflag:s0] =	ssyncadd.s32 @!p0 s1  }
0x55: {  	[bflag:$0x3] =	sbarrier.arrive $0xFFFF  }
0x56: {  	_ =	shalt  }

// kernel: gather_offload_async_start
scs
__scs_entry_jumppad:
0x0: {  	(pc) =	sbr.rel $0x88, $3  }
0x1: {  	(tag) =	ssettag $0x0;
	lr =	simm.s32 $0x1  }
0x2: {  	[smem:$0x3F9D] =	sst lr;
	_ =	strace $0xD0000000  }
0x3: {  	_ = 	snop  }
0x4: {  	_ = 	snop  }
0x5: {  	_ = 	snop  }
0x6: {  	_ = 	snop  }
0x7: {  	_ = 	snop  }
__scs_overlays_trampoline_lowered:
0x8: {  	[smem:$0x3FAC] =	sst s0  }
0x9: {  	[smem:$0x3FAD] =	sst s1  }
0xa: {  	[smem:$0x3FAE] =	sst s2  }
0xb: {  	[smem:$0x3FAF] =	sst s3  }
0xc: {  	[smem:$0x3FB0] =	sst s4  }
0xd: {  	[smem:$0x3FB1] =	sst s5  }
0xe: {  	[smem:$0x3FB2] =	sst s6  }
0xf: {  	[smem:$0x3FB3] =	sst s7  }
0x10: {  	[smem:$0x3FB4] =	sst s8  }
0x11: {  	[smem:$0x3FB5] =	sst s9;
	s0 =	simm.s32 @!p0 $0x0  }
0x12: {  	s1 =	sld [smem:$0x3F9B];
	s0 =	simm.s32 @p0 $0x1  }
0x13: {  	[smem:$0x3FB6] =	sst s0;
	s0 =	simm.s32 @!p1 $0x0  }
0x14: {  	s2 =	sld [smem:$0x3F9A];
	s0 =	simm.s32 @p1 $0x1  }
0x15: {  	[smem:$0x3FB7] =	sst s0;
	s0 =	simm.s32 @!p2 $0x0  }
0x16: {  	s3 =	sld [smem:$0x3FDB];
	s0 =	simm.s32 @p2 $0x1  }
0x17: {  	s4 =	simm.s32 $0x1BF5;
	[smem:$0x3FB9] =	sst s0  }
0x18: {  	s0 =	sld [smem:$0x3F9C];
	_ =	swait.ge [sflag:s4], $0x0  }
0x19: {  	s7 =	sld [smem:$0x3F9D]  }
0x1a: {  	s8 =	sadd.s32 $0xFFFFE003, lr  }
0x1b: {  	s9 =	sadd.s32 $0xFFFFFEF7, lr;
	s5 =	simm.s32 $0xFFFFFFFF;
	p2 =	slt.u32 s8, $0xFFFFF086  }
0x1c: {  	p1 =	slt.u32 s9, $0xF7A;
	s5 =	simm.s32 @!p2 $0x0  }
0x1d: {  	s5 =	simm.s32 @p1 $0x1;
	p0 =	seq.s32 s7, s2  }
0x1e: {  	s7 =	smul.u32 @!p0 $0xF7A, s2;
	p2 =	seq.s32 @!p0 s5, $0x0  }
0x1f: {  	s9 =	smul.u32 $0xF7A, s1;
	s8 =	simm.s32 @!p0 $0x1BF5;
	p2 =	por !p2, p0  }
0x20: {  	[sflag:s8] =	ssyncset.s32 @!p0 $0xFFFFF086;
	s6 =	sadd.s32 @!p0 s3, s7;
	s7 =	simm.s32 @!p0 $0x108  }
0x21: {  	s3 =	sadd.s32 s3, s9;
	s6 =	sadd.s32 @!p0 $0x88, s6;
	s7 =	simm.s32 @p2 $0x1082  }
0x22: {  	[simem:s7], [sflag:s8] =	dma.local @!p0 [hbm:s6], $0xF7A  }
0x23: {  	s9 =	sor.u32 $0xD0000000, s2;
	s6 =	simm.s32 $0x108;
	_ =	swait.ge @!p0 [sflag:s8], $0x0  }
0x24: {  	s3 =	sadd.s32 $0x88, s3;
	s6 =	simm.s32 @!p1 $0x1082;
	[sflag:s4] =	ssyncset.s32 $0xFFFFF086  }
0x25: {  	[simem:s6], [sflag:s4] =	dma.local [hbm:s3], $0xF7A  }
0x26: {  	[smem:$0x3F9D] =	sst s1;
	(tag) =	ssettag s2;
	_ =	strace s9  }
0x27: {  	s1 =	sld [smem:$0x3FAD]  }
0x28: {  	s2 =	sld [smem:$0x3FAE]  }
0x29: {  	s4 =	sld [smem:$0x3FB0]  }
0x2a: {  	p0 =	seq.s32 s5, $0x0;
	s5 =	sld [smem:$0x3FB1]  }
0x2b: {  	s6 =	sld [smem:$0x3FB2]  }
0x2c: {  	s7 =	sld [smem:$0x3FB3]  }
0x2d: {  	s3 =	simm.s32 $0x108;
	s8 =	sld [smem:$0x3FB4]  }
0x2e: {  	s3 =	simm.s32 @!p0 $0x1082;
	s9 =	sld [smem:$0x3FB5]  }
0x2f: {  	lr =	sadd.s32 s0, s3;
	s0 =	sld [smem:$0x3FAC]  }
0x30: {  	s3 =	sld [smem:$0x3FAF]  }
0x31: {  	[smem:$0x3FB8] =	sst s10  }
0x32: {  	s10 =	sld [smem:$0x3FB6];
	_ =	sdelay $0x3  }
0x33: {  	p0 =	seq.s32 s10, $0x1;
	s10 =	sld [smem:$0x3FB8];
	_ =	sdelay $0x3  }
0x34: {  	[smem:$0x3FB8] =	sst s10  }
0x35: {  	s10 =	sld [smem:$0x3FB7];
	_ =	sdelay $0x3  }
0x36: {  	p1 =	seq.s32 s10, $0x1;
	s10 =	sld [smem:$0x3FB8];
	_ =	sdelay $0x3  }
0x37: {  	[smem:$0x3FB8] =	sst s10  }
0x38: {  	s10 =	sld [smem:$0x3FB9]  }
0x39: {  	_ = 	snop;
	(pc) =	sbr.ind lr, $3  }
0x3a: {  	_ = 	snop  }
0x3b: {  	_ = 	snop  }
0x3c: {  	p2 =	seq.s32 s10, $0x1;
	s10 =	sld [smem:$0x3FB8]  }
0x3d: {  	_ =	shalt  }
0x3e: {  	_ =	shalt  }
0x3f: {  	_ =	shalt  }
0x40: {  	_ =	shalt  }
0x41: {  	_ =	shalt  }
0x42: {  	_ =	shalt  }
0x43: {  	_ =	shalt  }
0x44: {  	_ =	shalt  }
0x45: {  	_ =	shalt  }
0x46: {  	_ =	shalt  }
0x47: {  	_ =	shalt  }
0x48: {  	_ =	shalt  }
0x49: {  	_ =	shalt  }
0x4a: {  	_ =	shalt  }
0x4b: {  	_ =	shalt  }
0x4c: {  	_ =	shalt  }
0x4d: {  	_ =	shalt  }
0x4e: {  	_ =	shalt  }
0x4f: {  	_ =	shalt  }
0x50: {  	_ =	shalt  }
0x51: {  	_ =	shalt  }
0x52: {  	_ =	shalt  }
0x53: {  	_ =	shalt  }
0x54: {  	_ =	shalt  }
0x55: {  	_ =	shalt  }
0x56: {  	_ =	shalt  }
0x57: {  	_ =	shalt  }
0x58: {  	_ =	shalt  }
0x59: {  	_ =	shalt  }
0x5a: {  	_ =	shalt  }
0x5b: {  	_ =	shalt  }
0x5c: {  	_ =	shalt  }
0x5d: {  	_ =	shalt  }
0x5e: {  	_ =	shalt  }
0x5f: {  	_ =	shalt  }
0x60: {  	_ =	shalt  }
0x61: {  	_ =	shalt  }
0x62: {  	_ =	shalt  }
0x63: {  	_ =	shalt  }
0x64: {  	_ =	shalt  }
0x65: {  	_ =	shalt  }
0x66: {  	_ =	shalt  }
0x67: {  	_ =	shalt  }
0x68: {  	_ =	shalt  }
0x69: {  	_ =	shalt  }
0x6a: {  	_ =	shalt  }
0x6b: {  	_ =	shalt  }
0x6c: {  	_ =	shalt  }
0x6d: {  	_ =	shalt  }
0x6e: {  	_ =	shalt  }
0x6f: {  	_ =	shalt  }
0x70: {  	_ =	shalt  }
0x71: {  	_ =	shalt  }
0x72: {  	_ =	shalt  }
0x73: {  	_ =	shalt  }
0x74: {  	_ =	shalt  }
0x75: {  	_ =	shalt  }
0x76: {  	_ =	shalt  }
0x77: {  	_ =	shalt  }
0x78: {  	_ =	shalt  }
0x79: {  	_ =	shalt  }
0x7a: {  	_ =	shalt  }
0x7b: {  	_ =	shalt  }
0x7c: {  	_ =	shalt  }
0x7d: {  	_ =	shalt  }
0x7e: {  	_ =	shalt  }
0x7f: {  	_ =	shalt  }
0x80: {  	_ =	shalt  }
0x81: {  	_ =	shalt  }
0x82: {  	_ =	shalt  }
0x83: {  	_ =	shalt  }
0x84: {  	_ =	shalt  }
0x85: {  	_ =	shalt  }
0x86: {  	_ =	shalt  }
0x87: {  	_ =	shalt  }
.Lfunc_end0:
.L_simem_size_0:
called_computation_lowered:
.L_overlay_start_0:
0x88: {  	s2 =	sld [smem:$0x3FD9]  }
0x89: {  	s3 =	sld [smem:$0x3FFE];
	_ =	sdelay $0x1  }
0x8a: {  	s1 =	srdreg.scid  }
0x8b: {  	s0 =	sand.u32 $0x1, s1  }
0x8c: {  	s14 =	sshll.u32 s0, $0xA;
	s2 =	sadd.s32 s3, s2  }
0x8d: {  	s2 =	sadd.s32 s2, s14  }
0x8e: {  	[smem:$0x3FC4] =	sst s2  }
0x8f: {  	_ = 	snop  }
0x90: {  	s2 =	sld [smem:$0x3FD0];
	_ =	sdelay $0x2  }
0x91: {  	s4 =	simm.s32 $0xA;
	s5 =	simm.s32 $0x10;
	s15 =	sld [smem:$0x3FC9]  }
0x92: {  	[smem:s5], [sflag:s4] =	dma.local [hbm:s2], $0x1  }
0x93: {  	_ =	swait.eq [sflag:s4], $0x1  }
0x94: {  	[sflag:s4] =	ssyncset.done $0x0  }
0x95: {  	[sflag:s4] =	ssyncadd.s32 $0xFFFFFFFF  }
0x96: {  	s16 =	sld [smem:$0x11];
	(tm) =	ssettm $0x1  }
0x97: {  	s17 =	sld [smem:$0x3FFB];
	_ =	sdelay $0x3  }
0x98: {  	_ =	strace s17  }
0x99: {  	s4 =	sld [smem:$0x3FFC];
	_ =	sdelay $0x3  }
0x9a: {  	_ =	strace s4  }
0x9b: {  	s4 =	sld [smem:$0x3FFD];
	_ =	sdelay $0x3  }
0x9c: {  	_ =	strace s4  }
0x9d: {  	_ =	strace $0x8FFFFFFF  }
0x9e: {  	s18 =	sld [smem:$0x3FDB];
	_ =	sdelay $0x1  }
0x9f: {  	s19 =	simm.s32 $_scs_section_size  }
0xa0: {  	s6 =	simm.s32 $_size__tile_overlayer_lowered;
	s7 =	simm.s32 $_tile_overlayer_lowered  }
0xa1: {  	s22 =	simm.s32 $0x1BFF;
	s21 =	sshll.u32 s7, $0x1;
	s4 =	sadd.s32 s19, s18  }
0xa2: {  	s8 =	simm.s32 $0x0;
	s20 =	sshll.u32 s6, $0x1;
	s6 =	sadd.s32 s21, s4  }
0xa3: {  	[timem:s8], [sflag:s22] =	dma.local [hbm:s6], s20  }
0xa4: {  	_ =	swait.ge [sflag:s22], s20  }
0xa5: {  	s5 =	ssub.s32 $0x0, s20;
	[sflag:s22] =	ssyncset.done $0x0  }
0xa6: {  	[sflag:s22] =	ssyncadd.s32 s5;
	_ =	sdelay $0x1  }
0xa7: {  	s23 =	simm.s32 $0x1B8B  }
0xa8: {  	_ =	swait.ge [sflag:s23], $0x1  }
0xa9: {  	[sflag:s23] =	ssyncset.done $0x0  }
0xaa: {  	s25 =	simm.s32 $0x1B8E;
	s24 =	sld [smem:$0x3FFE];
	[sflag:s23] =	ssyncadd.s32 $0xFFFFFFFF  }
0xab: {  	s26 =	simm.s32 $execute0_lowered;
	[smem:$0x3FD2] =	sst s25  }
0xac: {  	s6 =	sshll.u32 s26, $0x1;
	_ =	strace $0x8000004C;
	[dreg:$0x1] =	wrdreg $0xFFFFFFFF  }
0xad: {  	s28 =	simm.s32 $_size_execute0_lowered;
	s4 =	sadd.s32 s4, s6;
	[dreg:$0x0] =	wrdreg $0x0  }
0xae: {  	s6 =	sshll.u32 s28, $0x1;
	[dreg:$0x2] =	wrdreg s4  }
0xaf: {  	[dreg:$0x3] =	wrdreg s6  }
0xb0: {  	[dreg:$0x4] =	wrdreg $0xC0  }
0xb1: {  	_ =	task [dreg:s8], $0x5FFFF  }
0xb2: {  	[dreg:$0x1] =	wrdreg $0xFFFFFFFF  }
0xb3: {  	[dreg:$0x0] =	wrdreg $0x60  }
0xb4: {  	[dreg:$0x2] =	wrdreg s15  }
0xb5: {  	[dreg:$0x3] =	wrdreg s16  }
0xb6: {  	[dreg:$0x4] =	wrdreg s24  }
0xb7: {  	[dreg:$0x5] =	wrdreg $0x9  }
0xb8: {  	_ =	task.clear_ibuf [dreg:s8], $0x6FFFF;
	_ =	strace $0x9000004C  }
0xb9: {  	s29 =	simm.s32 $0x9;
	_ =	strace $0x8000004E  }
0xba: {  	_ =	swait.ge [sflag:s29], $0x1  }
0xbb: {  	[sflag:s29] =	ssyncadd.s32 $0xFFFFFFFF  }
0xbc: {  	_ =	strace $0x9000004E  }
0xbd: {  	_ =	sfence  }
0xbe: {  	s30 =	sld [smem:$0x0];
	_ =	sdelay $0x2  }
0xbf: {  	s31 =	sshll.u32 s1, $0xD;
	s1 =	sshrl.u32 s1, $0x2  }
0xc0: {  	s3 =	sand.u32 $0x4000, s31;
	s1 =	sadd.s32 s1, s30  }
0xc1: {  	s0 =	sor.u32 s3, s0;
	s1 =	sshll.u32 s1, $0x11  }
0xc2: {  	s0 =	sor.u32 s1, s0  }
0xc3: {  	s0 =	sadd.s32 $0x8F2B, s0  }
0xc4: {  	[sflag:s0] =	ssyncadd.remote.s32 $0x1  }
0xc5: {  	_ =	sfence.sel $0xFFFF  }
0xc6: {  	[dreg:$0x0] =	wrdreg $0xFFFFFFFF;
	(pc) =	sbr.abs _section_cstart, $3  }
0xc7: {  	[dreg:$0x1] =	wrdreg $0xFFFFFFFF  }
0xc8: {  	_ =	task.clear_ibuf [dreg:s8], $0x2FFFF;
	_ =	strace $0x9FFFFFFF  }
0xc9: {  	(tm) =	ssettm $0x7FFFFFFF  }
tec
execute0_lowered:
.L_overlay_start_1:
0x0: {  	(tag) =	ssettag $0x1  }
0x1: {  	s0 =	srdreg.scid  }
0x2: {  	s1 =	sshll.u32 s0, $0x4  }
0x3: {  	s0 =	stileid.u32;
	s1 =	sand.u32 $0x10, s1  }
0x4: {  	s4 =	rddreg [dreg:$0x1];
	s1 =	sor.u32 s0, s1  }
0x5: {  	s9 =	rddreg [dreg:$0x2];
	s2 =	smin.u32 s1, $0x6  }
0x6: {  	p0 =	slt.u32 s1, $0x6;
	s3 =	sadd.s32 s1, s2;
	s1 =	simm.s32 $0x80  }
0x7: {  	s6 =	simm.s32 $0x1;
	s3 =	sshll.u32 s3, $0x6;
	s1 =	simm.s32 @!p0 $0x40  }
0x8: {  	s7 =	simm.s32 $0x2;
	s10 =	simm.s32 $0x3;
	s1 =	sadd.s32 s1, s3  }
0x9: {  	s13 =	simm.s32 $0x0;
	s12 =	simm.s32 $0x0;
	s5 =	smin.u32 s1, $0x980  }
.Ltmp0:
0xa: {  	s2 =	rddreg [dreg:$0x0];
	s8 =	ssub.s32 s5, s3;
	(pc) =	sbr.rel .LBB2_1-.Ltmp0, $4  }
0xb: {  	s1 =	rddreg [dreg:$0x3];
	_ =	strace $0x8000004D;
	p0 =	sgt.s32 s8, $0x0  }
0xc: {  	s9 =	sadd.s32 $0x200, s9;
	[sflag:s6] =	ssyncpa.u1 $0x0;
	s8 =	simm.s32 @!p0 $0x0  }
0xd: {  	s11 =	smov.u32 s3;
	[sflag:s7] =	ssyncpa.u1 $0x0;
	s8 =	sshrl.u32 s8, $0x6  }
0xe: {  	vm0 =	vmmov $0xff;
	vm1 =	vcmask $0x3F20;
	[sflag:s10] =	ssyncpa.u1 $0x0;
	p0 =	por $0x0, $0x0;
	s10 =	sadd.s32 $0x1, s8  }
.LBB2_8:
0xf: {  	[hbm:s17] =	stream.linear.scatter [tilespmem:s14], [sflag:$0x3], $0x800, $0x38;
	[tilespmem:$0x8080] =	vst v63  }
.LBB2_9:
0x10: {  	s13 =	sadd.s32 $0x40, s11  }
0x11: {  	s15 =	smov.u32 s3;
	p2 =	slt.s32 s13, s5  }
0x12: {  	s15 =	smov.u32 @p2 s13;
	p2 =	sne.s32 s12, s10  }
.Ltmp1:
0x13: {  	p1 =	slt.u32 s12, $0x2;
	(pc) =	sbr.rel @!p2 .LBB2_10-.Ltmp1, $4  }
0x14: {  	s14 =	simm.s32 @!p1 $0x3  }
0x15: {  	s16 =	sadd.s32 $0x1, s12;
	_ =	swait.ge @!p1 [sflag:s14], $0x4000  }
0x16: {  	p0 =	por !p0, !p0;
	s13 =	smov.u32 s11;
	[sflag:s14] =	ssyncset.done @!p1 $0x0  }
0x17: {  	s12 =	smov.u32 s16;
	s11 =	smov.u32 s15;
	[sflag:s14] =	ssyncadd.s32 @!p1 $0xFFFFC000  }
.LBB2_1:
0x18: {  	p1 =	sge.u32 s12, s8  }
0x19: {  	s14 =	sxor.u32 @!p1 $0xFFFFFFFF, s12  }
0x1a: {  	s31 =	sadd.s32 $0xFFFFFFFF, s12;
	s15 =	sshrl.u32 @!p1 s11, $0x3;
	s14 =	sshll.u32 @!p1 s14, $0x6  }
0x1b: {  	s16 =	sand.u32 @!p1 $0x7, s11;
	s15 =	sadd.s32 @!p1 s4, s15;
	s14 =	sand.u32 @!p1 $0x40, s14  }
0x1c: {  	[tilespmem:s14], [sflag:$0x2] =	stream.linear.gather @!p1 [hbm4b:s15+s16], $0x40, $0x38;
	[tilespmem:$0x8080] =	vst v63  }
0x1d: {  	p1 =	sge.u32 s31, s8  }
.Ltmp2:
0x1e: {  	_ = 	snop;
	(pc) =	sbr.rel @p1 .LBB2_9-.Ltmp2, $1  }
0x1f: {  	_ =	sdelay $0x3  }
0x20: {  	s14 =	simm.s32 $0x1;
	_ =	swait.ge [sflag:s7], $0x40;
	s15 =	sand.u32 $0x1, s12  }
0x21: {  	s17 =	simm.s32 $0x0;
	s14 =	simm.s32 @!p0 $0x0;
	[sflag:s7] =	ssyncset.done $0x0  }
0x22: {  	s16 =	sshll.u32 s15, $0xE;
	s15 =	sshll.u32 s15, $0x6;
	s14 =	sshll.u32 s14, $0xE  }
0x23: {  	[sflag:s7] =	ssyncadd.s32 $0xFFFFFFC0;
	s16 =	sor.u32 $0x80, s16;
	s14 =	sor.u32 $0x80, s14  }
.LBB2_3:
0x24: {  	s18 =	sshll.u32 s17, $0x4  }
0x25: {  	s18 =	sand.u32 $0x3FFFFFF0, s18  }
0x26: {  	s18 =	sadd.s32 s18, s15  }
0x27: {  	v0 =	vld.msk [tilespmem:s18+$0x0 ss:$0x1], $0xffff;
	_ =	sdelay $0x4  }
0x28: {  	v1 =	vshrl.u32 v0, $0x3  }
0x29: {  	vm2 =	veq.s32 v0, $0x80000000;
	v0 =	vand.u32 $0x7, v0;
	v1 =	vand.u32 $0x7FFF, v1  }
0x2a: {  	v0 =	vmul.u32 $0x4E2000, v0;
	v1 =	vsel vm2, $0xFFFFFFFF, v1  }
0x2b: {  	v2 =	vshll.u32 v1, $0x8  }
0x2c: {  	v0 =	vsel vm2, $0xFFB1E000, v0;
	v1 =	vshll.u32 v1, $0x7;
	v2 =	vand.u32 $0xFFFFF800, v2  }
0x2d: {  	s31 =	sshll.u32 s17, $0xC;
	v1 =	vand.u32 $0x380, v1;
	v0 =	vadd.s32 v0, v2  }
0x2e: {  	s18 =	sand.u32 $0x3FFFF000, s31;
	v0 =	vor.u32 v1, v0  }
0x2f: {  	p1 =	por $0x1, $0x1;
	s19 =	simm.s32 $0x0;
	s18 =	sadd.s32 s18, s16;
	v0 =	vshrl.u32 v0, $0x3  }
.LBB2_4:
0x30: {  	_ =	sdelay $0x1  }
0x31: {  	s19 =	sshra.s32 s19, $0x2;
	p2 =	por p1, p1  }
.Ltmp3:
0x32: {  	s19 =	sadd.s32 s19, s18;
	(pc) =	sbr.rel @p2 .LBB2_4-.Ltmp3, $4  }
0x33: {  	[tilespmem:s19], [sflag:$0x1] =	stream.indirect_vreg.gather [hbm:s2], $0x80, v0, vm0, $0x38;
	[tilespmem:$0x8080] =	vst v63  }
0x34: {  	s19 =	sadd.s32 $0x800, s19  }
0x35: {  	[tilespmem:s19], [sflag:$0x1] =	stream.indirect_vreg.gather [hbm:s2], $0x80, v0, vm1, $0x38;
	[tilespmem:$0x8080] =	vst v63  }
0x36: {  	p1 =	por $0x0, $0x0;
	v0 =	vadd.s32 $0x80, v0;
	s19 =	simm.s32 $0x1000  }
0x37: {  	s17 =	sadd.s32 $0x1, s17  }
0x38: {  	p1 =	sne.s32 s17, $0x4  }
.Ltmp4:
0x39: {  	_ = 	snop;
	(pc) =	sbr.rel @p1 .LBB2_3-.Ltmp4, $1  }
0x3a: {  	_ =	sdelay $0x3  }
0x3b: {  	s15 =	sshll.u32 s13, $0x5  }
0x3c: {  	s31 =	sshll.u32 s13, $0x4;
	s15 =	sand.u32 $0xFFFFFF00, s15  }
0x3d: {  	_ =	swait.ge [sflag:s6], $0x4000;
	s13 =	sand.u32 $0x70, s31;
	s15 =	sadd.s32 s15, s9  }
0x3e: {  	s16 =	sadd.s32 $0x800, s14;
	[sflag:s6] =	ssyncset.done $0x0;
	s13 =	sadd.s32 s13, s15  }
0x3f: {  	[sflag:s6] =	ssyncadd.s32 $0xFFFFC000;
	s15 =	simm.s32 $0x100;
	s17 =	sadd.s32 $0x0, s13  }
.LBB2_7:
0x40: {  	[hbm:s17] =	stream.linear.scatter [tilespmem:s14], [sflag:$0x3], $0x800, $0x38;
	[tilespmem:$0x8080] =	vst v63  }
0x41: {  	s17 =	smov.u32 s15;
	s14 =	smov.u32 s16;
	p1 =	sne.s32 s15, $0x700  }
.Ltmp5:
0x42: {  	s15 =	sadd.s32 $0x100, s15;
	(pc) =	sbr.rel @p1 .LBB2_7-.Ltmp5, $2  }
0x43: {  	_ =	sdelay $0x2  }
0x44: {  	s16 =	sadd.s32 $0x800, s16;
	s17 =	sadd.s32 s17, s13  }
.Ltmp6:
0x45: {  	_ = 	snop;
	(pc) =	sbr.rel .LBB2_8-.Ltmp6, $1  }
0x46: {  	_ =	sdelay $0x3  }
.LBB2_10:
0x47: {  	_ =	sfence.sel $0x180000  }
0x48: {  	s2 =	simm.s32 $0x2;
	[bflag:$0x0] =	sbarrier.arrive $0xFFFF  }
0x49: {  	s30 =	simm.s32 $0x3;
	[sflag:s2] =	ssyncpa.u1 $0x1  }
0x4a: {  	s31 =	simm.s32 $0x1;
	[sflag:s30] =	ssyncpa.u1 $0x1  }
0x4b: {  	[sflag:s31] =	ssyncpa.u1 $0x1  }
0x4c: {  	p0 =	sne.s32 s0, $0x0;
	_ =	strace $0x9000004D  }
0x4d: {  	s0 =	sadd.s32 @!p0 $0x100000, s1;
	[bflag:$0x2] =	sbarrier.arrive $0xFFFF  }
0x4e: {  	[sflag:s0] =	ssyncadd.tile.s32 @!p0 $0x1;
	_ =	shalt  }
.Lfunc_end2:
_tile_overlayer_lowered:
.L_overlay_start_2:
0x4f: {  	(tag) =	ssettag $0x2  }
0x50: {  	s0 =	rddreg [dreg:$0x0];
	s2 =	stileid.u32  }
0x51: {  	s1 =	rddreg [dreg:$0x1];
	p0 =	sne.s32 s2, $0x0  }
0x52: {  	s3 =	rddreg [dreg:$0x2];
	[bflag:$0x3] =	sbarrier.arrive $0xFFFF;
	s2 =	simm.s32 @!p0 $0x1C01  }
0x53: {  	[timem:s3], [sflag:s2] =	dma.local @!p0 [hbm:s0], s1  }
0x54: {  	s0 =	simm.s32 @!p0 $0x1  }
0x55: {  	_ =	swait.ge @!p0 [sflag:s0], s1  }
0x56: {  	s1 =	ssub.s32 @!p0 $0x0, s1;
	[sflag:s0] =	ssyncset.done @!p0 $0x0  }
0x57: {  	[sflag:s0] =	ssyncadd.s32 @!p0 s1  }
0x58: {  	[bflag:$0x3] =	sbarrier.arrive $0xFFFF  }
0x59: {  	_ =	shalt  }

// kernel: kernel.6.cloned.1.call-start
scs
__scs_entry_jumppad:
0x0: {  	(pc) =	sbr.rel $0x88, $3  }
0x1: {  	(tag) =	ssettag $0x0;
	lr =	simm.s32 $0x1  }
0x2: {  	[smem:$0x3F9D] =	sst lr;
	_ =	strace $0xD0000000  }
0x3: {  	_ = 	snop  }
0x4: {  	_ = 	snop  }
0x5: {  	_ = 	snop  }
0x6: {  	_ = 	snop  }
0x7: {  	_ = 	snop  }
__scs_overlays_trampoline_lowered:
0x8: {  	[smem:$0x3FAC] =	sst s0  }
0x9: {  	[smem:$0x3FAD] =	sst s1  }
0xa: {  	[smem:$0x3FAE] =	sst s2  }
0xb: {  	[smem:$0x3FAF] =	sst s3  }
0xc: {  	[smem:$0x3FB0] =	sst s4  }
0xd: {  	[smem:$0x3FB1] =	sst s5  }
0xe: {  	[smem:$0x3FB2] =	sst s6  }
0xf: {  	[smem:$0x3FB3] =	sst s7  }
0x10: {  	[smem:$0x3FB4] =	sst s8  }
0x11: {  	[smem:$0x3FB5] =	sst s9;
	s0 =	simm.s32 @!p0 $0x0  }
0x12: {  	s1 =	sld [smem:$0x3F9B];
	s0 =	simm.s32 @p0 $0x1  }
0x13: {  	[smem:$0x3FB6] =	sst s0;
	s0 =	simm.s32 @!p1 $0x0  }
0x14: {  	s2 =	sld [smem:$0x3F9A];
	s0 =	simm.s32 @p1 $0x1  }
0x15: {  	[smem:$0x3FB7] =	sst s0;
	s0 =	simm.s32 @!p2 $0x0  }
0x16: {  	s3 =	sld [smem:$0x3FDB];
	s0 =	simm.s32 @p2 $0x1  }
0x17: {  	s4 =	simm.s32 $0x1BF5;
	[smem:$0x3FB9] =	sst s0  }
0x18: {  	s0 =	sld [smem:$0x3F9C];
	_ =	swait.ge [sflag:s4], $0x0  }
0x19: {  	s7 =	sld [smem:$0x3F9D]  }
0x1a: {  	s8 =	sadd.s32 $0xFFFFE003, lr  }
0x1b: {  	s9 =	sadd.s32 $0xFFFFFEF7, lr;
	s5 =	simm.s32 $0xFFFFFFFF;
	p2 =	slt.u32 s8, $0xFFFFF086  }
0x1c: {  	p1 =	slt.u32 s9, $0xF7A;
	s5 =	simm.s32 @!p2 $0x0  }
0x1d: {  	s5 =	simm.s32 @p1 $0x1;
	p0 =	seq.s32 s7, s2  }
0x1e: {  	s7 =	smul.u32 @!p0 $0xF7A, s2;
	p2 =	seq.s32 @!p0 s5, $0x0  }
0x1f: {  	s9 =	smul.u32 $0xF7A, s1;
	s8 =	simm.s32 @!p0 $0x1BF5;
	p2 =	por !p2, p0  }
0x20: {  	[sflag:s8] =	ssyncset.s32 @!p0 $0xFFFFF086;
	s6 =	sadd.s32 @!p0 s3, s7;
	s7 =	simm.s32 @!p0 $0x108  }
0x21: {  	s3 =	sadd.s32 s3, s9;
	s6 =	sadd.s32 @!p0 $0x88, s6;
	s7 =	simm.s32 @p2 $0x1082  }
0x22: {  	[simem:s7], [sflag:s8] =	dma.local @!p0 [hbm:s6], $0xF7A  }
0x23: {  	s9 =	sor.u32 $0xD0000000, s2;
	s6 =	simm.s32 $0x108;
	_ =	swait.ge @!p0 [sflag:s8], $0x0  }
0x24: {  	s3 =	sadd.s32 $0x88, s3;
	s6 =	simm.s32 @!p1 $0x1082;
	[sflag:s4] =	ssyncset.s32 $0xFFFFF086  }
0x25: {  	[simem:s6], [sflag:s4] =	dma.local [hbm:s3], $0xF7A  }
0x26: {  	[smem:$0x3F9D] =	sst s1;
	(tag) =	ssettag s2;
	_ =	strace s9  }
0x27: {  	s1 =	sld [smem:$0x3FAD]  }
0x28: {  	s2 =	sld [smem:$0x3FAE]  }
0x29: {  	s4 =	sld [smem:$0x3FB0]  }
0x2a: {  	p0 =	seq.s32 s5, $0x0;
	s5 =	sld [smem:$0x3FB1]  }
0x2b: {  	s6 =	sld [smem:$0x3FB2]  }
0x2c: {  	s7 =	sld [smem:$0x3FB3]  }
0x2d: {  	s3 =	simm.s32 $0x108;
	s8 =	sld [smem:$0x3FB4]  }
0x2e: {  	s3 =	simm.s32 @!p0 $0x1082;
	s9 =	sld [smem:$0x3FB5]  }
0x2f: {  	lr =	sadd.s32 s0, s3;
	s0 =	sld [smem:$0x3FAC]  }
0x30: {  	s3 =	sld [smem:$0x3FAF]  }
0x31: {  	[smem:$0x3FB8] =	sst s10  }
0x32: {  	s10 =	sld [smem:$0x3FB6];
	_ =	sdelay $0x3  }
0x33: {  	p0 =	seq.s32 s10, $0x1;
	s10 =	sld [smem:$0x3FB8];
	_ =	sdelay $0x3  }
0x34: {  	[smem:$0x3FB8] =	sst s10  }
0x35: {  	s10 =	sld [smem:$0x3FB7];
	_ =	sdelay $0x3  }
0x36: {  	p1 =	seq.s32 s10, $0x1;
	s10 =	sld [smem:$0x3FB8];
	_ =	sdelay $0x3  }
0x37: {  	[smem:$0x3FB8] =	sst s10  }
0x38: {  	s10 =	sld [smem:$0x3FB9]  }
0x39: {  	_ = 	snop;
	(pc) =	sbr.ind lr, $3  }
0x3a: {  	_ = 	snop  }
0x3b: {  	_ = 	snop  }
0x3c: {  	p2 =	seq.s32 s10, $0x1;
	s10 =	sld [smem:$0x3FB8]  }
0x3d: {  	_ =	shalt  }
0x3e: {  	_ =	shalt  }
0x3f: {  	_ =	shalt  }
0x40: {  	_ =	shalt  }
0x41: {  	_ =	shalt  }
0x42: {  	_ =	shalt  }
0x43: {  	_ =	shalt  }
0x44: {  	_ =	shalt  }
0x45: {  	_ =	shalt  }
0x46: {  	_ =	shalt  }
0x47: {  	_ =	shalt  }
0x48: {  	_ =	shalt  }
0x49: {  	_ =	shalt  }
0x4a: {  	_ =	shalt  }
0x4b: {  	_ =	shalt  }
0x4c: {  	_ =	shalt  }
0x4d: {  	_ =	shalt  }
0x4e: {  	_ =	shalt  }
0x4f: {  	_ =	shalt  }
0x50: {  	_ =	shalt  }
0x51: {  	_ =	shalt  }
0x52: {  	_ =	shalt  }
0x53: {  	_ =	shalt  }
0x54: {  	_ =	shalt  }
0x55: {  	_ =	shalt  }
0x56: {  	_ =	shalt  }
0x57: {  	_ =	shalt  }
0x58: {  	_ =	shalt  }
0x59: {  	_ =	shalt  }
0x5a: {  	_ =	shalt  }
0x5b: {  	_ =	shalt  }
0x5c: {  	_ =	shalt  }
0x5d: {  	_ =	shalt  }
0x5e: {  	_ =	shalt  }
0x5f: {  	_ =	shalt  }
0x60: {  	_ =	shalt  }
0x61: {  	_ =	shalt  }
0x62: {  	_ =	shalt  }
0x63: {  	_ =	shalt  }
0x64: {  	_ =	shalt  }
0x65: {  	_ =	shalt  }
0x66: {  	_ =	shalt  }
0x67: {  	_ =	shalt  }
0x68: {  	_ =	shalt  }
0x69: {  	_ =	shalt  }
0x6a: {  	_ =	shalt  }
0x6b: {  	_ =	shalt  }
0x6c: {  	_ =	shalt  }
0x6d: {  	_ =	shalt  }
0x6e: {  	_ =	shalt  }
0x6f: {  	_ =	shalt  }
0x70: {  	_ =	shalt  }
0x71: {  	_ =	shalt  }
0x72: {  	_ =	shalt  }
0x73: {  	_ =	shalt  }
0x74: {  	_ =	shalt  }
0x75: {  	_ =	shalt  }
0x76: {  	_ =	shalt  }
0x77: {  	_ =	shalt  }
0x78: {  	_ =	shalt  }
0x79: {  	_ =	shalt  }
0x7a: {  	_ =	shalt  }
0x7b: {  	_ =	shalt  }
0x7c: {  	_ =	shalt  }
0x7d: {  	_ =	shalt  }
0x7e: {  	_ =	shalt  }
0x7f: {  	_ =	shalt  }
0x80: {  	_ =	shalt  }
0x81: {  	_ =	shalt  }
0x82: {  	_ =	shalt  }
0x83: {  	_ =	shalt  }
0x84: {  	_ =	shalt  }
0x85: {  	_ =	shalt  }
0x86: {  	_ =	shalt  }
0x87: {  	_ =	shalt  }
.Lfunc_end0:
.L_simem_size_0:
called_computation.5_lowered:
.L_overlay_start_0:
0x88: {  	s2 =	sld [smem:$0x3FD9]  }
0x89: {  	s3 =	sld [smem:$0x3FFE];
	_ =	sdelay $0x1  }
0x8a: {  	s1 =	srdreg.scid  }
0x8b: {  	s0 =	sand.u32 $0x1, s1  }
0x8c: {  	s14 =	sshll.u32 s0, $0xA;
	s2 =	sadd.s32 s3, s2  }
0x8d: {  	s2 =	sadd.s32 s2, s14  }
0x8e: {  	[smem:$0x3FC4] =	sst s2  }
0x8f: {  	_ = 	snop  }
0x90: {  	s2 =	sld [smem:$0x3FD0];
	_ =	sdelay $0x2  }
0x91: {  	s15 =	simm.s32 $0xA;
	s4 =	simm.s32 $0x10  }
0x92: {  	[smem:s4], [sflag:s15] =	dma.local [hbm:s2], $0x1  }
0x93: {  	_ =	swait.eq [sflag:s15], $0x1  }
0x94: {  	[sflag:s15] =	ssyncset.done $0x0  }
0x95: {  	[sflag:s15] =	ssyncadd.s32 $0xFFFFFFFF  }
0x96: {  	s16 =	sld [smem:$0x12];
	(tm) =	ssettm $0x1  }
0x97: {  	s17 =	sld [smem:$0x3FFB];
	_ =	sdelay $0x3  }
0x98: {  	_ =	strace s17  }
0x99: {  	s3 =	sld [smem:$0x3FFC];
	_ =	sdelay $0x3  }
0x9a: {  	_ =	strace s3  }
0x9b: {  	s3 =	sld [smem:$0x3FFD];
	_ =	sdelay $0x3  }
0x9c: {  	_ =	strace s3  }
0x9d: {  	_ =	strace $0x8FFFFFFF  }
0x9e: {  	s18 =	sld [smem:$0x3FDB];
	_ =	sdelay $0x1  }
0x9f: {  	s19 =	simm.s32 $_scs_section_size  }
0xa0: {  	s5 =	simm.s32 $_size__tile_overlayer_lowered;
	s6 =	simm.s32 $_tile_overlayer_lowered  }
0xa1: {  	s22 =	simm.s32 $0x1BFF;
	s21 =	sshll.u32 s6, $0x1;
	s3 =	sadd.s32 s19, s18  }
0xa2: {  	s7 =	simm.s32 $0x0;
	s20 =	sshll.u32 s5, $0x1;
	s5 =	sadd.s32 s21, s3  }
0xa3: {  	[timem:s7], [sflag:s22] =	dma.local [hbm:s5], s20  }
0xa4: {  	_ =	swait.ge [sflag:s22], s20  }
0xa5: {  	s4 =	ssub.s32 $0x0, s20;
	[sflag:s22] =	ssyncset.done $0x0  }
0xa6: {  	[sflag:s22] =	ssyncadd.s32 s4;
	_ =	sdelay $0x1  }
0xa7: {  	s23 =	simm.s32 $0x1B8B  }
0xa8: {  	_ =	swait.ge [sflag:s23], $0x1  }
0xa9: {  	[sflag:s23] =	ssyncset.done $0x0  }
0xaa: {  	s25 =	simm.s32 $0x1B8E;
	s24 =	sld [smem:$0x3FFE];
	[sflag:s23] =	ssyncadd.s32 $0xFFFFFFFF  }
0xab: {  	s26 =	simm.s32 $execute0_lowered;
	[smem:$0x3FD2] =	sst s25  }
0xac: {  	s5 =	sshll.u32 s26, $0x1;
	_ =	strace $0x80000046;
	[dreg:$0x1] =	wrdreg $0xFFFFFFFF  }
0xad: {  	s28 =	simm.s32 $_size_execute0_lowered;
	s3 =	sadd.s32 s3, s5;
	[dreg:$0x0] =	wrdreg $0x0  }
0xae: {  	s5 =	sshll.u32 s28, $0x1;
	[dreg:$0x2] =	wrdreg s3  }
0xaf: {  	[dreg:$0x3] =	wrdreg s5  }
0xb0: {  	[dreg:$0x4] =	wrdreg $0xC0  }
0xb1: {  	_ =	task [dreg:s7], $0x5FFFF  }
0xb2: {  	[dreg:$0x1] =	wrdreg $0xFFFFFFFF  }
0xb3: {  	[dreg:$0x0] =	wrdreg $0x60  }
0xb4: {  	[dreg:$0x2] =	wrdreg s24  }
0xb5: {  	[dreg:$0x3] =	wrdreg s16  }
0xb6: {  	[dreg:$0x4] =	wrdreg $0x42000  }
0xb7: {  	[dreg:$0x5] =	wrdreg $0x9  }
0xb8: {  	_ =	task.clear_ibuf [dreg:s7], $0x6FFFF;
	_ =	strace $0x90000046  }
0xb9: {  	s29 =	simm.s32 $0x9;
	_ =	strace $0x80000048  }
0xba: {  	_ =	swait.ge [sflag:s29], $0x1  }
0xbb: {  	[sflag:s29] =	ssyncadd.s32 $0xFFFFFFFF  }
0xbc: {  	_ =	strace $0x90000048  }
0xbd: {  	_ =	sfence  }
0xbe: {  	s30 =	sld [smem:$0x0];
	_ =	sdelay $0x2  }
0xbf: {  	s31 =	sshll.u32 s1, $0xD;
	s1 =	sshrl.u32 s1, $0x2  }
0xc0: {  	s3 =	sand.u32 $0x4000, s31;
	s1 =	sadd.s32 s1, s30  }
0xc1: {  	s0 =	sor.u32 s3, s0;
	s1 =	sshll.u32 s1, $0x11  }
0xc2: {  	s0 =	sor.u32 s1, s0  }
0xc3: {  	s0 =	sadd.s32 $0x8F2B, s0  }
0xc4: {  	[sflag:s0] =	ssyncadd.remote.s32 $0x1  }
0xc5: {  	_ =	sfence.sel $0xFFFF  }
0xc6: {  	[dreg:$0x0] =	wrdreg $0xFFFFFFFF;
	(pc) =	sbr.abs _section_cstart, $3  }
0xc7: {  	[dreg:$0x1] =	wrdreg $0xFFFFFFFF  }
0xc8: {  	_ =	task.clear_ibuf [dreg:s7], $0x2FFFF;
	_ =	strace $0x9FFFFFFF  }
0xc9: {  	(tm) =	ssettm $0x7FFFFFFF  }
tec
execute0_lowered:
.L_overlay_start_1:
0x0: {  	(tag) =	ssettag $0x1  }
0x1: {  	s4 =	rddreg [dreg:$0x0]  }
0x2: {  	s7 =	rddreg [dreg:$0x1]  }
0x3: {  	s5 =	rddreg [dreg:$0x2];
	s2 =	srdreg.scid  }
0x4: {  	s0 =	rddreg [dreg:$0x3];
	s1 =	stileid.u32;
	s14 =	simm.s32 $0x200  }
0x5: {  	s15 =	simm.s32 $0x3800;
	s16 =	simm.s32 $0x4000;
	s17 =	simm.s32 $0x4100  }
0x6: {  	s18 =	simm.s32 $0x0;
	s6 =	sand.u32 $0x1, s2;
	s2 =	simm.s32 $0x0  }
0x7: {  	s3 =	sshrl.u32 s1, $0x2;
	s9 =	sand.u32 $0x3, s1;
	s31 =	sshll.u32 s1, $0x9  }
0x8: {  	s12 =	sshll.u32 s1, $0x7;
	s8 =	sshll.u32 s6, $0x2;
	[smem:$0x7FF] =	sst s2  }
0x9: {  	s11 =	sshll.u32 s9, $0x4;
	s6 =	ssub.s32 $0x2, s6;
	s13 =	sand.u32 $0x380, s12  }
0xa: {  	s12 =	sand.u32 $0x200, s12;
	s8 =	sor.u32 s3, s8;
	s3 =	smul.u32 $0x1400, s9  }
0xb: {  	s29 =	sshrl.u32 s6, $0x1;
	s10 =	sshll.u32 s8, $0x6;
	s8 =	smul.u32 $0x5000, s8  }
0xc: {  	_ =	strace $0x80000047;
	s28 =	sor.u32 s11, s10;
	s11 =	ssub.s32 s6, s29  }
0xd: {  	s10 =	sadd.s32 s28, s4;
	s30 =	sadd.s32 s3, s8;
	s8 =	sand.u32 $0x1000, s31  }
0xe: {  	v0 =	vlaneseq.u32;
	s7 =	sadd.s32 s7, s28;
	s9 =	smax.u32 s11, $0x1;
	s6 =	sshrl.u32 s30, $0x3  }
0xf: {  	v1 =	vmul.u32 $0x200, v0;
	v5 =	vmul.u32 $0xFFFFFFFF, v0;
	s11 =	simm.s32 $0x80;
	s8 =	sadd.s32 s8, s5;
	s4 =	sadd.s32 s4, s6  }
0x10: {  	v2 =	vimm.s32 $0x0;
	v4 =	vimm.s32 $0x1;
	v7 =	vimm.f32 $-Inf;
	s5 =	sadd.s32 s13, s8;
	s6 =	sadd.s32 s12, s8;
	s8 =	sadd.s32 $0x5000, s10  }
0x11: {  	v6 =	vor.u32 $0x80000000, v0;
	v3 =	vadd.s32 $0xFFFFF220, v1;
	v5 =	vadd.s32 $0xF, v5;
	s10 =	simm.s32 $0x1;
	s12 =	simm.s32 $0x400;
	s13 =	simm.s32 $0x3400  }
.LBB2_1:
0x12: {  	[tilespmem:s2], [sflag:$0x1] =	stream.linear.gather [hbm4b:s4+s2], $0x1400, $0x38;
	[tilespmem:$0x4400] =	vst v63  }
0x13: {  	_ =	swait.ge [sflag:s10], $0x1400  }
0x14: {  	[sflag:s10] =	ssyncset.done $0x0  }
0x15: {  	s20 =	simm.s32 $0x0;
	s19 =	simm.s32 $0x200;
	[sflag:s10] =	ssyncadd.s32 $0xFFFFEC00  }
.LBB2_2:
0x16: {  	p0 =	sne.s32 s19, $0x7E00;
	[tilespmem:s20+$0x1470] =	vst v2  }
0x17: {  	[tilespmem:s20+$0x1400] =	vst v2  }
0x18: {  	[tilespmem:s20+$0x1410] =	vst v2  }
.Ltmp0:
0x19: {  	[tilespmem:s20+$0x1420] =	vst v2;
	(pc) =	sbr.rel @p0 .LBB2_2-.Ltmp0, $4  }
0x1a: {  	[tilespmem:s20+$0x1430] =	vst v2  }
0x1b: {  	[tilespmem:s20+$0x1440] =	vst v2  }
0x1c: {  	[tilespmem:s20+$0x1450] =	vst v2  }
0x1d: {  	[tilespmem:s20+$0x1460] =	vst v2;
	s20 =	sshra.s32 s19, $0x2;
	s19 =	sadd.s32 $0x200, s19  }
0x1e: {  	[tilespmem:s20+$0x1470] =	vst v2  }
0x1f: {  	[tilespmem:s20+$0x1400] =	vst v2  }
0x20: {  	[tilespmem:s20+$0x1410] =	vst v2  }
0x21: {  	[tilespmem:s20+$0x1420] =	vst v2  }
0x22: {  	[tilespmem:s20+$0x1430] =	vst v2  }
0x23: {  	[tilespmem:s20+$0x1440] =	vst v2  }
0x24: {  	[tilespmem:s20+$0x1450] =	vst v2  }
0x25: {  	s19 =	simm.s32 $0x0;
	[tilespmem:s20+$0x1460] =	vst v2;
	s20 =	simm.s32 $0x0  }
.LBB2_4:
0x26: {  	s22 =	sshra.s32 s20, $0x2  }
0x27: {  	v8 =	vld [tilespmem:s22+$0x0];
	_ =	sdelay $0x4  }
0x28: {  	v8 =	vshra.s32 v8, $0x12  }
0x29: {  	vm0 =	vgt.s32 v8, $0xDE0  }
0x2a: {  	v8 =	vnsel vm0, $0xDE0, v8  }
0x2b: {  	v8 =	vmin.u32 v8, $0xFDF  }
0x2c: {  	v8 =	vadd.s32 v3, v8;
	_ =	sdelay $0x3  }
0x2d: {  	s21 =	simm.s32 $0x1400  }
0x2e: {  	[tilespmem:v8+s21+$0x0] =	vst.idx.add.s32.msk $0xffff, v4  }
0x2f: {  	v8 =	vld [tilespmem:s22+$0x10];
	_ =	sdelay $0x4  }
0x30: {  	v8 =	vshra.s32 v8, $0x12  }
0x31: {  	vm13 =	vgt.s32 v8, $0xDE0  }
0x32: {  	v8 =	vnsel vm13, $0xDE0, v8  }
0x33: {  	v8 =	vmin.u32 v8, $0xFDF  }
0x34: {  	v8 =	vadd.s32 v3, v8;
	_ =	sdelay $0x4  }
0x35: {  	[tilespmem:v8+s21+$0x0] =	vst.idx.add.s32.msk $0xffff, v4  }
0x36: {  	v8 =	vld [tilespmem:s22+$0x20];
	_ =	sdelay $0x4  }
0x37: {  	v8 =	vshra.s32 v8, $0x12  }
0x38: {  	vm14 =	vgt.s32 v8, $0xDE0  }
0x39: {  	v8 =	vnsel vm14, $0xDE0, v8  }
0x3a: {  	v8 =	vmin.u32 v8, $0xFDF  }
0x3b: {  	v8 =	vadd.s32 v3, v8;
	_ =	sdelay $0x4  }
0x3c: {  	[tilespmem:v8+s21+$0x0] =	vst.idx.add.s32.msk $0xffff, v4  }
0x3d: {  	v8 =	vld [tilespmem:s22+$0x30];
	_ =	sdelay $0x4  }
0x3e: {  	v8 =	vshra.s32 v8, $0x12  }
0x3f: {  	vm15 =	vgt.s32 v8, $0xDE0  }
0x40: {  	v8 =	vnsel vm15, $0xDE0, v8  }
0x41: {  	v8 =	vmin.u32 v8, $0xFDF  }
0x42: {  	p0 =	sne.s32 s20, $0x4F00;
	v8 =	vadd.s32 v3, v8  }
.Ltmp1:
0x43: {  	_ = 	snop;
	(pc) =	sbr.rel @p0 .LBB2_4-.Ltmp1, $2  }
0x44: {  	_ =	sdelay $0x2  }
0x45: {  	s20 =	sadd.s32 $0x100, s20;
	[tilespmem:v8+s21+$0x0] =	vst.idx.add.s32.msk $0xffff, v4  }
0x46: {  	s19 =	sand.u32 $0x1F0, s19;
	v9 =	vld [tilespmem:s21+$0x0]  }
0x47: {  	v8 =	vld [tilespmem:s19+$0x1600]  }
0x48: {  	v10 =	vld [tilespmem:s19+$0x1800]  }
0x49: {  	v11 =	vld [tilespmem:s19+$0x1A00]  }
0x4a: {  	v12 =	vld [tilespmem:s19+$0x1C00]  }
0x4b: {  	v13 =	vld [tilespmem:s19+$0x1E00]  }
0x4c: {  	v8 =	vadd.s32 v9, v8;
	v9 =	vld [tilespmem:s19+$0x2000]  }
0x4d: {  	v8 =	vadd.s32 v10, v8;
	v10 =	vld [tilespmem:s19+$0x2200]  }
0x4e: {  	v8 =	vadd.s32 v11, v8;
	v11 =	vld [tilespmem:s19+$0x2400]  }
0x4f: {  	v60 =	vld [tilespmem:s19+$0x2600];
	v8 =	vadd.s32 v12, v8  }
0x50: {  	v61 =	vld [tilespmem:s19+$0x2800];
	v8 =	vadd.s32 v13, v8  }
0x51: {  	v8 =	vadd.s32 v9, v8;
	v9 =	vld [tilespmem:s19+$0x2A00]  }
0x52: {  	v8 =	vadd.s32 v10, v8;
	v10 =	vld [tilespmem:s19+$0x2C00]  }
0x53: {  	v8 =	vadd.s32 v11, v8;
	v11 =	vld [tilespmem:s19+$0x2E00]  }
0x54: {  	v62 =	vld [tilespmem:s19+$0x3000];
	v8 =	vadd.s32 v60, v8  }
0x55: {  	v63 =	vld [tilespmem:s19+$0x3200];
	v8 =	vadd.s32 v61, v8  }
0x56: {  	v8 =	vadd.s32 v9, v8  }
0x57: {  	v8 =	vadd.s32 v10, v8  }
0x58: {  	v8 =	vadd.s32 v11, v8  }
0x59: {  	v8 =	vadd.s32 v62, v8  }
0x5a: {  	s20 =	simm.s32 $0x10;
	s19 =	simm.s32 $0x3400;
	v8 =	vadd.s32 v63, v8  }
0x5b: {  	s20 =	sand.u32 $0x1F0, s20;
	[tilespmem:s19+$0x0] =	vst v8  }
0x5c: {  	s22 =	simm.s32 $0x20;
	s21 =	simm.s32 $0x1410;
	v8 =	vld [tilespmem:s20+$0x1600]  }
.LBB2_6:
0x5d: {  	p0 =	sne.s32 s22, $0x1F0;
	v9 =	vld [tilespmem:s21+$0x0]  }
0x5e: {  	v10 =	vld [tilespmem:s20+$0x1800]  }
0x5f: {  	v11 =	vld [tilespmem:s20+$0x1A00]  }
0x60: {  	v12 =	vld [tilespmem:s20+$0x1C00]  }
0x61: {  	v13 =	vld [tilespmem:s20+$0x1E00]  }
0x62: {  	v8 =	vadd.s32 v9, v8;
	v9 =	vld [tilespmem:s20+$0x2000]  }
0x63: {  	v8 =	vadd.s32 v10, v8;
	v10 =	vld [tilespmem:s20+$0x2200]  }
0x64: {  	v8 =	vadd.s32 v11, v8;
	v11 =	vld [tilespmem:s20+$0x2400]  }
0x65: {  	v8 =	vadd.s32 v12, v8;
	v12 =	vld [tilespmem:s20+$0x2600]  }
0x66: {  	v8 =	vadd.s32 v13, v8;
	v13 =	vld [tilespmem:s20+$0x2800]  }
0x67: {  	v8 =	vadd.s32 v9, v8;
	v9 =	vld [tilespmem:s20+$0x2A00]  }
0x68: {  	v8 =	vadd.s32 v10, v8;
	v10 =	vld [tilespmem:s20+$0x2C00]  }
0x69: {  	v8 =	vadd.s32 v11, v8;
	v11 =	vld [tilespmem:s20+$0x2E00]  }
0x6a: {  	v8 =	vadd.s32 v12, v8;
	v12 =	vld [tilespmem:s20+$0x3000]  }
0x6b: {  	v8 =	vadd.s32 v13, v8;
	v13 =	vld [tilespmem:s20+$0x3200]  }
0x6c: {  	v8 =	vadd.s32 v9, v8  }
0x6d: {  	v8 =	vadd.s32 v10, v8  }
.Ltmp2:
0x6e: {  	v8 =	vadd.s32 v11, v8;
	(pc) =	sbr.rel @p0 .LBB2_6-.Ltmp2, $4  }
0x6f: {  	v8 =	vadd.s32 v12, v8  }
0x70: {  	s19 =	sadd.s32 $0x10, s19;
	v8 =	vadd.s32 v13, v8  }
0x71: {  	s20 =	sand.u32 $0x1F0, s22;
	[tilespmem:s19+$0x0] =	vst v8  }
0x72: {  	s21 =	sadd.s32 $0x10, s21;
	s22 =	sadd.s32 $0x10, s22;
	v8 =	vld [tilespmem:s20+$0x1600]  }
0x73: {  	v9 =	vld [tilespmem:s21+$0x0]  }
0x74: {  	v10 =	vld [tilespmem:s20+$0x1800]  }
0x75: {  	v11 =	vld [tilespmem:s20+$0x1A00]  }
0x76: {  	v12 =	vld [tilespmem:s20+$0x1C00]  }
0x77: {  	v13 =	vld [tilespmem:s20+$0x1E00]  }
0x78: {  	v54 =	vld [tilespmem:s20+$0x2000];
	v8 =	vadd.s32 v9, v8  }
0x79: {  	v55 =	vld [tilespmem:s20+$0x2200];
	v8 =	vadd.s32 v10, v8  }
0x7a: {  	v56 =	vld [tilespmem:s20+$0x2400];
	v8 =	vadd.s32 v11, v8  }
0x7b: {  	v57 =	vld [tilespmem:s20+$0x2600];
	v8 =	vadd.s32 v12, v8  }
0x7c: {  	v58 =	vld [tilespmem:s20+$0x2800];
	v8 =	vadd.s32 v13, v8  }
0x7d: {  	v59 =	vld [tilespmem:s20+$0x2A00];
	v8 =	vadd.s32 v54, v8  }
0x7e: {  	v60 =	vld [tilespmem:s20+$0x2C00];
	v8 =	vadd.s32 v55, v8  }
0x7f: {  	v61 =	vld [tilespmem:s20+$0x2E00];
	v8 =	vadd.s32 v56, v8  }
0x80: {  	v62 =	vld [tilespmem:s20+$0x3000];
	v8 =	vadd.s32 v57, v8  }
0x81: {  	v63 =	vld [tilespmem:s20+$0x3200];
	v8 =	vadd.s32 v58, v8  }
0x82: {  	v8 =	vadd.s32 v59, v8  }
0x83: {  	v8 =	vadd.s32 v60, v8  }
0x84: {  	v8 =	vadd.s32 v61, v8  }
0x85: {  	v8 =	vadd.s32 v62, v8  }
0x86: {  	s19 =	sadd.s32 $0x10, s19;
	v8 =	vadd.s32 v63, v8  }
0x87: {  	[tilespmem:s19+$0x0] =	vst v8  }
0x88: {  	[spmem:s5] =	stream.strided.scatter [tilespmem:s13], [sflag:$0x1], $0x200, s12, s11, $0x38;
	[tilespmem:$0x4400] =	vst v63  }
0x89: {  	_ =	swait.ge [sflag:s10], $0x200  }
0x8a: {  	[sflag:s10] =	ssyncset.done $0x0  }
0x8b: {  	[sflag:s10] =	ssyncadd.s32 $0xFFFFFE00  }
0x8c: {  	[bflag:$0x0] =	sbarrier.arrive $0xFFFF  }
0x8d: {  	[tilespmem:s15], [sflag:$0x1] =	stream.strided.gather [spmem:s6], $0x800, s12, s14, $0x38;
	[tilespmem:$0x4400] =	vst v63  }
0x8e: {  	s21 =	simm.s32 $0x10;
	s19 =	simm.s32 $0x0;
	_ =	swait.ge [sflag:s10], $0x800  }
0x8f: {  	s30 =	sand.u32 $0x70, s19;
	s31 =	sand.u32 $0x600, s19;
	[sflag:s10] =	ssyncset.done $0x0  }
0x90: {  	s20 =	simm.s32 $0x0;
	s22 =	sor.u32 s30, s31;
	[sflag:s10] =	ssyncadd.s32 $0xFFFFF800  }
.LBB2_8:
0x91: {  	p0 =	sne.s32 s21, $0x1F0;
	v8 =	vld [tilespmem:s22+$0x3880]  }
0x92: {  	v9 =	vld [tilespmem:s22+$0x3800]  }
0x93: {  	v10 =	vld [tilespmem:s22+$0x3900]  }
0x94: {  	v11 =	vld [tilespmem:s22+$0x3980];
	_ =	sdelay $0x1  }
.Ltmp3:
0x95: {  	(pc) =	sbr.rel @p0 .LBB2_8-.Ltmp3, $4  }
0x96: {  	v8 =	vadd.s32 v9, v8  }
0x97: {  	s19 =	sadd.s32 $0x40, s19;
	v8 =	vadd.s32 v10, v8  }
0x98: {  	s20 =	sshra.s32 s20, $0x2;
	s23 =	sand.u32 $0x600, s19;
	s22 =	sand.u32 $0x70, s21;
	v8 =	vadd.s32 v11, v8  }
0x99: {  	s21 =	sadd.s32 $0x10, s21;
	s22 =	sor.u32 s22, s23;
	[tilespmem:s20+$0x3600] =	vst v8;
	s20 =	smov.u32 s19  }
0x9a: {  	v8 =	vld [tilespmem:s22+$0x3880]  }
0x9b: {  	v9 =	vld [tilespmem:s22+$0x3800]  }
0x9c: {  	v10 =	vld [tilespmem:s22+$0x3900]  }
0x9d: {  	v11 =	vld [tilespmem:s22+$0x3980];
	_ =	sdelay $0x2  }
0x9e: {  	v8 =	vadd.s32 v9, v8  }
0x9f: {  	v8 =	vadd.s32 v10, v8  }
0xa0: {  	s19 =	sshra.s32 s20, $0x2;
	v8 =	vadd.s32 v11, v8  }
0xa1: {  	[tilespmem:s19+$0x3600] =	vst v8  }
0xa2: {  	s31 =	simm.s32 $0x37F0;
	[bflag:$0x0] =	sbarrier.arrive $0xFFFF  }
0xa3: {  	v8 =	vld [tilespmem:s31+$0x0];
	_ =	sdelay $0x4  }
0xa4: {  	v8 =	vperm.xlane v8, v5;
	_ =	sdelay $0x1  }
0xa5: {  	(xrf0) =	vadd.scan.msk.s32 $0xffff, v8;
	_ =	sdelay $0x5  }
0xa6: {  	s20 =	simm.s32 $0x0;
	v8, _, _ =	vpop (xrf0)  }
0xa7: {  	v9 =	vadd.s32 s20, v8  }
0xa8: {  	vm0 =	vgt.s32 v9, $0x12B  }
0xa9: {  	v9 =	vsel vm0, $0x1, v2;
	v10 =	vnsel vm0, $0x80000010, v6  }
0xaa: {  	v9 =	vor.u32 $0x80000000, v9;
	(xrf0) =	vmin.scan.msk.u32 $0xffff, v10  }
0xab: {  	v8 =	vxor.u32 $0x80000000, v8;
	(xrf0) =	vmax.scan.msk.u32 $0xffff, v9  }
0xac: {  	(xrf0) =	vmax.scan.msk.u32 $0xffff, v8;
	_ =	sdelay $0x3  }
0xad: {  	v8, _, _ =	vpop (xrf0)  }
0xae: {  	v9, _, _ =	vpop (xrf0);
	(v2sf) =	vpush v8, $0xF  }
0xaf: {  	v8, _, _ =	vpop (xrf0);
	(v2sf) =	vpush v9, $0xF  }
0xb0: {  	(v2sf) =	vpush v8, $0xF;
	_ =	sdelay $0x3  }
0xb1: {  	p0 =	por $0x0, $0x0;
	s21 =	simm.s32 $0x200;
	s23 =	simm.s32 $0x37E0  }
0xb2: {  	s24 =	simm.s32 $0x1E0;
	s22 =	simm.s32 $0x0;
	s19 =	simm.s32 $0x1F0;
	v8 =	vld [tilespmem:s23+$0x0]  }
.LBB2_10:
0xb3: {  	p1 =	seq.s32 s24, $0x10;
	_ =	sdelay $0x3  }
0xb4: {  	v8 =	vperm.xlane v8, v5;
	_ =	sdelay $0x1  }
0xb5: {  	(xrf0) =	vadd.scan.msk.s32 $0xffff, v8  }
0xb6: {  	s25 =	spop (v2sf)  }
0xb7: {  	s25 =	sxor.u32 $0x7FFFFFFF, s25;
	s26 =	spop (v2sf)  }
0xb8: {  	p2 =	sgt.u32 s26, $0x80000000;
	s21 =	sadd.s32 s25, s21;
	s25 =	spop (v2sf)  }
0xb9: {  	s25 =	sxor.u32 $0x80000000, s25;
	s21 =	smov.u32 @p0 s20;
	p0 =	por p0, p2  }
0xba: {  	s20 =	smov.u32 @p2 s21;
	s25 =	simm.s32 @p0 $0x0;
	s21 =	smov.u32 s19  }
0xbb: {  	s19 =	smov.u32 s24;
	v8, _, _ =	vpop (xrf0);
	s22 =	sadd.s32 s22, s25  }
0xbc: {  	v9 =	vadd.s32 s22, v8  }
0xbd: {  	vm0 =	vgt.s32 v9, $0x12B  }
0xbe: {  	v9 =	vsel vm0, $0x1, v2;
	v10 =	vnsel vm0, $0x80000010, v6  }
0xbf: {  	v9 =	vor.u32 $0x80000000, v9;
	(xrf0) =	vmin.scan.msk.u32 $0xffff, v10  }
0xc0: {  	v8 =	vxor.u32 $0x80000000, v8;
	(xrf0) =	vmax.scan.msk.u32 $0xffff, v9  }
0xc1: {  	(xrf0) =	vmax.scan.msk.u32 $0xffff, v8;
	_ =	sdelay $0x3  }
0xc2: {  	v8, _, _ =	vpop (xrf0)  }
0xc3: {  	v9, _, _ =	vpop (xrf0);
	(v2sf) =	vpush v8, $0xF  }
0xc4: {  	v8, _, _ =	vpop (xrf0);
	(v2sf) =	vpush v9, $0xF  }
0xc5: {  	(v2sf) =	vpush v8, $0xF  }
.Ltmp4:
0xc6: {  	(pc) =	sbr.rel @!p1 .LBB2_10-.Ltmp4, $3  }
0xc7: {  	_ =	sdelay $0x1  }
0xc8: {  	s23 =	sadd.s32 $0xFFFFFFF0, s23  }
0xc9: {  	s24 =	sadd.s32 $0xFFFFFFF0, s24;
	v8 =	vld [tilespmem:s23+$0x0]  }
0xca: {  	_ =	sdelay $0x3  }
0xcb: {  	v8 =	vperm.xlane v8, v5;
	_ =	sdelay $0x1  }
0xcc: {  	(xrf0) =	vadd.scan.msk.s32 $0xffff, v8  }
0xcd: {  	s23 =	spop (v2sf)  }
0xce: {  	s24 =	spop (v2sf)  }
0xcf: {  	p2 =	sgt.u32 s24, $0x80000000;
	s26 =	spop (v2sf)  }
0xd0: {  	s24 =	sxor.u32 $0x80000000, s26;
	p1 =	por p0, p2  }
0xd1: {  	s24 =	simm.s32 @p1 $0x0  }
0xd2: {  	v8, _, _ =	vpop (xrf0);
	s22 =	sadd.s32 s22, s24  }
0xd3: {  	v9 =	vadd.s32 s22, v8  }
0xd4: {  	vm0 =	vgt.s32 v9, $0x12B  }
0xd5: {  	v9 =	vnsel vm0, $0x80000010, v6  }
0xd6: {  	v10 =	vsel vm0, $0x1, v2;
	(xrf0) =	vmin.scan.msk.u32 $0xffff, v9  }
0xd7: {  	v63 =	vor.u32 $0x80000000, v10  }
0xd8: {  	v8 =	vxor.u32 $0x80000000, v8;
	(xrf0) =	vmax.scan.msk.u32 $0xffff, v63  }
0xd9: {  	(xrf0) =	vmax.scan.msk.u32 $0xffff, v8;
	_ =	sdelay $0x2  }
0xda: {  	v8, _, _ =	vpop (xrf0)  }
0xdb: {  	(v2sf) =	vpush v8, $0xF  }
0xdc: {  	v8, _, _ =	vpop (xrf0)  }
0xdd: {  	(v2sf) =	vpush v8, $0xF;
	v8, _, _ =	vpop (xrf0)  }
0xde: {  	(v2sf) =	vpush v8, $0xF;
	_ =	sdelay $0x9  }
0xdf: {  	s28 =	sxor.u32 $0x7FFFFFFF, s23  }
0xe0: {  	s21 =	sadd.s32 s28, s21  }
0xe1: {  	s21 =	smov.u32 @p0 s20;
	s29 =	spop (v2sf)  }
0xe2: {  	s20 =	smov.u32 @p2 s21;
	s22 =	sxor.u32 $0x7FFFFFFF, s29  }
0xe3: {  	s21 =	simm.s32 $0x200;
	s30 =	spop (v2sf);
	s19 =	sadd.s32 s22, s19  }
0xe4: {  	p2 =	sgt.u32 s30, $0x80000000;
	s31 =	spop (v2sf);
	s19 =	smov.u32 @p1 s20  }
0xe5: {  	p0 =	por p1, p2;
	s20 =	smov.u32 @p2 s19;
	s19 =	simm.s32 $0x0  }
.LBB2_12:
0xe6: {  	p1 =	seq.s32 s21, $0x7E00;
	[tilespmem:s19+$0x1470] =	vst v2  }
0xe7: {  	[tilespmem:s19+$0x1400] =	vst v2  }
0xe8: {  	[tilespmem:s19+$0x1410] =	vst v2  }
.Ltmp5:
0xe9: {  	[tilespmem:s19+$0x1420] =	vst v2;
	(pc) =	sbr.rel @!p1 .LBB2_12-.Ltmp5, $4  }
0xea: {  	[tilespmem:s19+$0x1430] =	vst v2  }
0xeb: {  	[tilespmem:s19+$0x1440] =	vst v2  }
0xec: {  	[tilespmem:s19+$0x1450] =	vst v2  }
0xed: {  	[tilespmem:s19+$0x1460] =	vst v2;
	s19 =	sshra.s32 s21, $0x2;
	s21 =	sadd.s32 $0x200, s21  }
0xee: {  	[tilespmem:s19+$0x1470] =	vst v2  }
0xef: {  	[tilespmem:s19+$0x1400] =	vst v2  }
0xf0: {  	[tilespmem:s19+$0x1410] =	vst v2  }
0xf1: {  	[tilespmem:s19+$0x1420] =	vst v2  }
0xf2: {  	[tilespmem:s19+$0x1430] =	vst v2  }
0xf3: {  	[tilespmem:s19+$0x1440] =	vst v2  }
0xf4: {  	[tilespmem:s19+$0x1450] =	vst v2;
	p1 =	sgt.s32 s20, $0x0;
	s31 =	sshll.u32 s20, $0x12  }
0xf5: {  	[tilespmem:s19+$0x1460] =	vst v2;
	p0 =	por !p0, !p1;
	s19 =	sadd.s32 $0x37800000, s31  }
0xf6: {  	p0 =	por !p0, !p0;
	s21 =	smov.u32 s19  }
0xf7: {  	s21 =	simm.s32 @!p0 $0x80000000  }
0xf8: {  	s22 =	sadd.s32 $0x40000, s21  }
0xf9: {  	v8 =	vmov s21;
	s21 =	simm.s32 $0x0;
	v9 =	vmov s22;
	s22 =	simm.s32 $0x0  }
.LBB2_14:
0xfa: {  	s24 =	sshra.s32 s22, $0x2  }
0xfb: {  	v10 =	vld [tilespmem:s24+$0x0];
	_ =	sdelay $0x4  }
0xfc: {  	vm0 =	vge.s32 v10, v8;
	vm1 =	vlt.s32 v10, v9;
	v10 =	vshrl.u32 v10, $0x9  }
0xfd: {  	vm0 =	vmand vm0, vm1;
	v10 =	vand.u32 $0x1FF, v10  }
0xfe: {  	v10 =	vor.u32 v1, v10;
	_ =	sdelay $0x3  }
0xff: {  	s23 =	simm.s32 $0x1400  }
0x100: {  	[tilespmem:v10+s23+$0x0] =	vst.idx.add.s32.msk vm0, v4  }
0x101: {  	v10 =	vld [tilespmem:s24+$0x10];
	_ =	sdelay $0x4  }
0x102: {  	vm10 =	vge.s32 v10, v8;
	vm11 =	vlt.s32 v10, v9;
	v10 =	vshrl.u32 v10, $0x9  }
0x103: {  	vm0 =	vmand vm10, vm11;
	v10 =	vand.u32 $0x1FF, v10  }
0x104: {  	v10 =	vor.u32 v1, v10;
	_ =	sdelay $0x4  }
0x105: {  	[tilespmem:v10+s23+$0x0] =	vst.idx.add.s32.msk vm0, v4  }
0x106: {  	v10 =	vld [tilespmem:s24+$0x20];
	_ =	sdelay $0x4  }
0x107: {  	vm12 =	vge.s32 v10, v8;
	vm13 =	vlt.s32 v10, v9;
	v10 =	vshrl.u32 v10, $0x9  }
0x108: {  	vm0 =	vmand vm12, vm13;
	v10 =	vand.u32 $0x1FF, v10  }
0x109: {  	v10 =	vor.u32 v1, v10;
	_ =	sdelay $0x4  }
0x10a: {  	[tilespmem:v10+s23+$0x0] =	vst.idx.add.s32.msk vm0, v4  }
0x10b: {  	v10 =	vld [tilespmem:s24+$0x30];
	_ =	sdelay $0x4  }
0x10c: {  	vm14 =	vge.s32 v10, v8;
	vm15 =	vlt.s32 v10, v9;
	v10 =	vshrl.u32 v10, $0x9  }
0x10d: {  	vm0 =	vmand vm14, vm15;
	v10 =	vand.u32 $0x1FF, v10  }
0x10e: {  	p1 =	sne.s32 s22, $0x4F00;
	v10 =	vor.u32 v1, v10  }
.Ltmp6:
0x10f: {  	_ = 	snop;
	(pc) =	sbr.rel @p1 .LBB2_14-.Ltmp6, $2  }
0x110: {  	_ =	sdelay $0x2  }
0x111: {  	s22 =	sadd.s32 $0x100, s22;
	[tilespmem:v10+s23+$0x0] =	vst.idx.add.s32.msk vm0, v4  }
0x112: {  	s21 =	sand.u32 $0x1F0, s21;
	v9 =	vld [tilespmem:s23+$0x0]  }
0x113: {  	v8 =	vld [tilespmem:s21+$0x1600]  }
0x114: {  	v10 =	vld [tilespmem:s21+$0x1800]  }
0x115: {  	v11 =	vld [tilespmem:s21+$0x1A00]  }
0x116: {  	v12 =	vld [tilespmem:s21+$0x1C00]  }
0x117: {  	v13 =	vld [tilespmem:s21+$0x1E00]  }
0x118: {  	v8 =	vadd.s32 v9, v8;
	v9 =	vld [tilespmem:s21+$0x2000]  }
0x119: {  	v8 =	vadd.s32 v10, v8;
	v10 =	vld [tilespmem:s21+$0x2200]  }
0x11a: {  	v8 =	vadd.s32 v11, v8;
	v11 =	vld [tilespmem:s21+$0x2400]  }
0x11b: {  	v60 =	vld [tilespmem:s21+$0x2600];
	v8 =	vadd.s32 v12, v8  }
0x11c: {  	v61 =	vld [tilespmem:s21+$0x2800];
	v8 =	vadd.s32 v13, v8  }
0x11d: {  	v8 =	vadd.s32 v9, v8;
	v9 =	vld [tilespmem:s21+$0x2A00]  }
0x11e: {  	v8 =	vadd.s32 v10, v8;
	v10 =	vld [tilespmem:s21+$0x2C00]  }
0x11f: {  	v8 =	vadd.s32 v11, v8;
	v11 =	vld [tilespmem:s21+$0x2E00]  }
0x120: {  	v62 =	vld [tilespmem:s21+$0x3000];
	v8 =	vadd.s32 v60, v8  }
0x121: {  	v63 =	vld [tilespmem:s21+$0x3200];
	v8 =	vadd.s32 v61, v8  }
0x122: {  	v8 =	vadd.s32 v9, v8  }
0x123: {  	v8 =	vadd.s32 v10, v8  }
0x124: {  	v8 =	vadd.s32 v11, v8  }
0x125: {  	v8 =	vadd.s32 v62, v8  }
0x126: {  	s22 =	simm.s32 $0x10;
	s21 =	simm.s32 $0x3400;
	v8 =	vadd.s32 v63, v8  }
0x127: {  	s22 =	sand.u32 $0x1F0, s22;
	[tilespmem:s21+$0x0] =	vst v8  }
0x128: {  	s24 =	simm.s32 $0x20;
	s23 =	simm.s32 $0x1410;
	v8 =	vld [tilespmem:s22+$0x1600]  }
.LBB2_16:
0x129: {  	p1 =	sne.s32 s24, $0x1F0;
	v9 =	vld [tilespmem:s23+$0x0]  }
0x12a: {  	v10 =	vld [tilespmem:s22+$0x1800]  }
0x12b: {  	v11 =	vld [tilespmem:s22+$0x1A00]  }
0x12c: {  	v12 =	vld [tilespmem:s22+$0x1C00]  }
0x12d: {  	v13 =	vld [tilespmem:s22+$0x1E00]  }
0x12e: {  	v8 =	vadd.s32 v9, v8;
	v9 =	vld [tilespmem:s22+$0x2000]  }
0x12f: {  	v8 =	vadd.s32 v10, v8;
	v10 =	vld [tilespmem:s22+$0x2200]  }
0x130: {  	v8 =	vadd.s32 v11, v8;
	v11 =	vld [tilespmem:s22+$0x2400]  }
0x131: {  	v8 =	vadd.s32 v12, v8;
	v12 =	vld [tilespmem:s22+$0x2600]  }
0x132: {  	v8 =	vadd.s32 v13, v8;
	v13 =	vld [tilespmem:s22+$0x2800]  }
0x133: {  	v8 =	vadd.s32 v9, v8;
	v9 =	vld [tilespmem:s22+$0x2A00]  }
0x134: {  	v8 =	vadd.s32 v10, v8;
	v10 =	vld [tilespmem:s22+$0x2C00]  }
0x135: {  	v8 =	vadd.s32 v11, v8;
	v11 =	vld [tilespmem:s22+$0x2E00]  }
0x136: {  	v8 =	vadd.s32 v12, v8;
	v12 =	vld [tilespmem:s22+$0x3000]  }
0x137: {  	v8 =	vadd.s32 v13, v8;
	v13 =	vld [tilespmem:s22+$0x3200]  }
0x138: {  	v8 =	vadd.s32 v9, v8  }
0x139: {  	v8 =	vadd.s32 v10, v8  }
.Ltmp7:
0x13a: {  	v8 =	vadd.s32 v11, v8;
	(pc) =	sbr.rel @p1 .LBB2_16-.Ltmp7, $4  }
0x13b: {  	v8 =	vadd.s32 v12, v8  }
0x13c: {  	s21 =	sadd.s32 $0x10, s21;
	v8 =	vadd.s32 v13, v8  }
0x13d: {  	s22 =	sand.u32 $0x1F0, s24;
	[tilespmem:s21+$0x0] =	vst v8  }
0x13e: {  	s23 =	sadd.s32 $0x10, s23;
	s24 =	sadd.s32 $0x10, s24;
	v8 =	vld [tilespmem:s22+$0x1600]  }
0x13f: {  	v9 =	vld [tilespmem:s23+$0x0]  }
0x140: {  	v10 =	vld [tilespmem:s22+$0x1800]  }
0x141: {  	v11 =	vld [tilespmem:s22+$0x1A00]  }
0x142: {  	v12 =	vld [tilespmem:s22+$0x1C00]  }
0x143: {  	v13 =	vld [tilespmem:s22+$0x1E00]  }
0x144: {  	v54 =	vld [tilespmem:s22+$0x2000];
	v8 =	vadd.s32 v9, v8  }
0x145: {  	v55 =	vld [tilespmem:s22+$0x2200];
	v8 =	vadd.s32 v10, v8  }
0x146: {  	v56 =	vld [tilespmem:s22+$0x2400];
	v8 =	vadd.s32 v11, v8  }
0x147: {  	v57 =	vld [tilespmem:s22+$0x2600];
	v8 =	vadd.s32 v12, v8  }
0x148: {  	v58 =	vld [tilespmem:s22+$0x2800];
	v8 =	vadd.s32 v13, v8  }
0x149: {  	v59 =	vld [tilespmem:s22+$0x2A00];
	v8 =	vadd.s32 v54, v8  }
0x14a: {  	v60 =	vld [tilespmem:s22+$0x2C00];
	v8 =	vadd.s32 v55, v8  }
0x14b: {  	v61 =	vld [tilespmem:s22+$0x2E00];
	v8 =	vadd.s32 v56, v8  }
0x14c: {  	v62 =	vld [tilespmem:s22+$0x3000];
	v8 =	vadd.s32 v57, v8  }
0x14d: {  	v63 =	vld [tilespmem:s22+$0x3200];
	v8 =	vadd.s32 v58, v8  }
0x14e: {  	v8 =	vadd.s32 v59, v8  }
0x14f: {  	v8 =	vadd.s32 v60, v8  }
0x150: {  	v8 =	vadd.s32 v61, v8  }
0x151: {  	v8 =	vadd.s32 v62, v8  }
0x152: {  	s21 =	sadd.s32 $0x10, s21;
	v8 =	vadd.s32 v63, v8  }
0x153: {  	[tilespmem:s21+$0x0] =	vst v8  }
0x154: {  	[spmem:s5] =	stream.strided.scatter [tilespmem:s13], [sflag:$0x1], $0x200, s12, s11, $0x38;
	[tilespmem:$0x4400] =	vst v63  }
0x155: {  	_ =	swait.ge [sflag:s10], $0x200  }
0x156: {  	[sflag:s10] =	ssyncset.done $0x0  }
0x157: {  	[sflag:s10] =	ssyncadd.s32 $0xFFFFFE00  }
0x158: {  	[bflag:$0x0] =	sbarrier.arrive $0xFFFF  }
0x159: {  	[tilespmem:s15], [sflag:$0x1] =	stream.strided.gather [spmem:s6], $0x800, s12, s14, $0x38;
	[tilespmem:$0x4400] =	vst v63  }
0x15a: {  	s23 =	simm.s32 $0x10;
	s21 =	simm.s32 $0x0;
	_ =	swait.ge [sflag:s10], $0x800  }
0x15b: {  	s30 =	sand.u32 $0x70, s21;
	s31 =	sand.u32 $0x600, s21;
	[sflag:s10] =	ssyncset.done $0x0  }
0x15c: {  	s22 =	simm.s32 $0x0;
	s24 =	sor.u32 s30, s31;
	[sflag:s10] =	ssyncadd.s32 $0xFFFFF800  }
.LBB2_18:
0x15d: {  	p1 =	seq.s32 s23, $0x1F0;
	v8 =	vld [tilespmem:s24+$0x3880]  }
0x15e: {  	v9 =	vld [tilespmem:s24+$0x3800]  }
0x15f: {  	v10 =	vld [tilespmem:s24+$0x3900]  }
0x160: {  	v11 =	vld [tilespmem:s24+$0x3980];
	_ =	sdelay $0x1  }
.Ltmp8:
0x161: {  	(pc) =	sbr.rel @!p1 .LBB2_18-.Ltmp8, $4  }
0x162: {  	v8 =	vadd.s32 v9, v8  }
0x163: {  	s21 =	sadd.s32 $0x40, s21;
	v8 =	vadd.s32 v10, v8  }
0x164: {  	s22 =	sshra.s32 s22, $0x2;
	s25 =	sand.u32 $0x600, s21;
	s24 =	sand.u32 $0x70, s23;
	v8 =	vadd.s32 v11, v8  }
0x165: {  	s23 =	sadd.s32 $0x10, s23;
	s24 =	sor.u32 s24, s25;
	[tilespmem:s22+$0x3400] =	vst v8;
	s22 =	smov.u32 s21  }
0x166: {  	v8 =	vld [tilespmem:s24+$0x3880]  }
0x167: {  	v9 =	vld [tilespmem:s24+$0x3800]  }
0x168: {  	v10 =	vld [tilespmem:s24+$0x3900]  }
0x169: {  	v11 =	vld [tilespmem:s24+$0x3980];
	_ =	sdelay $0x2  }
0x16a: {  	v8 =	vadd.s32 v9, v8  }
0x16b: {  	v8 =	vadd.s32 v10, v8  }
0x16c: {  	s21 =	sshra.s32 s22, $0x2;
	v8 =	vadd.s32 v11, v8  }
0x16d: {  	s24 =	simm.s32 $0x3600;
	[tilespmem:s21+$0x3400] =	vst v8  }
0x16e: {  	s25 =	simm.s32 $0x3610;
	v9 =	vld [tilespmem:s24+$0x0]  }
0x16f: {  	v10 =	vld [tilespmem:s25+$0x0]  }
0x170: {  	v8 =	vmov s20;
	s20 =	simm.s32 $0x0  }
0x171: {  	s26 =	simm.s32 $0x10;
	v11 =	vor.u32 s20, v0  }
0x172: {  	vm0 =	vgt.s32 v11, v8;
	v11 =	vor.u32 s26, v0  }
0x173: {  	vm13 =	vgt.s32 v11, v8;
	v9 =	vnsel vm0, $0x0, v9  }
0x174: {  	(xrf0) =	vadd.scan.msk.s32 $0xffff, v9;
	v9 =	vnsel vm13, $0x0, v10  }
0x175: {  	(xrf0) =	vadd.scan.msk.s32 $0xffff, v9  }
0x176: {  	s30 =	simm.s32 $0x20  }
0x177: {  	s31 =	simm.s32 $0x30;
	v11 =	vor.u32 s30, v0  }
0x178: {  	vm14 =	vgt.s32 v11, v8;
	v11 =	vor.u32 s31, v0  }
0x179: {  	s28 =	simm.s32 $0x3620  }
0x17a: {  	v9 =	vld [tilespmem:s28+$0x0];
	v12, _, _ =	vpop (xrf0)  }
0x17b: {  	vm15 =	vgt.s32 v11, v8;
	(v2sf) =	vpush v12, $0xF;
	v11, _, _ =	vpop (xrf0)  }
0x17c: {  	(v2sf) =	vpush v11, $0xF;
	_ =	sdelay $0x2  }
0x17d: {  	s29 =	simm.s32 $0x3630;
	v9 =	vnsel vm14, $0x0, v9  }
0x17e: {  	v10 =	vld [tilespmem:s29+$0x0];
	(xrf0) =	vadd.scan.msk.s32 $0xffff, v9;
	_ =	sdelay $0x4  }
0x17f: {  	s22 =	simm.s32 $0x3640;
	s21 =	simm.s32 $0x40;
	v9 =	vnsel vm15, $0x0, v10  }
.LBB2_20:
0x180: {  	v10 =	vld [tilespmem:s22+$0x0];
	p1 =	sne.s32 s21, $0x1F0;
	(xrf0) =	vadd.scan.msk.s32 $0xffff, v9;
	v9, _, _ =	vpop (xrf0);
	s23 =	smov.u32 s21;
	s21 =	sadd.s32 $0x10, s21  }
.Ltmp9:
0x181: {  	(v2sf) =	vpush v9, $0xF;
	(pc) =	sbr.rel @p1 .LBB2_20-.Ltmp9, $4  }
0x182: {  	_ = 	snop  }
0x183: {  	v9 =	vor.u32 s23, v0  }
0x184: {  	vm0 =	vgt.s32 v9, v8;
	s23 =	spop (v2sf)  }
0x185: {  	s22 =	sadd.s32 $0x10, s22;
	v9 =	vnsel vm0, $0x0, v10;
	s20 =	sadd.s32 s20, s23  }
0x186: {  	(xrf0) =	vadd.scan.msk.s32 $0xffff, v9;
	_ =	sdelay $0x4  }
0x187: {  	v8, _, _ =	vpop (xrf0)  }
0x188: {  	(v2sf) =	vpush v8, $0xF;
	v8, _, _ =	vpop (xrf0)  }
0x189: {  	(v2sf) =	vpush v8, $0xF;
	_ =	sdelay $0x2  }
0x18a: {  	s21 =	simm.s32 $0x35F0  }
0x18b: {  	v8 =	vld [tilespmem:s21+$0x0];
	_ =	sdelay $0x4  }
0x18c: {  	v8 =	vperm.xlane v8, v5;
	_ =	sdelay $0x1  }
0x18d: {  	(xrf0) =	vadd.scan.msk.s32 $0xffff, v8  }
0x18e: {  	s28 =	spop (v2sf)  }
0x18f: {  	s20 =	sadd.s32 s20, s28;
	s29 =	spop (v2sf)  }
0x190: {  	s20 =	sadd.s32 s20, s29;
	s30 =	spop (v2sf)  }
0x191: {  	s20 =	sadd.s32 s20, s30;
	s31 =	spop (v2sf)  }
0x192: {  	s20 =	sadd.s32 s20, s31  }
0x193: {  	v9, _, _ =	vpop (xrf0);
	s21 =	ssub.s32 $0x12C, s20;
	s20 =	simm.s32 $0x0  }
0x194: {  	v8 =	vmov s21;
	v10 =	vadd.s32 s20, v9  }
0x195: {  	vm0 =	vge.s32 v10, v8  }
0x196: {  	v10 =	vsel vm0, $0x1, v2;
	v11 =	vnsel vm0, $0x80000010, v6  }
0x197: {  	v10 =	vor.u32 $0x80000000, v10;
	(xrf0) =	vmin.scan.msk.u32 $0xffff, v11  }
0x198: {  	v9 =	vxor.u32 $0x80000000, v9;
	(xrf0) =	vmax.scan.msk.u32 $0xffff, v10  }
0x199: {  	(xrf0) =	vmax.scan.msk.u32 $0xffff, v9;
	_ =	sdelay $0x3  }
0x19a: {  	v9, _, _ =	vpop (xrf0)  }
0x19b: {  	v10, _, _ =	vpop (xrf0);
	(v2sf) =	vpush v9, $0xF  }
0x19c: {  	v9, _, _ =	vpop (xrf0);
	(v2sf) =	vpush v10, $0xF  }
0x19d: {  	(v2sf) =	vpush v9, $0xF;
	_ =	sdelay $0x3  }
0x19e: {  	p1 =	por $0x0, $0x0;
	s22 =	simm.s32 $0x200;
	s24 =	simm.s32 $0x35E0  }
0x19f: {  	s25 =	simm.s32 $0x1E0;
	s23 =	simm.s32 $0x0;
	s21 =	simm.s32 $0x1F0;
	v9 =	vld [tilespmem:s24+$0x0]  }
.LBB2_22:
0x1a0: {  	p2 =	sne.s32 s25, $0x10;
	_ =	sdelay $0x3  }
0x1a1: {  	v9 =	vperm.xlane v9, v5;
	_ =	sdelay $0x1  }
0x1a2: {  	(xrf0) =	vadd.scan.msk.s32 $0xffff, v9  }
0x1a3: {  	s26 =	spop (v2sf)  }
0x1a4: {  	s26 =	sxor.u32 $0x7FFFFFFF, s26;
	s28 =	spop (v2sf)  }
0x1a5: {  	p3 =	sgt.u32 s28, $0x80000000;
	s22 =	sadd.s32 s26, s22;
	s26 =	spop (v2sf)  }
0x1a6: {  	s26 =	sxor.u32 $0x80000000, s26;
	s22 =	smov.u32 @p1 s20;
	p1 =	por p1, p3  }
0x1a7: {  	s20 =	smov.u32 @p3 s22;
	s26 =	simm.s32 @p1 $0x0;
	s22 =	smov.u32 s21  }
0x1a8: {  	s21 =	smov.u32 s25;
	v9, _, _ =	vpop (xrf0);
	s23 =	sadd.s32 s23, s26  }
0x1a9: {  	v10 =	vadd.s32 s23, v9  }
0x1aa: {  	vm0 =	vge.s32 v10, v8  }
0x1ab: {  	v10 =	vsel vm0, $0x1, v2;
	v11 =	vnsel vm0, $0x80000010, v6  }
0x1ac: {  	v10 =	vor.u32 $0x80000000, v10;
	(xrf0) =	vmin.scan.msk.u32 $0xffff, v11  }
0x1ad: {  	v9 =	vxor.u32 $0x80000000, v9;
	(xrf0) =	vmax.scan.msk.u32 $0xffff, v10  }
0x1ae: {  	(xrf0) =	vmax.scan.msk.u32 $0xffff, v9;
	_ =	sdelay $0x3  }
0x1af: {  	v9, _, _ =	vpop (xrf0)  }
0x1b0: {  	v10, _, _ =	vpop (xrf0);
	(v2sf) =	vpush v9, $0xF  }
0x1b1: {  	v9, _, _ =	vpop (xrf0);
	(v2sf) =	vpush v10, $0xF  }
0x1b2: {  	(v2sf) =	vpush v9, $0xF  }
.Ltmp10:
0x1b3: {  	(pc) =	sbr.rel @p2 .LBB2_22-.Ltmp10, $3  }
0x1b4: {  	_ =	sdelay $0x1  }
0x1b5: {  	s24 =	sadd.s32 $0xFFFFFFF0, s24  }
0x1b6: {  	s25 =	sadd.s32 $0xFFFFFFF0, s25;
	v9 =	vld [tilespmem:s24+$0x0]  }
0x1b7: {  	_ =	sdelay $0x3  }
0x1b8: {  	v9 =	vperm.xlane v9, v5;
	_ =	sdelay $0x1  }
0x1b9: {  	(xrf0) =	vadd.scan.msk.s32 $0xffff, v9  }
0x1ba: {  	s24 =	spop (v2sf)  }
0x1bb: {  	s25 =	spop (v2sf)  }
0x1bc: {  	p3 =	sgt.u32 s25, $0x80000000;
	s31 =	spop (v2sf)  }
0x1bd: {  	s25 =	sxor.u32 $0x80000000, s31;
	p2 =	por p1, p3  }
0x1be: {  	s25 =	simm.s32 @p2 $0x0  }
0x1bf: {  	v9, _, _ =	vpop (xrf0);
	s23 =	sadd.s32 s23, s25  }
0x1c0: {  	v10 =	vadd.s32 s23, v9  }
0x1c1: {  	vm0 =	vge.s32 v10, v8  }
0x1c2: {  	v8 =	vnsel vm0, $0x80000010, v6  }
0x1c3: {  	v10 =	vsel vm0, $0x1, v2;
	(xrf0) =	vmin.scan.msk.u32 $0xffff, v8  }
0x1c4: {  	v8 =	vor.u32 $0x80000000, v10  }
0x1c5: {  	(xrf0) =	vmax.scan.msk.u32 $0xffff, v8;
	_ =	sdelay $0x3  }
0x1c6: {  	v8, _, _ =	vpop (xrf0)  }
0x1c7: {  	(v2sf) =	vpush v8, $0xF  }
0x1c8: {  	v8, _, _ =	vpop (xrf0)  }
0x1c9: {  	[tilespmem:$0x4000] =	vst v7;
	(v2sf) =	vpush v8, $0xF  }
0x1ca: {  	[tilespmem:$0x4100] =	vst v2  }
0x1cb: {  	[tilespmem:$0x4010] =	vst v7  }
0x1cc: {  	[tilespmem:$0x4110] =	vst v2  }
0x1cd: {  	[tilespmem:$0x4020] =	vst v7  }
0x1ce: {  	[tilespmem:$0x4120] =	vst v2  }
0x1cf: {  	[tilespmem:$0x4030] =	vst v7  }
0x1d0: {  	[tilespmem:$0x4130] =	vst v2  }
0x1d1: {  	[tilespmem:$0x4040] =	vst v7  }
0x1d2: {  	[tilespmem:$0x4140] =	vst v2  }
0x1d3: {  	[tilespmem:$0x4050] =	vst v7  }
0x1d4: {  	[tilespmem:$0x4150] =	vst v2;
	v8 =	vxor.u32 $0x80000000, v9  }
0x1d5: {  	[tilespmem:$0x4060] =	vst v7;
	s26 =	sxor.u32 $0x7FFFFFFF, s24;
	(xrf0) =	vmax.scan.msk.u32 $0xffff, v8  }
0x1d6: {  	[tilespmem:$0x4160] =	vst v2;
	s22 =	sadd.s32 s26, s22;
	s28 =	spop (v2sf)  }
0x1d7: {  	[tilespmem:$0x4070] =	vst v7;
	s22 =	smov.u32 @p1 s20;
	s23 =	sxor.u32 $0x7FFFFFFF, s28  }
0x1d8: {  	[tilespmem:$0x4170] =	vst v2;
	s20 =	smov.u32 @p3 s22;
	s29 =	spop (v2sf);
	s21 =	sadd.s32 s23, s21  }
0x1d9: {  	[tilespmem:$0x4080] =	vst v7;
	p1 =	sgt.u32 s29, $0x80000000;
	s21 =	smov.u32 @p2 s20  }
0x1da: {  	[tilespmem:$0x4180] =	vst v2;
	s30 =	simm.s32 $0x0;
	s20 =	smov.u32 @p1 s21  }
0x1db: {  	v9 =	vld [tilespmem:s30+$0x0];
	v8, _, _ =	vpop (xrf0);
	p1 =	por p2, p1;
	s20 =	sshll.u32 s20, $0x9  }
0x1dc: {  	(v2sf) =	vpush v8, $0xF;
	s20 =	simm.s32 @!p1 $0x0  }
0x1dd: {  	s19 =	sadd.s32 s19, s20  }
0x1de: {  	s19 =	simm.s32 @!p0 $0x80000000  }
0x1df: {  	v8 =	vmov s19  }
0x1e0: {  	vm15 =	vle.s32 v8, v9  }
0x1e1: {  	v10 =	vmpcnt.ones.xlane vm15;
	_ =	sdelay $0x1  }
0x1e2: {  	v10 =	vxor.u32 $0x80000000, v10  }
0x1e3: {  	(xrf0) =	vmax.scan.msk.u32 $0xffff, v10;
	_ =	sdelay $0x5  }
0x1e4: {  	v10, _, _ =	vpop (xrf0)  }
0x1e5: {  	s19 =	simm.s32 $0x0;
	s31 =	spop (v2sf);
	(v2sf) =	vpush v10, $0xF  }
0x1e6: {  	[tilespmem:s19+$0x4000] =	vst.msk vm15, v9;
	v9 =	vor.u32 s3, v0  }
0x1e7: {  	s22 =	simm.s32 $0x10;
	s21 =	simm.s32 $0x80;
	s20 =	smov.u32 s3;
	[tilespmem:s19+$0x4100] =	vst.msk vm15, v9  }
.LBB2_24:
0x1e8: {  	p0 =	sne.s32 s21, $0x4FC0;
	v9 =	vld [tilespmem:s22+$0x0];
	_ =	sdelay $0x4  }
0x1e9: {  	vm0 =	vle.s32 v8, v9  }
0x1ea: {  	v10 =	vmpcnt.ones.xlane vm0;
	_ =	sdelay $0x1  }
0x1eb: {  	v10 =	vxor.u32 $0x80000000, v10  }
0x1ec: {  	(xrf0) =	vmax.scan.msk.u32 $0xffff, v10;
	_ =	sdelay $0x2  }
0x1ed: {  	s22 =	spop (v2sf)  }
0x1ee: {  	s19 =	sadd.s32 s22, s19  }
.Ltmp11:
0x1ef: {  	s19 =	sadd.s32 $0x80000000, s19;
	(pc) =	sbr.rel @p0 .LBB2_24-.Ltmp11, $4  }
0x1f0: {  	v10, _, _ =	vpop (xrf0);
	p1 =	slt.s32 s19, $0x80  }
0x1f1: {  	s20 =	sadd.s32 $0x10, s20;
	(v2sf) =	vpush v10, $0xF;
	s19 =	simm.s32 @!p1 $0x80  }
0x1f2: {  	v10 =	vor.u32 s20, v0;
	[tilespmem:s19+$0x4000] =	vst.msk vm0, v9  }
0x1f3: {  	s22 =	sshra.s32 s21, $0x2;
	s21 =	sadd.s32 $0x40, s21;
	[tilespmem:s19+$0x4100] =	vst.msk vm0, v10  }
0x1f4: {  	v9 =	vld [tilespmem:s22+$0x0];
	_ =	sdelay $0x4  }
0x1f5: {  	vm0 =	vle.s32 v8, v9  }
0x1f6: {  	v8 =	vmpcnt.ones.xlane vm0;
	_ =	sdelay $0x1  }
0x1f7: {  	v8 =	vxor.u32 $0x80000000, v8  }
0x1f8: {  	(xrf0) =	vmax.scan.msk.u32 $0xffff, v8;
	_ =	sdelay $0x5  }
0x1f9: {  	v8, _, _ =	vpop (xrf0)  }
0x1fa: {  	(v2sf) =	vpush v8, $0xF;
	_ =	sdelay $0x6  }
0x1fb: {  	s21 =	spop (v2sf)  }
0x1fc: {  	s19 =	sadd.s32 s21, s19  }
0x1fd: {  	s19 =	sadd.s32 $0x80000000, s19  }
0x1fe: {  	p0 =	slt.s32 s19, $0x80  }
0x1ff: {  	s20 =	sadd.s32 $0x10, s20;
	s19 =	simm.s32 @!p0 $0x80  }
0x200: {  	v8 =	vor.u32 s20, v0;
	[tilespmem:s19+$0x4000] =	vst.msk vm0, v9  }
0x201: {  	[tilespmem:s19+$0x4100] =	vst.msk vm0, v8  }
0x202: {  	[hbm4b:s7+s2] =	stream.linear.scatter [tilespmem:s16], [sflag:$0x1], $0x80, $0x38;
	[tilespmem:$0x4400] =	vst v63  }
0x203: {  	s31 =	spop (v2sf)  }
0x204: {  	s18 =	sadd.s32 $0x1, s18;
	_ =	swait.ge [sflag:s10], $0x80  }
0x205: {  	p0 =	sne.s32 s18, s9;
	[sflag:s10] =	ssyncset.done $0x0  }
.Ltmp12:
0x206: {  	[sflag:s10] =	ssyncadd.s32 $0xFFFFFF80;
	(pc) =	sbr.rel @p0 .LBB2_1-.Ltmp12, $4  }
0x207: {  	[hbm4b:s8+s2] =	stream.linear.scatter [tilespmem:s17], [sflag:$0x1], $0x80, $0x38;
	[tilespmem:$0x4400] =	vst v63  }
0x208: {  	_ =	swait.ge [sflag:s10], $0x80  }
0x209: {  	[sflag:s10] =	ssyncset.done $0x0  }
0x20a: {  	[sflag:s10] =	ssyncadd.s32 $0xFFFFFF80  }
0x20b: {  	_ =	sfence.sel $0x180000  }
0x20c: {  	[bflag:$0x0] =	sbarrier.arrive $0xFFFF  }
0x20d: {  	p0 =	sne.s32 s1, $0x0;
	_ =	strace $0x90000047  }
0x20e: {  	s0 =	sadd.s32 @!p0 $0x100000, s0;
	[bflag:$0x2] =	sbarrier.arrive $0xFFFF  }
0x20f: {  	[sflag:s0] =	ssyncadd.tile.s32 @!p0 $0x1;
	_ =	shalt  }
.Lfunc_end2:
_tile_overlayer_lowered:
.L_overlay_start_2:
0x210: {  	(tag) =	ssettag $0x2  }
0x211: {  	s0 =	rddreg [dreg:$0x0];
	s2 =	stileid.u32  }
0x212: {  	s1 =	rddreg [dreg:$0x1];
	p0 =	sne.s32 s2, $0x0  }
0x213: {  	s3 =	rddreg [dreg:$0x2];
	[bflag:$0x3] =	sbarrier.arrive $0xFFFF;
	s2 =	simm.s32 @!p0 $0x1C01  }
0x214: {  	[timem:s3], [sflag:s2] =	dma.local @!p0 [hbm:s0], s1  }
0x215: {  	s0 =	simm.s32 @!p0 $0x1  }
0x216: {  	_ =	swait.ge @!p0 [sflag:s0], s1  }
0x217: {  	s1 =	ssub.s32 @!p0 $0x0, s1;
	[sflag:s0] =	ssyncset.done @!p0 $0x0  }
0x218: {  	[sflag:s0] =	ssyncadd.s32 @!p0 s1  }
0x219: {  	[bflag:$0x3] =	sbarrier.arrive $0xFFFF  }
0x21a: {  	_ =	shalt  }

// kernel: kernel.9.cloned.1.call-start
scs
__scs_entry_jumppad:
0x0: {  	(pc) =	sbr.rel $0x88, $3  }
0x1: {  	(tag) =	ssettag $0x0;
	lr =	simm.s32 $0x1  }
0x2: {  	[smem:$0x3F9D] =	sst lr;
	_ =	strace $0xD0000000  }
0x3: {  	_ = 	snop  }
0x4: {  	_ = 	snop  }
0x5: {  	_ = 	snop  }
0x6: {  	_ = 	snop  }
0x7: {  	_ = 	snop  }
__scs_overlays_trampoline_lowered:
0x8: {  	[smem:$0x3FAC] =	sst s0  }
0x9: {  	[smem:$0x3FAD] =	sst s1  }
0xa: {  	[smem:$0x3FAE] =	sst s2  }
0xb: {  	[smem:$0x3FAF] =	sst s3  }
0xc: {  	[smem:$0x3FB0] =	sst s4  }
0xd: {  	[smem:$0x3FB1] =	sst s5  }
0xe: {  	[smem:$0x3FB2] =	sst s6  }
0xf: {  	[smem:$0x3FB3] =	sst s7  }
0x10: {  	[smem:$0x3FB4] =	sst s8  }
0x11: {  	[smem:$0x3FB5] =	sst s9;
	s0 =	simm.s32 @!p0 $0x0  }
0x12: {  	s1 =	sld [smem:$0x3F9B];
	s0 =	simm.s32 @p0 $0x1  }
0x13: {  	[smem:$0x3FB6] =	sst s0;
	s0 =	simm.s32 @!p1 $0x0  }
0x14: {  	s2 =	sld [smem:$0x3F9A];
	s0 =	simm.s32 @p1 $0x1  }
0x15: {  	[smem:$0x3FB7] =	sst s0;
	s0 =	simm.s32 @!p2 $0x0  }
0x16: {  	s3 =	sld [smem:$0x3FDB];
	s0 =	simm.s32 @p2 $0x1  }
0x17: {  	s4 =	simm.s32 $0x1BF5;
	[smem:$0x3FB9] =	sst s0  }
0x18: {  	s0 =	sld [smem:$0x3F9C];
	_ =	swait.ge [sflag:s4], $0x0  }
0x19: {  	s7 =	sld [smem:$0x3F9D]  }
0x1a: {  	s8 =	sadd.s32 $0xFFFFE003, lr  }
0x1b: {  	s9 =	sadd.s32 $0xFFFFFEF7, lr;
	s5 =	simm.s32 $0xFFFFFFFF;
	p2 =	slt.u32 s8, $0xFFFFF086  }
0x1c: {  	p1 =	slt.u32 s9, $0xF7A;
	s5 =	simm.s32 @!p2 $0x0  }
0x1d: {  	s5 =	simm.s32 @p1 $0x1;
	p0 =	seq.s32 s7, s2  }
0x1e: {  	s7 =	smul.u32 @!p0 $0xF7A, s2;
	p2 =	seq.s32 @!p0 s5, $0x0  }
0x1f: {  	s9 =	smul.u32 $0xF7A, s1;
	s8 =	simm.s32 @!p0 $0x1BF5;
	p2 =	por !p2, p0  }
0x20: {  	[sflag:s8] =	ssyncset.s32 @!p0 $0xFFFFF086;
	s6 =	sadd.s32 @!p0 s3, s7;
	s7 =	simm.s32 @!p0 $0x108  }
0x21: {  	s3 =	sadd.s32 s3, s9;
	s6 =	sadd.s32 @!p0 $0x88, s6;
	s7 =	simm.s32 @p2 $0x1082  }
0x22: {  	[simem:s7], [sflag:s8] =	dma.local @!p0 [hbm:s6], $0xF7A  }
0x23: {  	s9 =	sor.u32 $0xD0000000, s2;
	s6 =	simm.s32 $0x108;
	_ =	swait.ge @!p0 [sflag:s8], $0x0  }
0x24: {  	s3 =	sadd.s32 $0x88, s3;
	s6 =	simm.s32 @!p1 $0x1082;
	[sflag:s4] =	ssyncset.s32 $0xFFFFF086  }
0x25: {  	[simem:s6], [sflag:s4] =	dma.local [hbm:s3], $0xF7A  }
0x26: {  	[smem:$0x3F9D] =	sst s1;
	(tag) =	ssettag s2;
	_ =	strace s9  }
0x27: {  	s1 =	sld [smem:$0x3FAD]  }
0x28: {  	s2 =	sld [smem:$0x3FAE]  }
0x29: {  	s4 =	sld [smem:$0x3FB0]  }
0x2a: {  	p0 =	seq.s32 s5, $0x0;
	s5 =	sld [smem:$0x3FB1]  }
0x2b: {  	s6 =	sld [smem:$0x3FB2]  }
0x2c: {  	s7 =	sld [smem:$0x3FB3]  }
0x2d: {  	s3 =	simm.s32 $0x108;
	s8 =	sld [smem:$0x3FB4]  }
0x2e: {  	s3 =	simm.s32 @!p0 $0x1082;
	s9 =	sld [smem:$0x3FB5]  }
0x2f: {  	lr =	sadd.s32 s0, s3;
	s0 =	sld [smem:$0x3FAC]  }
0x30: {  	s3 =	sld [smem:$0x3FAF]  }
0x31: {  	[smem:$0x3FB8] =	sst s10  }
0x32: {  	s10 =	sld [smem:$0x3FB6];
	_ =	sdelay $0x3  }
0x33: {  	p0 =	seq.s32 s10, $0x1;
	s10 =	sld [smem:$0x3FB8];
	_ =	sdelay $0x3  }
0x34: {  	[smem:$0x3FB8] =	sst s10  }
0x35: {  	s10 =	sld [smem:$0x3FB7];
	_ =	sdelay $0x3  }
0x36: {  	p1 =	seq.s32 s10, $0x1;
	s10 =	sld [smem:$0x3FB8];
	_ =	sdelay $0x3  }
0x37: {  	[smem:$0x3FB8] =	sst s10  }
0x38: {  	s10 =	sld [smem:$0x3FB9]  }
0x39: {  	_ = 	snop;
	(pc) =	sbr.ind lr, $3  }
0x3a: {  	_ = 	snop  }
0x3b: {  	_ = 	snop  }
0x3c: {  	p2 =	seq.s32 s10, $0x1;
	s10 =	sld [smem:$0x3FB8]  }
0x3d: {  	_ =	shalt  }
0x3e: {  	_ =	shalt  }
0x3f: {  	_ =	shalt  }
0x40: {  	_ =	shalt  }
0x41: {  	_ =	shalt  }
0x42: {  	_ =	shalt  }
0x43: {  	_ =	shalt  }
0x44: {  	_ =	shalt  }
0x45: {  	_ =	shalt  }
0x46: {  	_ =	shalt  }
0x47: {  	_ =	shalt  }
0x48: {  	_ =	shalt  }
0x49: {  	_ =	shalt  }
0x4a: {  	_ =	shalt  }
0x4b: {  	_ =	shalt  }
0x4c: {  	_ =	shalt  }
0x4d: {  	_ =	shalt  }
0x4e: {  	_ =	shalt  }
0x4f: {  	_ =	shalt  }
0x50: {  	_ =	shalt  }
0x51: {  	_ =	shalt  }
0x52: {  	_ =	shalt  }
0x53: {  	_ =	shalt  }
0x54: {  	_ =	shalt  }
0x55: {  	_ =	shalt  }
0x56: {  	_ =	shalt  }
0x57: {  	_ =	shalt  }
0x58: {  	_ =	shalt  }
0x59: {  	_ =	shalt  }
0x5a: {  	_ =	shalt  }
0x5b: {  	_ =	shalt  }
0x5c: {  	_ =	shalt  }
0x5d: {  	_ =	shalt  }
0x5e: {  	_ =	shalt  }
0x5f: {  	_ =	shalt  }
0x60: {  	_ =	shalt  }
0x61: {  	_ =	shalt  }
0x62: {  	_ =	shalt  }
0x63: {  	_ =	shalt  }
0x64: {  	_ =	shalt  }
0x65: {  	_ =	shalt  }
0x66: {  	_ =	shalt  }
0x67: {  	_ =	shalt  }
0x68: {  	_ =	shalt  }
0x69: {  	_ =	shalt  }
0x6a: {  	_ =	shalt  }
0x6b: {  	_ =	shalt  }
0x6c: {  	_ =	shalt  }
0x6d: {  	_ =	shalt  }
0x6e: {  	_ =	shalt  }
0x6f: {  	_ =	shalt  }
0x70: {  	_ =	shalt  }
0x71: {  	_ =	shalt  }
0x72: {  	_ =	shalt  }
0x73: {  	_ =	shalt  }
0x74: {  	_ =	shalt  }
0x75: {  	_ =	shalt  }
0x76: {  	_ =	shalt  }
0x77: {  	_ =	shalt  }
0x78: {  	_ =	shalt  }
0x79: {  	_ =	shalt  }
0x7a: {  	_ =	shalt  }
0x7b: {  	_ =	shalt  }
0x7c: {  	_ =	shalt  }
0x7d: {  	_ =	shalt  }
0x7e: {  	_ =	shalt  }
0x7f: {  	_ =	shalt  }
0x80: {  	_ =	shalt  }
0x81: {  	_ =	shalt  }
0x82: {  	_ =	shalt  }
0x83: {  	_ =	shalt  }
0x84: {  	_ =	shalt  }
0x85: {  	_ =	shalt  }
0x86: {  	_ =	shalt  }
0x87: {  	_ =	shalt  }
.Lfunc_end0:
.L_simem_size_0:
called_computation.6_lowered:
.L_overlay_start_0:
0x88: {  	s2 =	sld [smem:$0x3FD9]  }
0x89: {  	s3 =	sld [smem:$0x3FFE];
	_ =	sdelay $0x1  }
0x8a: {  	s1 =	srdreg.scid  }
0x8b: {  	s0 =	sand.u32 $0x1, s1  }
0x8c: {  	s14 =	sshll.u32 s0, $0xA;
	s2 =	sadd.s32 s3, s2  }
0x8d: {  	s2 =	sadd.s32 s2, s14  }
0x8e: {  	[smem:$0x3FC4] =	sst s2  }
0x8f: {  	_ = 	snop  }
0x90: {  	s2 =	sld [smem:$0x3FD0];
	_ =	sdelay $0x2  }
0x91: {  	s15 =	simm.s32 $0xA;
	s4 =	simm.s32 $0x10  }
0x92: {  	[smem:s4], [sflag:s15] =	dma.local [hbm:s2], $0x1  }
0x93: {  	_ =	swait.eq [sflag:s15], $0x1  }
0x94: {  	[sflag:s15] =	ssyncset.done $0x0  }
0x95: {  	[sflag:s15] =	ssyncadd.s32 $0xFFFFFFFF  }
0x96: {  	s16 =	sld [smem:$0x12];
	(tm) =	ssettm $0x1  }
0x97: {  	s17 =	sld [smem:$0x3FFB];
	_ =	sdelay $0x3  }
0x98: {  	_ =	strace s17  }
0x99: {  	s3 =	sld [smem:$0x3FFC];
	_ =	sdelay $0x3  }
0x9a: {  	_ =	strace s3  }
0x9b: {  	s3 =	sld [smem:$0x3FFD];
	_ =	sdelay $0x3  }
0x9c: {  	_ =	strace s3  }
0x9d: {  	_ =	strace $0x8FFFFFFF  }
0x9e: {  	s18 =	sld [smem:$0x3FDB];
	_ =	sdelay $0x1  }
0x9f: {  	s19 =	simm.s32 $_scs_section_size  }
0xa0: {  	s5 =	simm.s32 $_size__tile_overlayer_lowered;
	s6 =	simm.s32 $_tile_overlayer_lowered  }
0xa1: {  	s22 =	simm.s32 $0x1BFF;
	s21 =	sshll.u32 s6, $0x1;
	s3 =	sadd.s32 s19, s18  }
0xa2: {  	s7 =	simm.s32 $0x0;
	s20 =	sshll.u32 s5, $0x1;
	s5 =	sadd.s32 s21, s3  }
0xa3: {  	[timem:s7], [sflag:s22] =	dma.local [hbm:s5], s20  }
0xa4: {  	_ =	swait.ge [sflag:s22], s20  }
0xa5: {  	s4 =	ssub.s32 $0x0, s20;
	[sflag:s22] =	ssyncset.done $0x0  }
0xa6: {  	[sflag:s22] =	ssyncadd.s32 s4;
	_ =	sdelay $0x1  }
0xa7: {  	s23 =	simm.s32 $0x1B8B  }
0xa8: {  	_ =	swait.ge [sflag:s23], $0x1  }
0xa9: {  	[sflag:s23] =	ssyncset.done $0x0  }
0xaa: {  	s25 =	simm.s32 $0x1B8E;
	s24 =	sld [smem:$0x3FFE];
	[sflag:s23] =	ssyncadd.s32 $0xFFFFFFFF  }
0xab: {  	s26 =	simm.s32 $execute0_lowered;
	[smem:$0x3FD2] =	sst s25  }
0xac: {  	s5 =	sshll.u32 s26, $0x1;
	_ =	strace $0x8000004F;
	[dreg:$0x1] =	wrdreg $0xFFFFFFFF  }
0xad: {  	s28 =	simm.s32 $_size_execute0_lowered;
	s3 =	sadd.s32 s3, s5;
	[dreg:$0x0] =	wrdreg $0x0  }
0xae: {  	s5 =	sshll.u32 s28, $0x1;
	[dreg:$0x2] =	wrdreg s3  }
0xaf: {  	[dreg:$0x3] =	wrdreg s5  }
0xb0: {  	[dreg:$0x4] =	wrdreg $0xC0  }
0xb1: {  	_ =	task [dreg:s7], $0x5FFFF  }
0xb2: {  	[dreg:$0x1] =	wrdreg $0xFFFFFFFF  }
0xb3: {  	[dreg:$0x0] =	wrdreg $0x60  }
0xb4: {  	[dreg:$0x2] =	wrdreg s24  }
0xb5: {  	[dreg:$0x3] =	wrdreg s16  }
0xb6: {  	[dreg:$0x4] =	wrdreg $0x46000  }
0xb7: {  	[dreg:$0x5] =	wrdreg $0x9  }
0xb8: {  	_ =	task.clear_ibuf [dreg:s7], $0x6FFFF;
	_ =	strace $0x9000004F  }
0xb9: {  	s29 =	simm.s32 $0x9;
	_ =	strace $0x80000051  }
0xba: {  	_ =	swait.ge [sflag:s29], $0x1  }
0xbb: {  	[sflag:s29] =	ssyncadd.s32 $0xFFFFFFFF  }
0xbc: {  	_ =	strace $0x90000051  }
0xbd: {  	_ =	sfence  }
0xbe: {  	s30 =	sld [smem:$0x0];
	_ =	sdelay $0x2  }
0xbf: {  	s31 =	sshll.u32 s1, $0xD;
	s1 =	sshrl.u32 s1, $0x2  }
0xc0: {  	s3 =	sand.u32 $0x4000, s31;
	s1 =	sadd.s32 s1, s30  }
0xc1: {  	s0 =	sor.u32 s3, s0;
	s1 =	sshll.u32 s1, $0x11  }
0xc2: {  	s0 =	sor.u32 s1, s0  }
0xc3: {  	s0 =	sadd.s32 $0x8F2B, s0  }
0xc4: {  	[sflag:s0] =	ssyncadd.remote.s32 $0x1  }
0xc5: {  	_ =	sfence.sel $0xFFFF  }
0xc6: {  	[dreg:$0x0] =	wrdreg $0xFFFFFFFF;
	(pc) =	sbr.abs _section_cstart, $3  }
0xc7: {  	[dreg:$0x1] =	wrdreg $0xFFFFFFFF  }
0xc8: {  	_ =	task.clear_ibuf [dreg:s7], $0x2FFFF;
	_ =	strace $0x9FFFFFFF  }
0xc9: {  	(tm) =	ssettm $0x7FFFFFFF  }
tec
execute0_lowered:
.L_overlay_start_1:
0x0: {  	(tag) =	ssettag $0x1  }
0x1: {  	s4 =	rddreg [dreg:$0x0]  }
0x2: {  	s1 =	srdreg.scid;
	s7 =	rddreg [dreg:$0x1]  }
0x3: {  	s0 =	stileid.u32;
	s8 =	rddreg [dreg:$0x2]  }
0x4: {  	s3 =	simm.s32 $0x0;
	s14 =	simm.s32 $0x200;
	s15 =	simm.s32 $0x3C00  }
0x5: {  	s16 =	simm.s32 $0x4400;
	s17 =	simm.s32 $0x4500;
	s18 =	simm.s32 $0x0  }
0x6: {  	s5 =	sand.u32 $0x1, s1;
	s25 =	sshrl.u32 s0, $0x2;
	s1 =	rddreg [dreg:$0x3]  }
0x7: {  	s6 =	sand.u32 $0x3, s0;
	[smem:$0x7FF] =	sst s3;
	s28 =	sshll.u32 s0, $0x9  }
0x8: {  	s30 =	sshll.u32 s0, $0x7;
	s2 =	sshll.u32 s5, $0x2;
	_ =	strace $0x80000050  }
0x9: {  	s5 =	ssub.s32 $0x2, s5;
	s29 =	sand.u32 $0x1000, s28;
	s31 =	sand.u32 $0x380, s30  }
0xa: {  	s13 =	sand.u32 $0x200, s30;
	s9 =	sor.u32 s25, s2;
	s2 =	smul.u32 $0x1800, s6  }
0xb: {  	s6 =	sshll.u32 s6, $0x4;
	s26 =	sshrl.u32 s5, $0x1;
	s8 =	sadd.s32 s29, s8  }
0xc: {  	s10 =	smul.u32 $0x6000, s9;
	s9 =	sshll.u32 s9, $0x6;
	s12 =	ssub.s32 s5, s26  }
0xd: {  	s5 =	sadd.s32 s31, s8;
	s9 =	sor.u32 s6, s9;
	s6 =	sadd.s32 s13, s8  }
0xe: {  	v0 =	vlaneseq.u32;
	s13 =	simm.s32 $0x3800;
	s10 =	sadd.s32 s2, s10;
	s11 =	sadd.s32 s9, s4  }
0xf: {  	v1 =	vmul.u32 $0x200, v0;
	v5 =	vmul.u32 $0xFFFFFFFF, v0;
	s7 =	sadd.s32 s7, s9;
	s9 =	smax.u32 s12, $0x1;
	s10 =	sshrl.u32 s10, $0x3  }
0x10: {  	v2 =	vimm.s32 $0x0;
	v4 =	vimm.s32 $0x1;
	v7 =	vimm.f32 $-Inf;
	s12 =	simm.s32 $0x400;
	s8 =	sadd.s32 $0x6200, s11;
	s10 =	sadd.s32 s10, s4  }
0x11: {  	v6 =	vor.u32 $0x80000000, v0;
	v3 =	vadd.s32 $0xFFFFF220, v1;
	v5 =	vadd.s32 $0xF, v5;
	s11 =	simm.s32 $0x80;
	s4 =	sadd.s32 $0x200, s10;
	s10 =	simm.s32 $0x1  }
.LBB2_1:
0x12: {  	[tilespmem:s3], [sflag:$0x1] =	stream.linear.gather [hbm4b:s4+s3], $0x1800, $0x38;
	[tilespmem:$0x4800] =	vst v63  }
0x13: {  	_ =	swait.ge [sflag:s10], $0x1800  }
0x14: {  	[sflag:s10] =	ssyncset.done $0x0  }
0x15: {  	s20 =	simm.s32 $0x0;
	s19 =	simm.s32 $0x200;
	[sflag:s10] =	ssyncadd.s32 $0xFFFFE800  }
.LBB2_2:
0x16: {  	p0 =	sne.s32 s19, $0x7E00;
	[tilespmem:s20+$0x1870] =	vst v2  }
0x17: {  	[tilespmem:s20+$0x1800] =	vst v2  }
0x18: {  	[tilespmem:s20+$0x1810] =	vst v2  }
.Ltmp0:
0x19: {  	[tilespmem:s20+$0x1820] =	vst v2;
	(pc) =	sbr.rel @p0 .LBB2_2-.Ltmp0, $4  }
0x1a: {  	[tilespmem:s20+$0x1830] =	vst v2  }
0x1b: {  	[tilespmem:s20+$0x1840] =	vst v2  }
0x1c: {  	[tilespmem:s20+$0x1850] =	vst v2  }
0x1d: {  	[tilespmem:s20+$0x1860] =	vst v2;
	s20 =	sshra.s32 s19, $0x2;
	s19 =	sadd.s32 $0x200, s19  }
0x1e: {  	[tilespmem:s20+$0x1870] =	vst v2  }
0x1f: {  	[tilespmem:s20+$0x1800] =	vst v2  }
0x20: {  	[tilespmem:s20+$0x1810] =	vst v2  }
0x21: {  	[tilespmem:s20+$0x1820] =	vst v2  }
0x22: {  	[tilespmem:s20+$0x1830] =	vst v2  }
0x23: {  	[tilespmem:s20+$0x1840] =	vst v2  }
0x24: {  	[tilespmem:s20+$0x1850] =	vst v2  }
0x25: {  	s19 =	simm.s32 $0x0;
	[tilespmem:s20+$0x1860] =	vst v2;
	s20 =	simm.s32 $0x0  }
.LBB2_4:
0x26: {  	s22 =	sshra.s32 s20, $0x2  }
0x27: {  	v8 =	vld [tilespmem:s22+$0x0];
	_ =	sdelay $0x4  }
0x28: {  	v8 =	vshra.s32 v8, $0x12  }
0x29: {  	vm0 =	vgt.s32 v8, $0xDE0  }
0x2a: {  	v8 =	vnsel vm0, $0xDE0, v8  }
0x2b: {  	v8 =	vmin.u32 v8, $0xFDF  }
0x2c: {  	v8 =	vadd.s32 v3, v8;
	_ =	sdelay $0x3  }
0x2d: {  	s21 =	simm.s32 $0x1800  }
0x2e: {  	[tilespmem:v8+s21+$0x0] =	vst.idx.add.s32.msk $0xffff, v4  }
0x2f: {  	v8 =	vld [tilespmem:s22+$0x10];
	_ =	sdelay $0x4  }
0x30: {  	v8 =	vshra.s32 v8, $0x12  }
0x31: {  	vm13 =	vgt.s32 v8, $0xDE0  }
0x32: {  	v8 =	vnsel vm13, $0xDE0, v8  }
0x33: {  	v8 =	vmin.u32 v8, $0xFDF  }
0x34: {  	v8 =	vadd.s32 v3, v8;
	_ =	sdelay $0x4  }
0x35: {  	[tilespmem:v8+s21+$0x0] =	vst.idx.add.s32.msk $0xffff, v4  }
0x36: {  	v8 =	vld [tilespmem:s22+$0x20];
	_ =	sdelay $0x4  }
0x37: {  	v8 =	vshra.s32 v8, $0x12  }
0x38: {  	vm14 =	vgt.s32 v8, $0xDE0  }
0x39: {  	v8 =	vnsel vm14, $0xDE0, v8  }
0x3a: {  	v8 =	vmin.u32 v8, $0xFDF  }
0x3b: {  	v8 =	vadd.s32 v3, v8;
	_ =	sdelay $0x4  }
0x3c: {  	[tilespmem:v8+s21+$0x0] =	vst.idx.add.s32.msk $0xffff, v4  }
0x3d: {  	v8 =	vld [tilespmem:s22+$0x30];
	_ =	sdelay $0x4  }
0x3e: {  	v8 =	vshra.s32 v8, $0x12  }
0x3f: {  	vm15 =	vgt.s32 v8, $0xDE0  }
0x40: {  	v8 =	vnsel vm15, $0xDE0, v8  }
0x41: {  	v8 =	vmin.u32 v8, $0xFDF  }
0x42: {  	p0 =	sne.s32 s20, $0x5F00;
	v8 =	vadd.s32 v3, v8  }
.Ltmp1:
0x43: {  	_ = 	snop;
	(pc) =	sbr.rel @p0 .LBB2_4-.Ltmp1, $2  }
0x44: {  	_ =	sdelay $0x2  }
0x45: {  	s20 =	sadd.s32 $0x100, s20;
	[tilespmem:v8+s21+$0x0] =	vst.idx.add.s32.msk $0xffff, v4  }
0x46: {  	s19 =	sand.u32 $0x1F0, s19;
	v9 =	vld [tilespmem:s21+$0x0]  }
0x47: {  	v8 =	vld [tilespmem:s19+$0x1A00]  }
0x48: {  	v10 =	vld [tilespmem:s19+$0x1C00]  }
0x49: {  	v11 =	vld [tilespmem:s19+$0x1E00]  }
0x4a: {  	v12 =	vld [tilespmem:s19+$0x2000]  }
0x4b: {  	v13 =	vld [tilespmem:s19+$0x2200]  }
0x4c: {  	v8 =	vadd.s32 v9, v8;
	v9 =	vld [tilespmem:s19+$0x2400]  }
0x4d: {  	v8 =	vadd.s32 v10, v8;
	v10 =	vld [tilespmem:s19+$0x2600]  }
0x4e: {  	v8 =	vadd.s32 v11, v8;
	v11 =	vld [tilespmem:s19+$0x2800]  }
0x4f: {  	v60 =	vld [tilespmem:s19+$0x2A00];
	v8 =	vadd.s32 v12, v8  }
0x50: {  	v61 =	vld [tilespmem:s19+$0x2C00];
	v8 =	vadd.s32 v13, v8  }
0x51: {  	v8 =	vadd.s32 v9, v8;
	v9 =	vld [tilespmem:s19+$0x2E00]  }
0x52: {  	v8 =	vadd.s32 v10, v8;
	v10 =	vld [tilespmem:s19+$0x3000]  }
0x53: {  	v8 =	vadd.s32 v11, v8;
	v11 =	vld [tilespmem:s19+$0x3200]  }
0x54: {  	v62 =	vld [tilespmem:s19+$0x3400];
	v8 =	vadd.s32 v60, v8  }
0x55: {  	v63 =	vld [tilespmem:s19+$0x3600];
	v8 =	vadd.s32 v61, v8  }
0x56: {  	v8 =	vadd.s32 v9, v8  }
0x57: {  	v8 =	vadd.s32 v10, v8  }
0x58: {  	v8 =	vadd.s32 v11, v8  }
0x59: {  	v8 =	vadd.s32 v62, v8  }
0x5a: {  	s20 =	simm.s32 $0x10;
	s19 =	simm.s32 $0x3800;
	v8 =	vadd.s32 v63, v8  }
0x5b: {  	s20 =	sand.u32 $0x1F0, s20;
	[tilespmem:s19+$0x0] =	vst v8  }
0x5c: {  	s22 =	simm.s32 $0x20;
	s21 =	simm.s32 $0x1810;
	v8 =	vld [tilespmem:s20+$0x1A00]  }
.LBB2_6:
0x5d: {  	p0 =	sne.s32 s22, $0x1F0;
	v9 =	vld [tilespmem:s21+$0x0]  }
0x5e: {  	v10 =	vld [tilespmem:s20+$0x1C00]  }
0x5f: {  	v11 =	vld [tilespmem:s20+$0x1E00]  }
0x60: {  	v12 =	vld [tilespmem:s20+$0x2000]  }
0x61: {  	v13 =	vld [tilespmem:s20+$0x2200]  }
0x62: {  	v8 =	vadd.s32 v9, v8;
	v9 =	vld [tilespmem:s20+$0x2400]  }
0x63: {  	v8 =	vadd.s32 v10, v8;
	v10 =	vld [tilespmem:s20+$0x2600]  }
0x64: {  	v8 =	vadd.s32 v11, v8;
	v11 =	vld [tilespmem:s20+$0x2800]  }
0x65: {  	v8 =	vadd.s32 v12, v8;
	v12 =	vld [tilespmem:s20+$0x2A00]  }
0x66: {  	v8 =	vadd.s32 v13, v8;
	v13 =	vld [tilespmem:s20+$0x2C00]  }
0x67: {  	v8 =	vadd.s32 v9, v8;
	v9 =	vld [tilespmem:s20+$0x2E00]  }
0x68: {  	v8 =	vadd.s32 v10, v8;
	v10 =	vld [tilespmem:s20+$0x3000]  }
0x69: {  	v8 =	vadd.s32 v11, v8;
	v11 =	vld [tilespmem:s20+$0x3200]  }
0x6a: {  	v8 =	vadd.s32 v12, v8;
	v12 =	vld [tilespmem:s20+$0x3400]  }
0x6b: {  	v8 =	vadd.s32 v13, v8;
	v13 =	vld [tilespmem:s20+$0x3600]  }
0x6c: {  	v8 =	vadd.s32 v9, v8  }
0x6d: {  	v8 =	vadd.s32 v10, v8  }
.Ltmp2:
0x6e: {  	v8 =	vadd.s32 v11, v8;
	(pc) =	sbr.rel @p0 .LBB2_6-.Ltmp2, $4  }
0x6f: {  	v8 =	vadd.s32 v12, v8  }
0x70: {  	s19 =	sadd.s32 $0x10, s19;
	v8 =	vadd.s32 v13, v8  }
0x71: {  	s20 =	sand.u32 $0x1F0, s22;
	[tilespmem:s19+$0x0] =	vst v8  }
0x72: {  	s21 =	sadd.s32 $0x10, s21;
	s22 =	sadd.s32 $0x10, s22;
	v8 =	vld [tilespmem:s20+$0x1A00]  }
0x73: {  	v9 =	vld [tilespmem:s21+$0x0]  }
0x74: {  	v10 =	vld [tilespmem:s20+$0x1C00]  }
0x75: {  	v11 =	vld [tilespmem:s20+$0x1E00]  }
0x76: {  	v12 =	vld [tilespmem:s20+$0x2000]  }
0x77: {  	v13 =	vld [tilespmem:s20+$0x2200]  }
0x78: {  	v54 =	vld [tilespmem:s20+$0x2400];
	v8 =	vadd.s32 v9, v8  }
0x79: {  	v55 =	vld [tilespmem:s20+$0x2600];
	v8 =	vadd.s32 v10, v8  }
0x7a: {  	v56 =	vld [tilespmem:s20+$0x2800];
	v8 =	vadd.s32 v11, v8  }
0x7b: {  	v57 =	vld [tilespmem:s20+$0x2A00];
	v8 =	vadd.s32 v12, v8  }
0x7c: {  	v58 =	vld [tilespmem:s20+$0x2C00];
	v8 =	vadd.s32 v13, v8  }
0x7d: {  	v59 =	vld [tilespmem:s20+$0x2E00];
	v8 =	vadd.s32 v54, v8  }
0x7e: {  	v60 =	vld [tilespmem:s20+$0x3000];
	v8 =	vadd.s32 v55, v8  }
0x7f: {  	v61 =	vld [tilespmem:s20+$0x3200];
	v8 =	vadd.s32 v56, v8  }
0x80: {  	v62 =	vld [tilespmem:s20+$0x3400];
	v8 =	vadd.s32 v57, v8  }
0x81: {  	v63 =	vld [tilespmem:s20+$0x3600];
	v8 =	vadd.s32 v58, v8  }
0x82: {  	v8 =	vadd.s32 v59, v8  }
0x83: {  	v8 =	vadd.s32 v60, v8  }
0x84: {  	v8 =	vadd.s32 v61, v8  }
0x85: {  	v8 =	vadd.s32 v62, v8  }
0x86: {  	s19 =	sadd.s32 $0x10, s19;
	v8 =	vadd.s32 v63, v8  }
0x87: {  	[tilespmem:s19+$0x0] =	vst v8  }
0x88: {  	[spmem:s5] =	stream.strided.scatter [tilespmem:s13], [sflag:$0x1], $0x200, s12, s11, $0x38;
	[tilespmem:$0x4800] =	vst v63  }
0x89: {  	_ =	swait.ge [sflag:s10], $0x200  }
0x8a: {  	[sflag:s10] =	ssyncset.done $0x0  }
0x8b: {  	[sflag:s10] =	ssyncadd.s32 $0xFFFFFE00  }
0x8c: {  	[bflag:$0x0] =	sbarrier.arrive $0xFFFF  }
0x8d: {  	[tilespmem:s15], [sflag:$0x1] =	stream.strided.gather [spmem:s6], $0x800, s12, s14, $0x38;
	[tilespmem:$0x4800] =	vst v63  }
0x8e: {  	s21 =	simm.s32 $0x10;
	s19 =	simm.s32 $0x0;
	_ =	swait.ge [sflag:s10], $0x800  }
0x8f: {  	s30 =	sand.u32 $0x70, s19;
	s31 =	sand.u32 $0x600, s19;
	[sflag:s10] =	ssyncset.done $0x0  }
0x90: {  	s20 =	simm.s32 $0x0;
	s22 =	sor.u32 s30, s31;
	[sflag:s10] =	ssyncadd.s32 $0xFFFFF800  }
.LBB2_8:
0x91: {  	p0 =	sne.s32 s21, $0x1F0;
	v8 =	vld [tilespmem:s22+$0x3C80]  }
0x92: {  	v9 =	vld [tilespmem:s22+$0x3C00]  }
0x93: {  	v10 =	vld [tilespmem:s22+$0x3D00]  }
0x94: {  	v11 =	vld [tilespmem:s22+$0x3D80];
	_ =	sdelay $0x1  }
.Ltmp3:
0x95: {  	(pc) =	sbr.rel @p0 .LBB2_8-.Ltmp3, $4  }
0x96: {  	v8 =	vadd.s32 v9, v8  }
0x97: {  	s19 =	sadd.s32 $0x40, s19;
	v8 =	vadd.s32 v10, v8  }
0x98: {  	s20 =	sshra.s32 s20, $0x2;
	s23 =	sand.u32 $0x600, s19;
	s22 =	sand.u32 $0x70, s21;
	v8 =	vadd.s32 v11, v8  }
0x99: {  	s21 =	sadd.s32 $0x10, s21;
	s22 =	sor.u32 s22, s23;
	[tilespmem:s20+$0x3A00] =	vst v8;
	s20 =	smov.u32 s19  }
0x9a: {  	v8 =	vld [tilespmem:s22+$0x3C80]  }
0x9b: {  	v9 =	vld [tilespmem:s22+$0x3C00]  }
0x9c: {  	v10 =	vld [tilespmem:s22+$0x3D00]  }
0x9d: {  	v11 =	vld [tilespmem:s22+$0x3D80];
	_ =	sdelay $0x2  }
0x9e: {  	v8 =	vadd.s32 v9, v8  }
0x9f: {  	v8 =	vadd.s32 v10, v8  }
0xa0: {  	s19 =	sshra.s32 s20, $0x2;
	v8 =	vadd.s32 v11, v8  }
0xa1: {  	[tilespmem:s19+$0x3A00] =	vst v8  }
0xa2: {  	s31 =	simm.s32 $0x3BF0;
	[bflag:$0x0] =	sbarrier.arrive $0xFFFF  }
0xa3: {  	v8 =	vld [tilespmem:s31+$0x0];
	_ =	sdelay $0x4  }
0xa4: {  	v8 =	vperm.xlane v8, v5;
	_ =	sdelay $0x1  }
0xa5: {  	(xrf0) =	vadd.scan.msk.s32 $0xffff, v8;
	_ =	sdelay $0x5  }
0xa6: {  	s20 =	simm.s32 $0x0;
	v8, _, _ =	vpop (xrf0)  }
0xa7: {  	v9 =	vadd.s32 s20, v8  }
0xa8: {  	vm0 =	vgt.s32 v9, $0x12B  }
0xa9: {  	v9 =	vsel vm0, $0x1, v2;
	v10 =	vnsel vm0, $0x80000010, v6  }
0xaa: {  	v9 =	vor.u32 $0x80000000, v9;
	(xrf0) =	vmin.scan.msk.u32 $0xffff, v10  }
0xab: {  	v8 =	vxor.u32 $0x80000000, v8;
	(xrf0) =	vmax.scan.msk.u32 $0xffff, v9  }
0xac: {  	(xrf0) =	vmax.scan.msk.u32 $0xffff, v8;
	_ =	sdelay $0x3  }
0xad: {  	v8, _, _ =	vpop (xrf0)  }
0xae: {  	v9, _, _ =	vpop (xrf0);
	(v2sf) =	vpush v8, $0xF  }
0xaf: {  	v8, _, _ =	vpop (xrf0);
	(v2sf) =	vpush v9, $0xF  }
0xb0: {  	(v2sf) =	vpush v8, $0xF;
	_ =	sdelay $0x3  }
0xb1: {  	p0 =	por $0x0, $0x0;
	s21 =	simm.s32 $0x200;
	s23 =	simm.s32 $0x3BE0  }
0xb2: {  	s24 =	simm.s32 $0x1E0;
	s22 =	simm.s32 $0x0;
	s19 =	simm.s32 $0x1F0;
	v8 =	vld [tilespmem:s23+$0x0]  }
.LBB2_10:
0xb3: {  	p1 =	seq.s32 s24, $0x10;
	_ =	sdelay $0x3  }
0xb4: {  	v8 =	vperm.xlane v8, v5;
	_ =	sdelay $0x1  }
0xb5: {  	(xrf0) =	vadd.scan.msk.s32 $0xffff, v8  }
0xb6: {  	s25 =	spop (v2sf)  }
0xb7: {  	s25 =	sxor.u32 $0x7FFFFFFF, s25;
	s26 =	spop (v2sf)  }
0xb8: {  	p2 =	sgt.u32 s26, $0x80000000;
	s21 =	sadd.s32 s25, s21;
	s25 =	spop (v2sf)  }
0xb9: {  	s25 =	sxor.u32 $0x80000000, s25;
	s21 =	smov.u32 @p0 s20;
	p0 =	por p0, p2  }
0xba: {  	s20 =	smov.u32 @p2 s21;
	s25 =	simm.s32 @p0 $0x0;
	s21 =	smov.u32 s19  }
0xbb: {  	s19 =	smov.u32 s24;
	v8, _, _ =	vpop (xrf0);
	s22 =	sadd.s32 s22, s25  }
0xbc: {  	v9 =	vadd.s32 s22, v8  }
0xbd: {  	vm0 =	vgt.s32 v9, $0x12B  }
0xbe: {  	v9 =	vsel vm0, $0x1, v2;
	v10 =	vnsel vm0, $0x80000010, v6  }
0xbf: {  	v9 =	vor.u32 $0x80000000, v9;
	(xrf0) =	vmin.scan.msk.u32 $0xffff, v10  }
0xc0: {  	v8 =	vxor.u32 $0x80000000, v8;
	(xrf0) =	vmax.scan.msk.u32 $0xffff, v9  }
0xc1: {  	(xrf0) =	vmax.scan.msk.u32 $0xffff, v8;
	_ =	sdelay $0x3  }
0xc2: {  	v8, _, _ =	vpop (xrf0)  }
0xc3: {  	v9, _, _ =	vpop (xrf0);
	(v2sf) =	vpush v8, $0xF  }
0xc4: {  	v8, _, _ =	vpop (xrf0);
	(v2sf) =	vpush v9, $0xF  }
0xc5: {  	(v2sf) =	vpush v8, $0xF  }
.Ltmp4:
0xc6: {  	(pc) =	sbr.rel @!p1 .LBB2_10-.Ltmp4, $3  }
0xc7: {  	_ =	sdelay $0x1  }
0xc8: {  	s23 =	sadd.s32 $0xFFFFFFF0, s23  }
0xc9: {  	s24 =	sadd.s32 $0xFFFFFFF0, s24;
	v8 =	vld [tilespmem:s23+$0x0]  }
0xca: {  	_ =	sdelay $0x3  }
0xcb: {  	v8 =	vperm.xlane v8, v5;
	_ =	sdelay $0x1  }
0xcc: {  	(xrf0) =	vadd.scan.msk.s32 $0xffff, v8  }
0xcd: {  	s23 =	spop (v2sf)  }
0xce: {  	s24 =	spop (v2sf)  }
0xcf: {  	p2 =	sgt.u32 s24, $0x80000000;
	s26 =	spop (v2sf)  }
0xd0: {  	s24 =	sxor.u32 $0x80000000, s26;
	p1 =	por p0, p2  }
0xd1: {  	s24 =	simm.s32 @p1 $0x0  }
0xd2: {  	v8, _, _ =	vpop (xrf0);
	s22 =	sadd.s32 s22, s24  }
0xd3: {  	v9 =	vadd.s32 s22, v8  }
0xd4: {  	vm0 =	vgt.s32 v9, $0x12B  }
0xd5: {  	v9 =	vnsel vm0, $0x80000010, v6  }
0xd6: {  	v10 =	vsel vm0, $0x1, v2;
	(xrf0) =	vmin.scan.msk.u32 $0xffff, v9  }
0xd7: {  	v63 =	vor.u32 $0x80000000, v10  }
0xd8: {  	v8 =	vxor.u32 $0x80000000, v8;
	(xrf0) =	vmax.scan.msk.u32 $0xffff, v63  }
0xd9: {  	(xrf0) =	vmax.scan.msk.u32 $0xffff, v8;
	_ =	sdelay $0x2  }
0xda: {  	v8, _, _ =	vpop (xrf0)  }
0xdb: {  	(v2sf) =	vpush v8, $0xF  }
0xdc: {  	v8, _, _ =	vpop (xrf0)  }
0xdd: {  	(v2sf) =	vpush v8, $0xF;
	v8, _, _ =	vpop (xrf0)  }
0xde: {  	(v2sf) =	vpush v8, $0xF;
	_ =	sdelay $0x9  }
0xdf: {  	s28 =	sxor.u32 $0x7FFFFFFF, s23  }
0xe0: {  	s21 =	sadd.s32 s28, s21  }
0xe1: {  	s21 =	smov.u32 @p0 s20;
	s29 =	spop (v2sf)  }
0xe2: {  	s20 =	smov.u32 @p2 s21;
	s22 =	sxor.u32 $0x7FFFFFFF, s29  }
0xe3: {  	s21 =	simm.s32 $0x200;
	s30 =	spop (v2sf);
	s19 =	sadd.s32 s22, s19  }
0xe4: {  	p2 =	sgt.u32 s30, $0x80000000;
	s31 =	spop (v2sf);
	s19 =	smov.u32 @p1 s20  }
0xe5: {  	p0 =	por p1, p2;
	s20 =	smov.u32 @p2 s19;
	s19 =	simm.s32 $0x0  }
.LBB2_12:
0xe6: {  	p1 =	seq.s32 s21, $0x7E00;
	[tilespmem:s19+$0x1870] =	vst v2  }
0xe7: {  	[tilespmem:s19+$0x1800] =	vst v2  }
0xe8: {  	[tilespmem:s19+$0x1810] =	vst v2  }
.Ltmp5:
0xe9: {  	[tilespmem:s19+$0x1820] =	vst v2;
	(pc) =	sbr.rel @!p1 .LBB2_12-.Ltmp5, $4  }
0xea: {  	[tilespmem:s19+$0x1830] =	vst v2  }
0xeb: {  	[tilespmem:s19+$0x1840] =	vst v2  }
0xec: {  	[tilespmem:s19+$0x1850] =	vst v2  }
0xed: {  	[tilespmem:s19+$0x1860] =	vst v2;
	s19 =	sshra.s32 s21, $0x2;
	s21 =	sadd.s32 $0x200, s21  }
0xee: {  	[tilespmem:s19+$0x1870] =	vst v2  }
0xef: {  	[tilespmem:s19+$0x1800] =	vst v2  }
0xf0: {  	[tilespmem:s19+$0x1810] =	vst v2  }
0xf1: {  	[tilespmem:s19+$0x1820] =	vst v2  }
0xf2: {  	[tilespmem:s19+$0x1830] =	vst v2  }
0xf3: {  	[tilespmem:s19+$0x1840] =	vst v2  }
0xf4: {  	[tilespmem:s19+$0x1850] =	vst v2;
	p1 =	sgt.s32 s20, $0x0;
	s31 =	sshll.u32 s20, $0x12  }
0xf5: {  	[tilespmem:s19+$0x1860] =	vst v2;
	p0 =	por !p0, !p1;
	s19 =	sadd.s32 $0x37800000, s31  }
0xf6: {  	p0 =	por !p0, !p0;
	s21 =	smov.u32 s19  }
0xf7: {  	s21 =	simm.s32 @!p0 $0x80000000  }
0xf8: {  	s22 =	sadd.s32 $0x40000, s21  }
0xf9: {  	v8 =	vmov s21;
	s21 =	simm.s32 $0x0;
	v9 =	vmov s22;
	s22 =	simm.s32 $0x0  }
.LBB2_14:
0xfa: {  	s24 =	sshra.s32 s22, $0x2  }
0xfb: {  	v10 =	vld [tilespmem:s24+$0x0];
	_ =	sdelay $0x4  }
0xfc: {  	vm0 =	vge.s32 v10, v8;
	vm1 =	vlt.s32 v10, v9;
	v10 =	vshrl.u32 v10, $0x9  }
0xfd: {  	vm0 =	vmand vm0, vm1;
	v10 =	vand.u32 $0x1FF, v10  }
0xfe: {  	v10 =	vor.u32 v1, v10;
	_ =	sdelay $0x3  }
0xff: {  	s23 =	simm.s32 $0x1800  }
0x100: {  	[tilespmem:v10+s23+$0x0] =	vst.idx.add.s32.msk vm0, v4  }
0x101: {  	v10 =	vld [tilespmem:s24+$0x10];
	_ =	sdelay $0x4  }
0x102: {  	vm10 =	vge.s32 v10, v8;
	vm11 =	vlt.s32 v10, v9;
	v10 =	vshrl.u32 v10, $0x9  }
0x103: {  	vm0 =	vmand vm10, vm11;
	v10 =	vand.u32 $0x1FF, v10  }
0x104: {  	v10 =	vor.u32 v1, v10;
	_ =	sdelay $0x4  }
0x105: {  	[tilespmem:v10+s23+$0x0] =	vst.idx.add.s32.msk vm0, v4  }
0x106: {  	v10 =	vld [tilespmem:s24+$0x20];
	_ =	sdelay $0x4  }
0x107: {  	vm12 =	vge.s32 v10, v8;
	vm13 =	vlt.s32 v10, v9;
	v10 =	vshrl.u32 v10, $0x9  }
0x108: {  	vm0 =	vmand vm12, vm13;
	v10 =	vand.u32 $0x1FF, v10  }
0x109: {  	v10 =	vor.u32 v1, v10;
	_ =	sdelay $0x4  }
0x10a: {  	[tilespmem:v10+s23+$0x0] =	vst.idx.add.s32.msk vm0, v4  }
0x10b: {  	v10 =	vld [tilespmem:s24+$0x30];
	_ =	sdelay $0x4  }
0x10c: {  	vm14 =	vge.s32 v10, v8;
	vm15 =	vlt.s32 v10, v9;
	v10 =	vshrl.u32 v10, $0x9  }
0x10d: {  	vm0 =	vmand vm14, vm15;
	v10 =	vand.u32 $0x1FF, v10  }
0x10e: {  	p1 =	sne.s32 s22, $0x5F00;
	v10 =	vor.u32 v1, v10  }
.Ltmp6:
0x10f: {  	_ = 	snop;
	(pc) =	sbr.rel @p1 .LBB2_14-.Ltmp6, $2  }
0x110: {  	_ =	sdelay $0x2  }
0x111: {  	s22 =	sadd.s32 $0x100, s22;
	[tilespmem:v10+s23+$0x0] =	vst.idx.add.s32.msk vm0, v4  }
0x112: {  	s21 =	sand.u32 $0x1F0, s21;
	v9 =	vld [tilespmem:s23+$0x0]  }
0x113: {  	v8 =	vld [tilespmem:s21+$0x1A00]  }
0x114: {  	v10 =	vld [tilespmem:s21+$0x1C00]  }
0x115: {  	v11 =	vld [tilespmem:s21+$0x1E00]  }
0x116: {  	v12 =	vld [tilespmem:s21+$0x2000]  }
0x117: {  	v13 =	vld [tilespmem:s21+$0x2200]  }
0x118: {  	v8 =	vadd.s32 v9, v8;
	v9 =	vld [tilespmem:s21+$0x2400]  }
0x119: {  	v8 =	vadd.s32 v10, v8;
	v10 =	vld [tilespmem:s21+$0x2600]  }
0x11a: {  	v8 =	vadd.s32 v11, v8;
	v11 =	vld [tilespmem:s21+$0x2800]  }
0x11b: {  	v60 =	vld [tilespmem:s21+$0x2A00];
	v8 =	vadd.s32 v12, v8  }
0x11c: {  	v61 =	vld [tilespmem:s21+$0x2C00];
	v8 =	vadd.s32 v13, v8  }
0x11d: {  	v8 =	vadd.s32 v9, v8;
	v9 =	vld [tilespmem:s21+$0x2E00]  }
0x11e: {  	v8 =	vadd.s32 v10, v8;
	v10 =	vld [tilespmem:s21+$0x3000]  }
0x11f: {  	v8 =	vadd.s32 v11, v8;
	v11 =	vld [tilespmem:s21+$0x3200]  }
0x120: {  	v62 =	vld [tilespmem:s21+$0x3400];
	v8 =	vadd.s32 v60, v8  }
0x121: {  	v63 =	vld [tilespmem:s21+$0x3600];
	v8 =	vadd.s32 v61, v8  }
0x122: {  	v8 =	vadd.s32 v9, v8  }
0x123: {  	v8 =	vadd.s32 v10, v8  }
0x124: {  	v8 =	vadd.s32 v11, v8  }
0x125: {  	v8 =	vadd.s32 v62, v8  }
0x126: {  	s22 =	simm.s32 $0x10;
	s21 =	simm.s32 $0x3800;
	v8 =	vadd.s32 v63, v8  }
0x127: {  	s22 =	sand.u32 $0x1F0, s22;
	[tilespmem:s21+$0x0] =	vst v8  }
0x128: {  	s24 =	simm.s32 $0x20;
	s23 =	simm.s32 $0x1810;
	v8 =	vld [tilespmem:s22+$0x1A00]  }
.LBB2_16:
0x129: {  	p1 =	sne.s32 s24, $0x1F0;
	v9 =	vld [tilespmem:s23+$0x0]  }
0x12a: {  	v10 =	vld [tilespmem:s22+$0x1C00]  }
0x12b: {  	v11 =	vld [tilespmem:s22+$0x1E00]  }
0x12c: {  	v12 =	vld [tilespmem:s22+$0x2000]  }
0x12d: {  	v13 =	vld [tilespmem:s22+$0x2200]  }
0x12e: {  	v8 =	vadd.s32 v9, v8;
	v9 =	vld [tilespmem:s22+$0x2400]  }
0x12f: {  	v8 =	vadd.s32 v10, v8;
	v10 =	vld [tilespmem:s22+$0x2600]  }
0x130: {  	v8 =	vadd.s32 v11, v8;
	v11 =	vld [tilespmem:s22+$0x2800]  }
0x131: {  	v8 =	vadd.s32 v12, v8;
	v12 =	vld [tilespmem:s22+$0x2A00]  }
0x132: {  	v8 =	vadd.s32 v13, v8;
	v13 =	vld [tilespmem:s22+$0x2C00]  }
0x133: {  	v8 =	vadd.s32 v9, v8;
	v9 =	vld [tilespmem:s22+$0x2E00]  }
0x134: {  	v8 =	vadd.s32 v10, v8;
	v10 =	vld [tilespmem:s22+$0x3000]  }
0x135: {  	v8 =	vadd.s32 v11, v8;
	v11 =	vld [tilespmem:s22+$0x3200]  }
0x136: {  	v8 =	vadd.s32 v12, v8;
	v12 =	vld [tilespmem:s22+$0x3400]  }
0x137: {  	v8 =	vadd.s32 v13, v8;
	v13 =	vld [tilespmem:s22+$0x3600]  }
0x138: {  	v8 =	vadd.s32 v9, v8  }
0x139: {  	v8 =	vadd.s32 v10, v8  }
.Ltmp7:
0x13a: {  	v8 =	vadd.s32 v11, v8;
	(pc) =	sbr.rel @p1 .LBB2_16-.Ltmp7, $4  }
0x13b: {  	v8 =	vadd.s32 v12, v8  }
0x13c: {  	s21 =	sadd.s32 $0x10, s21;
	v8 =	vadd.s32 v13, v8  }
0x13d: {  	s22 =	sand.u32 $0x1F0, s24;
	[tilespmem:s21+$0x0] =	vst v8  }
0x13e: {  	s23 =	sadd.s32 $0x10, s23;
	s24 =	sadd.s32 $0x10, s24;
	v8 =	vld [tilespmem:s22+$0x1A00]  }
0x13f: {  	v9 =	vld [tilespmem:s23+$0x0]  }
0x140: {  	v10 =	vld [tilespmem:s22+$0x1C00]  }
0x141: {  	v11 =	vld [tilespmem:s22+$0x1E00]  }
0x142: {  	v12 =	vld [tilespmem:s22+$0x2000]  }
0x143: {  	v13 =	vld [tilespmem:s22+$0x2200]  }
0x144: {  	v54 =	vld [tilespmem:s22+$0x2400];
	v8 =	vadd.s32 v9, v8  }
0x145: {  	v55 =	vld [tilespmem:s22+$0x2600];
	v8 =	vadd.s32 v10, v8  }
0x146: {  	v56 =	vld [tilespmem:s22+$0x2800];
	v8 =	vadd.s32 v11, v8  }
0x147: {  	v57 =	vld [tilespmem:s22+$0x2A00];
	v8 =	vadd.s32 v12, v8  }
0x148: {  	v58 =	vld [tilespmem:s22+$0x2C00];
	v8 =	vadd.s32 v13, v8  }
0x149: {  	v59 =	vld [tilespmem:s22+$0x2E00];
	v8 =	vadd.s32 v54, v8  }
0x14a: {  	v60 =	vld [tilespmem:s22+$0x3000];
	v8 =	vadd.s32 v55, v8  }
0x14b: {  	v61 =	vld [tilespmem:s22+$0x3200];
	v8 =	vadd.s32 v56, v8  }
0x14c: {  	v62 =	vld [tilespmem:s22+$0x3400];
	v8 =	vadd.s32 v57, v8  }
0x14d: {  	v63 =	vld [tilespmem:s22+$0x3600];
	v8 =	vadd.s32 v58, v8  }
0x14e: {  	v8 =	vadd.s32 v59, v8  }
0x14f: {  	v8 =	vadd.s32 v60, v8  }
0x150: {  	v8 =	vadd.s32 v61, v8  }
0x151: {  	v8 =	vadd.s32 v62, v8  }
0x152: {  	s21 =	sadd.s32 $0x10, s21;
	v8 =	vadd.s32 v63, v8  }
0x153: {  	[tilespmem:s21+$0x0] =	vst v8  }
0x154: {  	[spmem:s5] =	stream.strided.scatter [tilespmem:s13], [sflag:$0x1], $0x200, s12, s11, $0x38;
	[tilespmem:$0x4800] =	vst v63  }
0x155: {  	_ =	swait.ge [sflag:s10], $0x200  }
0x156: {  	[sflag:s10] =	ssyncset.done $0x0  }
0x157: {  	[sflag:s10] =	ssyncadd.s32 $0xFFFFFE00  }
0x158: {  	[bflag:$0x0] =	sbarrier.arrive $0xFFFF  }
0x159: {  	[tilespmem:s15], [sflag:$0x1] =	stream.strided.gather [spmem:s6], $0x800, s12, s14, $0x38;
	[tilespmem:$0x4800] =	vst v63  }
0x15a: {  	s23 =	simm.s32 $0x10;
	s21 =	simm.s32 $0x0;
	_ =	swait.ge [sflag:s10], $0x800  }
0x15b: {  	s30 =	sand.u32 $0x70, s21;
	s31 =	sand.u32 $0x600, s21;
	[sflag:s10] =	ssyncset.done $0x0  }
0x15c: {  	s22 =	simm.s32 $0x0;
	s24 =	sor.u32 s30, s31;
	[sflag:s10] =	ssyncadd.s32 $0xFFFFF800  }
.LBB2_18:
0x15d: {  	p1 =	seq.s32 s23, $0x1F0;
	v8 =	vld [tilespmem:s24+$0x3C80]  }
0x15e: {  	v9 =	vld [tilespmem:s24+$0x3C00]  }
0x15f: {  	v10 =	vld [tilespmem:s24+$0x3D00]  }
0x160: {  	v11 =	vld [tilespmem:s24+$0x3D80];
	_ =	sdelay $0x1  }
.Ltmp8:
0x161: {  	(pc) =	sbr.rel @!p1 .LBB2_18-.Ltmp8, $4  }
0x162: {  	v8 =	vadd.s32 v9, v8  }
0x163: {  	s21 =	sadd.s32 $0x40, s21;
	v8 =	vadd.s32 v10, v8  }
0x164: {  	s22 =	sshra.s32 s22, $0x2;
	s25 =	sand.u32 $0x600, s21;
	s24 =	sand.u32 $0x70, s23;
	v8 =	vadd.s32 v11, v8  }
0x165: {  	s23 =	sadd.s32 $0x10, s23;
	s24 =	sor.u32 s24, s25;
	[tilespmem:s22+$0x3800] =	vst v8;
	s22 =	smov.u32 s21  }
0x166: {  	v8 =	vld [tilespmem:s24+$0x3C80]  }
0x167: {  	v9 =	vld [tilespmem:s24+$0x3C00]  }
0x168: {  	v10 =	vld [tilespmem:s24+$0x3D00]  }
0x169: {  	v11 =	vld [tilespmem:s24+$0x3D80];
	_ =	sdelay $0x2  }
0x16a: {  	v8 =	vadd.s32 v9, v8  }
0x16b: {  	v8 =	vadd.s32 v10, v8  }
0x16c: {  	s21 =	sshra.s32 s22, $0x2;
	v8 =	vadd.s32 v11, v8  }
0x16d: {  	s24 =	simm.s32 $0x3A00;
	[tilespmem:s21+$0x3800] =	vst v8  }
0x16e: {  	s25 =	simm.s32 $0x3A10;
	v9 =	vld [tilespmem:s24+$0x0]  }
0x16f: {  	v10 =	vld [tilespmem:s25+$0x0]  }
0x170: {  	v8 =	vmov s20;
	s20 =	simm.s32 $0x0  }
0x171: {  	s26 =	simm.s32 $0x10;
	v11 =	vor.u32 s20, v0  }
0x172: {  	vm0 =	vgt.s32 v11, v8;
	v11 =	vor.u32 s26, v0  }
0x173: {  	vm13 =	vgt.s32 v11, v8;
	v9 =	vnsel vm0, $0x0, v9  }
0x174: {  	(xrf0) =	vadd.scan.msk.s32 $0xffff, v9;
	v9 =	vnsel vm13, $0x0, v10  }
0x175: {  	(xrf0) =	vadd.scan.msk.s32 $0xffff, v9  }
0x176: {  	s30 =	simm.s32 $0x20  }
0x177: {  	s31 =	simm.s32 $0x30;
	v11 =	vor.u32 s30, v0  }
0x178: {  	vm14 =	vgt.s32 v11, v8;
	v11 =	vor.u32 s31, v0  }
0x179: {  	s28 =	simm.s32 $0x3A20  }
0x17a: {  	v9 =	vld [tilespmem:s28+$0x0];
	v12, _, _ =	vpop (xrf0)  }
0x17b: {  	vm15 =	vgt.s32 v11, v8;
	(v2sf) =	vpush v12, $0xF;
	v11, _, _ =	vpop (xrf0)  }
0x17c: {  	(v2sf) =	vpush v11, $0xF;
	_ =	sdelay $0x2  }
0x17d: {  	s29 =	simm.s32 $0x3A30;
	v9 =	vnsel vm14, $0x0, v9  }
0x17e: {  	v10 =	vld [tilespmem:s29+$0x0];
	(xrf0) =	vadd.scan.msk.s32 $0xffff, v9;
	_ =	sdelay $0x4  }
0x17f: {  	s22 =	simm.s32 $0x3A40;
	s21 =	simm.s32 $0x40;
	v9 =	vnsel vm15, $0x0, v10  }
.LBB2_20:
0x180: {  	v10 =	vld [tilespmem:s22+$0x0];
	p1 =	sne.s32 s21, $0x1F0;
	(xrf0) =	vadd.scan.msk.s32 $0xffff, v9;
	v9, _, _ =	vpop (xrf0);
	s23 =	smov.u32 s21;
	s21 =	sadd.s32 $0x10, s21  }
.Ltmp9:
0x181: {  	(v2sf) =	vpush v9, $0xF;
	(pc) =	sbr.rel @p1 .LBB2_20-.Ltmp9, $4  }
0x182: {  	_ = 	snop  }
0x183: {  	v9 =	vor.u32 s23, v0  }
0x184: {  	vm0 =	vgt.s32 v9, v8;
	s23 =	spop (v2sf)  }
0x185: {  	s22 =	sadd.s32 $0x10, s22;
	v9 =	vnsel vm0, $0x0, v10;
	s20 =	sadd.s32 s20, s23  }
0x186: {  	(xrf0) =	vadd.scan.msk.s32 $0xffff, v9;
	_ =	sdelay $0x4  }
0x187: {  	v8, _, _ =	vpop (xrf0)  }
0x188: {  	(v2sf) =	vpush v8, $0xF;
	v8, _, _ =	vpop (xrf0)  }
0x189: {  	(v2sf) =	vpush v8, $0xF;
	_ =	sdelay $0x2  }
0x18a: {  	s21 =	simm.s32 $0x39F0  }
0x18b: {  	v8 =	vld [tilespmem:s21+$0x0];
	_ =	sdelay $0x4  }
0x18c: {  	v8 =	vperm.xlane v8, v5;
	_ =	sdelay $0x1  }
0x18d: {  	(xrf0) =	vadd.scan.msk.s32 $0xffff, v8  }
0x18e: {  	s28 =	spop (v2sf)  }
0x18f: {  	s20 =	sadd.s32 s20, s28;
	s29 =	spop (v2sf)  }
0x190: {  	s20 =	sadd.s32 s20, s29;
	s30 =	spop (v2sf)  }
0x191: {  	s20 =	sadd.s32 s20, s30;
	s31 =	spop (v2sf)  }
0x192: {  	s20 =	sadd.s32 s20, s31  }
0x193: {  	v9, _, _ =	vpop (xrf0);
	s21 =	ssub.s32 $0x12C, s20;
	s20 =	simm.s32 $0x0  }
0x194: {  	v8 =	vmov s21;
	v10 =	vadd.s32 s20, v9  }
0x195: {  	vm0 =	vge.s32 v10, v8  }
0x196: {  	v10 =	vsel vm0, $0x1, v2;
	v11 =	vnsel vm0, $0x80000010, v6  }
0x197: {  	v10 =	vor.u32 $0x80000000, v10;
	(xrf0) =	vmin.scan.msk.u32 $0xffff, v11  }
0x198: {  	v9 =	vxor.u32 $0x80000000, v9;
	(xrf0) =	vmax.scan.msk.u32 $0xffff, v10  }
0x199: {  	(xrf0) =	vmax.scan.msk.u32 $0xffff, v9;
	_ =	sdelay $0x3  }
0x19a: {  	v9, _, _ =	vpop (xrf0)  }
0x19b: {  	v10, _, _ =	vpop (xrf0);
	(v2sf) =	vpush v9, $0xF  }
0x19c: {  	v9, _, _ =	vpop (xrf0);
	(v2sf) =	vpush v10, $0xF  }
0x19d: {  	(v2sf) =	vpush v9, $0xF;
	_ =	sdelay $0x3  }
0x19e: {  	p1 =	por $0x0, $0x0;
	s22 =	simm.s32 $0x200;
	s24 =	simm.s32 $0x39E0  }
0x19f: {  	s25 =	simm.s32 $0x1E0;
	s23 =	simm.s32 $0x0;
	s21 =	simm.s32 $0x1F0;
	v9 =	vld [tilespmem:s24+$0x0]  }
.LBB2_22:
0x1a0: {  	p2 =	sne.s32 s25, $0x10;
	_ =	sdelay $0x3  }
0x1a1: {  	v9 =	vperm.xlane v9, v5;
	_ =	sdelay $0x1  }
0x1a2: {  	(xrf0) =	vadd.scan.msk.s32 $0xffff, v9  }
0x1a3: {  	s26 =	spop (v2sf)  }
0x1a4: {  	s26 =	sxor.u32 $0x7FFFFFFF, s26;
	s28 =	spop (v2sf)  }
0x1a5: {  	p3 =	sgt.u32 s28, $0x80000000;
	s22 =	sadd.s32 s26, s22;
	s26 =	spop (v2sf)  }
0x1a6: {  	s26 =	sxor.u32 $0x80000000, s26;
	s22 =	smov.u32 @p1 s20;
	p1 =	por p1, p3  }
0x1a7: {  	s20 =	smov.u32 @p3 s22;
	s26 =	simm.s32 @p1 $0x0;
	s22 =	smov.u32 s21  }
0x1a8: {  	s21 =	smov.u32 s25;
	v9, _, _ =	vpop (xrf0);
	s23 =	sadd.s32 s23, s26  }
0x1a9: {  	v10 =	vadd.s32 s23, v9  }
0x1aa: {  	vm0 =	vge.s32 v10, v8  }
0x1ab: {  	v10 =	vsel vm0, $0x1, v2;
	v11 =	vnsel vm0, $0x80000010, v6  }
0x1ac: {  	v10 =	vor.u32 $0x80000000, v10;
	(xrf0) =	vmin.scan.msk.u32 $0xffff, v11  }
0x1ad: {  	v9 =	vxor.u32 $0x80000000, v9;
	(xrf0) =	vmax.scan.msk.u32 $0xffff, v10  }
0x1ae: {  	(xrf0) =	vmax.scan.msk.u32 $0xffff, v9;
	_ =	sdelay $0x3  }
0x1af: {  	v9, _, _ =	vpop (xrf0)  }
0x1b0: {  	v10, _, _ =	vpop (xrf0);
	(v2sf) =	vpush v9, $0xF  }
0x1b1: {  	v9, _, _ =	vpop (xrf0);
	(v2sf) =	vpush v10, $0xF  }
0x1b2: {  	(v2sf) =	vpush v9, $0xF  }
.Ltmp10:
0x1b3: {  	(pc) =	sbr.rel @p2 .LBB2_22-.Ltmp10, $3  }
0x1b4: {  	_ =	sdelay $0x1  }
0x1b5: {  	s24 =	sadd.s32 $0xFFFFFFF0, s24  }
0x1b6: {  	s25 =	sadd.s32 $0xFFFFFFF0, s25;
	v9 =	vld [tilespmem:s24+$0x0]  }
0x1b7: {  	_ =	sdelay $0x3  }
0x1b8: {  	v9 =	vperm.xlane v9, v5;
	_ =	sdelay $0x1  }
0x1b9: {  	(xrf0) =	vadd.scan.msk.s32 $0xffff, v9  }
0x1ba: {  	s24 =	spop (v2sf)  }
0x1bb: {  	s25 =	spop (v2sf)  }
0x1bc: {  	p3 =	sgt.u32 s25, $0x80000000;
	s31 =	spop (v2sf)  }
0x1bd: {  	s25 =	sxor.u32 $0x80000000, s31;
	p2 =	por p1, p3  }
0x1be: {  	s25 =	simm.s32 @p2 $0x0  }
0x1bf: {  	v9, _, _ =	vpop (xrf0);
	s23 =	sadd.s32 s23, s25  }
0x1c0: {  	v10 =	vadd.s32 s23, v9  }
0x1c1: {  	vm0 =	vge.s32 v10, v8  }
0x1c2: {  	v8 =	vnsel vm0, $0x80000010, v6  }
0x1c3: {  	v10 =	vsel vm0, $0x1, v2;
	(xrf0) =	vmin.scan.msk.u32 $0xffff, v8  }
0x1c4: {  	v8 =	vor.u32 $0x80000000, v10  }
0x1c5: {  	(xrf0) =	vmax.scan.msk.u32 $0xffff, v8;
	_ =	sdelay $0x3  }
0x1c6: {  	v8, _, _ =	vpop (xrf0)  }
0x1c7: {  	(v2sf) =	vpush v8, $0xF  }
0x1c8: {  	v8, _, _ =	vpop (xrf0)  }
0x1c9: {  	[tilespmem:$0x4400] =	vst v7;
	(v2sf) =	vpush v8, $0xF  }
0x1ca: {  	[tilespmem:$0x4500] =	vst v2  }
0x1cb: {  	[tilespmem:$0x4410] =	vst v7  }
0x1cc: {  	[tilespmem:$0x4510] =	vst v2  }
0x1cd: {  	[tilespmem:$0x4420] =	vst v7  }
0x1ce: {  	[tilespmem:$0x4520] =	vst v2  }
0x1cf: {  	[tilespmem:$0x4430] =	vst v7  }
0x1d0: {  	[tilespmem:$0x4530] =	vst v2  }
0x1d1: {  	[tilespmem:$0x4440] =	vst v7  }
0x1d2: {  	[tilespmem:$0x4540] =	vst v2  }
0x1d3: {  	[tilespmem:$0x4450] =	vst v7  }
0x1d4: {  	[tilespmem:$0x4550] =	vst v2;
	v8 =	vxor.u32 $0x80000000, v9  }
0x1d5: {  	[tilespmem:$0x4460] =	vst v7;
	s26 =	sxor.u32 $0x7FFFFFFF, s24;
	(xrf0) =	vmax.scan.msk.u32 $0xffff, v8  }
0x1d6: {  	[tilespmem:$0x4560] =	vst v2;
	s22 =	sadd.s32 s26, s22;
	s28 =	spop (v2sf)  }
0x1d7: {  	[tilespmem:$0x4470] =	vst v7;
	s22 =	smov.u32 @p1 s20;
	s23 =	sxor.u32 $0x7FFFFFFF, s28  }
0x1d8: {  	[tilespmem:$0x4570] =	vst v2;
	s20 =	smov.u32 @p3 s22;
	s29 =	spop (v2sf);
	s21 =	sadd.s32 s23, s21  }
0x1d9: {  	[tilespmem:$0x4480] =	vst v7;
	p1 =	sgt.u32 s29, $0x80000000;
	s21 =	smov.u32 @p2 s20  }
0x1da: {  	[tilespmem:$0x4580] =	vst v2;
	s30 =	simm.s32 $0x0;
	s20 =	smov.u32 @p1 s21  }
0x1db: {  	v9 =	vld [tilespmem:s30+$0x0];
	v8, _, _ =	vpop (xrf0);
	p1 =	por p2, p1;
	s20 =	sshll.u32 s20, $0x9  }
0x1dc: {  	(v2sf) =	vpush v8, $0xF;
	s20 =	simm.s32 @!p1 $0x0  }
0x1dd: {  	s19 =	sadd.s32 s19, s20  }
0x1de: {  	s19 =	simm.s32 @!p0 $0x80000000  }
0x1df: {  	v8 =	vmov s19  }
0x1e0: {  	vm15 =	vle.s32 v8, v9  }
0x1e1: {  	v10 =	vmpcnt.ones.xlane vm15;
	_ =	sdelay $0x1  }
0x1e2: {  	v10 =	vxor.u32 $0x80000000, v10  }
0x1e3: {  	(xrf0) =	vmax.scan.msk.u32 $0xffff, v10;
	_ =	sdelay $0x5  }
0x1e4: {  	v10, _, _ =	vpop (xrf0)  }
0x1e5: {  	s19 =	simm.s32 $0x0;
	s31 =	spop (v2sf);
	(v2sf) =	vpush v10, $0xF  }
0x1e6: {  	[tilespmem:s19+$0x4400] =	vst.msk vm15, v9;
	v9 =	vor.u32 s2, v0  }
0x1e7: {  	s22 =	simm.s32 $0x10;
	s21 =	simm.s32 $0x80;
	s20 =	smov.u32 s2;
	[tilespmem:s19+$0x4500] =	vst.msk vm15, v9  }
.LBB2_24:
0x1e8: {  	p0 =	sne.s32 s21, $0x5FC0;
	v9 =	vld [tilespmem:s22+$0x0];
	_ =	sdelay $0x4  }
0x1e9: {  	vm0 =	vle.s32 v8, v9  }
0x1ea: {  	v10 =	vmpcnt.ones.xlane vm0;
	_ =	sdelay $0x1  }
0x1eb: {  	v10 =	vxor.u32 $0x80000000, v10  }
0x1ec: {  	(xrf0) =	vmax.scan.msk.u32 $0xffff, v10;
	_ =	sdelay $0x2  }
0x1ed: {  	s22 =	spop (v2sf)  }
0x1ee: {  	s19 =	sadd.s32 s22, s19  }
.Ltmp11:
0x1ef: {  	s19 =	sadd.s32 $0x80000000, s19;
	(pc) =	sbr.rel @p0 .LBB2_24-.Ltmp11, $4  }
0x1f0: {  	v10, _, _ =	vpop (xrf0);
	p1 =	slt.s32 s19, $0x80  }
0x1f1: {  	s20 =	sadd.s32 $0x10, s20;
	(v2sf) =	vpush v10, $0xF;
	s19 =	simm.s32 @!p1 $0x80  }
0x1f2: {  	v10 =	vor.u32 s20, v0;
	[tilespmem:s19+$0x4400] =	vst.msk vm0, v9  }
0x1f3: {  	s22 =	sshra.s32 s21, $0x2;
	s21 =	sadd.s32 $0x40, s21;
	[tilespmem:s19+$0x4500] =	vst.msk vm0, v10  }
0x1f4: {  	v9 =	vld [tilespmem:s22+$0x0];
	_ =	sdelay $0x4  }
0x1f5: {  	vm0 =	vle.s32 v8, v9  }
0x1f6: {  	v8 =	vmpcnt.ones.xlane vm0;
	_ =	sdelay $0x1  }
0x1f7: {  	v8 =	vxor.u32 $0x80000000, v8  }
0x1f8: {  	(xrf0) =	vmax.scan.msk.u32 $0xffff, v8;
	_ =	sdelay $0x5  }
0x1f9: {  	v8, _, _ =	vpop (xrf0)  }
0x1fa: {  	(v2sf) =	vpush v8, $0xF;
	_ =	sdelay $0x6  }
0x1fb: {  	s21 =	spop (v2sf)  }
0x1fc: {  	s19 =	sadd.s32 s21, s19  }
0x1fd: {  	s19 =	sadd.s32 $0x80000000, s19  }
0x1fe: {  	p0 =	slt.s32 s19, $0x80  }
0x1ff: {  	s20 =	sadd.s32 $0x10, s20;
	s19 =	simm.s32 @!p0 $0x80  }
0x200: {  	v8 =	vor.u32 s20, v0;
	[tilespmem:s19+$0x4400] =	vst.msk vm0, v9  }
0x201: {  	[tilespmem:s19+$0x4500] =	vst.msk vm0, v8  }
0x202: {  	[hbm4b:s7+s3] =	stream.linear.scatter [tilespmem:s16], [sflag:$0x1], $0x80, $0x38;
	[tilespmem:$0x4800] =	vst v63  }
0x203: {  	s31 =	spop (v2sf)  }
0x204: {  	s18 =	sadd.s32 $0x1, s18;
	_ =	swait.ge [sflag:s10], $0x80  }
0x205: {  	p0 =	sne.s32 s18, s9;
	[sflag:s10] =	ssyncset.done $0x0  }
.Ltmp12:
0x206: {  	[sflag:s10] =	ssyncadd.s32 $0xFFFFFF80;
	(pc) =	sbr.rel @p0 .LBB2_1-.Ltmp12, $4  }
0x207: {  	[hbm4b:s8+s3] =	stream.linear.scatter [tilespmem:s17], [sflag:$0x1], $0x80, $0x38;
	[tilespmem:$0x4800] =	vst v63  }
0x208: {  	_ =	swait.ge [sflag:s10], $0x80  }
0x209: {  	[sflag:s10] =	ssyncset.done $0x0  }
0x20a: {  	[sflag:s10] =	ssyncadd.s32 $0xFFFFFF80  }
0x20b: {  	_ =	sfence.sel $0x180000  }
0x20c: {  	[bflag:$0x0] =	sbarrier.arrive $0xFFFF  }
0x20d: {  	p0 =	sne.s32 s0, $0x0;
	_ =	strace $0x90000050  }
0x20e: {  	s0 =	sadd.s32 @!p0 $0x100000, s1;
	[bflag:$0x2] =	sbarrier.arrive $0xFFFF  }
0x20f: {  	[sflag:s0] =	ssyncadd.tile.s32 @!p0 $0x1;
	_ =	shalt  }
.Lfunc_end2:
_tile_overlayer_lowered:
.L_overlay_start_2:
0x210: {  	(tag) =	ssettag $0x2  }
0x211: {  	s0 =	rddreg [dreg:$0x0];
	s2 =	stileid.u32  }
0x212: {  	s1 =	rddreg [dreg:$0x1];
	p0 =	sne.s32 s2, $0x0  }
0x213: {  	s3 =	rddreg [dreg:$0x2];
	[bflag:$0x3] =	sbarrier.arrive $0xFFFF;
	s2 =	simm.s32 @!p0 $0x1C01  }
0x214: {  	[timem:s3], [sflag:s2] =	dma.local @!p0 [hbm:s0], s1  }
0x215: {  	s0 =	simm.s32 @!p0 $0x1  }
0x216: {  	_ =	swait.ge @!p0 [sflag:s0], s1  }
0x217: {  	s1 =	ssub.s32 @!p0 $0x0, s1;
	[sflag:s0] =	ssyncset.done @!p0 $0x0  }
0x218: {  	[sflag:s0] =	ssyncadd.s32 @!p0 s1  }
0x219: {  	[bflag:$0x3] =	sbarrier.arrive $0xFFFF  }
0x21a: {  	_ =	shalt  }

</sc_bundles>
